<compile_context>
chip_gen: v7x
topology: tpu7x:2x2x1
jax: 0.10.2.dev20260603
libtpu: 0.0.44.dev20260713+nightly
codegen_flags: <defaults>
</compile_context>

<pallas_src>
import jax
import jax.numpy as jnp
from jax import lax
from jax.experimental import pallas as pl
from jax.experimental.pallas import tpu as pltpu
from jax.experimental.pallas import tpu_sc as plsc

NUM_ROWS = 16384 * 50
GROUP = 128
NC, NS = 2, 16
NW = NC * NS
RPW = NUM_ROWS // NW
GPW = RPW // GROUP
DIM = 32

K = 5
SUP = K * GROUP
NSUP = GPW // K
NB = 4


def _emb_body(idx_hbm, table_hbm, out_hbm, idx_v, rows_v, gsems, osems):
    wid = lax.axis_index("s") * NC + lax.axis_index("c")
    base = wid * RPW
    pltpu.sync_copy(idx_hbm.at[pl.ds(base, RPW)], idx_v)

    def gather_descs(t, p):
        for k in range(K):
            yield pltpu.make_async_copy(
                table_hbm.at[idx_v.at[pl.ds((t * K + k) * GROUP, GROUP)]],
                rows_v.at[p].at[pl.ds(k * GROUP, GROUP)],
                gsems.at[p],
            )

    def out_desc(t, p):
        return pltpu.make_async_copy(
            rows_v.at[p],
            out_hbm.at[pl.ds(base + t * SUP, SUP)],
            osems.at[p],
        )

    def do_step(s, p, fire_next, wait_out):
        if fire_next:
            q = (p + 1) % NB
            if wait_out:
                out_desc(s + 1 - NB, q).wait()
            for d in gather_descs(s + 1, q):
                d.start()
        for d in gather_descs(s, p):
            d.wait()
        out_desc(s, p).start()

    for d in gather_descs(0, 0):
        d.start()
    for s in range(NB):
        do_step(s, s % NB, fire_next=True, wait_out=(s == NB - 1))
    def body(j, carry):
        i = NB + j * NB
        for p in range(NB):
            do_step(i + p, p, fire_next=True, wait_out=True)
        return carry
    lax.fori_loop(0, (NSUP - 2 * NB) // NB, body, 0)
    for s in range(NSUP - NB, NSUP):
        do_step(s, s % NB, fire_next=(s + 1 < NSUP), wait_out=True)
    for s in range(NSUP - NB, NSUP):
        out_desc(s, s % NB).wait()


_emb = pl.kernel(
    _emb_body,
    out_type=jax.ShapeDtypeStruct((NUM_ROWS, DIM), jnp.float32),
    mesh=plsc.VectorSubcoreMesh(
        core_axis_name="c", subcore_axis_name="s", num_cores=NC, num_subcores=NS
    ),
    scratch_types=[
        pltpu.VMEM((RPW,), jnp.int32),
        pltpu.VMEM((NB, SUP, DIM), jnp.float32),
        pltpu.SemaphoreType.DMA((NB,)),
        pltpu.SemaphoreType.DMA((NB,)),
    ],
    compiler_params=pltpu.CompilerParams(use_tc_tiling_on_sc=False),
)


def kernel(input, weight):
    idx = input.reshape(-1).astype(jnp.int32)
    out = _emb(idx, weight)
    return out.reshape(input.shape + (DIM,))

# --- scband reference (transcript-rebuilt; emitter-appended) ---
"""Pipeline reference for scband-embedding-6356551598172 (READ-ONLY COPY).

The authoritative reference and input builder live on the scoring server;
editing this copy changes nothing except your own understanding.
"""

import jax, jax.numpy as jnp
import numpy as np

NUM_EMBEDDINGS = 1000000
EMBEDDING_DIM = 32

def setup_inputs(seed: int = 0) -> dict:
    key = jax.random.key(seed)
    k_idx, k_w = jax.random.split(key)
    input = jax.random.randint(k_idx, (16384, 50), 0, NUM_EMBEDDINGS, dtype=jnp.int64 if jax.config.jax_enable_x64 else jnp.int32)
    weight = jax.random.normal(k_w, (NUM_EMBEDDINGS, EMBEDDING_DIM), dtype=jnp.float32)
    return {"input": input, "weight": weight}

def reference(input, weight):
    # Plain embedding lookup: padding_index=None, max_norm=None, so forward is a pure gather.
    return jnp.take(weight, input, axis=0)

if __name__ == "__main__":
    import jax
    _d = setup_inputs()
    print(jax.jit(kernel)(*tuple(_d.values())))

</pallas_src>

<mosaic_0001>
#map = affine_map<(d0, d1) -> (0)>
#map1 = affine_map<(d0, d1) -> (0, 0)>
module attributes {stable_mosaic.version = 14 : i64} {
  func.func @_emb_body(%arg0: i32, %arg1: i32, %arg2: memref<819200xi32, #tpu.memory_space<hbm>>, %arg3: memref<1000000x32xf32, #tpu.memory_space<hbm>>, %arg4: memref<819200x32xf32, #tpu.memory_space<hbm>>, %arg5: memref<25600xi32, #tpu.memory_space<vmem>>, %arg6: memref<4x640x32xf32, #tpu.memory_space<vmem>>, %arg7: memref<4x!tpu.dma_semaphore, #tpu.memory_space<semaphore_mem>>, %arg8: memref<4x!tpu.dma_semaphore, #tpu.memory_space<semaphore_mem>>) attributes {dimension_semantics = [#tpu.dimension_semantics<core_parallel>, #tpu.dimension_semantics<subcore_parallel>], iteration_bounds = array<i64: 2, 16>, scalar_prefetch = 0 : i64, scratch_operands = 4 : i64, tpu.core_type = #tpu.core_type<sc_vector_subcore>, window_params = [{transform_indices = #map}, {transform_indices = #map1}, {transform_indices = #map1}]} {
    %mul3A = arith.constant 2 : i32
    %mul3A_0 = arith.muli %arg1, %mul3A : i32
    %add3A = arith.addi %mul3A_0, %arg0 : i32
    %mul3A_1 = arith.constant 25600 : i32
    %mul3A_2 = arith.muli %add3A, %mul3A_1 : i32
    "tpu.region"() ({
      %run_scoped3A = tpu.sem_alloc : memref<!tpu.dma_semaphore, #tpu.memory_space<semaphore_mem>>
      %dma_start3A_1574 = tpu.memref_slice %arg2[%mul3A_2] : memref<819200xi32, #tpu.memory_space<hbm>> -> memref<25600xi32, #tpu.memory_space<hbm>>
      %dma_start3A_1575 = tpu.memref_slice %arg2[%mul3A_2] : memref<819200xi32, #tpu.memory_space<hbm>> -> memref<25600xi32, #tpu.memory_space<hbm>>
      tpu.enqueue_dma source(%dma_start3A_1575 : memref<25600xi32, #tpu.memory_space<hbm>>) target(%arg5 : memref<25600xi32, #tpu.memory_space<vmem>>) target_semaphore(%run_scoped3A : memref<!tpu.dma_semaphore, #tpu.memory_space<semaphore_mem>>)
      %dma_wait3A_1576 = tpu.memref_slice %arg2[%mul3A_2] : memref<819200xi32, #tpu.memory_space<hbm>> -> memref<25600xi32, #tpu.memory_space<hbm>>
      %dma_wait3A_1577 = tpu.memref_slice %arg2[%mul3A_2] : memref<819200xi32, #tpu.memory_space<hbm>> -> memref<25600xi32, #tpu.memory_space<hbm>>
      tpu.wait_dma2 semaphore(%run_scoped3A : memref<!tpu.dma_semaphore, #tpu.memory_space<semaphore_mem>>) src(%dma_wait3A_1577 : memref<25600xi32, #tpu.memory_space<hbm>>) dst(%arg5 : memref<25600xi32, #tpu.memory_space<vmem>>)
      tpu.yield
    }) : () -> ()
    %dma_start3A = arith.constant 0 : i32
    %dma_start3A_3 = arith.constant 0 : i32
    %dma_start3A_4 = arith.constant 0 : i32
    %dma_start3A_5 = arith.constant 0 : i32
    %dma_start3A_6 = tpu.memref_slice %arg6[%dma_start3A, %dma_start3A_4, %dma_start3A_5] : memref<4x640x32xf32, #tpu.memory_space<vmem>> -> memref<1x640x32xf32, #tpu.memory_space<vmem>>
    %dma_start3A_7 = tpu.memref_squeeze %dma_start3A_6 : memref<1x640x32xf32, #tpu.memory_space<vmem>> -> memref<640x32xf32, #tpu.memory_space<vmem>>
    %dma_start3A_8 = arith.constant 0 : i32
    %dma_start3A_9 = arith.constant 0 : i32
    %dma_start3A_10 = tpu.memref_slice %dma_start3A_7[%dma_start3A_8, %dma_start3A_9] : memref<640x32xf32, #tpu.memory_space<vmem>> -> memref<128x32xf32, #tpu.memory_space<vmem>>
    %dma_start3A_11 = arith.constant 0 : i32
    %dma_start3A_12 = tpu.memref_slice %arg5[%dma_start3A_11] : memref<25600xi32, #tpu.memory_space<vmem>> -> memref<128xi32, #tpu.memory_space<vmem>>
    %dma_start3A_13 = arith.constant 0 : i32
    %dma_start3A_14 = arith.constant 0 : i32
    %dma_start3A_15 = tpu.memref_slice %arg3[%dma_start3A_13, %dma_start3A_14] : memref<1000000x32xf32, #tpu.memory_space<hbm>> -> memref<1000000x32xf32, #tpu.memory_space<hbm>>
    %dma_start3A_16 = tpu.memref_slice %arg7[%dma_start3A_3] : memref<4x!tpu.dma_semaphore, #tpu.memory_space<semaphore_mem>> -> memref<1x!tpu.dma_semaphore, #tpu.memory_space<semaphore_mem>>
    %dma_start3A_17 = tpu.memref_squeeze %dma_start3A_16 : memref<1x!tpu.dma_semaphore, #tpu.memory_space<semaphore_mem>> -> memref<!tpu.dma_semaphore, #tpu.memory_space<semaphore_mem>>
    tpu.enqueue_indirect_dma source(%dma_start3A_15 : memref<1000000x32xf32, #tpu.memory_space<hbm>>) target(%dma_start3A_10 : memref<128x32xf32, #tpu.memory_space<vmem>>) offsets(%dma_start3A_12 : memref<128xi32, #tpu.memory_space<vmem>>) semaphore(%dma_start3A_17 : memref<!tpu.dma_semaphore, #tpu.memory_space<semaphore_mem>>)
    %dma_start3A_18 = arith.constant 0 : i32
    %dma_start3A_19 = arith.constant 0 : i32
    %dma_start3A_20 = arith.constant 0 : i32
    %dma_start3A_21 = arith.constant 0 : i32
    %dma_start3A_22 = tpu.memref_slice %arg6[%dma_start3A_18, %dma_start3A_20, %dma_start3A_21] : memref<4x640x32xf32, #tpu.memory_space<vmem>> -> memref<1x640x32xf32, #tpu.memory_space<vmem>>
    %dma_start3A_23 = tpu.memref_squeeze %dma_start3A_22 : memref<1x640x32xf32, #tpu.memory_space<vmem>> -> memref<640x32xf32, #tpu.memory_space<vmem>>
    %dma_start3A_24 = arith.constant 128 : i32
    %dma_start3A_25 = arith.constant 0 : i32
    %dma_start3A_26 = tpu.memref_slice %dma_start3A_23[%dma_start3A_24, %dma_start3A_25] : memref<640x32xf32, #tpu.memory_space<vmem>> -> memref<128x32xf32, #tpu.memory_space<vmem>>
    %dma_start3A_27 = arith.constant 128 : i32
    %dma_start3A_28 = tpu.memref_slice %arg5[%dma_start3A_27] : memref<25600xi32, #tpu.memory_space<vmem>> -> memref<128xi32, #tpu.memory_space<vmem>>
    %dma_start3A_29 = arith.constant 0 : i32
    %dma_start3A_30 = arith.constant 0 : i32
    %dma_start3A_31 = tpu.memref_slice %arg3[%dma_start3A_29, %dma_start3A_30] : memref<1000000x32xf32, #tpu.memory_space<hbm>> -> memref<1000000x32xf32, #tpu.memory_space<hbm>>
    %dma_start3A_32 = tpu.memref_slice %arg7[%dma_start3A_19] : memref<4x!tpu.dma_semaphore, #tpu.memory_space<semaphore_mem>> -> memref<1x!tpu.dma_semaphore, #tpu.memory_space<semaphore_mem>>
    %dma_start3A_33 = tpu.memref_squeeze %dma_start3A_32 : memref<1x!tpu.dma_semaphore, #tpu.memory_space<semaphore_mem>> -> memref<!tpu.dma_semaphore, #tpu.memory_space<semaphore_mem>>
    tpu.enqueue_indirect_dma source(%dma_start3A_31 : memref<1000000x32xf32, #tpu.memory_space<hbm>>) target(%dma_start3A_26 : memref<128x32xf32, #tpu.memory_space<vmem>>) offsets(%dma_start3A_28 : memref<128xi32, #tpu.memory_space<vmem>>) semaphore(%dma_start3A_33 : memref<!tpu.dma_semaphore, #tpu.memory_space<semaphore_mem>>)
    %dma_start3A_34 = arith.constant 0 : i32
    %dma_start3A_35 = arith.constant 0 : i32
    %dma_start3A_36 = arith.constant 0 : i32
    %dma_start3A_37 = arith.constant 0 : i32
    %dma_start3A_38 = tpu.memref_slice %arg6[%dma_start3A_34, %dma_start3A_36, %dma_start3A_37] : memref<4x640x32xf32, #tpu.memory_space<vmem>> -> memref<1x640x32xf32, #tpu.memory_space<vmem>>
    %dma_start3A_39 = tpu.memref_squeeze %dma_start3A_38 : memref<1x640x32xf32, #tpu.memory_space<vmem>> -> memref<640x32xf32, #tpu.memory_space<vmem>>
    %dma_start3A_40 = arith.constant 256 : i32
    %dma_start3A_41 = arith.constant 0 : i32
    %dma_start3A_42 = tpu.memref_slice %dma_start3A_39[%dma_start3A_40, %dma_start3A_41] : memref<640x32xf32, #tpu.memory_space<vmem>> -> memref<128x32xf32, #tpu.memory_space<vmem>>
    %dma_start3A_43 = arith.constant 256 : i32
    %dma_start3A_44 = tpu.memref_slice %arg5[%dma_start3A_43] : memref<25600xi32, #tpu.memory_space<vmem>> -> memref<128xi32, #tpu.memory_space<vmem>>
    %dma_start3A_45 = arith.constant 0 : i32
    %dma_start3A_46 = arith.constant 0 : i32
    %dma_start3A_47 = tpu.memref_slice %arg3[%dma_start3A_45, %dma_start3A_46] : memref<1000000x32xf32, #tpu.memory_space<hbm>> -> memref<1000000x32xf32, #tpu.memory_space<hbm>>
    %dma_start3A_48 = tpu.memref_slice %arg7[%dma_start3A_35] : memref<4x!tpu.dma_semaphore, #tpu.memory_space<semaphore_mem>> -> memref<1x!tpu.dma_semaphore, #tpu.memory_space<semaphore_mem>>
    %dma_start3A_49 = tpu.memref_squeeze %dma_start3A_48 : memref<1x!tpu.dma_semaphore, #tpu.memory_space<semaphore_mem>> -> memref<!tpu.dma_semaphore, #tpu.memory_space<semaphore_mem>>
    tpu.enqueue_indirect_dma source(%dma_start3A_47 : memref<1000000x32xf32, #tpu.memory_space<hbm>>) target(%dma_start3A_42 : memref<128x32xf32, #tpu.memory_space<vmem>>) offsets(%dma_start3A_44 : memref<128xi32, #tpu.memory_space<vmem>>) semaphore(%dma_start3A_49 : memref<!tpu.dma_semaphore, #tpu.memory_space<semaphore_mem>>)
    %dma_start3A_50 = arith.constant 0 : i32
    %dma_start3A_51 = arith.constant 0 : i32
    %dma_start3A_52 = arith.constant 0 : i32
    %dma_start3A_53 = arith.constant 0 : i32
    %dma_start3A_54 = tpu.memref_slice %arg6[%dma_start3A_50, %dma_start3A_52, %dma_start3A_53] : memref<4x640x32xf32, #tpu.memory_space<vmem>> -> memref<1x640x32xf32, #tpu.memory_space<vmem>>
    %dma_start3A_55 = tpu.memref_squeeze %dma_start3A_54 : memref<1x640x32xf32, #tpu.memory_space<vmem>> -> memref<640x32xf32, #tpu.memory_space<vmem>>
    %dma_start3A_56 = arith.constant 384 : i32
    %dma_start3A_57 = arith.constant 0 : i32
    %dma_start3A_58 = tpu.memref_slice %dma_start3A_55[%dma_start3A_56, %dma_start3A_57] : memref<640x32xf32, #tpu.memory_space<vmem>> -> memref<128x32xf32, #tpu.memory_space<vmem>>
    %dma_start3A_59 = arith.constant 384 : i32
    %dma_start3A_60 = tpu.memref_slice %arg5[%dma_start3A_59] : memref<25600xi32, #tpu.memory_space<vmem>> -> memref<128xi32, #tpu.memory_space<vmem>>
    %dma_start3A_61 = arith.constant 0 : i32
    %dma_start3A_62 = arith.constant 0 : i32
    %dma_start3A_63 = tpu.memref_slice %arg3[%dma_start3A_61, %dma_start3A_62] : memref<1000000x32xf32, #tpu.memory_space<hbm>> -> memref<1000000x32xf32, #tpu.memory_space<hbm>>
    %dma_start3A_64 = tpu.memref_slice %arg7[%dma_start3A_51] : memref<4x!tpu.dma_semaphore, #tpu.memory_space<semaphore_mem>> -> memref<1x!tpu.dma_semaphore, #tpu.memory_space<semaphore_mem>>
    %dma_start3A_65 = tpu.memref_squeeze %dma_start3A_64 : memref<1x!tpu.dma_semaphore, #tpu.memory_space<semaphore_mem>> -> memref<!tpu.dma_semaphore, #tpu.memory_space<semaphore_mem>>
    tpu.enqueue_indirect_dma source(%dma_start3A_63 : memref<1000000x32xf32, #tpu.memory_space<hbm>>) target(%dma_start3A_58 : memref<128x32xf32, #tpu.memory_space<vmem>>) offsets(%dma_start3A_60 : memref<128xi32, #tpu.memory_space<vmem>>) semaphore(%dma_start3A_65 : memref<!tpu.dma_semaphore, #tpu.memory_space<semaphore_mem>>)
    %dma_start3A_66 = arith.constant 0 : i32
    %dma_start3A_67 = arith.constant 0 : i32
    %dma_start3A_68 = arith.constant 0 : i32
    %dma_start3A_69 = arith.constant 0 : i32
    %dma_start3A_70 = tpu.memref_slice %arg6[%dma_start3A_66, %dma_start3A_68, %dma_start3A_69] : memref<4x640x32xf32, #tpu.memory_space<vmem>> -> memref<1x640x32xf32, #tpu.memory_space<vmem>>
    %dma_start3A_71 = tpu.memref_squeeze %dma_start3A_70 : memref<1x640x32xf32, #tpu.memory_space<vmem>> -> memref<640x32xf32, #tpu.memory_space<vmem>>
    %dma_start3A_72 = arith.constant 512 : i32
    %dma_start3A_73 = arith.constant 0 : i32
    %dma_start3A_74 = tpu.memref_slice %dma_start3A_71[%dma_start3A_72, %dma_start3A_73] : memref<640x32xf32, #tpu.memory_space<vmem>> -> memref<128x32xf32, #tpu.memory_space<vmem>>
    %dma_start3A_75 = arith.constant 512 : i32
    %dma_start3A_76 = tpu.memref_slice %arg5[%dma_start3A_75] : memref<25600xi32, #tpu.memory_space<vmem>> -> memref<128xi32, #tpu.memory_space<vmem>>
    %dma_start3A_77 = arith.constant 0 : i32
    %dma_start3A_78 = arith.constant 0 : i32
    %dma_start3A_79 = tpu.memref_slice %arg3[%dma_start3A_77, %dma_start3A_78] : memref<1000000x32xf32, #tpu.memory_space<hbm>> -> memref<1000000x32xf32, #tpu.memory_space<hbm>>
    %dma_start3A_80 = tpu.memref_slice %arg7[%dma_start3A_67] : memref<4x!tpu.dma_semaphore, #tpu.memory_space<semaphore_mem>> -> memref<1x!tpu.dma_semaphore, #tpu.memory_space<semaphore_mem>>
    %dma_start3A_81 = tpu.memref_squeeze %dma_start3A_80 : memref<1x!tpu.dma_semaphore, #tpu.memory_space<semaphore_mem>> -> memref<!tpu.dma_semaphore, #tpu.memory_space<semaphore_mem>>
    tpu.enqueue_indirect_dma source(%dma_start3A_79 : memref<1000000x32xf32, #tpu.memory_space<hbm>>) target(%dma_start3A_74 : memref<128x32xf32, #tpu.memory_space<vmem>>) offsets(%dma_start3A_76 : memref<128xi32, #tpu.memory_space<vmem>>) semaphore(%dma_start3A_81 : memref<!tpu.dma_semaphore, #tpu.memory_space<semaphore_mem>>)
    %dma_start3A_82 = arith.constant 1 : i32
    %dma_start3A_83 = arith.constant 1 : i32
    %dma_start3A_84 = arith.constant 0 : i32
    %dma_start3A_85 = arith.constant 0 : i32
    %dma_start3A_86 = tpu.memref_slice %arg6[%dma_start3A_82, %dma_start3A_84, %dma_start3A_85] : memref<4x640x32xf32, #tpu.memory_space<vmem>> -> memref<1x640x32xf32, #tpu.memory_space<vmem>>
    %dma_start3A_87 = tpu.memref_squeeze %dma_start3A_86 : memref<1x640x32xf32, #tpu.memory_space<vmem>> -> memref<640x32xf32, #tpu.memory_space<vmem>>
    %dma_start3A_88 = arith.constant 0 : i32
    %dma_start3A_89 = arith.constant 0 : i32
    %dma_start3A_90 = tpu.memref_slice %dma_start3A_87[%dma_start3A_88, %dma_start3A_89] : memref<640x32xf32, #tpu.memory_space<vmem>> -> memref<128x32xf32, #tpu.memory_space<vmem>>
    %dma_start3A_91 = arith.constant 640 : i32
    %dma_start3A_92 = tpu.memref_slice %arg5[%dma_start3A_91] : memref<25600xi32, #tpu.memory_space<vmem>> -> memref<128xi32, #tpu.memory_space<vmem>>
    %dma_start3A_93 = arith.constant 0 : i32
    %dma_start3A_94 = arith.constant 0 : i32
    %dma_start3A_95 = tpu.memref_slice %arg3[%dma_start3A_93, %dma_start3A_94] : memref<1000000x32xf32, #tpu.memory_space<hbm>> -> memref<1000000x32xf32, #tpu.memory_space<hbm>>
    %dma_start3A_96 = tpu.memref_slice %arg7[%dma_start3A_83] : memref<4x!tpu.dma_semaphore, #tpu.memory_space<semaphore_mem>> -> memref<1x!tpu.dma_semaphore, #tpu.memory_space<semaphore_mem>>
    %dma_start3A_97 = tpu.memref_squeeze %dma_start3A_96 : memref<1x!tpu.dma_semaphore, #tpu.memory_space<semaphore_mem>> -> memref<!tpu.dma_semaphore, #tpu.memory_space<semaphore_mem>>
    tpu.enqueue_indirect_dma source(%dma_start3A_95 : memref<1000000x32xf32, #tpu.memory_space<hbm>>) target(%dma_start3A_90 : memref<128x32xf32, #tpu.memory_space<vmem>>) offsets(%dma_start3A_92 : memref<128xi32, #tpu.memory_space<vmem>>) semaphore(%dma_start3A_97 : memref<!tpu.dma_semaphore, #tpu.memory_space<semaphore_mem>>)
    %dma_start3A_98 = arith.constant 1 : i32
    %dma_start3A_99 = arith.constant 1 : i32
    %dma_start3A_100 = arith.constant 0 : i32
    %dma_start3A_101 = arith.constant 0 : i32
    %dma_start3A_102 = tpu.memref_slice %arg6[%dma_start3A_98, %dma_start3A_100, %dma_start3A_101] : memref<4x640x32xf32, #tpu.memory_space<vmem>> -> memref<1x640x32xf32, #tpu.memory_space<vmem>>
    %dma_start3A_103 = tpu.memref_squeeze %dma_start3A_102 : memref<1x640x32xf32, #tpu.memory_space<vmem>> -> memref<640x32xf32, #tpu.memory_space<vmem>>
    %dma_start3A_104 = arith.constant 128 : i32
    %dma_start3A_105 = arith.constant 0 : i32
    %dma_start3A_106 = tpu.memref_slice %dma_start3A_103[%dma_start3A_104, %dma_start3A_105] : memref<640x32xf32, #tpu.memory_space<vmem>> -> memref<128x32xf32, #tpu.memory_space<vmem>>
    %dma_start3A_107 = arith.constant 768 : i32
    %dma_start3A_108 = tpu.memref_slice %arg5[%dma_start3A_107] : memref<25600xi32, #tpu.memory_space<vmem>> -> memref<128xi32, #tpu.memory_space<vmem>>
    %dma_start3A_109 = arith.constant 0 : i32
    %dma_start3A_110 = arith.constant 0 : i32
    %dma_start3A_111 = tpu.memref_slice %arg3[%dma_start3A_109, %dma_start3A_110] : memref<1000000x32xf32, #tpu.memory_space<hbm>> -> memref<1000000x32xf32, #tpu.memory_space<hbm>>
    %dma_start3A_112 = tpu.memref_slice %arg7[%dma_start3A_99] : memref<4x!tpu.dma_semaphore, #tpu.memory_space<semaphore_mem>> -> memref<1x!tpu.dma_semaphore, #tpu.memory_space<semaphore_mem>>
    %dma_start3A_113 = tpu.memref_squeeze %dma_start3A_112 : memref<1x!tpu.dma_semaphore, #tpu.memory_space<semaphore_mem>> -> memref<!tpu.dma_semaphore, #tpu.memory_space<semaphore_mem>>
    tpu.enqueue_indirect_dma source(%dma_start3A_111 : memref<1000000x32xf32, #tpu.memory_space<hbm>>) target(%dma_start3A_106 : memref<128x32xf32, #tpu.memory_space<vmem>>) offsets(%dma_start3A_108 : memref<128xi32, #tpu.memory_space<vmem>>) semaphore(%dma_start3A_113 : memref<!tpu.dma_semaphore, #tpu.memory_space<semaphore_mem>>)
    %dma_start3A_114 = arith.constant 1 : i32
    %dma_start3A_115 = arith.constant 1 : i32
    %dma_start3A_116 = arith.constant 0 : i32
    %dma_start3A_117 = arith.constant 0 : i32
    %dma_start3A_118 = tpu.memref_slice %arg6[%dma_start3A_114, %dma_start3A_116, %dma_start3A_117] : memref<4x640x32xf32, #tpu.memory_space<vmem>> -> memref<1x640x32xf32, #tpu.memory_space<vmem>>
    %dma_start3A_119 = tpu.memref_squeeze %dma_start3A_118 : memref<1x640x32xf32, #tpu.memory_space<vmem>> -> memref<640x32xf32, #tpu.memory_space<vmem>>
    %dma_start3A_120 = arith.constant 256 : i32
    %dma_start3A_121 = arith.constant 0 : i32
    %dma_start3A_122 = tpu.memref_slice %dma_start3A_119[%dma_start3A_120, %dma_start3A_121] : memref<640x32xf32, #tpu.memory_space<vmem>> -> memref<128x32xf32, #tpu.memory_space<vmem>>
    %dma_start3A_123 = arith.constant 896 : i32
    %dma_start3A_124 = tpu.memref_slice %arg5[%dma_start3A_123] : memref<25600xi32, #tpu.memory_space<vmem>> -> memref<128xi32, #tpu.memory_space<vmem>>
    %dma_start3A_125 = arith.constant 0 : i32
    %dma_start3A_126 = arith.constant 0 : i32
    %dma_start3A_127 = tpu.memref_slice %arg3[%dma_start3A_125, %dma_start3A_126] : memref<1000000x32xf32, #tpu.memory_space<hbm>> -> memref<1000000x32xf32, #tpu.memory_space<hbm>>
    %dma_start3A_128 = tpu.memref_slice %arg7[%dma_start3A_115] : memref<4x!tpu.dma_semaphore, #tpu.memory_space<semaphore_mem>> -> memref<1x!tpu.dma_semaphore, #tpu.memory_space<semaphore_mem>>
    %dma_start3A_129 = tpu.memref_squeeze %dma_start3A_128 : memref<1x!tpu.dma_semaphore, #tpu.memory_space<semaphore_mem>> -> memref<!tpu.dma_semaphore, #tpu.memory_space<semaphore_mem>>
    tpu.enqueue_indirect_dma source(%dma_start3A_127 : memref<1000000x32xf32, #tpu.memory_space<hbm>>) target(%dma_start3A_122 : memref<128x32xf32, #tpu.memory_space<vmem>>) offsets(%dma_start3A_124 : memref<128xi32, #tpu.memory_space<vmem>>) semaphore(%dma_start3A_129 : memref<!tpu.dma_semaphore, #tpu.memory_space<semaphore_mem>>)
    %dma_start3A_130 = arith.constant 1 : i32
    %dma_start3A_131 = arith.constant 1 : i32
    %dma_start3A_132 = arith.constant 0 : i32
    %dma_start3A_133 = arith.constant 0 : i32
    %dma_start3A_134 = tpu.memref_slice %arg6[%dma_start3A_130, %dma_start3A_132, %dma_start3A_133] : memref<4x640x32xf32, #tpu.memory_space<vmem>> -> memref<1x640x32xf32, #tpu.memory_space<vmem>>
    %dma_start3A_135 = tpu.memref_squeeze %dma_start3A_134 : memref<1x640x32xf32, #tpu.memory_space<vmem>> -> memref<640x32xf32, #tpu.memory_space<vmem>>
    %dma_start3A_136 = arith.constant 384 : i32
    %dma_start3A_137 = arith.constant 0 : i32
    %dma_start3A_138 = tpu.memref_slice %dma_start3A_135[%dma_start3A_136, %dma_start3A_137] : memref<640x32xf32, #tpu.memory_space<vmem>> -> memref<128x32xf32, #tpu.memory_space<vmem>>
    %dma_start3A_139 = arith.constant 1024 : i32
    %dma_start3A_140 = tpu.memref_slice %arg5[%dma_start3A_139] : memref<25600xi32, #tpu.memory_space<vmem>> -> memref<128xi32, #tpu.memory_space<vmem>>
    %dma_start3A_141 = arith.constant 0 : i32
    %dma_start3A_142 = arith.constant 0 : i32
    %dma_start3A_143 = tpu.memref_slice %arg3[%dma_start3A_141, %dma_start3A_142] : memref<1000000x32xf32, #tpu.memory_space<hbm>> -> memref<1000000x32xf32, #tpu.memory_space<hbm>>
    %dma_start3A_144 = tpu.memref_slice %arg7[%dma_start3A_131] : memref<4x!tpu.dma_semaphore, #tpu.memory_space<semaphore_mem>> -> memref<1x!tpu.dma_semaphore, #tpu.memory_space<semaphore_mem>>
    %dma_start3A_145 = tpu.memref_squeeze %dma_start3A_144 : memref<1x!tpu.dma_semaphore, #tpu.memory_space<semaphore_mem>> -> memref<!tpu.dma_semaphore, #tpu.memory_space<semaphore_mem>>
    tpu.enqueue_indirect_dma source(%dma_start3A_143 : memref<1000000x32xf32, #tpu.memory_space<hbm>>) target(%dma_start3A_138 : memref<128x32xf32, #tpu.memory_space<vmem>>) offsets(%dma_start3A_140 : memref<128xi32, #tpu.memory_space<vmem>>) semaphore(%dma_start3A_145 : memref<!tpu.dma_semaphore, #tpu.memory_space<semaphore_mem>>)
    %dma_start3A_146 = arith.constant 1 : i32
    %dma_start3A_147 = arith.constant 1 : i32
    %dma_start3A_148 = arith.constant 0 : i32
    %dma_start3A_149 = arith.constant 0 : i32
    %dma_start3A_150 = tpu.memref_slice %arg6[%dma_start3A_146, %dma_start3A_148, %dma_start3A_149] : memref<4x640x32xf32, #tpu.memory_space<vmem>> -> memref<1x640x32xf32, #tpu.memory_space<vmem>>
    %dma_start3A_151 = tpu.memref_squeeze %dma_start3A_150 : memref<1x640x32xf32, #tpu.memory_space<vmem>> -> memref<640x32xf32, #tpu.memory_space<vmem>>
    %dma_start3A_152 = arith.constant 512 : i32
    %dma_start3A_153 = arith.constant 0 : i32
    %dma_start3A_154 = tpu.memref_slice %dma_start3A_151[%dma_start3A_152, %dma_start3A_153] : memref<640x32xf32, #tpu.memory_space<vmem>> -> memref<128x32xf32, #tpu.memory_space<vmem>>
    %dma_start3A_155 = arith.constant 1152 : i32
    %dma_start3A_156 = tpu.memref_slice %arg5[%dma_start3A_155] : memref<25600xi32, #tpu.memory_space<vmem>> -> memref<128xi32, #tpu.memory_space<vmem>>
    %dma_start3A_157 = arith.constant 0 : i32
    %dma_start3A_158 = arith.constant 0 : i32
    %dma_start3A_159 = tpu.memref_slice %arg3[%dma_start3A_157, %dma_start3A_158] : memref<1000000x32xf32, #tpu.memory_space<hbm>> -> memref<1000000x32xf32, #tpu.memory_space<hbm>>
    %dma_start3A_160 = tpu.memref_slice %arg7[%dma_start3A_147] : memref<4x!tpu.dma_semaphore, #tpu.memory_space<semaphore_mem>> -> memref<1x!tpu.dma_semaphore, #tpu.memory_space<semaphore_mem>>
    %dma_start3A_161 = tpu.memref_squeeze %dma_start3A_160 : memref<1x!tpu.dma_semaphore, #tpu.memory_space<semaphore_mem>> -> memref<!tpu.dma_semaphore, #tpu.memory_space<semaphore_mem>>
    tpu.enqueue_indirect_dma source(%dma_start3A_159 : memref<1000000x32xf32, #tpu.memory_space<hbm>>) target(%dma_start3A_154 : memref<128x32xf32, #tpu.memory_space<vmem>>) offsets(%dma_start3A_156 : memref<128xi32, #tpu.memory_space<vmem>>) semaphore(%dma_start3A_161 : memref<!tpu.dma_semaphore, #tpu.memory_space<semaphore_mem>>)
    %dma_wait3A = arith.constant 0 : i32
    %dma_wait3A_162 = arith.constant 0 : i32
    %dma_wait3A_163 = arith.constant 0 : i32
    %dma_wait3A_164 = arith.constant 0 : i32
    %dma_wait3A_165 = tpu.memref_slice %arg6[%dma_wait3A, %dma_wait3A_163, %dma_wait3A_164] : memref<4x640x32xf32, #tpu.memory_space<vmem>> -> memref<1x640x32xf32, #tpu.memory_space<vmem>>
    %dma_wait3A_166 = tpu.memref_squeeze %dma_wait3A_165 : memref<1x640x32xf32, #tpu.memory_space<vmem>> -> memref<640x32xf32, #tpu.memory_space<vmem>>
    %dma_wait3A_167 = arith.constant 0 : i32
    %dma_wait3A_168 = arith.constant 0 : i32
    %dma_wait3A_169 = tpu.memref_slice %dma_wait3A_166[%dma_wait3A_167, %dma_wait3A_168] : memref<640x32xf32, #tpu.memory_space<vmem>> -> memref<128x32xf32, #tpu.memory_space<vmem>>
    %dma_wait3A_170 = arith.constant 0 : i32
    %dma_wait3A_171 = tpu.memref_slice %arg5[%dma_wait3A_170] : memref<25600xi32, #tpu.memory_space<vmem>> -> memref<128xi32, #tpu.memory_space<vmem>>
    %dma_wait3A_172 = arith.constant 0 : i32
    %dma_wait3A_173 = arith.constant 0 : i32
    %dma_wait3A_174 = tpu.memref_slice %arg3[%dma_wait3A_172, %dma_wait3A_173] : memref<1000000x32xf32, #tpu.memory_space<hbm>> -> memref<1000000x32xf32, #tpu.memory_space<hbm>>
    %dma_wait3A_175 = tpu.memref_slice %arg7[%dma_wait3A_162] : memref<4x!tpu.dma_semaphore, #tpu.memory_space<semaphore_mem>> -> memref<1x!tpu.dma_semaphore, #tpu.memory_space<semaphore_mem>>
    %dma_wait3A_176 = tpu.memref_squeeze %dma_wait3A_175 : memref<1x!tpu.dma_semaphore, #tpu.memory_space<semaphore_mem>> -> memref<!tpu.dma_semaphore, #tpu.memory_space<semaphore_mem>>
    tpu.wait_indirect_dma semaphore(%dma_wait3A_176 : memref<!tpu.dma_semaphore, #tpu.memory_space<semaphore_mem>>) src(%dma_wait3A_174 : memref<1000000x32xf32, #tpu.memory_space<hbm>>) dst(%dma_wait3A_169 : memref<128x32xf32, #tpu.memory_space<vmem>>)
    %dma_wait3A_177 = arith.constant 0 : i32
    %dma_wait3A_178 = arith.constant 0 : i32
    %dma_wait3A_179 = arith.constant 0 : i32
    %dma_wait3A_180 = arith.constant 0 : i32
    %dma_wait3A_181 = tpu.memref_slice %arg6[%dma_wait3A_177, %dma_wait3A_179, %dma_wait3A_180] : memref<4x640x32xf32, #tpu.memory_space<vmem>> -> memref<1x640x32xf32, #tpu.memory_space<vmem>>
    %dma_wait3A_182 = tpu.memref_squeeze %dma_wait3A_181 : memref<1x640x32xf32, #tpu.memory_space<vmem>> -> memref<640x32xf32, #tpu.memory_space<vmem>>
    %dma_wait3A_183 = arith.constant 128 : i32
    %dma_wait3A_184 = arith.constant 0 : i32
    %dma_wait3A_185 = tpu.memref_slice %dma_wait3A_182[%dma_wait3A_183, %dma_wait3A_184] : memref<640x32xf32, #tpu.memory_space<vmem>> -> memref<128x32xf32, #tpu.memory_space<vmem>>
    %dma_wait3A_186 = arith.constant 128 : i32
    %dma_wait3A_187 = tpu.memref_slice %arg5[%dma_wait3A_186] : memref<25600xi32, #tpu.memory_space<vmem>> -> memref<128xi32, #tpu.memory_space<vmem>>
    %dma_wait3A_188 = arith.constant 0 : i32
    %dma_wait3A_189 = arith.constant 0 : i32
    %dma_wait3A_190 = tpu.memref_slice %arg3[%dma_wait3A_188, %dma_wait3A_189] : memref<1000000x32xf32, #tpu.memory_space<hbm>> -> memref<1000000x32xf32, #tpu.memory_space<hbm>>
    %dma_wait3A_191 = tpu.memref_slice %arg7[%dma_wait3A_178] : memref<4x!tpu.dma_semaphore, #tpu.memory_space<semaphore_mem>> -> memref<1x!tpu.dma_semaphore, #tpu.memory_space<semaphore_mem>>
    %dma_wait3A_192 = tpu.memref_squeeze %dma_wait3A_191 : memref<1x!tpu.dma_semaphore, #tpu.memory_space<semaphore_mem>> -> memref<!tpu.dma_semaphore, #tpu.memory_space<semaphore_mem>>
    tpu.wait_indirect_dma semaphore(%dma_wait3A_192 : memref<!tpu.dma_semaphore, #tpu.memory_space<semaphore_mem>>) src(%dma_wait3A_190 : memref<1000000x32xf32, #tpu.memory_space<hbm>>) dst(%dma_wait3A_185 : memref<128x32xf32, #tpu.memory_space<vmem>>)
    %dma_wait3A_193 = arith.constant 0 : i32
    %dma_wait3A_194 = arith.constant 0 : i32
    %dma_wait3A_195 = arith.constant 0 : i32
    %dma_wait3A_196 = arith.constant 0 : i32
    %dma_wait3A_197 = tpu.memref_slice %arg6[%dma_wait3A_193, %dma_wait3A_195, %dma_wait3A_196] : memref<4x640x32xf32, #tpu.memory_space<vmem>> -> memref<1x640x32xf32, #tpu.memory_space<vmem>>
    %dma_wait3A_198 = tpu.memref_squeeze %dma_wait3A_197 : memref<1x640x32xf32, #tpu.memory_space<vmem>> -> memref<640x32xf32, #tpu.memory_space<vmem>>
    %dma_wait3A_199 = arith.constant 256 : i32
    %dma_wait3A_200 = arith.constant 0 : i32
    %dma_wait3A_201 = tpu.memref_slice %dma_wait3A_198[%dma_wait3A_199, %dma_wait3A_200] : memref<640x32xf32, #tpu.memory_space<vmem>> -> memref<128x32xf32, #tpu.memory_space<vmem>>
    %dma_wait3A_202 = arith.constant 256 : i32
    %dma_wait3A_203 = tpu.memref_slice %arg5[%dma_wait3A_202] : memref<25600xi32, #tpu.memory_space<vmem>> -> memref<128xi32, #tpu.memory_space<vmem>>
    %dma_wait3A_204 = arith.constant 0 : i32
    %dma_wait3A_205 = arith.constant 0 : i32
    %dma_wait3A_206 = tpu.memref_slice %arg3[%dma_wait3A_204, %dma_wait3A_205] : memref<1000000x32xf32, #tpu.memory_space<hbm>> -> memref<1000000x32xf32, #tpu.memory_space<hbm>>
    %dma_wait3A_207 = tpu.memref_slice %arg7[%dma_wait3A_194] : memref<4x!tpu.dma_semaphore, #tpu.memory_space<semaphore_mem>> -> memref<1x!tpu.dma_semaphore, #tpu.memory_space<semaphore_mem>>
    %dma_wait3A_208 = tpu.memref_squeeze %dma_wait3A_207 : memref<1x!tpu.dma_semaphore, #tpu.memory_space<semaphore_mem>> -> memref<!tpu.dma_semaphore, #tpu.memory_space<semaphore_mem>>
    tpu.wait_indirect_dma semaphore(%dma_wait3A_208 : memref<!tpu.dma_semaphore, #tpu.memory_space<semaphore_mem>>) src(%dma_wait3A_206 : memref<1000000x32xf32, #tpu.memory_space<hbm>>) dst(%dma_wait3A_201 : memref<128x32xf32, #tpu.memory_space<vmem>>)
    %dma_wait3A_209 = arith.constant 0 : i32
    %dma_wait3A_210 = arith.constant 0 : i32
    %dma_wait3A_211 = arith.constant 0 : i32
    %dma_wait3A_212 = arith.constant 0 : i32
    %dma_wait3A_213 = tpu.memref_slice %arg6[%dma_wait3A_209, %dma_wait3A_211, %dma_wait3A_212] : memref<4x640x32xf32, #tpu.memory_space<vmem>> -> memref<1x640x32xf32, #tpu.memory_space<vmem>>
    %dma_wait3A_214 = tpu.memref_squeeze %dma_wait3A_213 : memref<1x640x32xf32, #tpu.memory_space<vmem>> -> memref<640x32xf32, #tpu.memory_space<vmem>>
    %dma_wait3A_215 = arith.constant 384 : i32
    %dma_wait3A_216 = arith.constant 0 : i32
    %dma_wait3A_217 = tpu.memref_slice %dma_wait3A_214[%dma_wait3A_215, %dma_wait3A_216] : memref<640x32xf32, #tpu.memory_space<vmem>> -> memref<128x32xf32, #tpu.memory_space<vmem>>
    %dma_wait3A_218 = arith.constant 384 : i32
    %dma_wait3A_219 = tpu.memref_slice %arg5[%dma_wait3A_218] : memref<25600xi32, #tpu.memory_space<vmem>> -> memref<128xi32, #tpu.memory_space<vmem>>
    %dma_wait3A_220 = arith.constant 0 : i32
    %dma_wait3A_221 = arith.constant 0 : i32
    %dma_wait3A_222 = tpu.memref_slice %arg3[%dma_wait3A_220, %dma_wait3A_221] : memref<1000000x32xf32, #tpu.memory_space<hbm>> -> memref<1000000x32xf32, #tpu.memory_space<hbm>>
    %dma_wait3A_223 = tpu.memref_slice %arg7[%dma_wait3A_210] : memref<4x!tpu.dma_semaphore, #tpu.memory_space<semaphore_mem>> -> memref<1x!tpu.dma_semaphore, #tpu.memory_space<semaphore_mem>>
    %dma_wait3A_224 = tpu.memref_squeeze %dma_wait3A_223 : memref<1x!tpu.dma_semaphore, #tpu.memory_space<semaphore_mem>> -> memref<!tpu.dma_semaphore, #tpu.memory_space<semaphore_mem>>
    tpu.wait_indirect_dma semaphore(%dma_wait3A_224 : memref<!tpu.dma_semaphore, #tpu.memory_space<semaphore_mem>>) src(%dma_wait3A_222 : memref<1000000x32xf32, #tpu.memory_space<hbm>>) dst(%dma_wait3A_217 : memref<128x32xf32, #tpu.memory_space<vmem>>)
    %dma_wait3A_225 = arith.constant 0 : i32
    %dma_wait3A_226 = arith.constant 0 : i32
    %dma_wait3A_227 = arith.constant 0 : i32
    %dma_wait3A_228 = arith.constant 0 : i32
    %dma_wait3A_229 = tpu.memref_slice %arg6[%dma_wait3A_225, %dma_wait3A_227, %dma_wait3A_228] : memref<4x640x32xf32, #tpu.memory_space<vmem>> -> memref<1x640x32xf32, #tpu.memory_space<vmem>>
    %dma_wait3A_230 = tpu.memref_squeeze %dma_wait3A_229 : memref<1x640x32xf32, #tpu.memory_space<vmem>> -> memref<640x32xf32, #tpu.memory_space<vmem>>
    %dma_wait3A_231 = arith.constant 512 : i32
    %dma_wait3A_232 = arith.constant 0 : i32
    %dma_wait3A_233 = tpu.memref_slice %dma_wait3A_230[%dma_wait3A_231, %dma_wait3A_232] : memref<640x32xf32, #tpu.memory_space<vmem>> -> memref<128x32xf32, #tpu.memory_space<vmem>>
    %dma_wait3A_234 = arith.constant 512 : i32
    %dma_wait3A_235 = tpu.memref_slice %arg5[%dma_wait3A_234] : memref<25600xi32, #tpu.memory_space<vmem>> -> memref<128xi32, #tpu.memory_space<vmem>>
    %dma_wait3A_236 = arith.constant 0 : i32
    %dma_wait3A_237 = arith.constant 0 : i32
    %dma_wait3A_238 = tpu.memref_slice %arg3[%dma_wait3A_236, %dma_wait3A_237] : memref<1000000x32xf32, #tpu.memory_space<hbm>> -> memref<1000000x32xf32, #tpu.memory_space<hbm>>
    %dma_wait3A_239 = tpu.memref_slice %arg7[%dma_wait3A_226] : memref<4x!tpu.dma_semaphore, #tpu.memory_space<semaphore_mem>> -> memref<1x!tpu.dma_semaphore, #tpu.memory_space<semaphore_mem>>
    %dma_wait3A_240 = tpu.memref_squeeze %dma_wait3A_239 : memref<1x!tpu.dma_semaphore, #tpu.memory_space<semaphore_mem>> -> memref<!tpu.dma_semaphore, #tpu.memory_space<semaphore_mem>>
    tpu.wait_indirect_dma semaphore(%dma_wait3A_240 : memref<!tpu.dma_semaphore, #tpu.memory_space<semaphore_mem>>) src(%dma_wait3A_238 : memref<1000000x32xf32, #tpu.memory_space<hbm>>) dst(%dma_wait3A_233 : memref<128x32xf32, #tpu.memory_space<vmem>>)
    %add3A_241 = arith.constant 0 : i32
    %add3A_242 = arith.addi %mul3A_2, %add3A_241 : i32
    %dma_start3A_243 = arith.constant 0 : i32
    %dma_start3A_244 = arith.constant 0 : i32
    %dma_start3A_245 = arith.constant 0 : i32
    %dma_start3A_246 = arith.constant 0 : i32
    %dma_start3A_247 = tpu.memref_slice %arg6[%dma_start3A_243, %dma_start3A_245, %dma_start3A_246] : memref<4x640x32xf32, #tpu.memory_space<vmem>> -> memref<1x640x32xf32, #tpu.memory_space<vmem>>
    %dma_start3A_248 = tpu.memref_squeeze %dma_start3A_247 : memref<1x640x32xf32, #tpu.memory_space<vmem>> -> memref<640x32xf32, #tpu.memory_space<vmem>>
    %dma_start3A_249 = arith.constant 0 : i32
    %dma_start3A_250 = tpu.memref_slice %arg4[%add3A_242, %dma_start3A_249] : memref<819200x32xf32, #tpu.memory_space<hbm>> -> memref<640x32xf32, #tpu.memory_space<hbm>>
    %dma_start3A_251 = tpu.memref_slice %arg8[%dma_start3A_244] : memref<4x!tpu.dma_semaphore, #tpu.memory_space<semaphore_mem>> -> memref<1x!tpu.dma_semaphore, #tpu.memory_space<semaphore_mem>>
    %dma_start3A_252 = tpu.memref_squeeze %dma_start3A_251 : memref<1x!tpu.dma_semaphore, #tpu.memory_space<semaphore_mem>> -> memref<!tpu.dma_semaphore, #tpu.memory_space<semaphore_mem>>
    %dma_start3A_253 = arith.constant 0 : i32
    %dma_start3A_254 = tpu.memref_slice %arg4[%add3A_242, %dma_start3A_253] : memref<819200x32xf32, #tpu.memory_space<hbm>> -> memref<640x32xf32, #tpu.memory_space<hbm>>
    %dma_start3A_255 = arith.constant 0 : i32
    %dma_start3A_256 = arith.constant 0 : i32
    %dma_start3A_257 = tpu.memref_slice %arg6[%dma_start3A_243, %dma_start3A_255, %dma_start3A_256] : memref<4x640x32xf32, #tpu.memory_space<vmem>> -> memref<1x640x32xf32, #tpu.memory_space<vmem>>
    %dma_start3A_258 = tpu.memref_squeeze %dma_start3A_257 : memref<1x640x32xf32, #tpu.memory_space<vmem>> -> memref<640x32xf32, #tpu.memory_space<vmem>>
    tpu.enqueue_dma source(%dma_start3A_258 : memref<640x32xf32, #tpu.memory_space<vmem>>) target(%dma_start3A_254 : memref<640x32xf32, #tpu.memory_space<hbm>>) target_semaphore(%dma_start3A_252 : memref<!tpu.dma_semaphore, #tpu.memory_space<semaphore_mem>>)
    %dma_start3A_259 = arith.constant 2 : i32
    %dma_start3A_260 = arith.constant 2 : i32
    %dma_start3A_261 = arith.constant 0 : i32
    %dma_start3A_262 = arith.constant 0 : i32
    %dma_start3A_263 = tpu.memref_slice %arg6[%dma_start3A_259, %dma_start3A_261, %dma_start3A_262] : memref<4x640x32xf32, #tpu.memory_space<vmem>> -> memref<1x640x32xf32, #tpu.memory_space<vmem>>
    %dma_start3A_264 = tpu.memref_squeeze %dma_start3A_263 : memref<1x640x32xf32, #tpu.memory_space<vmem>> -> memref<640x32xf32, #tpu.memory_space<vmem>>
    %dma_start3A_265 = arith.constant 0 : i32
    %dma_start3A_266 = arith.constant 0 : i32
    %dma_start3A_267 = tpu.memref_slice %dma_start3A_264[%dma_start3A_265, %dma_start3A_266] : memref<640x32xf32, #tpu.memory_space<vmem>> -> memref<128x32xf32, #tpu.memory_space<vmem>>
    %dma_start3A_268 = arith.constant 1280 : i32
    %dma_start3A_269 = tpu.memref_slice %arg5[%dma_start3A_268] : memref<25600xi32, #tpu.memory_space<vmem>> -> memref<128xi32, #tpu.memory_space<vmem>>
    %dma_start3A_270 = arith.constant 0 : i32
    %dma_start3A_271 = arith.constant 0 : i32
    %dma_start3A_272 = tpu.memref_slice %arg3[%dma_start3A_270, %dma_start3A_271] : memref<1000000x32xf32, #tpu.memory_space<hbm>> -> memref<1000000x32xf32, #tpu.memory_space<hbm>>
    %dma_start3A_273 = tpu.memref_slice %arg7[%dma_start3A_260] : memref<4x!tpu.dma_semaphore, #tpu.memory_space<semaphore_mem>> -> memref<1x!tpu.dma_semaphore, #tpu.memory_space<semaphore_mem>>
    %dma_start3A_274 = tpu.memref_squeeze %dma_start3A_273 : memref<1x!tpu.dma_semaphore, #tpu.memory_space<semaphore_mem>> -> memref<!tpu.dma_semaphore, #tpu.memory_space<semaphore_mem>>
    tpu.enqueue_indirect_dma source(%dma_start3A_272 : memref<1000000x32xf32, #tpu.memory_space<hbm>>) target(%dma_start3A_267 : memref<128x32xf32, #tpu.memory_space<vmem>>) offsets(%dma_start3A_269 : memref<128xi32, #tpu.memory_space<vmem>>) semaphore(%dma_start3A_274 : memref<!tpu.dma_semaphore, #tpu.memory_space<semaphore_mem>>)
    %dma_start3A_275 = arith.constant 2 : i32
    %dma_start3A_276 = arith.constant 2 : i32
    %dma_start3A_277 = arith.constant 0 : i32
    %dma_start3A_278 = arith.constant 0 : i32
    %dma_start3A_279 = tpu.memref_slice %arg6[%dma_start3A_275, %dma_start3A_277, %dma_start3A_278] : memref<4x640x32xf32, #tpu.memory_space<vmem>> -> memref<1x640x32xf32, #tpu.memory_space<vmem>>
    %dma_start3A_280 = tpu.memref_squeeze %dma_start3A_279 : memref<1x640x32xf32, #tpu.memory_space<vmem>> -> memref<640x32xf32, #tpu.memory_space<vmem>>
    %dma_start3A_281 = arith.constant 128 : i32
    %dma_start3A_282 = arith.constant 0 : i32
    %dma_start3A_283 = tpu.memref_slice %dma_start3A_280[%dma_start3A_281, %dma_start3A_282] : memref<640x32xf32, #tpu.memory_space<vmem>> -> memref<128x32xf32, #tpu.memory_space<vmem>>
    %dma_start3A_284 = arith.constant 1408 : i32
    %dma_start3A_285 = tpu.memref_slice %arg5[%dma_start3A_284] : memref<25600xi32, #tpu.memory_space<vmem>> -> memref<128xi32, #tpu.memory_space<vmem>>
    %dma_start3A_286 = arith.constant 0 : i32
    %dma_start3A_287 = arith.constant 0 : i32
    %dma_start3A_288 = tpu.memref_slice %arg3[%dma_start3A_286, %dma_start3A_287] : memref<1000000x32xf32, #tpu.memory_space<hbm>> -> memref<1000000x32xf32, #tpu.memory_space<hbm>>
    %dma_start3A_289 = tpu.memref_slice %arg7[%dma_start3A_276] : memref<4x!tpu.dma_semaphore, #tpu.memory_space<semaphore_mem>> -> memref<1x!tpu.dma_semaphore, #tpu.memory_space<semaphore_mem>>
    %dma_start3A_290 = tpu.memref_squeeze %dma_start3A_289 : memref<1x!tpu.dma_semaphore, #tpu.memory_space<semaphore_mem>> -> memref<!tpu.dma_semaphore, #tpu.memory_space<semaphore_mem>>
    tpu.enqueue_indirect_dma source(%dma_start3A_288 : memref<1000000x32xf32, #tpu.memory_space<hbm>>) target(%dma_start3A_283 : memref<128x32xf32, #tpu.memory_space<vmem>>) offsets(%dma_start3A_285 : memref<128xi32, #tpu.memory_space<vmem>>) semaphore(%dma_start3A_290 : memref<!tpu.dma_semaphore, #tpu.memory_space<semaphore_mem>>)
    %dma_start3A_291 = arith.constant 2 : i32
    %dma_start3A_292 = arith.constant 2 : i32
    %dma_start3A_293 = arith.constant 0 : i32
    %dma_start3A_294 = arith.constant 0 : i32
    %dma_start3A_295 = tpu.memref_slice %arg6[%dma_start3A_291, %dma_start3A_293, %dma_start3A_294] : memref<4x640x32xf32, #tpu.memory_space<vmem>> -> memref<1x640x32xf32, #tpu.memory_space<vmem>>
    %dma_start3A_296 = tpu.memref_squeeze %dma_start3A_295 : memref<1x640x32xf32, #tpu.memory_space<vmem>> -> memref<640x32xf32, #tpu.memory_space<vmem>>
    %dma_start3A_297 = arith.constant 256 : i32
    %dma_start3A_298 = arith.constant 0 : i32
    %dma_start3A_299 = tpu.memref_slice %dma_start3A_296[%dma_start3A_297, %dma_start3A_298] : memref<640x32xf32, #tpu.memory_space<vmem>> -> memref<128x32xf32, #tpu.memory_space<vmem>>
    %dma_start3A_300 = arith.constant 1536 : i32
    %dma_start3A_301 = tpu.memref_slice %arg5[%dma_start3A_300] : memref<25600xi32, #tpu.memory_space<vmem>> -> memref<128xi32, #tpu.memory_space<vmem>>
    %dma_start3A_302 = arith.constant 0 : i32
    %dma_start3A_303 = arith.constant 0 : i32
    %dma_start3A_304 = tpu.memref_slice %arg3[%dma_start3A_302, %dma_start3A_303] : memref<1000000x32xf32, #tpu.memory_space<hbm>> -> memref<1000000x32xf32, #tpu.memory_space<hbm>>
    %dma_start3A_305 = tpu.memref_slice %arg7[%dma_start3A_292] : memref<4x!tpu.dma_semaphore, #tpu.memory_space<semaphore_mem>> -> memref<1x!tpu.dma_semaphore, #tpu.memory_space<semaphore_mem>>
    %dma_start3A_306 = tpu.memref_squeeze %dma_start3A_305 : memref<1x!tpu.dma_semaphore, #tpu.memory_space<semaphore_mem>> -> memref<!tpu.dma_semaphore, #tpu.memory_space<semaphore_mem>>
    tpu.enqueue_indirect_dma source(%dma_start3A_304 : memref<1000000x32xf32, #tpu.memory_space<hbm>>) target(%dma_start3A_299 : memref<128x32xf32, #tpu.memory_space<vmem>>) offsets(%dma_start3A_301 : memref<128xi32, #tpu.memory_space<vmem>>) semaphore(%dma_start3A_306 : memref<!tpu.dma_semaphore, #tpu.memory_space<semaphore_mem>>)
    %dma_start3A_307 = arith.constant 2 : i32
    %dma_start3A_308 = arith.constant 2 : i32
    %dma_start3A_309 = arith.constant 0 : i32
    %dma_start3A_310 = arith.constant 0 : i32
    %dma_start3A_311 = tpu.memref_slice %arg6[%dma_start3A_307, %dma_start3A_309, %dma_start3A_310] : memref<4x640x32xf32, #tpu.memory_space<vmem>> -> memref<1x640x32xf32, #tpu.memory_space<vmem>>
    %dma_start3A_312 = tpu.memref_squeeze %dma_start3A_311 : memref<1x640x32xf32, #tpu.memory_space<vmem>> -> memref<640x32xf32, #tpu.memory_space<vmem>>
    %dma_start3A_313 = arith.constant 384 : i32
    %dma_start3A_314 = arith.constant 0 : i32
    %dma_start3A_315 = tpu.memref_slice %dma_start3A_312[%dma_start3A_313, %dma_start3A_314] : memref<640x32xf32, #tpu.memory_space<vmem>> -> memref<128x32xf32, #tpu.memory_space<vmem>>
    %dma_start3A_316 = arith.constant 1664 : i32
    %dma_start3A_317 = tpu.memref_slice %arg5[%dma_start3A_316] : memref<25600xi32, #tpu.memory_space<vmem>> -> memref<128xi32, #tpu.memory_space<vmem>>
    %dma_start3A_318 = arith.constant 0 : i32
    %dma_start3A_319 = arith.constant 0 : i32
    %dma_start3A_320 = tpu.memref_slice %arg3[%dma_start3A_318, %dma_start3A_319] : memref<1000000x32xf32, #tpu.memory_space<hbm>> -> memref<1000000x32xf32, #tpu.memory_space<hbm>>
    %dma_start3A_321 = tpu.memref_slice %arg7[%dma_start3A_308] : memref<4x!tpu.dma_semaphore, #tpu.memory_space<semaphore_mem>> -> memref<1x!tpu.dma_semaphore, #tpu.memory_space<semaphore_mem>>
    %dma_start3A_322 = tpu.memref_squeeze %dma_start3A_321 : memref<1x!tpu.dma_semaphore, #tpu.memory_space<semaphore_mem>> -> memref<!tpu.dma_semaphore, #tpu.memory_space<semaphore_mem>>
    tpu.enqueue_indirect_dma source(%dma_start3A_320 : memref<1000000x32xf32, #tpu.memory_space<hbm>>) target(%dma_start3A_315 : memref<128x32xf32, #tpu.memory_space<vmem>>) offsets(%dma_start3A_317 : memref<128xi32, #tpu.memory_space<vmem>>) semaphore(%dma_start3A_322 : memref<!tpu.dma_semaphore, #tpu.memory_space<semaphore_mem>>)
    %dma_start3A_323 = arith.constant 2 : i32
    %dma_start3A_324 = arith.constant 2 : i32
    %dma_start3A_325 = arith.constant 0 : i32
    %dma_start3A_326 = arith.constant 0 : i32
    %dma_start3A_327 = tpu.memref_slice %arg6[%dma_start3A_323, %dma_start3A_325, %dma_start3A_326] : memref<4x640x32xf32, #tpu.memory_space<vmem>> -> memref<1x640x32xf32, #tpu.memory_space<vmem>>
    %dma_start3A_328 = tpu.memref_squeeze %dma_start3A_327 : memref<1x640x32xf32, #tpu.memory_space<vmem>> -> memref<640x32xf32, #tpu.memory_space<vmem>>
    %dma_start3A_329 = arith.constant 512 : i32
    %dma_start3A_330 = arith.constant 0 : i32
    %dma_start3A_331 = tpu.memref_slice %dma_start3A_328[%dma_start3A_329, %dma_start3A_330] : memref<640x32xf32, #tpu.memory_space<vmem>> -> memref<128x32xf32, #tpu.memory_space<vmem>>
    %dma_start3A_332 = arith.constant 1792 : i32
    %dma_start3A_333 = tpu.memref_slice %arg5[%dma_start3A_332] : memref<25600xi32, #tpu.memory_space<vmem>> -> memref<128xi32, #tpu.memory_space<vmem>>
    %dma_start3A_334 = arith.constant 0 : i32
    %dma_start3A_335 = arith.constant 0 : i32
    %dma_start3A_336 = tpu.memref_slice %arg3[%dma_start3A_334, %dma_start3A_335] : memref<1000000x32xf32, #tpu.memory_space<hbm>> -> memref<1000000x32xf32, #tpu.memory_space<hbm>>
    %dma_start3A_337 = tpu.memref_slice %arg7[%dma_start3A_324] : memref<4x!tpu.dma_semaphore, #tpu.memory_space<semaphore_mem>> -> memref<1x!tpu.dma_semaphore, #tpu.memory_space<semaphore_mem>>
    %dma_start3A_338 = tpu.memref_squeeze %dma_start3A_337 : memref<1x!tpu.dma_semaphore, #tpu.memory_space<semaphore_mem>> -> memref<!tpu.dma_semaphore, #tpu.memory_space<semaphore_mem>>
    tpu.enqueue_indirect_dma source(%dma_start3A_336 : memref<1000000x32xf32, #tpu.memory_space<hbm>>) target(%dma_start3A_331 : memref<128x32xf32, #tpu.memory_space<vmem>>) offsets(%dma_start3A_333 : memref<128xi32, #tpu.memory_space<vmem>>) semaphore(%dma_start3A_338 : memref<!tpu.dma_semaphore, #tpu.memory_space<semaphore_mem>>)
    %dma_wait3A_339 = arith.constant 1 : i32
    %dma_wait3A_340 = arith.constant 1 : i32
    %dma_wait3A_341 = arith.constant 0 : i32
    %dma_wait3A_342 = arith.constant 0 : i32
    %dma_wait3A_343 = tpu.memref_slice %arg6[%dma_wait3A_339, %dma_wait3A_341, %dma_wait3A_342] : memref<4x640x32xf32, #tpu.memory_space<vmem>> -> memref<1x640x32xf32, #tpu.memory_space<vmem>>
    %dma_wait3A_344 = tpu.memref_squeeze %dma_wait3A_343 : memref<1x640x32xf32, #tpu.memory_space<vmem>> -> memref<640x32xf32, #tpu.memory_space<vmem>>
    %dma_wait3A_345 = arith.constant 0 : i32
    %dma_wait3A_346 = arith.constant 0 : i32
    %dma_wait3A_347 = tpu.memref_slice %dma_wait3A_344[%dma_wait3A_345, %dma_wait3A_346] : memref<640x32xf32, #tpu.memory_space<vmem>> -> memref<128x32xf32, #tpu.memory_space<vmem>>
    %dma_wait3A_348 = arith.constant 640 : i32
    %dma_wait3A_349 = tpu.memref_slice %arg5[%dma_wait3A_348] : memref<25600xi32, #tpu.memory_space<vmem>> -> memref<128xi32, #tpu.memory_space<vmem>>
    %dma_wait3A_350 = arith.constant 0 : i32
    %dma_wait3A_351 = arith.constant 0 : i32
    %dma_wait3A_352 = tpu.memref_slice %arg3[%dma_wait3A_350, %dma_wait3A_351] : memref<1000000x32xf32, #tpu.memory_space<hbm>> -> memref<1000000x32xf32, #tpu.memory_space<hbm>>
    %dma_wait3A_353 = tpu.memref_slice %arg7[%dma_wait3A_340] : memref<4x!tpu.dma_semaphore, #tpu.memory_space<semaphore_mem>> -> memref<1x!tpu.dma_semaphore, #tpu.memory_space<semaphore_mem>>
    %dma_wait3A_354 = tpu.memref_squeeze %dma_wait3A_353 : memref<1x!tpu.dma_semaphore, #tpu.memory_space<semaphore_mem>> -> memref<!tpu.dma_semaphore, #tpu.memory_space<semaphore_mem>>
    tpu.wait_indirect_dma semaphore(%dma_wait3A_354 : memref<!tpu.dma_semaphore, #tpu.memory_space<semaphore_mem>>) src(%dma_wait3A_352 : memref<1000000x32xf32, #tpu.memory_space<hbm>>) dst(%dma_wait3A_347 : memref<128x32xf32, #tpu.memory_space<vmem>>)
    %dma_wait3A_355 = arith.constant 1 : i32
    %dma_wait3A_356 = arith.constant 1 : i32
    %dma_wait3A_357 = arith.constant 0 : i32
    %dma_wait3A_358 = arith.constant 0 : i32
    %dma_wait3A_359 = tpu.memref_slice %arg6[%dma_wait3A_355, %dma_wait3A_357, %dma_wait3A_358] : memref<4x640x32xf32, #tpu.memory_space<vmem>> -> memref<1x640x32xf32, #tpu.memory_space<vmem>>
    %dma_wait3A_360 = tpu.memref_squeeze %dma_wait3A_359 : memref<1x640x32xf32, #tpu.memory_space<vmem>> -> memref<640x32xf32, #tpu.memory_space<vmem>>
    %dma_wait3A_361 = arith.constant 128 : i32
    %dma_wait3A_362 = arith.constant 0 : i32
    %dma_wait3A_363 = tpu.memref_slice %dma_wait3A_360[%dma_wait3A_361, %dma_wait3A_362] : memref<640x32xf32, #tpu.memory_space<vmem>> -> memref<128x32xf32, #tpu.memory_space<vmem>>
    %dma_wait3A_364 = arith.constant 768 : i32
    %dma_wait3A_365 = tpu.memref_slice %arg5[%dma_wait3A_364] : memref<25600xi32, #tpu.memory_space<vmem>> -> memref<128xi32, #tpu.memory_space<vmem>>
    %dma_wait3A_366 = arith.constant 0 : i32
    %dma_wait3A_367 = arith.constant 0 : i32
    %dma_wait3A_368 = tpu.memref_slice %arg3[%dma_wait3A_366, %dma_wait3A_367] : memref<1000000x32xf32, #tpu.memory_space<hbm>> -> memref<1000000x32xf32, #tpu.memory_space<hbm>>
    %dma_wait3A_369 = tpu.memref_slice %arg7[%dma_wait3A_356] : memref<4x!tpu.dma_semaphore, #tpu.memory_space<semaphore_mem>> -> memref<1x!tpu.dma_semaphore, #tpu.memory_space<semaphore_mem>>
    %dma_wait3A_370 = tpu.memref_squeeze %dma_wait3A_369 : memref<1x!tpu.dma_semaphore, #tpu.memory_space<semaphore_mem>> -> memref<!tpu.dma_semaphore, #tpu.memory_space<semaphore_mem>>
    tpu.wait_indirect_dma semaphore(%dma_wait3A_370 : memref<!tpu.dma_semaphore, #tpu.memory_space<semaphore_mem>>) src(%dma_wait3A_368 : memref<1000000x32xf32, #tpu.memory_space<hbm>>) dst(%dma_wait3A_363 : memref<128x32xf32, #tpu.memory_space<vmem>>)
    %dma_wait3A_371 = arith.constant 1 : i32
    %dma_wait3A_372 = arith.constant 1 : i32
    %dma_wait3A_373 = arith.constant 0 : i32
    %dma_wait3A_374 = arith.constant 0 : i32
    %dma_wait3A_375 = tpu.memref_slice %arg6[%dma_wait3A_371, %dma_wait3A_373, %dma_wait3A_374] : memref<4x640x32xf32, #tpu.memory_space<vmem>> -> memref<1x640x32xf32, #tpu.memory_space<vmem>>
    %dma_wait3A_376 = tpu.memref_squeeze %dma_wait3A_375 : memref<1x640x32xf32, #tpu.memory_space<vmem>> -> memref<640x32xf32, #tpu.memory_space<vmem>>
    %dma_wait3A_377 = arith.constant 256 : i32
    %dma_wait3A_378 = arith.constant 0 : i32
    %dma_wait3A_379 = tpu.memref_slice %dma_wait3A_376[%dma_wait3A_377, %dma_wait3A_378] : memref<640x32xf32, #tpu.memory_space<vmem>> -> memref<128x32xf32, #tpu.memory_space<vmem>>
    %dma_wait3A_380 = arith.constant 896 : i32
    %dma_wait3A_381 = tpu.memref_slice %arg5[%dma_wait3A_380] : memref<25600xi32, #tpu.memory_space<vmem>> -> memref<128xi32, #tpu.memory_space<vmem>>
    %dma_wait3A_382 = arith.constant 0 : i32
    %dma_wait3A_383 = arith.constant 0 : i32
    %dma_wait3A_384 = tpu.memref_slice %arg3[%dma_wait3A_382, %dma_wait3A_383] : memref<1000000x32xf32, #tpu.memory_space<hbm>> -> memref<1000000x32xf32, #tpu.memory_space<hbm>>
    %dma_wait3A_385 = tpu.memref_slice %arg7[%dma_wait3A_372] : memref<4x!tpu.dma_semaphore, #tpu.memory_space<semaphore_mem>> -> memref<1x!tpu.dma_semaphore, #tpu.memory_space<semaphore_mem>>
    %dma_wait3A_386 = tpu.memref_squeeze %dma_wait3A_385 : memref<1x!tpu.dma_semaphore, #tpu.memory_space<semaphore_mem>> -> memref<!tpu.dma_semaphore, #tpu.memory_space<semaphore_mem>>
    tpu.wait_indirect_dma semaphore(%dma_wait3A_386 : memref<!tpu.dma_semaphore, #tpu.memory_space<semaphore_mem>>) src(%dma_wait3A_384 : memref<1000000x32xf32, #tpu.memory_space<hbm>>) dst(%dma_wait3A_379 : memref<128x32xf32, #tpu.memory_space<vmem>>)
    %dma_wait3A_387 = arith.constant 1 : i32
    %dma_wait3A_388 = arith.constant 1 : i32
    %dma_wait3A_389 = arith.constant 0 : i32
    %dma_wait3A_390 = arith.constant 0 : i32
    %dma_wait3A_391 = tpu.memref_slice %arg6[%dma_wait3A_387, %dma_wait3A_389, %dma_wait3A_390] : memref<4x640x32xf32, #tpu.memory_space<vmem>> -> memref<1x640x32xf32, #tpu.memory_space<vmem>>
    %dma_wait3A_392 = tpu.memref_squeeze %dma_wait3A_391 : memref<1x640x32xf32, #tpu.memory_space<vmem>> -> memref<640x32xf32, #tpu.memory_space<vmem>>
    %dma_wait3A_393 = arith.constant 384 : i32
    %dma_wait3A_394 = arith.constant 0 : i32
    %dma_wait3A_395 = tpu.memref_slice %dma_wait3A_392[%dma_wait3A_393, %dma_wait3A_394] : memref<640x32xf32, #tpu.memory_space<vmem>> -> memref<128x32xf32, #tpu.memory_space<vmem>>
    %dma_wait3A_396 = arith.constant 1024 : i32
    %dma_wait3A_397 = tpu.memref_slice %arg5[%dma_wait3A_396] : memref<25600xi32, #tpu.memory_space<vmem>> -> memref<128xi32, #tpu.memory_space<vmem>>
    %dma_wait3A_398 = arith.constant 0 : i32
    %dma_wait3A_399 = arith.constant 0 : i32
    %dma_wait3A_400 = tpu.memref_slice %arg3[%dma_wait3A_398, %dma_wait3A_399] : memref<1000000x32xf32, #tpu.memory_space<hbm>> -> memref<1000000x32xf32, #tpu.memory_space<hbm>>
    %dma_wait3A_401 = tpu.memref_slice %arg7[%dma_wait3A_388] : memref<4x!tpu.dma_semaphore, #tpu.memory_space<semaphore_mem>> -> memref<1x!tpu.dma_semaphore, #tpu.memory_space<semaphore_mem>>
    %dma_wait3A_402 = tpu.memref_squeeze %dma_wait3A_401 : memref<1x!tpu.dma_semaphore, #tpu.memory_space<semaphore_mem>> -> memref<!tpu.dma_semaphore, #tpu.memory_space<semaphore_mem>>
    tpu.wait_indirect_dma semaphore(%dma_wait3A_402 : memref<!tpu.dma_semaphore, #tpu.memory_space<semaphore_mem>>) src(%dma_wait3A_400 : memref<1000000x32xf32, #tpu.memory_space<hbm>>) dst(%dma_wait3A_395 : memref<128x32xf32, #tpu.memory_space<vmem>>)
    %dma_wait3A_403 = arith.constant 1 : i32
    %dma_wait3A_404 = arith.constant 1 : i32
    %dma_wait3A_405 = arith.constant 0 : i32
    %dma_wait3A_406 = arith.constant 0 : i32
    %dma_wait3A_407 = tpu.memref_slice %arg6[%dma_wait3A_403, %dma_wait3A_405, %dma_wait3A_406] : memref<4x640x32xf32, #tpu.memory_space<vmem>> -> memref<1x640x32xf32, #tpu.memory_space<vmem>>
    %dma_wait3A_408 = tpu.memref_squeeze %dma_wait3A_407 : memref<1x640x32xf32, #tpu.memory_space<vmem>> -> memref<640x32xf32, #tpu.memory_space<vmem>>
    %dma_wait3A_409 = arith.constant 512 : i32
    %dma_wait3A_410 = arith.constant 0 : i32
    %dma_wait3A_411 = tpu.memref_slice %dma_wait3A_408[%dma_wait3A_409, %dma_wait3A_410] : memref<640x32xf32, #tpu.memory_space<vmem>> -> memref<128x32xf32, #tpu.memory_space<vmem>>
    %dma_wait3A_412 = arith.constant 1152 : i32
    %dma_wait3A_413 = tpu.memref_slice %arg5[%dma_wait3A_412] : memref<25600xi32, #tpu.memory_space<vmem>> -> memref<128xi32, #tpu.memory_space<vmem>>
    %dma_wait3A_414 = arith.constant 0 : i32
    %dma_wait3A_415 = arith.constant 0 : i32
    %dma_wait3A_416 = tpu.memref_slice %arg3[%dma_wait3A_414, %dma_wait3A_415] : memref<1000000x32xf32, #tpu.memory_space<hbm>> -> memref<1000000x32xf32, #tpu.memory_space<hbm>>
    %dma_wait3A_417 = tpu.memref_slice %arg7[%dma_wait3A_404] : memref<4x!tpu.dma_semaphore, #tpu.memory_space<semaphore_mem>> -> memref<1x!tpu.dma_semaphore, #tpu.memory_space<semaphore_mem>>
    %dma_wait3A_418 = tpu.memref_squeeze %dma_wait3A_417 : memref<1x!tpu.dma_semaphore, #tpu.memory_space<semaphore_mem>> -> memref<!tpu.dma_semaphore, #tpu.memory_space<semaphore_mem>>
    tpu.wait_indirect_dma semaphore(%dma_wait3A_418 : memref<!tpu.dma_semaphore, #tpu.memory_space<semaphore_mem>>) src(%dma_wait3A_416 : memref<1000000x32xf32, #tpu.memory_space<hbm>>) dst(%dma_wait3A_411 : memref<128x32xf32, #tpu.memory_space<vmem>>)
    %add3A_419 = arith.constant 640 : i32
    %add3A_420 = arith.addi %mul3A_2, %add3A_419 : i32
    %dma_start3A_421 = arith.constant 1 : i32
    %dma_start3A_422 = arith.constant 1 : i32
    %dma_start3A_423 = arith.constant 0 : i32
    %dma_start3A_424 = arith.constant 0 : i32
    %dma_start3A_425 = tpu.memref_slice %arg6[%dma_start3A_421, %dma_start3A_423, %dma_start3A_424] : memref<4x640x32xf32, #tpu.memory_space<vmem>> -> memref<1x640x32xf32, #tpu.memory_space<vmem>>
    %dma_start3A_426 = tpu.memref_squeeze %dma_start3A_425 : memref<1x640x32xf32, #tpu.memory_space<vmem>> -> memref<640x32xf32, #tpu.memory_space<vmem>>
    %dma_start3A_427 = arith.constant 0 : i32
    %dma_start3A_428 = tpu.memref_slice %arg4[%add3A_420, %dma_start3A_427] : memref<819200x32xf32, #tpu.memory_space<hbm>> -> memref<640x32xf32, #tpu.memory_space<hbm>>
    %dma_start3A_429 = tpu.memref_slice %arg8[%dma_start3A_422] : memref<4x!tpu.dma_semaphore, #tpu.memory_space<semaphore_mem>> -> memref<1x!tpu.dma_semaphore, #tpu.memory_space<semaphore_mem>>
    %dma_start3A_430 = tpu.memref_squeeze %dma_start3A_429 : memref<1x!tpu.dma_semaphore, #tpu.memory_space<semaphore_mem>> -> memref<!tpu.dma_semaphore, #tpu.memory_space<semaphore_mem>>
    %dma_start3A_431 = arith.constant 0 : i32
    %dma_start3A_432 = tpu.memref_slice %arg4[%add3A_420, %dma_start3A_431] : memref<819200x32xf32, #tpu.memory_space<hbm>> -> memref<640x32xf32, #tpu.memory_space<hbm>>
    %dma_start3A_433 = arith.constant 0 : i32
    %dma_start3A_434 = arith.constant 0 : i32
    %dma_start3A_435 = tpu.memref_slice %arg6[%dma_start3A_421, %dma_start3A_433, %dma_start3A_434] : memref<4x640x32xf32, #tpu.memory_space<vmem>> -> memref<1x640x32xf32, #tpu.memory_space<vmem>>
    %dma_start3A_436 = tpu.memref_squeeze %dma_start3A_435 : memref<1x640x32xf32, #tpu.memory_space<vmem>> -> memref<640x32xf32, #tpu.memory_space<vmem>>
    tpu.enqueue_dma source(%dma_start3A_436 : memref<640x32xf32, #tpu.memory_space<vmem>>) target(%dma_start3A_432 : memref<640x32xf32, #tpu.memory_space<hbm>>) target_semaphore(%dma_start3A_430 : memref<!tpu.dma_semaphore, #tpu.memory_space<semaphore_mem>>)
    %dma_start3A_437 = arith.constant 3 : i32
    %dma_start3A_438 = arith.constant 3 : i32
    %dma_start3A_439 = arith.constant 0 : i32
    %dma_start3A_440 = arith.constant 0 : i32
    %dma_start3A_441 = tpu.memref_slice %arg6[%dma_start3A_437, %dma_start3A_439, %dma_start3A_440] : memref<4x640x32xf32, #tpu.memory_space<vmem>> -> memref<1x640x32xf32, #tpu.memory_space<vmem>>
    %dma_start3A_442 = tpu.memref_squeeze %dma_start3A_441 : memref<1x640x32xf32, #tpu.memory_space<vmem>> -> memref<640x32xf32, #tpu.memory_space<vmem>>
    %dma_start3A_443 = arith.constant 0 : i32
    %dma_start3A_444 = arith.constant 0 : i32
    %dma_start3A_445 = tpu.memref_slice %dma_start3A_442[%dma_start3A_443, %dma_start3A_444] : memref<640x32xf32, #tpu.memory_space<vmem>> -> memref<128x32xf32, #tpu.memory_space<vmem>>
    %dma_start3A_446 = arith.constant 1920 : i32
    %dma_start3A_447 = tpu.memref_slice %arg5[%dma_start3A_446] : memref<25600xi32, #tpu.memory_space<vmem>> -> memref<128xi32, #tpu.memory_space<vmem>>
    %dma_start3A_448 = arith.constant 0 : i32
    %dma_start3A_449 = arith.constant 0 : i32
    %dma_start3A_450 = tpu.memref_slice %arg3[%dma_start3A_448, %dma_start3A_449] : memref<1000000x32xf32, #tpu.memory_space<hbm>> -> memref<1000000x32xf32, #tpu.memory_space<hbm>>
    %dma_start3A_451 = tpu.memref_slice %arg7[%dma_start3A_438] : memref<4x!tpu.dma_semaphore, #tpu.memory_space<semaphore_mem>> -> memref<1x!tpu.dma_semaphore, #tpu.memory_space<semaphore_mem>>
    %dma_start3A_452 = tpu.memref_squeeze %dma_start3A_451 : memref<1x!tpu.dma_semaphore, #tpu.memory_space<semaphore_mem>> -> memref<!tpu.dma_semaphore, #tpu.memory_space<semaphore_mem>>
    tpu.enqueue_indirect_dma source(%dma_start3A_450 : memref<1000000x32xf32, #tpu.memory_space<hbm>>) target(%dma_start3A_445 : memref<128x32xf32, #tpu.memory_space<vmem>>) offsets(%dma_start3A_447 : memref<128xi32, #tpu.memory_space<vmem>>) semaphore(%dma_start3A_452 : memref<!tpu.dma_semaphore, #tpu.memory_space<semaphore_mem>>)
    %dma_start3A_453 = arith.constant 3 : i32
    %dma_start3A_454 = arith.constant 3 : i32
    %dma_start3A_455 = arith.constant 0 : i32
    %dma_start3A_456 = arith.constant 0 : i32
    %dma_start3A_457 = tpu.memref_slice %arg6[%dma_start3A_453, %dma_start3A_455, %dma_start3A_456] : memref<4x640x32xf32, #tpu.memory_space<vmem>> -> memref<1x640x32xf32, #tpu.memory_space<vmem>>
    %dma_start3A_458 = tpu.memref_squeeze %dma_start3A_457 : memref<1x640x32xf32, #tpu.memory_space<vmem>> -> memref<640x32xf32, #tpu.memory_space<vmem>>
    %dma_start3A_459 = arith.constant 128 : i32
    %dma_start3A_460 = arith.constant 0 : i32
    %dma_start3A_461 = tpu.memref_slice %dma_start3A_458[%dma_start3A_459, %dma_start3A_460] : memref<640x32xf32, #tpu.memory_space<vmem>> -> memref<128x32xf32, #tpu.memory_space<vmem>>
    %dma_start3A_462 = arith.constant 2048 : i32
    %dma_start3A_463 = tpu.memref_slice %arg5[%dma_start3A_462] : memref<25600xi32, #tpu.memory_space<vmem>> -> memref<128xi32, #tpu.memory_space<vmem>>
    %dma_start3A_464 = arith.constant 0 : i32
    %dma_start3A_465 = arith.constant 0 : i32
    %dma_start3A_466 = tpu.memref_slice %arg3[%dma_start3A_464, %dma_start3A_465] : memref<1000000x32xf32, #tpu.memory_space<hbm>> -> memref<1000000x32xf32, #tpu.memory_space<hbm>>
    %dma_start3A_467 = tpu.memref_slice %arg7[%dma_start3A_454] : memref<4x!tpu.dma_semaphore, #tpu.memory_space<semaphore_mem>> -> memref<1x!tpu.dma_semaphore, #tpu.memory_space<semaphore_mem>>
    %dma_start3A_468 = tpu.memref_squeeze %dma_start3A_467 : memref<1x!tpu.dma_semaphore, #tpu.memory_space<semaphore_mem>> -> memref<!tpu.dma_semaphore, #tpu.memory_space<semaphore_mem>>
    tpu.enqueue_indirect_dma source(%dma_start3A_466 : memref<1000000x32xf32, #tpu.memory_space<hbm>>) target(%dma_start3A_461 : memref<128x32xf32, #tpu.memory_space<vmem>>) offsets(%dma_start3A_463 : memref<128xi32, #tpu.memory_space<vmem>>) semaphore(%dma_start3A_468 : memref<!tpu.dma_semaphore, #tpu.memory_space<semaphore_mem>>)
    %dma_start3A_469 = arith.constant 3 : i32
    %dma_start3A_470 = arith.constant 3 : i32
    %dma_start3A_471 = arith.constant 0 : i32
    %dma_start3A_472 = arith.constant 0 : i32
    %dma_start3A_473 = tpu.memref_slice %arg6[%dma_start3A_469, %dma_start3A_471, %dma_start3A_472] : memref<4x640x32xf32, #tpu.memory_space<vmem>> -> memref<1x640x32xf32, #tpu.memory_space<vmem>>
    %dma_start3A_474 = tpu.memref_squeeze %dma_start3A_473 : memref<1x640x32xf32, #tpu.memory_space<vmem>> -> memref<640x32xf32, #tpu.memory_space<vmem>>
    %dma_start3A_475 = arith.constant 256 : i32
    %dma_start3A_476 = arith.constant 0 : i32
    %dma_start3A_477 = tpu.memref_slice %dma_start3A_474[%dma_start3A_475, %dma_start3A_476] : memref<640x32xf32, #tpu.memory_space<vmem>> -> memref<128x32xf32, #tpu.memory_space<vmem>>
    %dma_start3A_478 = arith.constant 2176 : i32
    %dma_start3A_479 = tpu.memref_slice %arg5[%dma_start3A_478] : memref<25600xi32, #tpu.memory_space<vmem>> -> memref<128xi32, #tpu.memory_space<vmem>>
    %dma_start3A_480 = arith.constant 0 : i32
    %dma_start3A_481 = arith.constant 0 : i32
    %dma_start3A_482 = tpu.memref_slice %arg3[%dma_start3A_480, %dma_start3A_481] : memref<1000000x32xf32, #tpu.memory_space<hbm>> -> memref<1000000x32xf32, #tpu.memory_space<hbm>>
    %dma_start3A_483 = tpu.memref_slice %arg7[%dma_start3A_470] : memref<4x!tpu.dma_semaphore, #tpu.memory_space<semaphore_mem>> -> memref<1x!tpu.dma_semaphore, #tpu.memory_space<semaphore_mem>>
    %dma_start3A_484 = tpu.memref_squeeze %dma_start3A_483 : memref<1x!tpu.dma_semaphore, #tpu.memory_space<semaphore_mem>> -> memref<!tpu.dma_semaphore, #tpu.memory_space<semaphore_mem>>
    tpu.enqueue_indirect_dma source(%dma_start3A_482 : memref<1000000x32xf32, #tpu.memory_space<hbm>>) target(%dma_start3A_477 : memref<128x32xf32, #tpu.memory_space<vmem>>) offsets(%dma_start3A_479 : memref<128xi32, #tpu.memory_space<vmem>>) semaphore(%dma_start3A_484 : memref<!tpu.dma_semaphore, #tpu.memory_space<semaphore_mem>>)
    %dma_start3A_485 = arith.constant 3 : i32
    %dma_start3A_486 = arith.constant 3 : i32
    %dma_start3A_487 = arith.constant 0 : i32
    %dma_start3A_488 = arith.constant 0 : i32
    %dma_start3A_489 = tpu.memref_slice %arg6[%dma_start3A_485, %dma_start3A_487, %dma_start3A_488] : memref<4x640x32xf32, #tpu.memory_space<vmem>> -> memref<1x640x32xf32, #tpu.memory_space<vmem>>
    %dma_start3A_490 = tpu.memref_squeeze %dma_start3A_489 : memref<1x640x32xf32, #tpu.memory_space<vmem>> -> memref<640x32xf32, #tpu.memory_space<vmem>>
    %dma_start3A_491 = arith.constant 384 : i32
    %dma_start3A_492 = arith.constant 0 : i32
    %dma_start3A_493 = tpu.memref_slice %dma_start3A_490[%dma_start3A_491, %dma_start3A_492] : memref<640x32xf32, #tpu.memory_space<vmem>> -> memref<128x32xf32, #tpu.memory_space<vmem>>
    %dma_start3A_494 = arith.constant 2304 : i32
    %dma_start3A_495 = tpu.memref_slice %arg5[%dma_start3A_494] : memref<25600xi32, #tpu.memory_space<vmem>> -> memref<128xi32, #tpu.memory_space<vmem>>
    %dma_start3A_496 = arith.constant 0 : i32
    %dma_start3A_497 = arith.constant 0 : i32
    %dma_start3A_498 = tpu.memref_slice %arg3[%dma_start3A_496, %dma_start3A_497] : memref<1000000x32xf32, #tpu.memory_space<hbm>> -> memref<1000000x32xf32, #tpu.memory_space<hbm>>
    %dma_start3A_499 = tpu.memref_slice %arg7[%dma_start3A_486] : memref<4x!tpu.dma_semaphore, #tpu.memory_space<semaphore_mem>> -> memref<1x!tpu.dma_semaphore, #tpu.memory_space<semaphore_mem>>
    %dma_start3A_500 = tpu.memref_squeeze %dma_start3A_499 : memref<1x!tpu.dma_semaphore, #tpu.memory_space<semaphore_mem>> -> memref<!tpu.dma_semaphore, #tpu.memory_space<semaphore_mem>>
    tpu.enqueue_indirect_dma source(%dma_start3A_498 : memref<1000000x32xf32, #tpu.memory_space<hbm>>) target(%dma_start3A_493 : memref<128x32xf32, #tpu.memory_space<vmem>>) offsets(%dma_start3A_495 : memref<128xi32, #tpu.memory_space<vmem>>) semaphore(%dma_start3A_500 : memref<!tpu.dma_semaphore, #tpu.memory_space<semaphore_mem>>)
    %dma_start3A_501 = arith.constant 3 : i32
    %dma_start3A_502 = arith.constant 3 : i32
    %dma_start3A_503 = arith.constant 0 : i32
    %dma_start3A_504 = arith.constant 0 : i32
    %dma_start3A_505 = tpu.memref_slice %arg6[%dma_start3A_501, %dma_start3A_503, %dma_start3A_504] : memref<4x640x32xf32, #tpu.memory_space<vmem>> -> memref<1x640x32xf32, #tpu.memory_space<vmem>>
    %dma_start3A_506 = tpu.memref_squeeze %dma_start3A_505 : memref<1x640x32xf32, #tpu.memory_space<vmem>> -> memref<640x32xf32, #tpu.memory_space<vmem>>
    %dma_start3A_507 = arith.constant 512 : i32
    %dma_start3A_508 = arith.constant 0 : i32
    %dma_start3A_509 = tpu.memref_slice %dma_start3A_506[%dma_start3A_507, %dma_start3A_508] : memref<640x32xf32, #tpu.memory_space<vmem>> -> memref<128x32xf32, #tpu.memory_space<vmem>>
    %dma_start3A_510 = arith.constant 2432 : i32
    %dma_start3A_511 = tpu.memref_slice %arg5[%dma_start3A_510] : memref<25600xi32, #tpu.memory_space<vmem>> -> memref<128xi32, #tpu.memory_space<vmem>>
    %dma_start3A_512 = arith.constant 0 : i32
    %dma_start3A_513 = arith.constant 0 : i32
    %dma_start3A_514 = tpu.memref_slice %arg3[%dma_start3A_512, %dma_start3A_513] : memref<1000000x32xf32, #tpu.memory_space<hbm>> -> memref<1000000x32xf32, #tpu.memory_space<hbm>>
    %dma_start3A_515 = tpu.memref_slice %arg7[%dma_start3A_502] : memref<4x!tpu.dma_semaphore, #tpu.memory_space<semaphore_mem>> -> memref<1x!tpu.dma_semaphore, #tpu.memory_space<semaphore_mem>>
    %dma_start3A_516 = tpu.memref_squeeze %dma_start3A_515 : memref<1x!tpu.dma_semaphore, #tpu.memory_space<semaphore_mem>> -> memref<!tpu.dma_semaphore, #tpu.memory_space<semaphore_mem>>
    tpu.enqueue_indirect_dma source(%dma_start3A_514 : memref<1000000x32xf32, #tpu.memory_space<hbm>>) target(%dma_start3A_509 : memref<128x32xf32, #tpu.memory_space<vmem>>) offsets(%dma_start3A_511 : memref<128xi32, #tpu.memory_space<vmem>>) semaphore(%dma_start3A_516 : memref<!tpu.dma_semaphore, #tpu.memory_space<semaphore_mem>>)
    %dma_wait3A_517 = arith.constant 2 : i32
    %dma_wait3A_518 = arith.constant 2 : i32
    %dma_wait3A_519 = arith.constant 0 : i32
    %dma_wait3A_520 = arith.constant 0 : i32
    %dma_wait3A_521 = tpu.memref_slice %arg6[%dma_wait3A_517, %dma_wait3A_519, %dma_wait3A_520] : memref<4x640x32xf32, #tpu.memory_space<vmem>> -> memref<1x640x32xf32, #tpu.memory_space<vmem>>
    %dma_wait3A_522 = tpu.memref_squeeze %dma_wait3A_521 : memref<1x640x32xf32, #tpu.memory_space<vmem>> -> memref<640x32xf32, #tpu.memory_space<vmem>>
    %dma_wait3A_523 = arith.constant 0 : i32
    %dma_wait3A_524 = arith.constant 0 : i32
    %dma_wait3A_525 = tpu.memref_slice %dma_wait3A_522[%dma_wait3A_523, %dma_wait3A_524] : memref<640x32xf32, #tpu.memory_space<vmem>> -> memref<128x32xf32, #tpu.memory_space<vmem>>
    %dma_wait3A_526 = arith.constant 1280 : i32
    %dma_wait3A_527 = tpu.memref_slice %arg5[%dma_wait3A_526] : memref<25600xi32, #tpu.memory_space<vmem>> -> memref<128xi32, #tpu.memory_space<vmem>>
    %dma_wait3A_528 = arith.constant 0 : i32
    %dma_wait3A_529 = arith.constant 0 : i32
    %dma_wait3A_530 = tpu.memref_slice %arg3[%dma_wait3A_528, %dma_wait3A_529] : memref<1000000x32xf32, #tpu.memory_space<hbm>> -> memref<1000000x32xf32, #tpu.memory_space<hbm>>
    %dma_wait3A_531 = tpu.memref_slice %arg7[%dma_wait3A_518] : memref<4x!tpu.dma_semaphore, #tpu.memory_space<semaphore_mem>> -> memref<1x!tpu.dma_semaphore, #tpu.memory_space<semaphore_mem>>
    %dma_wait3A_532 = tpu.memref_squeeze %dma_wait3A_531 : memref<1x!tpu.dma_semaphore, #tpu.memory_space<semaphore_mem>> -> memref<!tpu.dma_semaphore, #tpu.memory_space<semaphore_mem>>
    tpu.wait_indirect_dma semaphore(%dma_wait3A_532 : memref<!tpu.dma_semaphore, #tpu.memory_space<semaphore_mem>>) src(%dma_wait3A_530 : memref<1000000x32xf32, #tpu.memory_space<hbm>>) dst(%dma_wait3A_525 : memref<128x32xf32, #tpu.memory_space<vmem>>)
    %dma_wait3A_533 = arith.constant 2 : i32
    %dma_wait3A_534 = arith.constant 2 : i32
    %dma_wait3A_535 = arith.constant 0 : i32
    %dma_wait3A_536 = arith.constant 0 : i32
    %dma_wait3A_537 = tpu.memref_slice %arg6[%dma_wait3A_533, %dma_wait3A_535, %dma_wait3A_536] : memref<4x640x32xf32, #tpu.memory_space<vmem>> -> memref<1x640x32xf32, #tpu.memory_space<vmem>>
    %dma_wait3A_538 = tpu.memref_squeeze %dma_wait3A_537 : memref<1x640x32xf32, #tpu.memory_space<vmem>> -> memref<640x32xf32, #tpu.memory_space<vmem>>
    %dma_wait3A_539 = arith.constant 128 : i32
    %dma_wait3A_540 = arith.constant 0 : i32
    %dma_wait3A_541 = tpu.memref_slice %dma_wait3A_538[%dma_wait3A_539, %dma_wait3A_540] : memref<640x32xf32, #tpu.memory_space<vmem>> -> memref<128x32xf32, #tpu.memory_space<vmem>>
    %dma_wait3A_542 = arith.constant 1408 : i32
    %dma_wait3A_543 = tpu.memref_slice %arg5[%dma_wait3A_542] : memref<25600xi32, #tpu.memory_space<vmem>> -> memref<128xi32, #tpu.memory_space<vmem>>
    %dma_wait3A_544 = arith.constant 0 : i32
    %dma_wait3A_545 = arith.constant 0 : i32
    %dma_wait3A_546 = tpu.memref_slice %arg3[%dma_wait3A_544, %dma_wait3A_545] : memref<1000000x32xf32, #tpu.memory_space<hbm>> -> memref<1000000x32xf32, #tpu.memory_space<hbm>>
    %dma_wait3A_547 = tpu.memref_slice %arg7[%dma_wait3A_534] : memref<4x!tpu.dma_semaphore, #tpu.memory_space<semaphore_mem>> -> memref<1x!tpu.dma_semaphore, #tpu.memory_space<semaphore_mem>>
    %dma_wait3A_548 = tpu.memref_squeeze %dma_wait3A_547 : memref<1x!tpu.dma_semaphore, #tpu.memory_space<semaphore_mem>> -> memref<!tpu.dma_semaphore, #tpu.memory_space<semaphore_mem>>
    tpu.wait_indirect_dma semaphore(%dma_wait3A_548 : memref<!tpu.dma_semaphore, #tpu.memory_space<semaphore_mem>>) src(%dma_wait3A_546 : memref<1000000x32xf32, #tpu.memory_space<hbm>>) dst(%dma_wait3A_541 : memref<128x32xf32, #tpu.memory_space<vmem>>)
    %dma_wait3A_549 = arith.constant 2 : i32
    %dma_wait3A_550 = arith.constant 2 : i32
    %dma_wait3A_551 = arith.constant 0 : i32
    %dma_wait3A_552 = arith.constant 0 : i32
    %dma_wait3A_553 = tpu.memref_slice %arg6[%dma_wait3A_549, %dma_wait3A_551, %dma_wait3A_552] : memref<4x640x32xf32, #tpu.memory_space<vmem>> -> memref<1x640x32xf32, #tpu.memory_space<vmem>>
    %dma_wait3A_554 = tpu.memref_squeeze %dma_wait3A_553 : memref<1x640x32xf32, #tpu.memory_space<vmem>> -> memref<640x32xf32, #tpu.memory_space<vmem>>
    %dma_wait3A_555 = arith.constant 256 : i32
    %dma_wait3A_556 = arith.constant 0 : i32
    %dma_wait3A_557 = tpu.memref_slice %dma_wait3A_554[%dma_wait3A_555, %dma_wait3A_556] : memref<640x32xf32, #tpu.memory_space<vmem>> -> memref<128x32xf32, #tpu.memory_space<vmem>>
    %dma_wait3A_558 = arith.constant 1536 : i32
    %dma_wait3A_559 = tpu.memref_slice %arg5[%dma_wait3A_558] : memref<25600xi32, #tpu.memory_space<vmem>> -> memref<128xi32, #tpu.memory_space<vmem>>
    %dma_wait3A_560 = arith.constant 0 : i32
    %dma_wait3A_561 = arith.constant 0 : i32
    %dma_wait3A_562 = tpu.memref_slice %arg3[%dma_wait3A_560, %dma_wait3A_561] : memref<1000000x32xf32, #tpu.memory_space<hbm>> -> memref<1000000x32xf32, #tpu.memory_space<hbm>>
    %dma_wait3A_563 = tpu.memref_slice %arg7[%dma_wait3A_550] : memref<4x!tpu.dma_semaphore, #tpu.memory_space<semaphore_mem>> -> memref<1x!tpu.dma_semaphore, #tpu.memory_space<semaphore_mem>>
    %dma_wait3A_564 = tpu.memref_squeeze %dma_wait3A_563 : memref<1x!tpu.dma_semaphore, #tpu.memory_space<semaphore_mem>> -> memref<!tpu.dma_semaphore, #tpu.memory_space<semaphore_mem>>
    tpu.wait_indirect_dma semaphore(%dma_wait3A_564 : memref<!tpu.dma_semaphore, #tpu.memory_space<semaphore_mem>>) src(%dma_wait3A_562 : memref<1000000x32xf32, #tpu.memory_space<hbm>>) dst(%dma_wait3A_557 : memref<128x32xf32, #tpu.memory_space<vmem>>)
    %dma_wait3A_565 = arith.constant 2 : i32
    %dma_wait3A_566 = arith.constant 2 : i32
    %dma_wait3A_567 = arith.constant 0 : i32
    %dma_wait3A_568 = arith.constant 0 : i32
    %dma_wait3A_569 = tpu.memref_slice %arg6[%dma_wait3A_565, %dma_wait3A_567, %dma_wait3A_568] : memref<4x640x32xf32, #tpu.memory_space<vmem>> -> memref<1x640x32xf32, #tpu.memory_space<vmem>>
    %dma_wait3A_570 = tpu.memref_squeeze %dma_wait3A_569 : memref<1x640x32xf32, #tpu.memory_space<vmem>> -> memref<640x32xf32, #tpu.memory_space<vmem>>
    %dma_wait3A_571 = arith.constant 384 : i32
    %dma_wait3A_572 = arith.constant 0 : i32
    %dma_wait3A_573 = tpu.memref_slice %dma_wait3A_570[%dma_wait3A_571, %dma_wait3A_572] : memref<640x32xf32, #tpu.memory_space<vmem>> -> memref<128x32xf32, #tpu.memory_space<vmem>>
    %dma_wait3A_574 = arith.constant 1664 : i32
    %dma_wait3A_575 = tpu.memref_slice %arg5[%dma_wait3A_574] : memref<25600xi32, #tpu.memory_space<vmem>> -> memref<128xi32, #tpu.memory_space<vmem>>
    %dma_wait3A_576 = arith.constant 0 : i32
    %dma_wait3A_577 = arith.constant 0 : i32
    %dma_wait3A_578 = tpu.memref_slice %arg3[%dma_wait3A_576, %dma_wait3A_577] : memref<1000000x32xf32, #tpu.memory_space<hbm>> -> memref<1000000x32xf32, #tpu.memory_space<hbm>>
    %dma_wait3A_579 = tpu.memref_slice %arg7[%dma_wait3A_566] : memref<4x!tpu.dma_semaphore, #tpu.memory_space<semaphore_mem>> -> memref<1x!tpu.dma_semaphore, #tpu.memory_space<semaphore_mem>>
    %dma_wait3A_580 = tpu.memref_squeeze %dma_wait3A_579 : memref<1x!tpu.dma_semaphore, #tpu.memory_space<semaphore_mem>> -> memref<!tpu.dma_semaphore, #tpu.memory_space<semaphore_mem>>
    tpu.wait_indirect_dma semaphore(%dma_wait3A_580 : memref<!tpu.dma_semaphore, #tpu.memory_space<semaphore_mem>>) src(%dma_wait3A_578 : memref<1000000x32xf32, #tpu.memory_space<hbm>>) dst(%dma_wait3A_573 : memref<128x32xf32, #tpu.memory_space<vmem>>)
    %dma_wait3A_581 = arith.constant 2 : i32
    %dma_wait3A_582 = arith.constant 2 : i32
    %dma_wait3A_583 = arith.constant 0 : i32
    %dma_wait3A_584 = arith.constant 0 : i32
    %dma_wait3A_585 = tpu.memref_slice %arg6[%dma_wait3A_581, %dma_wait3A_583, %dma_wait3A_584] : memref<4x640x32xf32, #tpu.memory_space<vmem>> -> memref<1x640x32xf32, #tpu.memory_space<vmem>>
    %dma_wait3A_586 = tpu.memref_squeeze %dma_wait3A_585 : memref<1x640x32xf32, #tpu.memory_space<vmem>> -> memref<640x32xf32, #tpu.memory_space<vmem>>
    %dma_wait3A_587 = arith.constant 512 : i32
    %dma_wait3A_588 = arith.constant 0 : i32
    %dma_wait3A_589 = tpu.memref_slice %dma_wait3A_586[%dma_wait3A_587, %dma_wait3A_588] : memref<640x32xf32, #tpu.memory_space<vmem>> -> memref<128x32xf32, #tpu.memory_space<vmem>>
    %dma_wait3A_590 = arith.constant 1792 : i32
    %dma_wait3A_591 = tpu.memref_slice %arg5[%dma_wait3A_590] : memref<25600xi32, #tpu.memory_space<vmem>> -> memref<128xi32, #tpu.memory_space<vmem>>
    %dma_wait3A_592 = arith.constant 0 : i32
    %dma_wait3A_593 = arith.constant 0 : i32
    %dma_wait3A_594 = tpu.memref_slice %arg3[%dma_wait3A_592, %dma_wait3A_593] : memref<1000000x32xf32, #tpu.memory_space<hbm>> -> memref<1000000x32xf32, #tpu.memory_space<hbm>>
    %dma_wait3A_595 = tpu.memref_slice %arg7[%dma_wait3A_582] : memref<4x!tpu.dma_semaphore, #tpu.memory_space<semaphore_mem>> -> memref<1x!tpu.dma_semaphore, #tpu.memory_space<semaphore_mem>>
    %dma_wait3A_596 = tpu.memref_squeeze %dma_wait3A_595 : memref<1x!tpu.dma_semaphore, #tpu.memory_space<semaphore_mem>> -> memref<!tpu.dma_semaphore, #tpu.memory_space<semaphore_mem>>
    tpu.wait_indirect_dma semaphore(%dma_wait3A_596 : memref<!tpu.dma_semaphore, #tpu.memory_space<semaphore_mem>>) src(%dma_wait3A_594 : memref<1000000x32xf32, #tpu.memory_space<hbm>>) dst(%dma_wait3A_589 : memref<128x32xf32, #tpu.memory_space<vmem>>)
    %add3A_597 = arith.constant 1280 : i32
    %add3A_598 = arith.addi %mul3A_2, %add3A_597 : i32
    %dma_start3A_599 = arith.constant 2 : i32
    %dma_start3A_600 = arith.constant 2 : i32
    %dma_start3A_601 = arith.constant 0 : i32
    %dma_start3A_602 = arith.constant 0 : i32
    %dma_start3A_603 = tpu.memref_slice %arg6[%dma_start3A_599, %dma_start3A_601, %dma_start3A_602] : memref<4x640x32xf32, #tpu.memory_space<vmem>> -> memref<1x640x32xf32, #tpu.memory_space<vmem>>
    %dma_start3A_604 = tpu.memref_squeeze %dma_start3A_603 : memref<1x640x32xf32, #tpu.memory_space<vmem>> -> memref<640x32xf32, #tpu.memory_space<vmem>>
    %dma_start3A_605 = arith.constant 0 : i32
    %dma_start3A_606 = tpu.memref_slice %arg4[%add3A_598, %dma_start3A_605] : memref<819200x32xf32, #tpu.memory_space<hbm>> -> memref<640x32xf32, #tpu.memory_space<hbm>>
    %dma_start3A_607 = tpu.memref_slice %arg8[%dma_start3A_600] : memref<4x!tpu.dma_semaphore, #tpu.memory_space<semaphore_mem>> -> memref<1x!tpu.dma_semaphore, #tpu.memory_space<semaphore_mem>>
    %dma_start3A_608 = tpu.memref_squeeze %dma_start3A_607 : memref<1x!tpu.dma_semaphore, #tpu.memory_space<semaphore_mem>> -> memref<!tpu.dma_semaphore, #tpu.memory_space<semaphore_mem>>
    %dma_start3A_609 = arith.constant 0 : i32
    %dma_start3A_610 = tpu.memref_slice %arg4[%add3A_598, %dma_start3A_609] : memref<819200x32xf32, #tpu.memory_space<hbm>> -> memref<640x32xf32, #tpu.memory_space<hbm>>
    %dma_start3A_611 = arith.constant 0 : i32
    %dma_start3A_612 = arith.constant 0 : i32
    %dma_start3A_613 = tpu.memref_slice %arg6[%dma_start3A_599, %dma_start3A_611, %dma_start3A_612] : memref<4x640x32xf32, #tpu.memory_space<vmem>> -> memref<1x640x32xf32, #tpu.memory_space<vmem>>
    %dma_start3A_614 = tpu.memref_squeeze %dma_start3A_613 : memref<1x640x32xf32, #tpu.memory_space<vmem>> -> memref<640x32xf32, #tpu.memory_space<vmem>>
    tpu.enqueue_dma source(%dma_start3A_614 : memref<640x32xf32, #tpu.memory_space<vmem>>) target(%dma_start3A_610 : memref<640x32xf32, #tpu.memory_space<hbm>>) target_semaphore(%dma_start3A_608 : memref<!tpu.dma_semaphore, #tpu.memory_space<semaphore_mem>>)
    %add3A_615 = arith.constant 0 : i32
    %add3A_616 = arith.addi %mul3A_2, %add3A_615 : i32
    %dma_wait3A_617 = arith.constant 0 : i32
    %dma_wait3A_618 = arith.constant 0 : i32
    %dma_wait3A_619 = arith.constant 0 : i32
    %dma_wait3A_620 = arith.constant 0 : i32
    %dma_wait3A_621 = tpu.memref_slice %arg6[%dma_wait3A_617, %dma_wait3A_619, %dma_wait3A_620] : memref<4x640x32xf32, #tpu.memory_space<vmem>> -> memref<1x640x32xf32, #tpu.memory_space<vmem>>
    %dma_wait3A_622 = tpu.memref_squeeze %dma_wait3A_621 : memref<1x640x32xf32, #tpu.memory_space<vmem>> -> memref<640x32xf32, #tpu.memory_space<vmem>>
    %dma_wait3A_623 = arith.constant 0 : i32
    %dma_wait3A_624 = tpu.memref_slice %arg4[%add3A_616, %dma_wait3A_623] : memref<819200x32xf32, #tpu.memory_space<hbm>> -> memref<640x32xf32, #tpu.memory_space<hbm>>
    %dma_wait3A_625 = tpu.memref_slice %arg8[%dma_wait3A_618] : memref<4x!tpu.dma_semaphore, #tpu.memory_space<semaphore_mem>> -> memref<1x!tpu.dma_semaphore, #tpu.memory_space<semaphore_mem>>
    %dma_wait3A_626 = tpu.memref_squeeze %dma_wait3A_625 : memref<1x!tpu.dma_semaphore, #tpu.memory_space<semaphore_mem>> -> memref<!tpu.dma_semaphore, #tpu.memory_space<semaphore_mem>>
    %dma_wait3A_627 = arith.constant 0 : i32
    %dma_wait3A_628 = tpu.memref_slice %arg4[%add3A_616, %dma_wait3A_627] : memref<819200x32xf32, #tpu.memory_space<hbm>> -> memref<640x32xf32, #tpu.memory_space<hbm>>
    %dma_wait3A_629 = arith.constant 0 : i32
    %dma_wait3A_630 = arith.constant 0 : i32
    %dma_wait3A_631 = tpu.memref_slice %arg6[%dma_wait3A_617, %dma_wait3A_629, %dma_wait3A_630] : memref<4x640x32xf32, #tpu.memory_space<vmem>> -> memref<1x640x32xf32, #tpu.memory_space<vmem>>
    %dma_wait3A_632 = tpu.memref_squeeze %dma_wait3A_631 : memref<1x640x32xf32, #tpu.memory_space<vmem>> -> memref<640x32xf32, #tpu.memory_space<vmem>>
    tpu.wait_dma2 semaphore(%dma_wait3A_626 : memref<!tpu.dma_semaphore, #tpu.memory_space<semaphore_mem>>) src(%dma_wait3A_632 : memref<640x32xf32, #tpu.memory_space<vmem>>) dst(%dma_wait3A_628 : memref<640x32xf32, #tpu.memory_space<hbm>>)
    %dma_start3A_633 = arith.constant 0 : i32
    %dma_start3A_634 = arith.constant 0 : i32
    %dma_start3A_635 = arith.constant 0 : i32
    %dma_start3A_636 = arith.constant 0 : i32
    %dma_start3A_637 = tpu.memref_slice %arg6[%dma_start3A_633, %dma_start3A_635, %dma_start3A_636] : memref<4x640x32xf32, #tpu.memory_space<vmem>> -> memref<1x640x32xf32, #tpu.memory_space<vmem>>
    %dma_start3A_638 = tpu.memref_squeeze %dma_start3A_637 : memref<1x640x32xf32, #tpu.memory_space<vmem>> -> memref<640x32xf32, #tpu.memory_space<vmem>>
    %dma_start3A_639 = arith.constant 0 : i32
    %dma_start3A_640 = arith.constant 0 : i32
    %dma_start3A_641 = tpu.memref_slice %dma_start3A_638[%dma_start3A_639, %dma_start3A_640] : memref<640x32xf32, #tpu.memory_space<vmem>> -> memref<128x32xf32, #tpu.memory_space<vmem>>
    %dma_start3A_642 = arith.constant 2560 : i32
    %dma_start3A_643 = tpu.memref_slice %arg5[%dma_start3A_642] : memref<25600xi32, #tpu.memory_space<vmem>> -> memref<128xi32, #tpu.memory_space<vmem>>
    %dma_start3A_644 = arith.constant 0 : i32
    %dma_start3A_645 = arith.constant 0 : i32
    %dma_start3A_646 = tpu.memref_slice %arg3[%dma_start3A_644, %dma_start3A_645] : memref<1000000x32xf32, #tpu.memory_space<hbm>> -> memref<1000000x32xf32, #tpu.memory_space<hbm>>
    %dma_start3A_647 = tpu.memref_slice %arg7[%dma_start3A_634] : memref<4x!tpu.dma_semaphore, #tpu.memory_space<semaphore_mem>> -> memref<1x!tpu.dma_semaphore, #tpu.memory_space<semaphore_mem>>
    %dma_start3A_648 = tpu.memref_squeeze %dma_start3A_647 : memref<1x!tpu.dma_semaphore, #tpu.memory_space<semaphore_mem>> -> memref<!tpu.dma_semaphore, #tpu.memory_space<semaphore_mem>>
    tpu.enqueue_indirect_dma source(%dma_start3A_646 : memref<1000000x32xf32, #tpu.memory_space<hbm>>) target(%dma_start3A_641 : memref<128x32xf32, #tpu.memory_space<vmem>>) offsets(%dma_start3A_643 : memref<128xi32, #tpu.memory_space<vmem>>) semaphore(%dma_start3A_648 : memref<!tpu.dma_semaphore, #tpu.memory_space<semaphore_mem>>)
    %dma_start3A_649 = arith.constant 0 : i32
    %dma_start3A_650 = arith.constant 0 : i32
    %dma_start3A_651 = arith.constant 0 : i32
    %dma_start3A_652 = arith.constant 0 : i32
    %dma_start3A_653 = tpu.memref_slice %arg6[%dma_start3A_649, %dma_start3A_651, %dma_start3A_652] : memref<4x640x32xf32, #tpu.memory_space<vmem>> -> memref<1x640x32xf32, #tpu.memory_space<vmem>>
    %dma_start3A_654 = tpu.memref_squeeze %dma_start3A_653 : memref<1x640x32xf32, #tpu.memory_space<vmem>> -> memref<640x32xf32, #tpu.memory_space<vmem>>
    %dma_start3A_655 = arith.constant 128 : i32
    %dma_start3A_656 = arith.constant 0 : i32
    %dma_start3A_657 = tpu.memref_slice %dma_start3A_654[%dma_start3A_655, %dma_start3A_656] : memref<640x32xf32, #tpu.memory_space<vmem>> -> memref<128x32xf32, #tpu.memory_space<vmem>>
    %dma_start3A_658 = arith.constant 2688 : i32
    %dma_start3A_659 = tpu.memref_slice %arg5[%dma_start3A_658] : memref<25600xi32, #tpu.memory_space<vmem>> -> memref<128xi32, #tpu.memory_space<vmem>>
    %dma_start3A_660 = arith.constant 0 : i32
    %dma_start3A_661 = arith.constant 0 : i32
    %dma_start3A_662 = tpu.memref_slice %arg3[%dma_start3A_660, %dma_start3A_661] : memref<1000000x32xf32, #tpu.memory_space<hbm>> -> memref<1000000x32xf32, #tpu.memory_space<hbm>>
    %dma_start3A_663 = tpu.memref_slice %arg7[%dma_start3A_650] : memref<4x!tpu.dma_semaphore, #tpu.memory_space<semaphore_mem>> -> memref<1x!tpu.dma_semaphore, #tpu.memory_space<semaphore_mem>>
    %dma_start3A_664 = tpu.memref_squeeze %dma_start3A_663 : memref<1x!tpu.dma_semaphore, #tpu.memory_space<semaphore_mem>> -> memref<!tpu.dma_semaphore, #tpu.memory_space<semaphore_mem>>
    tpu.enqueue_indirect_dma source(%dma_start3A_662 : memref<1000000x32xf32, #tpu.memory_space<hbm>>) target(%dma_start3A_657 : memref<128x32xf32, #tpu.memory_space<vmem>>) offsets(%dma_start3A_659 : memref<128xi32, #tpu.memory_space<vmem>>) semaphore(%dma_start3A_664 : memref<!tpu.dma_semaphore, #tpu.memory_space<semaphore_mem>>)
    %dma_start3A_665 = arith.constant 0 : i32
    %dma_start3A_666 = arith.constant 0 : i32
    %dma_start3A_667 = arith.constant 0 : i32
    %dma_start3A_668 = arith.constant 0 : i32
    %dma_start3A_669 = tpu.memref_slice %arg6[%dma_start3A_665, %dma_start3A_667, %dma_start3A_668] : memref<4x640x32xf32, #tpu.memory_space<vmem>> -> memref<1x640x32xf32, #tpu.memory_space<vmem>>
    %dma_start3A_670 = tpu.memref_squeeze %dma_start3A_669 : memref<1x640x32xf32, #tpu.memory_space<vmem>> -> memref<640x32xf32, #tpu.memory_space<vmem>>
    %dma_start3A_671 = arith.constant 256 : i32
    %dma_start3A_672 = arith.constant 0 : i32
    %dma_start3A_673 = tpu.memref_slice %dma_start3A_670[%dma_start3A_671, %dma_start3A_672] : memref<640x32xf32, #tpu.memory_space<vmem>> -> memref<128x32xf32, #tpu.memory_space<vmem>>
    %dma_start3A_674 = arith.constant 2816 : i32
    %dma_start3A_675 = tpu.memref_slice %arg5[%dma_start3A_674] : memref<25600xi32, #tpu.memory_space<vmem>> -> memref<128xi32, #tpu.memory_space<vmem>>
    %dma_start3A_676 = arith.constant 0 : i32
    %dma_start3A_677 = arith.constant 0 : i32
    %dma_start3A_678 = tpu.memref_slice %arg3[%dma_start3A_676, %dma_start3A_677] : memref<1000000x32xf32, #tpu.memory_space<hbm>> -> memref<1000000x32xf32, #tpu.memory_space<hbm>>
    %dma_start3A_679 = tpu.memref_slice %arg7[%dma_start3A_666] : memref<4x!tpu.dma_semaphore, #tpu.memory_space<semaphore_mem>> -> memref<1x!tpu.dma_semaphore, #tpu.memory_space<semaphore_mem>>
    %dma_start3A_680 = tpu.memref_squeeze %dma_start3A_679 : memref<1x!tpu.dma_semaphore, #tpu.memory_space<semaphore_mem>> -> memref<!tpu.dma_semaphore, #tpu.memory_space<semaphore_mem>>
    tpu.enqueue_indirect_dma source(%dma_start3A_678 : memref<1000000x32xf32, #tpu.memory_space<hbm>>) target(%dma_start3A_673 : memref<128x32xf32, #tpu.memory_space<vmem>>) offsets(%dma_start3A_675 : memref<128xi32, #tpu.memory_space<vmem>>) semaphore(%dma_start3A_680 : memref<!tpu.dma_semaphore, #tpu.memory_space<semaphore_mem>>)
    %dma_start3A_681 = arith.constant 0 : i32
    %dma_start3A_682 = arith.constant 0 : i32
    %dma_start3A_683 = arith.constant 0 : i32
    %dma_start3A_684 = arith.constant 0 : i32
    %dma_start3A_685 = tpu.memref_slice %arg6[%dma_start3A_681, %dma_start3A_683, %dma_start3A_684] : memref<4x640x32xf32, #tpu.memory_space<vmem>> -> memref<1x640x32xf32, #tpu.memory_space<vmem>>
    %dma_start3A_686 = tpu.memref_squeeze %dma_start3A_685 : memref<1x640x32xf32, #tpu.memory_space<vmem>> -> memref<640x32xf32, #tpu.memory_space<vmem>>
    %dma_start3A_687 = arith.constant 384 : i32
    %dma_start3A_688 = arith.constant 0 : i32
    %dma_start3A_689 = tpu.memref_slice %dma_start3A_686[%dma_start3A_687, %dma_start3A_688] : memref<640x32xf32, #tpu.memory_space<vmem>> -> memref<128x32xf32, #tpu.memory_space<vmem>>
    %dma_start3A_690 = arith.constant 2944 : i32
    %dma_start3A_691 = tpu.memref_slice %arg5[%dma_start3A_690] : memref<25600xi32, #tpu.memory_space<vmem>> -> memref<128xi32, #tpu.memory_space<vmem>>
    %dma_start3A_692 = arith.constant 0 : i32
    %dma_start3A_693 = arith.constant 0 : i32
    %dma_start3A_694 = tpu.memref_slice %arg3[%dma_start3A_692, %dma_start3A_693] : memref<1000000x32xf32, #tpu.memory_space<hbm>> -> memref<1000000x32xf32, #tpu.memory_space<hbm>>
    %dma_start3A_695 = tpu.memref_slice %arg7[%dma_start3A_682] : memref<4x!tpu.dma_semaphore, #tpu.memory_space<semaphore_mem>> -> memref<1x!tpu.dma_semaphore, #tpu.memory_space<semaphore_mem>>
    %dma_start3A_696 = tpu.memref_squeeze %dma_start3A_695 : memref<1x!tpu.dma_semaphore, #tpu.memory_space<semaphore_mem>> -> memref<!tpu.dma_semaphore, #tpu.memory_space<semaphore_mem>>
    tpu.enqueue_indirect_dma source(%dma_start3A_694 : memref<1000000x32xf32, #tpu.memory_space<hbm>>) target(%dma_start3A_689 : memref<128x32xf32, #tpu.memory_space<vmem>>) offsets(%dma_start3A_691 : memref<128xi32, #tpu.memory_space<vmem>>) semaphore(%dma_start3A_696 : memref<!tpu.dma_semaphore, #tpu.memory_space<semaphore_mem>>)
    %dma_start3A_697 = arith.constant 0 : i32
    %dma_start3A_698 = arith.constant 0 : i32
    %dma_start3A_699 = arith.constant 0 : i32
    %dma_start3A_700 = arith.constant 0 : i32
    %dma_start3A_701 = tpu.memref_slice %arg6[%dma_start3A_697, %dma_start3A_699, %dma_start3A_700] : memref<4x640x32xf32, #tpu.memory_space<vmem>> -> memref<1x640x32xf32, #tpu.memory_space<vmem>>
    %dma_start3A_702 = tpu.memref_squeeze %dma_start3A_701 : memref<1x640x32xf32, #tpu.memory_space<vmem>> -> memref<640x32xf32, #tpu.memory_space<vmem>>
    %dma_start3A_703 = arith.constant 512 : i32
    %dma_start3A_704 = arith.constant 0 : i32
    %dma_start3A_705 = tpu.memref_slice %dma_start3A_702[%dma_start3A_703, %dma_start3A_704] : memref<640x32xf32, #tpu.memory_space<vmem>> -> memref<128x32xf32, #tpu.memory_space<vmem>>
    %dma_start3A_706 = arith.constant 3072 : i32
    %dma_start3A_707 = tpu.memref_slice %arg5[%dma_start3A_706] : memref<25600xi32, #tpu.memory_space<vmem>> -> memref<128xi32, #tpu.memory_space<vmem>>
    %dma_start3A_708 = arith.constant 0 : i32
    %dma_start3A_709 = arith.constant 0 : i32
    %dma_start3A_710 = tpu.memref_slice %arg3[%dma_start3A_708, %dma_start3A_709] : memref<1000000x32xf32, #tpu.memory_space<hbm>> -> memref<1000000x32xf32, #tpu.memory_space<hbm>>
    %dma_start3A_711 = tpu.memref_slice %arg7[%dma_start3A_698] : memref<4x!tpu.dma_semaphore, #tpu.memory_space<semaphore_mem>> -> memref<1x!tpu.dma_semaphore, #tpu.memory_space<semaphore_mem>>
    %dma_start3A_712 = tpu.memref_squeeze %dma_start3A_711 : memref<1x!tpu.dma_semaphore, #tpu.memory_space<semaphore_mem>> -> memref<!tpu.dma_semaphore, #tpu.memory_space<semaphore_mem>>
    tpu.enqueue_indirect_dma source(%dma_start3A_710 : memref<1000000x32xf32, #tpu.memory_space<hbm>>) target(%dma_start3A_705 : memref<128x32xf32, #tpu.memory_space<vmem>>) offsets(%dma_start3A_707 : memref<128xi32, #tpu.memory_space<vmem>>) semaphore(%dma_start3A_712 : memref<!tpu.dma_semaphore, #tpu.memory_space<semaphore_mem>>)
    %dma_wait3A_713 = arith.constant 3 : i32
    %dma_wait3A_714 = arith.constant 3 : i32
    %dma_wait3A_715 = arith.constant 0 : i32
    %dma_wait3A_716 = arith.constant 0 : i32
    %dma_wait3A_717 = tpu.memref_slice %arg6[%dma_wait3A_713, %dma_wait3A_715, %dma_wait3A_716] : memref<4x640x32xf32, #tpu.memory_space<vmem>> -> memref<1x640x32xf32, #tpu.memory_space<vmem>>
    %dma_wait3A_718 = tpu.memref_squeeze %dma_wait3A_717 : memref<1x640x32xf32, #tpu.memory_space<vmem>> -> memref<640x32xf32, #tpu.memory_space<vmem>>
    %dma_wait3A_719 = arith.constant 0 : i32
    %dma_wait3A_720 = arith.constant 0 : i32
    %dma_wait3A_721 = tpu.memref_slice %dma_wait3A_718[%dma_wait3A_719, %dma_wait3A_720] : memref<640x32xf32, #tpu.memory_space<vmem>> -> memref<128x32xf32, #tpu.memory_space<vmem>>
    %dma_wait3A_722 = arith.constant 1920 : i32
    %dma_wait3A_723 = tpu.memref_slice %arg5[%dma_wait3A_722] : memref<25600xi32, #tpu.memory_space<vmem>> -> memref<128xi32, #tpu.memory_space<vmem>>
    %dma_wait3A_724 = arith.constant 0 : i32
    %dma_wait3A_725 = arith.constant 0 : i32
    %dma_wait3A_726 = tpu.memref_slice %arg3[%dma_wait3A_724, %dma_wait3A_725] : memref<1000000x32xf32, #tpu.memory_space<hbm>> -> memref<1000000x32xf32, #tpu.memory_space<hbm>>
    %dma_wait3A_727 = tpu.memref_slice %arg7[%dma_wait3A_714] : memref<4x!tpu.dma_semaphore, #tpu.memory_space<semaphore_mem>> -> memref<1x!tpu.dma_semaphore, #tpu.memory_space<semaphore_mem>>
    %dma_wait3A_728 = tpu.memref_squeeze %dma_wait3A_727 : memref<1x!tpu.dma_semaphore, #tpu.memory_space<semaphore_mem>> -> memref<!tpu.dma_semaphore, #tpu.memory_space<semaphore_mem>>
    tpu.wait_indirect_dma semaphore(%dma_wait3A_728 : memref<!tpu.dma_semaphore, #tpu.memory_space<semaphore_mem>>) src(%dma_wait3A_726 : memref<1000000x32xf32, #tpu.memory_space<hbm>>) dst(%dma_wait3A_721 : memref<128x32xf32, #tpu.memory_space<vmem>>)
    %dma_wait3A_729 = arith.constant 3 : i32
    %dma_wait3A_730 = arith.constant 3 : i32
    %dma_wait3A_731 = arith.constant 0 : i32
    %dma_wait3A_732 = arith.constant 0 : i32
    %dma_wait3A_733 = tpu.memref_slice %arg6[%dma_wait3A_729, %dma_wait3A_731, %dma_wait3A_732] : memref<4x640x32xf32, #tpu.memory_space<vmem>> -> memref<1x640x32xf32, #tpu.memory_space<vmem>>
    %dma_wait3A_734 = tpu.memref_squeeze %dma_wait3A_733 : memref<1x640x32xf32, #tpu.memory_space<vmem>> -> memref<640x32xf32, #tpu.memory_space<vmem>>
    %dma_wait3A_735 = arith.constant 128 : i32
    %dma_wait3A_736 = arith.constant 0 : i32
    %dma_wait3A_737 = tpu.memref_slice %dma_wait3A_734[%dma_wait3A_735, %dma_wait3A_736] : memref<640x32xf32, #tpu.memory_space<vmem>> -> memref<128x32xf32, #tpu.memory_space<vmem>>
    %dma_wait3A_738 = arith.constant 2048 : i32
    %dma_wait3A_739 = tpu.memref_slice %arg5[%dma_wait3A_738] : memref<25600xi32, #tpu.memory_space<vmem>> -> memref<128xi32, #tpu.memory_space<vmem>>
    %dma_wait3A_740 = arith.constant 0 : i32
    %dma_wait3A_741 = arith.constant 0 : i32
    %dma_wait3A_742 = tpu.memref_slice %arg3[%dma_wait3A_740, %dma_wait3A_741] : memref<1000000x32xf32, #tpu.memory_space<hbm>> -> memref<1000000x32xf32, #tpu.memory_space<hbm>>
    %dma_wait3A_743 = tpu.memref_slice %arg7[%dma_wait3A_730] : memref<4x!tpu.dma_semaphore, #tpu.memory_space<semaphore_mem>> -> memref<1x!tpu.dma_semaphore, #tpu.memory_space<semaphore_mem>>
    %dma_wait3A_744 = tpu.memref_squeeze %dma_wait3A_743 : memref<1x!tpu.dma_semaphore, #tpu.memory_space<semaphore_mem>> -> memref<!tpu.dma_semaphore, #tpu.memory_space<semaphore_mem>>
    tpu.wait_indirect_dma semaphore(%dma_wait3A_744 : memref<!tpu.dma_semaphore, #tpu.memory_space<semaphore_mem>>) src(%dma_wait3A_742 : memref<1000000x32xf32, #tpu.memory_space<hbm>>) dst(%dma_wait3A_737 : memref<128x32xf32, #tpu.memory_space<vmem>>)
    %dma_wait3A_745 = arith.constant 3 : i32
    %dma_wait3A_746 = arith.constant 3 : i32
    %dma_wait3A_747 = arith.constant 0 : i32
    %dma_wait3A_748 = arith.constant 0 : i32
    %dma_wait3A_749 = tpu.memref_slice %arg6[%dma_wait3A_745, %dma_wait3A_747, %dma_wait3A_748] : memref<4x640x32xf32, #tpu.memory_space<vmem>> -> memref<1x640x32xf32, #tpu.memory_space<vmem>>
    %dma_wait3A_750 = tpu.memref_squeeze %dma_wait3A_749 : memref<1x640x32xf32, #tpu.memory_space<vmem>> -> memref<640x32xf32, #tpu.memory_space<vmem>>
    %dma_wait3A_751 = arith.constant 256 : i32
    %dma_wait3A_752 = arith.constant 0 : i32
    %dma_wait3A_753 = tpu.memref_slice %dma_wait3A_750[%dma_wait3A_751, %dma_wait3A_752] : memref<640x32xf32, #tpu.memory_space<vmem>> -> memref<128x32xf32, #tpu.memory_space<vmem>>
    %dma_wait3A_754 = arith.constant 2176 : i32
    %dma_wait3A_755 = tpu.memref_slice %arg5[%dma_wait3A_754] : memref<25600xi32, #tpu.memory_space<vmem>> -> memref<128xi32, #tpu.memory_space<vmem>>
    %dma_wait3A_756 = arith.constant 0 : i32
    %dma_wait3A_757 = arith.constant 0 : i32
    %dma_wait3A_758 = tpu.memref_slice %arg3[%dma_wait3A_756, %dma_wait3A_757] : memref<1000000x32xf32, #tpu.memory_space<hbm>> -> memref<1000000x32xf32, #tpu.memory_space<hbm>>
    %dma_wait3A_759 = tpu.memref_slice %arg7[%dma_wait3A_746] : memref<4x!tpu.dma_semaphore, #tpu.memory_space<semaphore_mem>> -> memref<1x!tpu.dma_semaphore, #tpu.memory_space<semaphore_mem>>
    %dma_wait3A_760 = tpu.memref_squeeze %dma_wait3A_759 : memref<1x!tpu.dma_semaphore, #tpu.memory_space<semaphore_mem>> -> memref<!tpu.dma_semaphore, #tpu.memory_space<semaphore_mem>>
    tpu.wait_indirect_dma semaphore(%dma_wait3A_760 : memref<!tpu.dma_semaphore, #tpu.memory_space<semaphore_mem>>) src(%dma_wait3A_758 : memref<1000000x32xf32, #tpu.memory_space<hbm>>) dst(%dma_wait3A_753 : memref<128x32xf32, #tpu.memory_space<vmem>>)
    %dma_wait3A_761 = arith.constant 3 : i32
    %dma_wait3A_762 = arith.constant 3 : i32
    %dma_wait3A_763 = arith.constant 0 : i32
    %dma_wait3A_764 = arith.constant 0 : i32
    %dma_wait3A_765 = tpu.memref_slice %arg6[%dma_wait3A_761, %dma_wait3A_763, %dma_wait3A_764] : memref<4x640x32xf32, #tpu.memory_space<vmem>> -> memref<1x640x32xf32, #tpu.memory_space<vmem>>
    %dma_wait3A_766 = tpu.memref_squeeze %dma_wait3A_765 : memref<1x640x32xf32, #tpu.memory_space<vmem>> -> memref<640x32xf32, #tpu.memory_space<vmem>>
    %dma_wait3A_767 = arith.constant 384 : i32
    %dma_wait3A_768 = arith.constant 0 : i32
    %dma_wait3A_769 = tpu.memref_slice %dma_wait3A_766[%dma_wait3A_767, %dma_wait3A_768] : memref<640x32xf32, #tpu.memory_space<vmem>> -> memref<128x32xf32, #tpu.memory_space<vmem>>
    %dma_wait3A_770 = arith.constant 2304 : i32
    %dma_wait3A_771 = tpu.memref_slice %arg5[%dma_wait3A_770] : memref<25600xi32, #tpu.memory_space<vmem>> -> memref<128xi32, #tpu.memory_space<vmem>>
    %dma_wait3A_772 = arith.constant 0 : i32
    %dma_wait3A_773 = arith.constant 0 : i32
    %dma_wait3A_774 = tpu.memref_slice %arg3[%dma_wait3A_772, %dma_wait3A_773] : memref<1000000x32xf32, #tpu.memory_space<hbm>> -> memref<1000000x32xf32, #tpu.memory_space<hbm>>
    %dma_wait3A_775 = tpu.memref_slice %arg7[%dma_wait3A_762] : memref<4x!tpu.dma_semaphore, #tpu.memory_space<semaphore_mem>> -> memref<1x!tpu.dma_semaphore, #tpu.memory_space<semaphore_mem>>
    %dma_wait3A_776 = tpu.memref_squeeze %dma_wait3A_775 : memref<1x!tpu.dma_semaphore, #tpu.memory_space<semaphore_mem>> -> memref<!tpu.dma_semaphore, #tpu.memory_space<semaphore_mem>>
    tpu.wait_indirect_dma semaphore(%dma_wait3A_776 : memref<!tpu.dma_semaphore, #tpu.memory_space<semaphore_mem>>) src(%dma_wait3A_774 : memref<1000000x32xf32, #tpu.memory_space<hbm>>) dst(%dma_wait3A_769 : memref<128x32xf32, #tpu.memory_space<vmem>>)
    %dma_wait3A_777 = arith.constant 3 : i32
    %dma_wait3A_778 = arith.constant 3 : i32
    %dma_wait3A_779 = arith.constant 0 : i32
    %dma_wait3A_780 = arith.constant 0 : i32
    %dma_wait3A_781 = tpu.memref_slice %arg6[%dma_wait3A_777, %dma_wait3A_779, %dma_wait3A_780] : memref<4x640x32xf32, #tpu.memory_space<vmem>> -> memref<1x640x32xf32, #tpu.memory_space<vmem>>
    %dma_wait3A_782 = tpu.memref_squeeze %dma_wait3A_781 : memref<1x640x32xf32, #tpu.memory_space<vmem>> -> memref<640x32xf32, #tpu.memory_space<vmem>>
    %dma_wait3A_783 = arith.constant 512 : i32
    %dma_wait3A_784 = arith.constant 0 : i32
    %dma_wait3A_785 = tpu.memref_slice %dma_wait3A_782[%dma_wait3A_783, %dma_wait3A_784] : memref<640x32xf32, #tpu.memory_space<vmem>> -> memref<128x32xf32, #tpu.memory_space<vmem>>
    %dma_wait3A_786 = arith.constant 2432 : i32
    %dma_wait3A_787 = tpu.memref_slice %arg5[%dma_wait3A_786] : memref<25600xi32, #tpu.memory_space<vmem>> -> memref<128xi32, #tpu.memory_space<vmem>>
    %dma_wait3A_788 = arith.constant 0 : i32
    %dma_wait3A_789 = arith.constant 0 : i32
    %dma_wait3A_790 = tpu.memref_slice %arg3[%dma_wait3A_788, %dma_wait3A_789] : memref<1000000x32xf32, #tpu.memory_space<hbm>> -> memref<1000000x32xf32, #tpu.memory_space<hbm>>
    %dma_wait3A_791 = tpu.memref_slice %arg7[%dma_wait3A_778] : memref<4x!tpu.dma_semaphore, #tpu.memory_space<semaphore_mem>> -> memref<1x!tpu.dma_semaphore, #tpu.memory_space<semaphore_mem>>
    %dma_wait3A_792 = tpu.memref_squeeze %dma_wait3A_791 : memref<1x!tpu.dma_semaphore, #tpu.memory_space<semaphore_mem>> -> memref<!tpu.dma_semaphore, #tpu.memory_space<semaphore_mem>>
    tpu.wait_indirect_dma semaphore(%dma_wait3A_792 : memref<!tpu.dma_semaphore, #tpu.memory_space<semaphore_mem>>) src(%dma_wait3A_790 : memref<1000000x32xf32, #tpu.memory_space<hbm>>) dst(%dma_wait3A_785 : memref<128x32xf32, #tpu.memory_space<vmem>>)
    %add3A_793 = arith.constant 1920 : i32
    %add3A_794 = arith.addi %mul3A_2, %add3A_793 : i32
    %dma_start3A_795 = arith.constant 3 : i32
    %dma_start3A_796 = arith.constant 3 : i32
    %dma_start3A_797 = arith.constant 0 : i32
    %dma_start3A_798 = arith.constant 0 : i32
    %dma_start3A_799 = tpu.memref_slice %arg6[%dma_start3A_795, %dma_start3A_797, %dma_start3A_798] : memref<4x640x32xf32, #tpu.memory_space<vmem>> -> memref<1x640x32xf32, #tpu.memory_space<vmem>>
    %dma_start3A_800 = tpu.memref_squeeze %dma_start3A_799 : memref<1x640x32xf32, #tpu.memory_space<vmem>> -> memref<640x32xf32, #tpu.memory_space<vmem>>
    %dma_start3A_801 = arith.constant 0 : i32
    %dma_start3A_802 = tpu.memref_slice %arg4[%add3A_794, %dma_start3A_801] : memref<819200x32xf32, #tpu.memory_space<hbm>> -> memref<640x32xf32, #tpu.memory_space<hbm>>
    %dma_start3A_803 = tpu.memref_slice %arg8[%dma_start3A_796] : memref<4x!tpu.dma_semaphore, #tpu.memory_space<semaphore_mem>> -> memref<1x!tpu.dma_semaphore, #tpu.memory_space<semaphore_mem>>
    %dma_start3A_804 = tpu.memref_squeeze %dma_start3A_803 : memref<1x!tpu.dma_semaphore, #tpu.memory_space<semaphore_mem>> -> memref<!tpu.dma_semaphore, #tpu.memory_space<semaphore_mem>>
    %dma_start3A_805 = arith.constant 0 : i32
    %dma_start3A_806 = tpu.memref_slice %arg4[%add3A_794, %dma_start3A_805] : memref<819200x32xf32, #tpu.memory_space<hbm>> -> memref<640x32xf32, #tpu.memory_space<hbm>>
    %dma_start3A_807 = arith.constant 0 : i32
    %dma_start3A_808 = arith.constant 0 : i32
    %dma_start3A_809 = tpu.memref_slice %arg6[%dma_start3A_795, %dma_start3A_807, %dma_start3A_808] : memref<4x640x32xf32, #tpu.memory_space<vmem>> -> memref<1x640x32xf32, #tpu.memory_space<vmem>>
    %dma_start3A_810 = tpu.memref_squeeze %dma_start3A_809 : memref<1x640x32xf32, #tpu.memory_space<vmem>> -> memref<640x32xf32, #tpu.memory_space<vmem>>
    tpu.enqueue_dma source(%dma_start3A_810 : memref<640x32xf32, #tpu.memory_space<vmem>>) target(%dma_start3A_806 : memref<640x32xf32, #tpu.memory_space<hbm>>) target_semaphore(%dma_start3A_804 : memref<!tpu.dma_semaphore, #tpu.memory_space<semaphore_mem>>)
    %scan3A = arith.constant 0 : i32
    %scan3A_811 = arith.constant 0 : i32
    %scan3A_812 = arith.constant 8 : i32
    %scan3A_813 = arith.addi %scan3A_811, %scan3A_812 : i32
    %scan3A_814 = arith.constant 1 : i32
    scf.for %scan3A_1574 = %scan3A_811 to %scan3A_813 step %scan3A_814  : i32 {
      %mul3A_1575 = arith.constant 4 : i32
      %mul3A_1576 = arith.muli %scan3A_1574, %mul3A_1575 : i32
      %add3A_1577 = arith.constant 4 : i32
      %add3A_1578 = arith.addi %add3A_1577, %mul3A_1576 : i32
      %add3A_1579 = arith.constant 0 : i32
      %add3A_1580 = arith.addi %add3A_1578, %add3A_1579 : i32
      %add3A_1581 = arith.constant 1 : i32
      %add3A_1582 = arith.addi %add3A_1580, %add3A_1581 : i32
      %sub3A = arith.constant 4 : i32
      %sub3A_1583 = arith.subi %add3A_1582, %sub3A : i32
      %mul3A_1584 = arith.constant 640 : i32
      %mul3A_1585 = arith.muli %sub3A_1583, %mul3A_1584 : i32
      %add3A_1586 = arith.addi %mul3A_2, %mul3A_1585 : i32
      %dma_wait3A_1587 = arith.constant 1 : i32
      %dma_wait3A_1588 = arith.constant 1 : i32
      %dma_wait3A_1589 = arith.constant 0 : i32
      %dma_wait3A_1590 = arith.constant 0 : i32
      %dma_wait3A_1591 = tpu.memref_slice %arg6[%dma_wait3A_1587, %dma_wait3A_1589, %dma_wait3A_1590] : memref<4x640x32xf32, #tpu.memory_space<vmem>> -> memref<1x640x32xf32, #tpu.memory_space<vmem>>
      %dma_wait3A_1592 = tpu.memref_squeeze %dma_wait3A_1591 : memref<1x640x32xf32, #tpu.memory_space<vmem>> -> memref<640x32xf32, #tpu.memory_space<vmem>>
      %dma_wait3A_1593 = arith.constant 0 : i32
      %dma_wait3A_1594 = tpu.memref_slice %arg4[%add3A_1586, %dma_wait3A_1593] : memref<819200x32xf32, #tpu.memory_space<hbm>> -> memref<640x32xf32, #tpu.memory_space<hbm>>
      %dma_wait3A_1595 = tpu.memref_slice %arg8[%dma_wait3A_1588] : memref<4x!tpu.dma_semaphore, #tpu.memory_space<semaphore_mem>> -> memref<1x!tpu.dma_semaphore, #tpu.memory_space<semaphore_mem>>
      %dma_wait3A_1596 = tpu.memref_squeeze %dma_wait3A_1595 : memref<1x!tpu.dma_semaphore, #tpu.memory_space<semaphore_mem>> -> memref<!tpu.dma_semaphore, #tpu.memory_space<semaphore_mem>>
      %dma_wait3A_1597 = arith.constant 0 : i32
      %dma_wait3A_1598 = tpu.memref_slice %arg4[%add3A_1586, %dma_wait3A_1597] : memref<819200x32xf32, #tpu.memory_space<hbm>> -> memref<640x32xf32, #tpu.memory_space<hbm>>
      %dma_wait3A_1599 = arith.constant 0 : i32
      %dma_wait3A_1600 = arith.constant 0 : i32
      %dma_wait3A_1601 = tpu.memref_slice %arg6[%dma_wait3A_1587, %dma_wait3A_1599, %dma_wait3A_1600] : memref<4x640x32xf32, #tpu.memory_space<vmem>> -> memref<1x640x32xf32, #tpu.memory_space<vmem>>
      %dma_wait3A_1602 = tpu.memref_squeeze %dma_wait3A_1601 : memref<1x640x32xf32, #tpu.memory_space<vmem>> -> memref<640x32xf32, #tpu.memory_space<vmem>>
      tpu.wait_dma2 semaphore(%dma_wait3A_1596 : memref<!tpu.dma_semaphore, #tpu.memory_space<semaphore_mem>>) src(%dma_wait3A_1602 : memref<640x32xf32, #tpu.memory_space<vmem>>) dst(%dma_wait3A_1598 : memref<640x32xf32, #tpu.memory_space<hbm>>)
      %add3A_1603 = arith.constant 1 : i32
      %add3A_1604 = arith.addi %add3A_1580, %add3A_1603 : i32
      %mul3A_1605 = arith.constant 5 : i32
      %mul3A_1606 = arith.muli %add3A_1604, %mul3A_1605 : i32
      %add3A_1607 = arith.constant 0 : i32
      %add3A_1608 = arith.addi %mul3A_1606, %add3A_1607 : i32
      %mul3A_1609 = arith.constant 128 : i32
      %mul3A_1610 = arith.muli %add3A_1608, %mul3A_1609 : i32
      %dma_start3A_1611 = arith.constant 1 : i32
      %dma_start3A_1612 = arith.constant 1 : i32
      %dma_start3A_1613 = arith.constant 0 : i32
      %dma_start3A_1614 = arith.constant 0 : i32
      %dma_start3A_1615 = tpu.memref_slice %arg6[%dma_start3A_1611, %dma_start3A_1613, %dma_start3A_1614] : memref<4x640x32xf32, #tpu.memory_space<vmem>> -> memref<1x640x32xf32, #tpu.memory_space<vmem>>
      %dma_start3A_1616 = tpu.memref_squeeze %dma_start3A_1615 : memref<1x640x32xf32, #tpu.memory_space<vmem>> -> memref<640x32xf32, #tpu.memory_space<vmem>>
      %dma_start3A_1617 = arith.constant 0 : i32
      %dma_start3A_1618 = arith.constant 0 : i32
      %dma_start3A_1619 = tpu.memref_slice %dma_start3A_1616[%dma_start3A_1617, %dma_start3A_1618] : memref<640x32xf32, #tpu.memory_space<vmem>> -> memref<128x32xf32, #tpu.memory_space<vmem>>
      %dma_start3A_1620 = tpu.memref_slice %arg5[%mul3A_1610] : memref<25600xi32, #tpu.memory_space<vmem>> -> memref<128xi32, #tpu.memory_space<vmem>>
      %dma_start3A_1621 = arith.constant 0 : i32
      %dma_start3A_1622 = arith.constant 0 : i32
      %dma_start3A_1623 = tpu.memref_slice %arg3[%dma_start3A_1621, %dma_start3A_1622] : memref<1000000x32xf32, #tpu.memory_space<hbm>> -> memref<1000000x32xf32, #tpu.memory_space<hbm>>
      %dma_start3A_1624 = tpu.memref_slice %arg7[%dma_start3A_1612] : memref<4x!tpu.dma_semaphore, #tpu.memory_space<semaphore_mem>> -> memref<1x!tpu.dma_semaphore, #tpu.memory_space<semaphore_mem>>
      %dma_start3A_1625 = tpu.memref_squeeze %dma_start3A_1624 : memref<1x!tpu.dma_semaphore, #tpu.memory_space<semaphore_mem>> -> memref<!tpu.dma_semaphore, #tpu.memory_space<semaphore_mem>>
      tpu.enqueue_indirect_dma source(%dma_start3A_1623 : memref<1000000x32xf32, #tpu.memory_space<hbm>>) target(%dma_start3A_1619 : memref<128x32xf32, #tpu.memory_space<vmem>>) offsets(%dma_start3A_1620 : memref<128xi32, #tpu.memory_space<vmem>>) semaphore(%dma_start3A_1625 : memref<!tpu.dma_semaphore, #tpu.memory_space<semaphore_mem>>)
      %mul3A_1626 = arith.constant 5 : i32
      %mul3A_1627 = arith.muli %add3A_1604, %mul3A_1626 : i32
      %add3A_1628 = arith.constant 1 : i32
      %add3A_1629 = arith.addi %mul3A_1627, %add3A_1628 : i32
      %mul3A_1630 = arith.constant 128 : i32
      %mul3A_1631 = arith.muli %add3A_1629, %mul3A_1630 : i32
      %dma_start3A_1632 = arith.constant 1 : i32
      %dma_start3A_1633 = arith.constant 1 : i32
      %dma_start3A_1634 = arith.constant 0 : i32
      %dma_start3A_1635 = arith.constant 0 : i32
      %dma_start3A_1636 = tpu.memref_slice %arg6[%dma_start3A_1632, %dma_start3A_1634, %dma_start3A_1635] : memref<4x640x32xf32, #tpu.memory_space<vmem>> -> memref<1x640x32xf32, #tpu.memory_space<vmem>>
      %dma_start3A_1637 = tpu.memref_squeeze %dma_start3A_1636 : memref<1x640x32xf32, #tpu.memory_space<vmem>> -> memref<640x32xf32, #tpu.memory_space<vmem>>
      %dma_start3A_1638 = arith.constant 128 : i32
      %dma_start3A_1639 = arith.constant 0 : i32
      %dma_start3A_1640 = tpu.memref_slice %dma_start3A_1637[%dma_start3A_1638, %dma_start3A_1639] : memref<640x32xf32, #tpu.memory_space<vmem>> -> memref<128x32xf32, #tpu.memory_space<vmem>>
      %dma_start3A_1641 = tpu.memref_slice %arg5[%mul3A_1631] : memref<25600xi32, #tpu.memory_space<vmem>> -> memref<128xi32, #tpu.memory_space<vmem>>
      %dma_start3A_1642 = arith.constant 0 : i32
      %dma_start3A_1643 = arith.constant 0 : i32
      %dma_start3A_1644 = tpu.memref_slice %arg3[%dma_start3A_1642, %dma_start3A_1643] : memref<1000000x32xf32, #tpu.memory_space<hbm>> -> memref<1000000x32xf32, #tpu.memory_space<hbm>>
      %dma_start3A_1645 = tpu.memref_slice %arg7[%dma_start3A_1633] : memref<4x!tpu.dma_semaphore, #tpu.memory_space<semaphore_mem>> -> memref<1x!tpu.dma_semaphore, #tpu.memory_space<semaphore_mem>>
      %dma_start3A_1646 = tpu.memref_squeeze %dma_start3A_1645 : memref<1x!tpu.dma_semaphore, #tpu.memory_space<semaphore_mem>> -> memref<!tpu.dma_semaphore, #tpu.memory_space<semaphore_mem>>
      tpu.enqueue_indirect_dma source(%dma_start3A_1644 : memref<1000000x32xf32, #tpu.memory_space<hbm>>) target(%dma_start3A_1640 : memref<128x32xf32, #tpu.memory_space<vmem>>) offsets(%dma_start3A_1641 : memref<128xi32, #tpu.memory_space<vmem>>) semaphore(%dma_start3A_1646 : memref<!tpu.dma_semaphore, #tpu.memory_space<semaphore_mem>>)
      %mul3A_1647 = arith.constant 5 : i32
      %mul3A_1648 = arith.muli %add3A_1604, %mul3A_1647 : i32
      %add3A_1649 = arith.constant 2 : i32
      %add3A_1650 = arith.addi %mul3A_1648, %add3A_1649 : i32
      %mul3A_1651 = arith.constant 128 : i32
      %mul3A_1652 = arith.muli %add3A_1650, %mul3A_1651 : i32
      %dma_start3A_1653 = arith.constant 1 : i32
      %dma_start3A_1654 = arith.constant 1 : i32
      %dma_start3A_1655 = arith.constant 0 : i32
      %dma_start3A_1656 = arith.constant 0 : i32
      %dma_start3A_1657 = tpu.memref_slice %arg6[%dma_start3A_1653, %dma_start3A_1655, %dma_start3A_1656] : memref<4x640x32xf32, #tpu.memory_space<vmem>> -> memref<1x640x32xf32, #tpu.memory_space<vmem>>
      %dma_start3A_1658 = tpu.memref_squeeze %dma_start3A_1657 : memref<1x640x32xf32, #tpu.memory_space<vmem>> -> memref<640x32xf32, #tpu.memory_space<vmem>>
      %dma_start3A_1659 = arith.constant 256 : i32
      %dma_start3A_1660 = arith.constant 0 : i32
      %dma_start3A_1661 = tpu.memref_slice %dma_start3A_1658[%dma_start3A_1659, %dma_start3A_1660] : memref<640x32xf32, #tpu.memory_space<vmem>> -> memref<128x32xf32, #tpu.memory_space<vmem>>
      %dma_start3A_1662 = tpu.memref_slice %arg5[%mul3A_1652] : memref<25600xi32, #tpu.memory_space<vmem>> -> memref<128xi32, #tpu.memory_space<vmem>>
      %dma_start3A_1663 = arith.constant 0 : i32
      %dma_start3A_1664 = arith.constant 0 : i32
      %dma_start3A_1665 = tpu.memref_slice %arg3[%dma_start3A_1663, %dma_start3A_1664] : memref<1000000x32xf32, #tpu.memory_space<hbm>> -> memref<1000000x32xf32, #tpu.memory_space<hbm>>
      %dma_start3A_1666 = tpu.memref_slice %arg7[%dma_start3A_1654] : memref<4x!tpu.dma_semaphore, #tpu.memory_space<semaphore_mem>> -> memref<1x!tpu.dma_semaphore, #tpu.memory_space<semaphore_mem>>
      %dma_start3A_1667 = tpu.memref_squeeze %dma_start3A_1666 : memref<1x!tpu.dma_semaphore, #tpu.memory_space<semaphore_mem>> -> memref<!tpu.dma_semaphore, #tpu.memory_space<semaphore_mem>>
      tpu.enqueue_indirect_dma source(%dma_start3A_1665 : memref<1000000x32xf32, #tpu.memory_space<hbm>>) target(%dma_start3A_1661 : memref<128x32xf32, #tpu.memory_space<vmem>>) offsets(%dma_start3A_1662 : memref<128xi32, #tpu.memory_space<vmem>>) semaphore(%dma_start3A_1667 : memref<!tpu.dma_semaphore, #tpu.memory_space<semaphore_mem>>)
      %mul3A_1668 = arith.constant 5 : i32
      %mul3A_1669 = arith.muli %add3A_1604, %mul3A_1668 : i32
      %add3A_1670 = arith.constant 3 : i32
      %add3A_1671 = arith.addi %mul3A_1669, %add3A_1670 : i32
      %mul3A_1672 = arith.constant 128 : i32
      %mul3A_1673 = arith.muli %add3A_1671, %mul3A_1672 : i32
      %dma_start3A_1674 = arith.constant 1 : i32
      %dma_start3A_1675 = arith.constant 1 : i32
      %dma_start3A_1676 = arith.constant 0 : i32
      %dma_start3A_1677 = arith.constant 0 : i32
      %dma_start3A_1678 = tpu.memref_slice %arg6[%dma_start3A_1674, %dma_start3A_1676, %dma_start3A_1677] : memref<4x640x32xf32, #tpu.memory_space<vmem>> -> memref<1x640x32xf32, #tpu.memory_space<vmem>>
      %dma_start3A_1679 = tpu.memref_squeeze %dma_start3A_1678 : memref<1x640x32xf32, #tpu.memory_space<vmem>> -> memref<640x32xf32, #tpu.memory_space<vmem>>
      %dma_start3A_1680 = arith.constant 384 : i32
      %dma_start3A_1681 = arith.constant 0 : i32
      %dma_start3A_1682 = tpu.memref_slice %dma_start3A_1679[%dma_start3A_1680, %dma_start3A_1681] : memref<640x32xf32, #tpu.memory_space<vmem>> -> memref<128x32xf32, #tpu.memory_space<vmem>>
      %dma_start3A_1683 = tpu.memref_slice %arg5[%mul3A_1673] : memref<25600xi32, #tpu.memory_space<vmem>> -> memref<128xi32, #tpu.memory_space<vmem>>
      %dma_start3A_1684 = arith.constant 0 : i32
      %dma_start3A_1685 = arith.constant 0 : i32
      %dma_start3A_1686 = tpu.memref_slice %arg3[%dma_start3A_1684, %dma_start3A_1685] : memref<1000000x32xf32, #tpu.memory_space<hbm>> -> memref<1000000x32xf32, #tpu.memory_space<hbm>>
      %dma_start3A_1687 = tpu.memref_slice %arg7[%dma_start3A_1675] : memref<4x!tpu.dma_semaphore, #tpu.memory_space<semaphore_mem>> -> memref<1x!tpu.dma_semaphore, #tpu.memory_space<semaphore_mem>>
      %dma_start3A_1688 = tpu.memref_squeeze %dma_start3A_1687 : memref<1x!tpu.dma_semaphore, #tpu.memory_space<semaphore_mem>> -> memref<!tpu.dma_semaphore, #tpu.memory_space<semaphore_mem>>
      tpu.enqueue_indirect_dma source(%dma_start3A_1686 : memref<1000000x32xf32, #tpu.memory_space<hbm>>) target(%dma_start3A_1682 : memref<128x32xf32, #tpu.memory_space<vmem>>) offsets(%dma_start3A_1683 : memref<128xi32, #tpu.memory_space<vmem>>) semaphore(%dma_start3A_1688 : memref<!tpu.dma_semaphore, #tpu.memory_space<semaphore_mem>>)
      %mul3A_1689 = arith.constant 5 : i32
      %mul3A_1690 = arith.muli %add3A_1604, %mul3A_1689 : i32
      %add3A_1691 = arith.constant 4 : i32
      %add3A_1692 = arith.addi %mul3A_1690, %add3A_1691 : i32
      %mul3A_1693 = arith.constant 128 : i32
      %mul3A_1694 = arith.muli %add3A_1692, %mul3A_1693 : i32
      %dma_start3A_1695 = arith.constant 1 : i32
      %dma_start3A_1696 = arith.constant 1 : i32
      %dma_start3A_1697 = arith.constant 0 : i32
      %dma_start3A_1698 = arith.constant 0 : i32
      %dma_start3A_1699 = tpu.memref_slice %arg6[%dma_start3A_1695, %dma_start3A_1697, %dma_start3A_1698] : memref<4x640x32xf32, #tpu.memory_space<vmem>> -> memref<1x640x32xf32, #tpu.memory_space<vmem>>
      %dma_start3A_1700 = tpu.memref_squeeze %dma_start3A_1699 : memref<1x640x32xf32, #tpu.memory_space<vmem>> -> memref<640x32xf32, #tpu.memory_space<vmem>>
      %dma_start3A_1701 = arith.constant 512 : i32
      %dma_start3A_1702 = arith.constant 0 : i32
      %dma_start3A_1703 = tpu.memref_slice %dma_start3A_1700[%dma_start3A_1701, %dma_start3A_1702] : memref<640x32xf32, #tpu.memory_space<vmem>> -> memref<128x32xf32, #tpu.memory_space<vmem>>
      %dma_start3A_1704 = tpu.memref_slice %arg5[%mul3A_1694] : memref<25600xi32, #tpu.memory_space<vmem>> -> memref<128xi32, #tpu.memory_space<vmem>>
      %dma_start3A_1705 = arith.constant 0 : i32
      %dma_start3A_1706 = arith.constant 0 : i32
      %dma_start3A_1707 = tpu.memref_slice %arg3[%dma_start3A_1705, %dma_start3A_1706] : memref<1000000x32xf32, #tpu.memory_space<hbm>> -> memref<1000000x32xf32, #tpu.memory_space<hbm>>
      %dma_start3A_1708 = tpu.memref_slice %arg7[%dma_start3A_1696] : memref<4x!tpu.dma_semaphore, #tpu.memory_space<semaphore_mem>> -> memref<1x!tpu.dma_semaphore, #tpu.memory_space<semaphore_mem>>
      %dma_start3A_1709 = tpu.memref_squeeze %dma_start3A_1708 : memref<1x!tpu.dma_semaphore, #tpu.memory_space<semaphore_mem>> -> memref<!tpu.dma_semaphore, #tpu.memory_space<semaphore_mem>>
      tpu.enqueue_indirect_dma source(%dma_start3A_1707 : memref<1000000x32xf32, #tpu.memory_space<hbm>>) target(%dma_start3A_1703 : memref<128x32xf32, #tpu.memory_space<vmem>>) offsets(%dma_start3A_1704 : memref<128xi32, #tpu.memory_space<vmem>>) semaphore(%dma_start3A_1709 : memref<!tpu.dma_semaphore, #tpu.memory_space<semaphore_mem>>)
      %mul3A_1710 = arith.constant 5 : i32
      %mul3A_1711 = arith.muli %add3A_1580, %mul3A_1710 : i32
      %add3A_1712 = arith.constant 0 : i32
      %add3A_1713 = arith.addi %mul3A_1711, %add3A_1712 : i32
      %mul3A_1714 = arith.constant 128 : i32
      %mul3A_1715 = arith.muli %add3A_1713, %mul3A_1714 : i32
      %dma_wait3A_1716 = arith.constant 0 : i32
      %dma_wait3A_1717 = arith.constant 0 : i32
      %dma_wait3A_1718 = arith.constant 0 : i32
      %dma_wait3A_1719 = arith.constant 0 : i32
      %dma_wait3A_1720 = tpu.memref_slice %arg6[%dma_wait3A_1716, %dma_wait3A_1718, %dma_wait3A_1719] : memref<4x640x32xf32, #tpu.memory_space<vmem>> -> memref<1x640x32xf32, #tpu.memory_space<vmem>>
      %dma_wait3A_1721 = tpu.memref_squeeze %dma_wait3A_1720 : memref<1x640x32xf32, #tpu.memory_space<vmem>> -> memref<640x32xf32, #tpu.memory_space<vmem>>
      %dma_wait3A_1722 = arith.constant 0 : i32
      %dma_wait3A_1723 = arith.constant 0 : i32
      %dma_wait3A_1724 = tpu.memref_slice %dma_wait3A_1721[%dma_wait3A_1722, %dma_wait3A_1723] : memref<640x32xf32, #tpu.memory_space<vmem>> -> memref<128x32xf32, #tpu.memory_space<vmem>>
      %dma_wait3A_1725 = tpu.memref_slice %arg5[%mul3A_1715] : memref<25600xi32, #tpu.memory_space<vmem>> -> memref<128xi32, #tpu.memory_space<vmem>>
      %dma_wait3A_1726 = arith.constant 0 : i32
      %dma_wait3A_1727 = arith.constant 0 : i32
      %dma_wait3A_1728 = tpu.memref_slice %arg3[%dma_wait3A_1726, %dma_wait3A_1727] : memref<1000000x32xf32, #tpu.memory_space<hbm>> -> memref<1000000x32xf32, #tpu.memory_space<hbm>>
      %dma_wait3A_1729 = tpu.memref_slice %arg7[%dma_wait3A_1717] : memref<4x!tpu.dma_semaphore, #tpu.memory_space<semaphore_mem>> -> memref<1x!tpu.dma_semaphore, #tpu.memory_space<semaphore_mem>>
      %dma_wait3A_1730 = tpu.memref_squeeze %dma_wait3A_1729 : memref<1x!tpu.dma_semaphore, #tpu.memory_space<semaphore_mem>> -> memref<!tpu.dma_semaphore, #tpu.memory_space<semaphore_mem>>
      tpu.wait_indirect_dma semaphore(%dma_wait3A_1730 : memref<!tpu.dma_semaphore, #tpu.memory_space<semaphore_mem>>) src(%dma_wait3A_1728 : memref<1000000x32xf32, #tpu.memory_space<hbm>>) dst(%dma_wait3A_1724 : memref<128x32xf32, #tpu.memory_space<vmem>>)
      %mul3A_1731 = arith.constant 5 : i32
      %mul3A_1732 = arith.muli %add3A_1580, %mul3A_1731 : i32
      %add3A_1733 = arith.constant 1 : i32
      %add3A_1734 = arith.addi %mul3A_1732, %add3A_1733 : i32
      %mul3A_1735 = arith.constant 128 : i32
      %mul3A_1736 = arith.muli %add3A_1734, %mul3A_1735 : i32
      %dma_wait3A_1737 = arith.constant 0 : i32
      %dma_wait3A_1738 = arith.constant 0 : i32
      %dma_wait3A_1739 = arith.constant 0 : i32
      %dma_wait3A_1740 = arith.constant 0 : i32
      %dma_wait3A_1741 = tpu.memref_slice %arg6[%dma_wait3A_1737, %dma_wait3A_1739, %dma_wait3A_1740] : memref<4x640x32xf32, #tpu.memory_space<vmem>> -> memref<1x640x32xf32, #tpu.memory_space<vmem>>
      %dma_wait3A_1742 = tpu.memref_squeeze %dma_wait3A_1741 : memref<1x640x32xf32, #tpu.memory_space<vmem>> -> memref<640x32xf32, #tpu.memory_space<vmem>>
      %dma_wait3A_1743 = arith.constant 128 : i32
      %dma_wait3A_1744 = arith.constant 0 : i32
      %dma_wait3A_1745 = tpu.memref_slice %dma_wait3A_1742[%dma_wait3A_1743, %dma_wait3A_1744] : memref<640x32xf32, #tpu.memory_space<vmem>> -> memref<128x32xf32, #tpu.memory_space<vmem>>
      %dma_wait3A_1746 = tpu.memref_slice %arg5[%mul3A_1736] : memref<25600xi32, #tpu.memory_space<vmem>> -> memref<128xi32, #tpu.memory_space<vmem>>
      %dma_wait3A_1747 = arith.constant 0 : i32
      %dma_wait3A_1748 = arith.constant 0 : i32
      %dma_wait3A_1749 = tpu.memref_slice %arg3[%dma_wait3A_1747, %dma_wait3A_1748] : memref<1000000x32xf32, #tpu.memory_space<hbm>> -> memref<1000000x32xf32, #tpu.memory_space<hbm>>
      %dma_wait3A_1750 = tpu.memref_slice %arg7[%dma_wait3A_1738] : memref<4x!tpu.dma_semaphore, #tpu.memory_space<semaphore_mem>> -> memref<1x!tpu.dma_semaphore, #tpu.memory_space<semaphore_mem>>
      %dma_wait3A_1751 = tpu.memref_squeeze %dma_wait3A_1750 : memref<1x!tpu.dma_semaphore, #tpu.memory_space<semaphore_mem>> -> memref<!tpu.dma_semaphore, #tpu.memory_space<semaphore_mem>>
      tpu.wait_indirect_dma semaphore(%dma_wait3A_1751 : memref<!tpu.dma_semaphore, #tpu.memory_space<semaphore_mem>>) src(%dma_wait3A_1749 : memref<1000000x32xf32, #tpu.memory_space<hbm>>) dst(%dma_wait3A_1745 : memref<128x32xf32, #tpu.memory_space<vmem>>)
      %mul3A_1752 = arith.constant 5 : i32
      %mul3A_1753 = arith.muli %add3A_1580, %mul3A_1752 : i32
      %add3A_1754 = arith.constant 2 : i32
      %add3A_1755 = arith.addi %mul3A_1753, %add3A_1754 : i32
      %mul3A_1756 = arith.constant 128 : i32
      %mul3A_1757 = arith.muli %add3A_1755, %mul3A_1756 : i32
      %dma_wait3A_1758 = arith.constant 0 : i32
      %dma_wait3A_1759 = arith.constant 0 : i32
      %dma_wait3A_1760 = arith.constant 0 : i32
      %dma_wait3A_1761 = arith.constant 0 : i32
      %dma_wait3A_1762 = tpu.memref_slice %arg6[%dma_wait3A_1758, %dma_wait3A_1760, %dma_wait3A_1761] : memref<4x640x32xf32, #tpu.memory_space<vmem>> -> memref<1x640x32xf32, #tpu.memory_space<vmem>>
      %dma_wait3A_1763 = tpu.memref_squeeze %dma_wait3A_1762 : memref<1x640x32xf32, #tpu.memory_space<vmem>> -> memref<640x32xf32, #tpu.memory_space<vmem>>
      %dma_wait3A_1764 = arith.constant 256 : i32
      %dma_wait3A_1765 = arith.constant 0 : i32
      %dma_wait3A_1766 = tpu.memref_slice %dma_wait3A_1763[%dma_wait3A_1764, %dma_wait3A_1765] : memref<640x32xf32, #tpu.memory_space<vmem>> -> memref<128x32xf32, #tpu.memory_space<vmem>>
      %dma_wait3A_1767 = tpu.memref_slice %arg5[%mul3A_1757] : memref<25600xi32, #tpu.memory_space<vmem>> -> memref<128xi32, #tpu.memory_space<vmem>>
      %dma_wait3A_1768 = arith.constant 0 : i32
      %dma_wait3A_1769 = arith.constant 0 : i32
      %dma_wait3A_1770 = tpu.memref_slice %arg3[%dma_wait3A_1768, %dma_wait3A_1769] : memref<1000000x32xf32, #tpu.memory_space<hbm>> -> memref<1000000x32xf32, #tpu.memory_space<hbm>>
      %dma_wait3A_1771 = tpu.memref_slice %arg7[%dma_wait3A_1759] : memref<4x!tpu.dma_semaphore, #tpu.memory_space<semaphore_mem>> -> memref<1x!tpu.dma_semaphore, #tpu.memory_space<semaphore_mem>>
      %dma_wait3A_1772 = tpu.memref_squeeze %dma_wait3A_1771 : memref<1x!tpu.dma_semaphore, #tpu.memory_space<semaphore_mem>> -> memref<!tpu.dma_semaphore, #tpu.memory_space<semaphore_mem>>
      tpu.wait_indirect_dma semaphore(%dma_wait3A_1772 : memref<!tpu.dma_semaphore, #tpu.memory_space<semaphore_mem>>) src(%dma_wait3A_1770 : memref<1000000x32xf32, #tpu.memory_space<hbm>>) dst(%dma_wait3A_1766 : memref<128x32xf32, #tpu.memory_space<vmem>>)
      %mul3A_1773 = arith.constant 5 : i32
      %mul3A_1774 = arith.muli %add3A_1580, %mul3A_1773 : i32
      %add3A_1775 = arith.constant 3 : i32
      %add3A_1776 = arith.addi %mul3A_1774, %add3A_1775 : i32
      %mul3A_1777 = arith.constant 128 : i32
      %mul3A_1778 = arith.muli %add3A_1776, %mul3A_1777 : i32
      %dma_wait3A_1779 = arith.constant 0 : i32
      %dma_wait3A_1780 = arith.constant 0 : i32
      %dma_wait3A_1781 = arith.constant 0 : i32
      %dma_wait3A_1782 = arith.constant 0 : i32
      %dma_wait3A_1783 = tpu.memref_slice %arg6[%dma_wait3A_1779, %dma_wait3A_1781, %dma_wait3A_1782] : memref<4x640x32xf32, #tpu.memory_space<vmem>> -> memref<1x640x32xf32, #tpu.memory_space<vmem>>
      %dma_wait3A_1784 = tpu.memref_squeeze %dma_wait3A_1783 : memref<1x640x32xf32, #tpu.memory_space<vmem>> -> memref<640x32xf32, #tpu.memory_space<vmem>>
      %dma_wait3A_1785 = arith.constant 384 : i32
      %dma_wait3A_1786 = arith.constant 0 : i32
      %dma_wait3A_1787 = tpu.memref_slice %dma_wait3A_1784[%dma_wait3A_1785, %dma_wait3A_1786] : memref<640x32xf32, #tpu.memory_space<vmem>> -> memref<128x32xf32, #tpu.memory_space<vmem>>
      %dma_wait3A_1788 = tpu.memref_slice %arg5[%mul3A_1778] : memref<25600xi32, #tpu.memory_space<vmem>> -> memref<128xi32, #tpu.memory_space<vmem>>
      %dma_wait3A_1789 = arith.constant 0 : i32
      %dma_wait3A_1790 = arith.constant 0 : i32
      %dma_wait3A_1791 = tpu.memref_slice %arg3[%dma_wait3A_1789, %dma_wait3A_1790] : memref<1000000x32xf32, #tpu.memory_space<hbm>> -> memref<1000000x32xf32, #tpu.memory_space<hbm>>
      %dma_wait3A_1792 = tpu.memref_slice %arg7[%dma_wait3A_1780] : memref<4x!tpu.dma_semaphore, #tpu.memory_space<semaphore_mem>> -> memref<1x!tpu.dma_semaphore, #tpu.memory_space<semaphore_mem>>
      %dma_wait3A_1793 = tpu.memref_squeeze %dma_wait3A_1792 : memref<1x!tpu.dma_semaphore, #tpu.memory_space<semaphore_mem>> -> memref<!tpu.dma_semaphore, #tpu.memory_space<semaphore_mem>>
      tpu.wait_indirect_dma semaphore(%dma_wait3A_1793 : memref<!tpu.dma_semaphore, #tpu.memory_space<semaphore_mem>>) src(%dma_wait3A_1791 : memref<1000000x32xf32, #tpu.memory_space<hbm>>) dst(%dma_wait3A_1787 : memref<128x32xf32, #tpu.memory_space<vmem>>)
      %mul3A_1794 = arith.constant 5 : i32
      %mul3A_1795 = arith.muli %add3A_1580, %mul3A_1794 : i32
      %add3A_1796 = arith.constant 4 : i32
      %add3A_1797 = arith.addi %mul3A_1795, %add3A_1796 : i32
      %mul3A_1798 = arith.constant 128 : i32
      %mul3A_1799 = arith.muli %add3A_1797, %mul3A_1798 : i32
      %dma_wait3A_1800 = arith.constant 0 : i32
      %dma_wait3A_1801 = arith.constant 0 : i32
      %dma_wait3A_1802 = arith.constant 0 : i32
      %dma_wait3A_1803 = arith.constant 0 : i32
      %dma_wait3A_1804 = tpu.memref_slice %arg6[%dma_wait3A_1800, %dma_wait3A_1802, %dma_wait3A_1803] : memref<4x640x32xf32, #tpu.memory_space<vmem>> -> memref<1x640x32xf32, #tpu.memory_space<vmem>>
      %dma_wait3A_1805 = tpu.memref_squeeze %dma_wait3A_1804 : memref<1x640x32xf32, #tpu.memory_space<vmem>> -> memref<640x32xf32, #tpu.memory_space<vmem>>
      %dma_wait3A_1806 = arith.constant 512 : i32
      %dma_wait3A_1807 = arith.constant 0 : i32
      %dma_wait3A_1808 = tpu.memref_slice %dma_wait3A_1805[%dma_wait3A_1806, %dma_wait3A_1807] : memref<640x32xf32, #tpu.memory_space<vmem>> -> memref<128x32xf32, #tpu.memory_space<vmem>>
      %dma_wait3A_1809 = tpu.memref_slice %arg5[%mul3A_1799] : memref<25600xi32, #tpu.memory_space<vmem>> -> memref<128xi32, #tpu.memory_space<vmem>>
      %dma_wait3A_1810 = arith.constant 0 : i32
      %dma_wait3A_1811 = arith.constant 0 : i32
      %dma_wait3A_1812 = tpu.memref_slice %arg3[%dma_wait3A_1810, %dma_wait3A_1811] : memref<1000000x32xf32, #tpu.memory_space<hbm>> -> memref<1000000x32xf32, #tpu.memory_space<hbm>>
      %dma_wait3A_1813 = tpu.memref_slice %arg7[%dma_wait3A_1801] : memref<4x!tpu.dma_semaphore, #tpu.memory_space<semaphore_mem>> -> memref<1x!tpu.dma_semaphore, #tpu.memory_space<semaphore_mem>>
      %dma_wait3A_1814 = tpu.memref_squeeze %dma_wait3A_1813 : memref<1x!tpu.dma_semaphore, #tpu.memory_space<semaphore_mem>> -> memref<!tpu.dma_semaphore, #tpu.memory_space<semaphore_mem>>
      tpu.wait_indirect_dma semaphore(%dma_wait3A_1814 : memref<!tpu.dma_semaphore, #tpu.memory_space<semaphore_mem>>) src(%dma_wait3A_1812 : memref<1000000x32xf32, #tpu.memory_space<hbm>>) dst(%dma_wait3A_1808 : memref<128x32xf32, #tpu.memory_space<vmem>>)
      %mul3A_1815 = arith.constant 640 : i32
      %mul3A_1816 = arith.muli %add3A_1580, %mul3A_1815 : i32
      %add3A_1817 = arith.addi %mul3A_2, %mul3A_1816 : i32
      %dma_start3A_1818 = arith.constant 0 : i32
      %dma_start3A_1819 = arith.constant 0 : i32
      %dma_start3A_1820 = arith.constant 0 : i32
      %dma_start3A_1821 = arith.constant 0 : i32
      %dma_start3A_1822 = tpu.memref_slice %arg6[%dma_start3A_1818, %dma_start3A_1820, %dma_start3A_1821] : memref<4x640x32xf32, #tpu.memory_space<vmem>> -> memref<1x640x32xf32, #tpu.memory_space<vmem>>
      %dma_start3A_1823 = tpu.memref_squeeze %dma_start3A_1822 : memref<1x640x32xf32, #tpu.memory_space<vmem>> -> memref<640x32xf32, #tpu.memory_space<vmem>>
      %dma_start3A_1824 = arith.constant 0 : i32
      %dma_start3A_1825 = tpu.memref_slice %arg4[%add3A_1817, %dma_start3A_1824] : memref<819200x32xf32, #tpu.memory_space<hbm>> -> memref<640x32xf32, #tpu.memory_space<hbm>>
      %dma_start3A_1826 = tpu.memref_slice %arg8[%dma_start3A_1819] : memref<4x!tpu.dma_semaphore, #tpu.memory_space<semaphore_mem>> -> memref<1x!tpu.dma_semaphore, #tpu.memory_space<semaphore_mem>>
      %dma_start3A_1827 = tpu.memref_squeeze %dma_start3A_1826 : memref<1x!tpu.dma_semaphore, #tpu.memory_space<semaphore_mem>> -> memref<!tpu.dma_semaphore, #tpu.memory_space<semaphore_mem>>
      %dma_start3A_1828 = arith.constant 0 : i32
      %dma_start3A_1829 = tpu.memref_slice %arg4[%add3A_1817, %dma_start3A_1828] : memref<819200x32xf32, #tpu.memory_space<hbm>> -> memref<640x32xf32, #tpu.memory_space<hbm>>
      %dma_start3A_1830 = arith.constant 0 : i32
      %dma_start3A_1831 = arith.constant 0 : i32
      %dma_start3A_1832 = tpu.memref_slice %arg6[%dma_start3A_1818, %dma_start3A_1830, %dma_start3A_1831] : memref<4x640x32xf32, #tpu.memory_space<vmem>> -> memref<1x640x32xf32, #tpu.memory_space<vmem>>
      %dma_start3A_1833 = tpu.memref_squeeze %dma_start3A_1832 : memref<1x640x32xf32, #tpu.memory_space<vmem>> -> memref<640x32xf32, #tpu.memory_space<vmem>>
      tpu.enqueue_dma source(%dma_start3A_1833 : memref<640x32xf32, #tpu.memory_space<vmem>>) target(%dma_start3A_1829 : memref<640x32xf32, #tpu.memory_space<hbm>>) target_semaphore(%dma_start3A_1827 : memref<!tpu.dma_semaphore, #tpu.memory_space<semaphore_mem>>)
      %add3A_1834 = arith.constant 1 : i32
      %add3A_1835 = arith.addi %add3A_1578, %add3A_1834 : i32
      %add3A_1836 = arith.constant 1 : i32
      %add3A_1837 = arith.addi %add3A_1835, %add3A_1836 : i32
      %sub3A_1838 = arith.constant 4 : i32
      %sub3A_1839 = arith.subi %add3A_1837, %sub3A_1838 : i32
      %mul3A_1840 = arith.constant 640 : i32
      %mul3A_1841 = arith.muli %sub3A_1839, %mul3A_1840 : i32
      %add3A_1842 = arith.addi %mul3A_2, %mul3A_1841 : i32
      %dma_wait3A_1843 = arith.constant 2 : i32
      %dma_wait3A_1844 = arith.constant 2 : i32
      %dma_wait3A_1845 = arith.constant 0 : i32
      %dma_wait3A_1846 = arith.constant 0 : i32
      %dma_wait3A_1847 = tpu.memref_slice %arg6[%dma_wait3A_1843, %dma_wait3A_1845, %dma_wait3A_1846] : memref<4x640x32xf32, #tpu.memory_space<vmem>> -> memref<1x640x32xf32, #tpu.memory_space<vmem>>
      %dma_wait3A_1848 = tpu.memref_squeeze %dma_wait3A_1847 : memref<1x640x32xf32, #tpu.memory_space<vmem>> -> memref<640x32xf32, #tpu.memory_space<vmem>>
      %dma_wait3A_1849 = arith.constant 0 : i32
      %dma_wait3A_1850 = tpu.memref_slice %arg4[%add3A_1842, %dma_wait3A_1849] : memref<819200x32xf32, #tpu.memory_space<hbm>> -> memref<640x32xf32, #tpu.memory_space<hbm>>
      %dma_wait3A_1851 = tpu.memref_slice %arg8[%dma_wait3A_1844] : memref<4x!tpu.dma_semaphore, #tpu.memory_space<semaphore_mem>> -> memref<1x!tpu.dma_semaphore, #tpu.memory_space<semaphore_mem>>
      %dma_wait3A_1852 = tpu.memref_squeeze %dma_wait3A_1851 : memref<1x!tpu.dma_semaphore, #tpu.memory_space<semaphore_mem>> -> memref<!tpu.dma_semaphore, #tpu.memory_space<semaphore_mem>>
      %dma_wait3A_1853 = arith.constant 0 : i32
      %dma_wait3A_1854 = tpu.memref_slice %arg4[%add3A_1842, %dma_wait3A_1853] : memref<819200x32xf32, #tpu.memory_space<hbm>> -> memref<640x32xf32, #tpu.memory_space<hbm>>
      %dma_wait3A_1855 = arith.constant 0 : i32
      %dma_wait3A_1856 = arith.constant 0 : i32
      %dma_wait3A_1857 = tpu.memref_slice %arg6[%dma_wait3A_1843, %dma_wait3A_1855, %dma_wait3A_1856] : memref<4x640x32xf32, #tpu.memory_space<vmem>> -> memref<1x640x32xf32, #tpu.memory_space<vmem>>
      %dma_wait3A_1858 = tpu.memref_squeeze %dma_wait3A_1857 : memref<1x640x32xf32, #tpu.memory_space<vmem>> -> memref<640x32xf32, #tpu.memory_space<vmem>>
      tpu.wait_dma2 semaphore(%dma_wait3A_1852 : memref<!tpu.dma_semaphore, #tpu.memory_space<semaphore_mem>>) src(%dma_wait3A_1858 : memref<640x32xf32, #tpu.memory_space<vmem>>) dst(%dma_wait3A_1854 : memref<640x32xf32, #tpu.memory_space<hbm>>)
      %add3A_1859 = arith.constant 1 : i32
      %add3A_1860 = arith.addi %add3A_1835, %add3A_1859 : i32
      %mul3A_1861 = arith.constant 5 : i32
      %mul3A_1862 = arith.muli %add3A_1860, %mul3A_1861 : i32
      %add3A_1863 = arith.constant 0 : i32
      %add3A_1864 = arith.addi %mul3A_1862, %add3A_1863 : i32
      %mul3A_1865 = arith.constant 128 : i32
      %mul3A_1866 = arith.muli %add3A_1864, %mul3A_1865 : i32
      %dma_start3A_1867 = arith.constant 2 : i32
      %dma_start3A_1868 = arith.constant 2 : i32
      %dma_start3A_1869 = arith.constant 0 : i32
      %dma_start3A_1870 = arith.constant 0 : i32
      %dma_start3A_1871 = tpu.memref_slice %arg6[%dma_start3A_1867, %dma_start3A_1869, %dma_start3A_1870] : memref<4x640x32xf32, #tpu.memory_space<vmem>> -> memref<1x640x32xf32, #tpu.memory_space<vmem>>
      %dma_start3A_1872 = tpu.memref_squeeze %dma_start3A_1871 : memref<1x640x32xf32, #tpu.memory_space<vmem>> -> memref<640x32xf32, #tpu.memory_space<vmem>>
      %dma_start3A_1873 = arith.constant 0 : i32
      %dma_start3A_1874 = arith.constant 0 : i32
      %dma_start3A_1875 = tpu.memref_slice %dma_start3A_1872[%dma_start3A_1873, %dma_start3A_1874] : memref<640x32xf32, #tpu.memory_space<vmem>> -> memref<128x32xf32, #tpu.memory_space<vmem>>
      %dma_start3A_1876 = tpu.memref_slice %arg5[%mul3A_1866] : memref<25600xi32, #tpu.memory_space<vmem>> -> memref<128xi32, #tpu.memory_space<vmem>>
      %dma_start3A_1877 = arith.constant 0 : i32
      %dma_start3A_1878 = arith.constant 0 : i32
      %dma_start3A_1879 = tpu.memref_slice %arg3[%dma_start3A_1877, %dma_start3A_1878] : memref<1000000x32xf32, #tpu.memory_space<hbm>> -> memref<1000000x32xf32, #tpu.memory_space<hbm>>
      %dma_start3A_1880 = tpu.memref_slice %arg7[%dma_start3A_1868] : memref<4x!tpu.dma_semaphore, #tpu.memory_space<semaphore_mem>> -> memref<1x!tpu.dma_semaphore, #tpu.memory_space<semaphore_mem>>
      %dma_start3A_1881 = tpu.memref_squeeze %dma_start3A_1880 : memref<1x!tpu.dma_semaphore, #tpu.memory_space<semaphore_mem>> -> memref<!tpu.dma_semaphore, #tpu.memory_space<semaphore_mem>>
      tpu.enqueue_indirect_dma source(%dma_start3A_1879 : memref<1000000x32xf32, #tpu.memory_space<hbm>>) target(%dma_start3A_1875 : memref<128x32xf32, #tpu.memory_space<vmem>>) offsets(%dma_start3A_1876 : memref<128xi32, #tpu.memory_space<vmem>>) semaphore(%dma_start3A_1881 : memref<!tpu.dma_semaphore, #tpu.memory_space<semaphore_mem>>)
      %mul3A_1882 = arith.constant 5 : i32
      %mul3A_1883 = arith.muli %add3A_1860, %mul3A_1882 : i32
      %add3A_1884 = arith.constant 1 : i32
      %add3A_1885 = arith.addi %mul3A_1883, %add3A_1884 : i32
      %mul3A_1886 = arith.constant 128 : i32
      %mul3A_1887 = arith.muli %add3A_1885, %mul3A_1886 : i32
      %dma_start3A_1888 = arith.constant 2 : i32
      %dma_start3A_1889 = arith.constant 2 : i32
      %dma_start3A_1890 = arith.constant 0 : i32
      %dma_start3A_1891 = arith.constant 0 : i32
      %dma_start3A_1892 = tpu.memref_slice %arg6[%dma_start3A_1888, %dma_start3A_1890, %dma_start3A_1891] : memref<4x640x32xf32, #tpu.memory_space<vmem>> -> memref<1x640x32xf32, #tpu.memory_space<vmem>>
      %dma_start3A_1893 = tpu.memref_squeeze %dma_start3A_1892 : memref<1x640x32xf32, #tpu.memory_space<vmem>> -> memref<640x32xf32, #tpu.memory_space<vmem>>
      %dma_start3A_1894 = arith.constant 128 : i32
      %dma_start3A_1895 = arith.constant 0 : i32
      %dma_start3A_1896 = tpu.memref_slice %dma_start3A_1893[%dma_start3A_1894, %dma_start3A_1895] : memref<640x32xf32, #tpu.memory_space<vmem>> -> memref<128x32xf32, #tpu.memory_space<vmem>>
      %dma_start3A_1897 = tpu.memref_slice %arg5[%mul3A_1887] : memref<25600xi32, #tpu.memory_space<vmem>> -> memref<128xi32, #tpu.memory_space<vmem>>
      %dma_start3A_1898 = arith.constant 0 : i32
      %dma_start3A_1899 = arith.constant 0 : i32
      %dma_start3A_1900 = tpu.memref_slice %arg3[%dma_start3A_1898, %dma_start3A_1899] : memref<1000000x32xf32, #tpu.memory_space<hbm>> -> memref<1000000x32xf32, #tpu.memory_space<hbm>>
      %dma_start3A_1901 = tpu.memref_slice %arg7[%dma_start3A_1889] : memref<4x!tpu.dma_semaphore, #tpu.memory_space<semaphore_mem>> -> memref<1x!tpu.dma_semaphore, #tpu.memory_space<semaphore_mem>>
      %dma_start3A_1902 = tpu.memref_squeeze %dma_start3A_1901 : memref<1x!tpu.dma_semaphore, #tpu.memory_space<semaphore_mem>> -> memref<!tpu.dma_semaphore, #tpu.memory_space<semaphore_mem>>
      tpu.enqueue_indirect_dma source(%dma_start3A_1900 : memref<1000000x32xf32, #tpu.memory_space<hbm>>) target(%dma_start3A_1896 : memref<128x32xf32, #tpu.memory_space<vmem>>) offsets(%dma_start3A_1897 : memref<128xi32, #tpu.memory_space<vmem>>) semaphore(%dma_start3A_1902 : memref<!tpu.dma_semaphore, #tpu.memory_space<semaphore_mem>>)
      %mul3A_1903 = arith.constant 5 : i32
      %mul3A_1904 = arith.muli %add3A_1860, %mul3A_1903 : i32
      %add3A_1905 = arith.constant 2 : i32
      %add3A_1906 = arith.addi %mul3A_1904, %add3A_1905 : i32
      %mul3A_1907 = arith.constant 128 : i32
      %mul3A_1908 = arith.muli %add3A_1906, %mul3A_1907 : i32
      %dma_start3A_1909 = arith.constant 2 : i32
      %dma_start3A_1910 = arith.constant 2 : i32
      %dma_start3A_1911 = arith.constant 0 : i32
      %dma_start3A_1912 = arith.constant 0 : i32
      %dma_start3A_1913 = tpu.memref_slice %arg6[%dma_start3A_1909, %dma_start3A_1911, %dma_start3A_1912] : memref<4x640x32xf32, #tpu.memory_space<vmem>> -> memref<1x640x32xf32, #tpu.memory_space<vmem>>
      %dma_start3A_1914 = tpu.memref_squeeze %dma_start3A_1913 : memref<1x640x32xf32, #tpu.memory_space<vmem>> -> memref<640x32xf32, #tpu.memory_space<vmem>>
      %dma_start3A_1915 = arith.constant 256 : i32
      %dma_start3A_1916 = arith.constant 0 : i32
      %dma_start3A_1917 = tpu.memref_slice %dma_start3A_1914[%dma_start3A_1915, %dma_start3A_1916] : memref<640x32xf32, #tpu.memory_space<vmem>> -> memref<128x32xf32, #tpu.memory_space<vmem>>
      %dma_start3A_1918 = tpu.memref_slice %arg5[%mul3A_1908] : memref<25600xi32, #tpu.memory_space<vmem>> -> memref<128xi32, #tpu.memory_space<vmem>>
      %dma_start3A_1919 = arith.constant 0 : i32
      %dma_start3A_1920 = arith.constant 0 : i32
      %dma_start3A_1921 = tpu.memref_slice %arg3[%dma_start3A_1919, %dma_start3A_1920] : memref<1000000x32xf32, #tpu.memory_space<hbm>> -> memref<1000000x32xf32, #tpu.memory_space<hbm>>
      %dma_start3A_1922 = tpu.memref_slice %arg7[%dma_start3A_1910] : memref<4x!tpu.dma_semaphore, #tpu.memory_space<semaphore_mem>> -> memref<1x!tpu.dma_semaphore, #tpu.memory_space<semaphore_mem>>
      %dma_start3A_1923 = tpu.memref_squeeze %dma_start3A_1922 : memref<1x!tpu.dma_semaphore, #tpu.memory_space<semaphore_mem>> -> memref<!tpu.dma_semaphore, #tpu.memory_space<semaphore_mem>>
      tpu.enqueue_indirect_dma source(%dma_start3A_1921 : memref<1000000x32xf32, #tpu.memory_space<hbm>>) target(%dma_start3A_1917 : memref<128x32xf32, #tpu.memory_space<vmem>>) offsets(%dma_start3A_1918 : memref<128xi32, #tpu.memory_space<vmem>>) semaphore(%dma_start3A_1923 : memref<!tpu.dma_semaphore, #tpu.memory_space<semaphore_mem>>)
      %mul3A_1924 = arith.constant 5 : i32
      %mul3A_1925 = arith.muli %add3A_1860, %mul3A_1924 : i32
      %add3A_1926 = arith.constant 3 : i32
      %add3A_1927 = arith.addi %mul3A_1925, %add3A_1926 : i32
      %mul3A_1928 = arith.constant 128 : i32
      %mul3A_1929 = arith.muli %add3A_1927, %mul3A_1928 : i32
      %dma_start3A_1930 = arith.constant 2 : i32
      %dma_start3A_1931 = arith.constant 2 : i32
      %dma_start3A_1932 = arith.constant 0 : i32
      %dma_start3A_1933 = arith.constant 0 : i32
      %dma_start3A_1934 = tpu.memref_slice %arg6[%dma_start3A_1930, %dma_start3A_1932, %dma_start3A_1933] : memref<4x640x32xf32, #tpu.memory_space<vmem>> -> memref<1x640x32xf32, #tpu.memory_space<vmem>>
      %dma_start3A_1935 = tpu.memref_squeeze %dma_start3A_1934 : memref<1x640x32xf32, #tpu.memory_space<vmem>> -> memref<640x32xf32, #tpu.memory_space<vmem>>
      %dma_start3A_1936 = arith.constant 384 : i32
      %dma_start3A_1937 = arith.constant 0 : i32
      %dma_start3A_1938 = tpu.memref_slice %dma_start3A_1935[%dma_start3A_1936, %dma_start3A_1937] : memref<640x32xf32, #tpu.memory_space<vmem>> -> memref<128x32xf32, #tpu.memory_space<vmem>>
      %dma_start3A_1939 = tpu.memref_slice %arg5[%mul3A_1929] : memref<25600xi32, #tpu.memory_space<vmem>> -> memref<128xi32, #tpu.memory_space<vmem>>
      %dma_start3A_1940 = arith.constant 0 : i32
      %dma_start3A_1941 = arith.constant 0 : i32
      %dma_start3A_1942 = tpu.memref_slice %arg3[%dma_start3A_1940, %dma_start3A_1941] : memref<1000000x32xf32, #tpu.memory_space<hbm>> -> memref<1000000x32xf32, #tpu.memory_space<hbm>>
      %dma_start3A_1943 = tpu.memref_slice %arg7[%dma_start3A_1931] : memref<4x!tpu.dma_semaphore, #tpu.memory_space<semaphore_mem>> -> memref<1x!tpu.dma_semaphore, #tpu.memory_space<semaphore_mem>>
      %dma_start3A_1944 = tpu.memref_squeeze %dma_start3A_1943 : memref<1x!tpu.dma_semaphore, #tpu.memory_space<semaphore_mem>> -> memref<!tpu.dma_semaphore, #tpu.memory_space<semaphore_mem>>
      tpu.enqueue_indirect_dma source(%dma_start3A_1942 : memref<1000000x32xf32, #tpu.memory_space<hbm>>) target(%dma_start3A_1938 : memref<128x32xf32, #tpu.memory_space<vmem>>) offsets(%dma_start3A_1939 : memref<128xi32, #tpu.memory_space<vmem>>) semaphore(%dma_start3A_1944 : memref<!tpu.dma_semaphore, #tpu.memory_space<semaphore_mem>>)
      %mul3A_1945 = arith.constant 5 : i32
      %mul3A_1946 = arith.muli %add3A_1860, %mul3A_1945 : i32
      %add3A_1947 = arith.constant 4 : i32
      %add3A_1948 = arith.addi %mul3A_1946, %add3A_1947 : i32
      %mul3A_1949 = arith.constant 128 : i32
      %mul3A_1950 = arith.muli %add3A_1948, %mul3A_1949 : i32
      %dma_start3A_1951 = arith.constant 2 : i32
      %dma_start3A_1952 = arith.constant 2 : i32
      %dma_start3A_1953 = arith.constant 0 : i32
      %dma_start3A_1954 = arith.constant 0 : i32
      %dma_start3A_1955 = tpu.memref_slice %arg6[%dma_start3A_1951, %dma_start3A_1953, %dma_start3A_1954] : memref<4x640x32xf32, #tpu.memory_space<vmem>> -> memref<1x640x32xf32, #tpu.memory_space<vmem>>
      %dma_start3A_1956 = tpu.memref_squeeze %dma_start3A_1955 : memref<1x640x32xf32, #tpu.memory_space<vmem>> -> memref<640x32xf32, #tpu.memory_space<vmem>>
      %dma_start3A_1957 = arith.constant 512 : i32
      %dma_start3A_1958 = arith.constant 0 : i32
      %dma_start3A_1959 = tpu.memref_slice %dma_start3A_1956[%dma_start3A_1957, %dma_start3A_1958] : memref<640x32xf32, #tpu.memory_space<vmem>> -> memref<128x32xf32, #tpu.memory_space<vmem>>
      %dma_start3A_1960 = tpu.memref_slice %arg5[%mul3A_1950] : memref<25600xi32, #tpu.memory_space<vmem>> -> memref<128xi32, #tpu.memory_space<vmem>>
      %dma_start3A_1961 = arith.constant 0 : i32
      %dma_start3A_1962 = arith.constant 0 : i32
      %dma_start3A_1963 = tpu.memref_slice %arg3[%dma_start3A_1961, %dma_start3A_1962] : memref<1000000x32xf32, #tpu.memory_space<hbm>> -> memref<1000000x32xf32, #tpu.memory_space<hbm>>
      %dma_start3A_1964 = tpu.memref_slice %arg7[%dma_start3A_1952] : memref<4x!tpu.dma_semaphore, #tpu.memory_space<semaphore_mem>> -> memref<1x!tpu.dma_semaphore, #tpu.memory_space<semaphore_mem>>
      %dma_start3A_1965 = tpu.memref_squeeze %dma_start3A_1964 : memref<1x!tpu.dma_semaphore, #tpu.memory_space<semaphore_mem>> -> memref<!tpu.dma_semaphore, #tpu.memory_space<semaphore_mem>>
      tpu.enqueue_indirect_dma source(%dma_start3A_1963 : memref<1000000x32xf32, #tpu.memory_space<hbm>>) target(%dma_start3A_1959 : memref<128x32xf32, #tpu.memory_space<vmem>>) offsets(%dma_start3A_1960 : memref<128xi32, #tpu.memory_space<vmem>>) semaphore(%dma_start3A_1965 : memref<!tpu.dma_semaphore, #tpu.memory_space<semaphore_mem>>)
      %mul3A_1966 = arith.constant 5 : i32
      %mul3A_1967 = arith.muli %add3A_1835, %mul3A_1966 : i32
      %add3A_1968 = arith.constant 0 : i32
      %add3A_1969 = arith.addi %mul3A_1967, %add3A_1968 : i32
      %mul3A_1970 = arith.constant 128 : i32
      %mul3A_1971 = arith.muli %add3A_1969, %mul3A_1970 : i32
      %dma_wait3A_1972 = arith.constant 1 : i32
      %dma_wait3A_1973 = arith.constant 1 : i32
      %dma_wait3A_1974 = arith.constant 0 : i32
      %dma_wait3A_1975 = arith.constant 0 : i32
      %dma_wait3A_1976 = tpu.memref_slice %arg6[%dma_wait3A_1972, %dma_wait3A_1974, %dma_wait3A_1975] : memref<4x640x32xf32, #tpu.memory_space<vmem>> -> memref<1x640x32xf32, #tpu.memory_space<vmem>>
      %dma_wait3A_1977 = tpu.memref_squeeze %dma_wait3A_1976 : memref<1x640x32xf32, #tpu.memory_space<vmem>> -> memref<640x32xf32, #tpu.memory_space<vmem>>
      %dma_wait3A_1978 = arith.constant 0 : i32
      %dma_wait3A_1979 = arith.constant 0 : i32
      %dma_wait3A_1980 = tpu.memref_slice %dma_wait3A_1977[%dma_wait3A_1978, %dma_wait3A_1979] : memref<640x32xf32, #tpu.memory_space<vmem>> -> memref<128x32xf32, #tpu.memory_space<vmem>>
      %dma_wait3A_1981 = tpu.memref_slice %arg5[%mul3A_1971] : memref<25600xi32, #tpu.memory_space<vmem>> -> memref<128xi32, #tpu.memory_space<vmem>>
      %dma_wait3A_1982 = arith.constant 0 : i32
      %dma_wait3A_1983 = arith.constant 0 : i32
      %dma_wait3A_1984 = tpu.memref_slice %arg3[%dma_wait3A_1982, %dma_wait3A_1983] : memref<1000000x32xf32, #tpu.memory_space<hbm>> -> memref<1000000x32xf32, #tpu.memory_space<hbm>>
      %dma_wait3A_1985 = tpu.memref_slice %arg7[%dma_wait3A_1973] : memref<4x!tpu.dma_semaphore, #tpu.memory_space<semaphore_mem>> -> memref<1x!tpu.dma_semaphore, #tpu.memory_space<semaphore_mem>>
      %dma_wait3A_1986 = tpu.memref_squeeze %dma_wait3A_1985 : memref<1x!tpu.dma_semaphore, #tpu.memory_space<semaphore_mem>> -> memref<!tpu.dma_semaphore, #tpu.memory_space<semaphore_mem>>
      tpu.wait_indirect_dma semaphore(%dma_wait3A_1986 : memref<!tpu.dma_semaphore, #tpu.memory_space<semaphore_mem>>) src(%dma_wait3A_1984 : memref<1000000x32xf32, #tpu.memory_space<hbm>>) dst(%dma_wait3A_1980 : memref<128x32xf32, #tpu.memory_space<vmem>>)
      %mul3A_1987 = arith.constant 5 : i32
      %mul3A_1988 = arith.muli %add3A_1835, %mul3A_1987 : i32
      %add3A_1989 = arith.constant 1 : i32
      %add3A_1990 = arith.addi %mul3A_1988, %add3A_1989 : i32
      %mul3A_1991 = arith.constant 128 : i32
      %mul3A_1992 = arith.muli %add3A_1990, %mul3A_1991 : i32
      %dma_wait3A_1993 = arith.constant 1 : i32
      %dma_wait3A_1994 = arith.constant 1 : i32
      %dma_wait3A_1995 = arith.constant 0 : i32
      %dma_wait3A_1996 = arith.constant 0 : i32
      %dma_wait3A_1997 = tpu.memref_slice %arg6[%dma_wait3A_1993, %dma_wait3A_1995, %dma_wait3A_1996] : memref<4x640x32xf32, #tpu.memory_space<vmem>> -> memref<1x640x32xf32, #tpu.memory_space<vmem>>
      %dma_wait3A_1998 = tpu.memref_squeeze %dma_wait3A_1997 : memref<1x640x32xf32, #tpu.memory_space<vmem>> -> memref<640x32xf32, #tpu.memory_space<vmem>>
      %dma_wait3A_1999 = arith.constant 128 : i32
      %dma_wait3A_2000 = arith.constant 0 : i32
      %dma_wait3A_2001 = tpu.memref_slice %dma_wait3A_1998[%dma_wait3A_1999, %dma_wait3A_2000] : memref<640x32xf32, #tpu.memory_space<vmem>> -> memref<128x32xf32, #tpu.memory_space<vmem>>
      %dma_wait3A_2002 = tpu.memref_slice %arg5[%mul3A_1992] : memref<25600xi32, #tpu.memory_space<vmem>> -> memref<128xi32, #tpu.memory_space<vmem>>
      %dma_wait3A_2003 = arith.constant 0 : i32
      %dma_wait3A_2004 = arith.constant 0 : i32
      %dma_wait3A_2005 = tpu.memref_slice %arg3[%dma_wait3A_2003, %dma_wait3A_2004] : memref<1000000x32xf32, #tpu.memory_space<hbm>> -> memref<1000000x32xf32, #tpu.memory_space<hbm>>
      %dma_wait3A_2006 = tpu.memref_slice %arg7[%dma_wait3A_1994] : memref<4x!tpu.dma_semaphore, #tpu.memory_space<semaphore_mem>> -> memref<1x!tpu.dma_semaphore, #tpu.memory_space<semaphore_mem>>
      %dma_wait3A_2007 = tpu.memref_squeeze %dma_wait3A_2006 : memref<1x!tpu.dma_semaphore, #tpu.memory_space<semaphore_mem>> -> memref<!tpu.dma_semaphore, #tpu.memory_space<semaphore_mem>>
      tpu.wait_indirect_dma semaphore(%dma_wait3A_2007 : memref<!tpu.dma_semaphore, #tpu.memory_space<semaphore_mem>>) src(%dma_wait3A_2005 : memref<1000000x32xf32, #tpu.memory_space<hbm>>) dst(%dma_wait3A_2001 : memref<128x32xf32, #tpu.memory_space<vmem>>)
      %mul3A_2008 = arith.constant 5 : i32
      %mul3A_2009 = arith.muli %add3A_1835, %mul3A_2008 : i32
      %add3A_2010 = arith.constant 2 : i32
      %add3A_2011 = arith.addi %mul3A_2009, %add3A_2010 : i32
      %mul3A_2012 = arith.constant 128 : i32
      %mul3A_2013 = arith.muli %add3A_2011, %mul3A_2012 : i32
      %dma_wait3A_2014 = arith.constant 1 : i32
      %dma_wait3A_2015 = arith.constant 1 : i32
      %dma_wait3A_2016 = arith.constant 0 : i32
      %dma_wait3A_2017 = arith.constant 0 : i32
      %dma_wait3A_2018 = tpu.memref_slice %arg6[%dma_wait3A_2014, %dma_wait3A_2016, %dma_wait3A_2017] : memref<4x640x32xf32, #tpu.memory_space<vmem>> -> memref<1x640x32xf32, #tpu.memory_space<vmem>>
      %dma_wait3A_2019 = tpu.memref_squeeze %dma_wait3A_2018 : memref<1x640x32xf32, #tpu.memory_space<vmem>> -> memref<640x32xf32, #tpu.memory_space<vmem>>
      %dma_wait3A_2020 = arith.constant 256 : i32
      %dma_wait3A_2021 = arith.constant 0 : i32
      %dma_wait3A_2022 = tpu.memref_slice %dma_wait3A_2019[%dma_wait3A_2020, %dma_wait3A_2021] : memref<640x32xf32, #tpu.memory_space<vmem>> -> memref<128x32xf32, #tpu.memory_space<vmem>>
      %dma_wait3A_2023 = tpu.memref_slice %arg5[%mul3A_2013] : memref<25600xi32, #tpu.memory_space<vmem>> -> memref<128xi32, #tpu.memory_space<vmem>>
      %dma_wait3A_2024 = arith.constant 0 : i32
      %dma_wait3A_2025 = arith.constant 0 : i32
      %dma_wait3A_2026 = tpu.memref_slice %arg3[%dma_wait3A_2024, %dma_wait3A_2025] : memref<1000000x32xf32, #tpu.memory_space<hbm>> -> memref<1000000x32xf32, #tpu.memory_space<hbm>>
      %dma_wait3A_2027 = tpu.memref_slice %arg7[%dma_wait3A_2015] : memref<4x!tpu.dma_semaphore, #tpu.memory_space<semaphore_mem>> -> memref<1x!tpu.dma_semaphore, #tpu.memory_space<semaphore_mem>>
      %dma_wait3A_2028 = tpu.memref_squeeze %dma_wait3A_2027 : memref<1x!tpu.dma_semaphore, #tpu.memory_space<semaphore_mem>> -> memref<!tpu.dma_semaphore, #tpu.memory_space<semaphore_mem>>
      tpu.wait_indirect_dma semaphore(%dma_wait3A_2028 : memref<!tpu.dma_semaphore, #tpu.memory_space<semaphore_mem>>) src(%dma_wait3A_2026 : memref<1000000x32xf32, #tpu.memory_space<hbm>>) dst(%dma_wait3A_2022 : memref<128x32xf32, #tpu.memory_space<vmem>>)
      %mul3A_2029 = arith.constant 5 : i32
      %mul3A_2030 = arith.muli %add3A_1835, %mul3A_2029 : i32
      %add3A_2031 = arith.constant 3 : i32
      %add3A_2032 = arith.addi %mul3A_2030, %add3A_2031 : i32
      %mul3A_2033 = arith.constant 128 : i32
      %mul3A_2034 = arith.muli %add3A_2032, %mul3A_2033 : i32
      %dma_wait3A_2035 = arith.constant 1 : i32
      %dma_wait3A_2036 = arith.constant 1 : i32
      %dma_wait3A_2037 = arith.constant 0 : i32
      %dma_wait3A_2038 = arith.constant 0 : i32
      %dma_wait3A_2039 = tpu.memref_slice %arg6[%dma_wait3A_2035, %dma_wait3A_2037, %dma_wait3A_2038] : memref<4x640x32xf32, #tpu.memory_space<vmem>> -> memref<1x640x32xf32, #tpu.memory_space<vmem>>
      %dma_wait3A_2040 = tpu.memref_squeeze %dma_wait3A_2039 : memref<1x640x32xf32, #tpu.memory_space<vmem>> -> memref<640x32xf32, #tpu.memory_space<vmem>>
      %dma_wait3A_2041 = arith.constant 384 : i32
      %dma_wait3A_2042 = arith.constant 0 : i32
      %dma_wait3A_2043 = tpu.memref_slice %dma_wait3A_2040[%dma_wait3A_2041, %dma_wait3A_2042] : memref<640x32xf32, #tpu.memory_space<vmem>> -> memref<128x32xf32, #tpu.memory_space<vmem>>
      %dma_wait3A_2044 = tpu.memref_slice %arg5[%mul3A_2034] : memref<25600xi32, #tpu.memory_space<vmem>> -> memref<128xi32, #tpu.memory_space<vmem>>
      %dma_wait3A_2045 = arith.constant 0 : i32
      %dma_wait3A_2046 = arith.constant 0 : i32
      %dma_wait3A_2047 = tpu.memref_slice %arg3[%dma_wait3A_2045, %dma_wait3A_2046] : memref<1000000x32xf32, #tpu.memory_space<hbm>> -> memref<1000000x32xf32, #tpu.memory_space<hbm>>
      %dma_wait3A_2048 = tpu.memref_slice %arg7[%dma_wait3A_2036] : memref<4x!tpu.dma_semaphore, #tpu.memory_space<semaphore_mem>> -> memref<1x!tpu.dma_semaphore, #tpu.memory_space<semaphore_mem>>
      %dma_wait3A_2049 = tpu.memref_squeeze %dma_wait3A_2048 : memref<1x!tpu.dma_semaphore, #tpu.memory_space<semaphore_mem>> -> memref<!tpu.dma_semaphore, #tpu.memory_space<semaphore_mem>>
      tpu.wait_indirect_dma semaphore(%dma_wait3A_2049 : memref<!tpu.dma_semaphore, #tpu.memory_space<semaphore_mem>>) src(%dma_wait3A_2047 : memref<1000000x32xf32, #tpu.memory_space<hbm>>) dst(%dma_wait3A_2043 : memref<128x32xf32, #tpu.memory_space<vmem>>)
      %mul3A_2050 = arith.constant 5 : i32
      %mul3A_2051 = arith.muli %add3A_1835, %mul3A_2050 : i32
      %add3A_2052 = arith.constant 4 : i32
      %add3A_2053 = arith.addi %mul3A_2051, %add3A_2052 : i32
      %mul3A_2054 = arith.constant 128 : i32
      %mul3A_2055 = arith.muli %add3A_2053, %mul3A_2054 : i32
      %dma_wait3A_2056 = arith.constant 1 : i32
      %dma_wait3A_2057 = arith.constant 1 : i32
      %dma_wait3A_2058 = arith.constant 0 : i32
      %dma_wait3A_2059 = arith.constant 0 : i32
      %dma_wait3A_2060 = tpu.memref_slice %arg6[%dma_wait3A_2056, %dma_wait3A_2058, %dma_wait3A_2059] : memref<4x640x32xf32, #tpu.memory_space<vmem>> -> memref<1x640x32xf32, #tpu.memory_space<vmem>>
      %dma_wait3A_2061 = tpu.memref_squeeze %dma_wait3A_2060 : memref<1x640x32xf32, #tpu.memory_space<vmem>> -> memref<640x32xf32, #tpu.memory_space<vmem>>
      %dma_wait3A_2062 = arith.constant 512 : i32
      %dma_wait3A_2063 = arith.constant 0 : i32
      %dma_wait3A_2064 = tpu.memref_slice %dma_wait3A_2061[%dma_wait3A_2062, %dma_wait3A_2063] : memref<640x32xf32, #tpu.memory_space<vmem>> -> memref<128x32xf32, #tpu.memory_space<vmem>>
      %dma_wait3A_2065 = tpu.memref_slice %arg5[%mul3A_2055] : memref<25600xi32, #tpu.memory_space<vmem>> -> memref<128xi32, #tpu.memory_space<vmem>>
      %dma_wait3A_2066 = arith.constant 0 : i32
      %dma_wait3A_2067 = arith.constant 0 : i32
      %dma_wait3A_2068 = tpu.memref_slice %arg3[%dma_wait3A_2066, %dma_wait3A_2067] : memref<1000000x32xf32, #tpu.memory_space<hbm>> -> memref<1000000x32xf32, #tpu.memory_space<hbm>>
      %dma_wait3A_2069 = tpu.memref_slice %arg7[%dma_wait3A_2057] : memref<4x!tpu.dma_semaphore, #tpu.memory_space<semaphore_mem>> -> memref<1x!tpu.dma_semaphore, #tpu.memory_space<semaphore_mem>>
      %dma_wait3A_2070 = tpu.memref_squeeze %dma_wait3A_2069 : memref<1x!tpu.dma_semaphore, #tpu.memory_space<semaphore_mem>> -> memref<!tpu.dma_semaphore, #tpu.memory_space<semaphore_mem>>
      tpu.wait_indirect_dma semaphore(%dma_wait3A_2070 : memref<!tpu.dma_semaphore, #tpu.memory_space<semaphore_mem>>) src(%dma_wait3A_2068 : memref<1000000x32xf32, #tpu.memory_space<hbm>>) dst(%dma_wait3A_2064 : memref<128x32xf32, #tpu.memory_space<vmem>>)
      %mul3A_2071 = arith.constant 640 : i32
      %mul3A_2072 = arith.muli %add3A_1835, %mul3A_2071 : i32
      %add3A_2073 = arith.addi %mul3A_2, %mul3A_2072 : i32
      %dma_start3A_2074 = arith.constant 1 : i32
      %dma_start3A_2075 = arith.constant 1 : i32
      %dma_start3A_2076 = arith.constant 0 : i32
      %dma_start3A_2077 = arith.constant 0 : i32
      %dma_start3A_2078 = tpu.memref_slice %arg6[%dma_start3A_2074, %dma_start3A_2076, %dma_start3A_2077] : memref<4x640x32xf32, #tpu.memory_space<vmem>> -> memref<1x640x32xf32, #tpu.memory_space<vmem>>
      %dma_start3A_2079 = tpu.memref_squeeze %dma_start3A_2078 : memref<1x640x32xf32, #tpu.memory_space<vmem>> -> memref<640x32xf32, #tpu.memory_space<vmem>>
      %dma_start3A_2080 = arith.constant 0 : i32
      %dma_start3A_2081 = tpu.memref_slice %arg4[%add3A_2073, %dma_start3A_2080] : memref<819200x32xf32, #tpu.memory_space<hbm>> -> memref<640x32xf32, #tpu.memory_space<hbm>>
      %dma_start3A_2082 = tpu.memref_slice %arg8[%dma_start3A_2075] : memref<4x!tpu.dma_semaphore, #tpu.memory_space<semaphore_mem>> -> memref<1x!tpu.dma_semaphore, #tpu.memory_space<semaphore_mem>>
      %dma_start3A_2083 = tpu.memref_squeeze %dma_start3A_2082 : memref<1x!tpu.dma_semaphore, #tpu.memory_space<semaphore_mem>> -> memref<!tpu.dma_semaphore, #tpu.memory_space<semaphore_mem>>
      %dma_start3A_2084 = arith.constant 0 : i32
      %dma_start3A_2085 = tpu.memref_slice %arg4[%add3A_2073, %dma_start3A_2084] : memref<819200x32xf32, #tpu.memory_space<hbm>> -> memref<640x32xf32, #tpu.memory_space<hbm>>
      %dma_start3A_2086 = arith.constant 0 : i32
      %dma_start3A_2087 = arith.constant 0 : i32
      %dma_start3A_2088 = tpu.memref_slice %arg6[%dma_start3A_2074, %dma_start3A_2086, %dma_start3A_2087] : memref<4x640x32xf32, #tpu.memory_space<vmem>> -> memref<1x640x32xf32, #tpu.memory_space<vmem>>
      %dma_start3A_2089 = tpu.memref_squeeze %dma_start3A_2088 : memref<1x640x32xf32, #tpu.memory_space<vmem>> -> memref<640x32xf32, #tpu.memory_space<vmem>>
      tpu.enqueue_dma source(%dma_start3A_2089 : memref<640x32xf32, #tpu.memory_space<vmem>>) target(%dma_start3A_2085 : memref<640x32xf32, #tpu.memory_space<hbm>>) target_semaphore(%dma_start3A_2083 : memref<!tpu.dma_semaphore, #tpu.memory_space<semaphore_mem>>)
      %add3A_2090 = arith.constant 2 : i32
      %add3A_2091 = arith.addi %add3A_1578, %add3A_2090 : i32
      %add3A_2092 = arith.constant 1 : i32
      %add3A_2093 = arith.addi %add3A_2091, %add3A_2092 : i32
      %sub3A_2094 = arith.constant 4 : i32
      %sub3A_2095 = arith.subi %add3A_2093, %sub3A_2094 : i32
      %mul3A_2096 = arith.constant 640 : i32
      %mul3A_2097 = arith.muli %sub3A_2095, %mul3A_2096 : i32
      %add3A_2098 = arith.addi %mul3A_2, %mul3A_2097 : i32
      %dma_wait3A_2099 = arith.constant 3 : i32
      %dma_wait3A_2100 = arith.constant 3 : i32
      %dma_wait3A_2101 = arith.constant 0 : i32
      %dma_wait3A_2102 = arith.constant 0 : i32
      %dma_wait3A_2103 = tpu.memref_slice %arg6[%dma_wait3A_2099, %dma_wait3A_2101, %dma_wait3A_2102] : memref<4x640x32xf32, #tpu.memory_space<vmem>> -> memref<1x640x32xf32, #tpu.memory_space<vmem>>
      %dma_wait3A_2104 = tpu.memref_squeeze %dma_wait3A_2103 : memref<1x640x32xf32, #tpu.memory_space<vmem>> -> memref<640x32xf32, #tpu.memory_space<vmem>>
      %dma_wait3A_2105 = arith.constant 0 : i32
      %dma_wait3A_2106 = tpu.memref_slice %arg4[%add3A_2098, %dma_wait3A_2105] : memref<819200x32xf32, #tpu.memory_space<hbm>> -> memref<640x32xf32, #tpu.memory_space<hbm>>
      %dma_wait3A_2107 = tpu.memref_slice %arg8[%dma_wait3A_2100] : memref<4x!tpu.dma_semaphore, #tpu.memory_space<semaphore_mem>> -> memref<1x!tpu.dma_semaphore, #tpu.memory_space<semaphore_mem>>
      %dma_wait3A_2108 = tpu.memref_squeeze %dma_wait3A_2107 : memref<1x!tpu.dma_semaphore, #tpu.memory_space<semaphore_mem>> -> memref<!tpu.dma_semaphore, #tpu.memory_space<semaphore_mem>>
      %dma_wait3A_2109 = arith.constant 0 : i32
      %dma_wait3A_2110 = tpu.memref_slice %arg4[%add3A_2098, %dma_wait3A_2109] : memref<819200x32xf32, #tpu.memory_space<hbm>> -> memref<640x32xf32, #tpu.memory_space<hbm>>
      %dma_wait3A_2111 = arith.constant 0 : i32
      %dma_wait3A_2112 = arith.constant 0 : i32
      %dma_wait3A_2113 = tpu.memref_slice %arg6[%dma_wait3A_2099, %dma_wait3A_2111, %dma_wait3A_2112] : memref<4x640x32xf32, #tpu.memory_space<vmem>> -> memref<1x640x32xf32, #tpu.memory_space<vmem>>
      %dma_wait3A_2114 = tpu.memref_squeeze %dma_wait3A_2113 : memref<1x640x32xf32, #tpu.memory_space<vmem>> -> memref<640x32xf32, #tpu.memory_space<vmem>>
      tpu.wait_dma2 semaphore(%dma_wait3A_2108 : memref<!tpu.dma_semaphore, #tpu.memory_space<semaphore_mem>>) src(%dma_wait3A_2114 : memref<640x32xf32, #tpu.memory_space<vmem>>) dst(%dma_wait3A_2110 : memref<640x32xf32, #tpu.memory_space<hbm>>)
      %add3A_2115 = arith.constant 1 : i32
      %add3A_2116 = arith.addi %add3A_2091, %add3A_2115 : i32
      %mul3A_2117 = arith.constant 5 : i32
      %mul3A_2118 = arith.muli %add3A_2116, %mul3A_2117 : i32
      %add3A_2119 = arith.constant 0 : i32
      %add3A_2120 = arith.addi %mul3A_2118, %add3A_2119 : i32
      %mul3A_2121 = arith.constant 128 : i32
      %mul3A_2122 = arith.muli %add3A_2120, %mul3A_2121 : i32
      %dma_start3A_2123 = arith.constant 3 : i32
      %dma_start3A_2124 = arith.constant 3 : i32
      %dma_start3A_2125 = arith.constant 0 : i32
      %dma_start3A_2126 = arith.constant 0 : i32
      %dma_start3A_2127 = tpu.memref_slice %arg6[%dma_start3A_2123, %dma_start3A_2125, %dma_start3A_2126] : memref<4x640x32xf32, #tpu.memory_space<vmem>> -> memref<1x640x32xf32, #tpu.memory_space<vmem>>
      %dma_start3A_2128 = tpu.memref_squeeze %dma_start3A_2127 : memref<1x640x32xf32, #tpu.memory_space<vmem>> -> memref<640x32xf32, #tpu.memory_space<vmem>>
      %dma_start3A_2129 = arith.constant 0 : i32
      %dma_start3A_2130 = arith.constant 0 : i32
      %dma_start3A_2131 = tpu.memref_slice %dma_start3A_2128[%dma_start3A_2129, %dma_start3A_2130] : memref<640x32xf32, #tpu.memory_space<vmem>> -> memref<128x32xf32, #tpu.memory_space<vmem>>
      %dma_start3A_2132 = tpu.memref_slice %arg5[%mul3A_2122] : memref<25600xi32, #tpu.memory_space<vmem>> -> memref<128xi32, #tpu.memory_space<vmem>>
      %dma_start3A_2133 = arith.constant 0 : i32
      %dma_start3A_2134 = arith.constant 0 : i32
      %dma_start3A_2135 = tpu.memref_slice %arg3[%dma_start3A_2133, %dma_start3A_2134] : memref<1000000x32xf32, #tpu.memory_space<hbm>> -> memref<1000000x32xf32, #tpu.memory_space<hbm>>
      %dma_start3A_2136 = tpu.memref_slice %arg7[%dma_start3A_2124] : memref<4x!tpu.dma_semaphore, #tpu.memory_space<semaphore_mem>> -> memref<1x!tpu.dma_semaphore, #tpu.memory_space<semaphore_mem>>
      %dma_start3A_2137 = tpu.memref_squeeze %dma_start3A_2136 : memref<1x!tpu.dma_semaphore, #tpu.memory_space<semaphore_mem>> -> memref<!tpu.dma_semaphore, #tpu.memory_space<semaphore_mem>>
      tpu.enqueue_indirect_dma source(%dma_start3A_2135 : memref<1000000x32xf32, #tpu.memory_space<hbm>>) target(%dma_start3A_2131 : memref<128x32xf32, #tpu.memory_space<vmem>>) offsets(%dma_start3A_2132 : memref<128xi32, #tpu.memory_space<vmem>>) semaphore(%dma_start3A_2137 : memref<!tpu.dma_semaphore, #tpu.memory_space<semaphore_mem>>)
      %mul3A_2138 = arith.constant 5 : i32
      %mul3A_2139 = arith.muli %add3A_2116, %mul3A_2138 : i32
      %add3A_2140 = arith.constant 1 : i32
      %add3A_2141 = arith.addi %mul3A_2139, %add3A_2140 : i32
      %mul3A_2142 = arith.constant 128 : i32
      %mul3A_2143 = arith.muli %add3A_2141, %mul3A_2142 : i32
      %dma_start3A_2144 = arith.constant 3 : i32
      %dma_start3A_2145 = arith.constant 3 : i32
      %dma_start3A_2146 = arith.constant 0 : i32
      %dma_start3A_2147 = arith.constant 0 : i32
      %dma_start3A_2148 = tpu.memref_slice %arg6[%dma_start3A_2144, %dma_start3A_2146, %dma_start3A_2147] : memref<4x640x32xf32, #tpu.memory_space<vmem>> -> memref<1x640x32xf32, #tpu.memory_space<vmem>>
      %dma_start3A_2149 = tpu.memref_squeeze %dma_start3A_2148 : memref<1x640x32xf32, #tpu.memory_space<vmem>> -> memref<640x32xf32, #tpu.memory_space<vmem>>
      %dma_start3A_2150 = arith.constant 128 : i32
      %dma_start3A_2151 = arith.constant 0 : i32
      %dma_start3A_2152 = tpu.memref_slice %dma_start3A_2149[%dma_start3A_2150, %dma_start3A_2151] : memref<640x32xf32, #tpu.memory_space<vmem>> -> memref<128x32xf32, #tpu.memory_space<vmem>>
      %dma_start3A_2153 = tpu.memref_slice %arg5[%mul3A_2143] : memref<25600xi32, #tpu.memory_space<vmem>> -> memref<128xi32, #tpu.memory_space<vmem>>
      %dma_start3A_2154 = arith.constant 0 : i32
      %dma_start3A_2155 = arith.constant 0 : i32
      %dma_start3A_2156 = tpu.memref_slice %arg3[%dma_start3A_2154, %dma_start3A_2155] : memref<1000000x32xf32, #tpu.memory_space<hbm>> -> memref<1000000x32xf32, #tpu.memory_space<hbm>>
      %dma_start3A_2157 = tpu.memref_slice %arg7[%dma_start3A_2145] : memref<4x!tpu.dma_semaphore, #tpu.memory_space<semaphore_mem>> -> memref<1x!tpu.dma_semaphore, #tpu.memory_space<semaphore_mem>>
      %dma_start3A_2158 = tpu.memref_squeeze %dma_start3A_2157 : memref<1x!tpu.dma_semaphore, #tpu.memory_space<semaphore_mem>> -> memref<!tpu.dma_semaphore, #tpu.memory_space<semaphore_mem>>
      tpu.enqueue_indirect_dma source(%dma_start3A_2156 : memref<1000000x32xf32, #tpu.memory_space<hbm>>) target(%dma_start3A_2152 : memref<128x32xf32, #tpu.memory_space<vmem>>) offsets(%dma_start3A_2153 : memref<128xi32, #tpu.memory_space<vmem>>) semaphore(%dma_start3A_2158 : memref<!tpu.dma_semaphore, #tpu.memory_space<semaphore_mem>>)
      %mul3A_2159 = arith.constant 5 : i32
      %mul3A_2160 = arith.muli %add3A_2116, %mul3A_2159 : i32
      %add3A_2161 = arith.constant 2 : i32
      %add3A_2162 = arith.addi %mul3A_2160, %add3A_2161 : i32
      %mul3A_2163 = arith.constant 128 : i32
      %mul3A_2164 = arith.muli %add3A_2162, %mul3A_2163 : i32
      %dma_start3A_2165 = arith.constant 3 : i32
      %dma_start3A_2166 = arith.constant 3 : i32
      %dma_start3A_2167 = arith.constant 0 : i32
      %dma_start3A_2168 = arith.constant 0 : i32
      %dma_start3A_2169 = tpu.memref_slice %arg6[%dma_start3A_2165, %dma_start3A_2167, %dma_start3A_2168] : memref<4x640x32xf32, #tpu.memory_space<vmem>> -> memref<1x640x32xf32, #tpu.memory_space<vmem>>
      %dma_start3A_2170 = tpu.memref_squeeze %dma_start3A_2169 : memref<1x640x32xf32, #tpu.memory_space<vmem>> -> memref<640x32xf32, #tpu.memory_space<vmem>>
      %dma_start3A_2171 = arith.constant 256 : i32
      %dma_start3A_2172 = arith.constant 0 : i32
      %dma_start3A_2173 = tpu.memref_slice %dma_start3A_2170[%dma_start3A_2171, %dma_start3A_2172] : memref<640x32xf32, #tpu.memory_space<vmem>> -> memref<128x32xf32, #tpu.memory_space<vmem>>
      %dma_start3A_2174 = tpu.memref_slice %arg5[%mul3A_2164] : memref<25600xi32, #tpu.memory_space<vmem>> -> memref<128xi32, #tpu.memory_space<vmem>>
      %dma_start3A_2175 = arith.constant 0 : i32
      %dma_start3A_2176 = arith.constant 0 : i32
      %dma_start3A_2177 = tpu.memref_slice %arg3[%dma_start3A_2175, %dma_start3A_2176] : memref<1000000x32xf32, #tpu.memory_space<hbm>> -> memref<1000000x32xf32, #tpu.memory_space<hbm>>
      %dma_start3A_2178 = tpu.memref_slice %arg7[%dma_start3A_2166] : memref<4x!tpu.dma_semaphore, #tpu.memory_space<semaphore_mem>> -> memref<1x!tpu.dma_semaphore, #tpu.memory_space<semaphore_mem>>
      %dma_start3A_2179 = tpu.memref_squeeze %dma_start3A_2178 : memref<1x!tpu.dma_semaphore, #tpu.memory_space<semaphore_mem>> -> memref<!tpu.dma_semaphore, #tpu.memory_space<semaphore_mem>>
      tpu.enqueue_indirect_dma source(%dma_start3A_2177 : memref<1000000x32xf32, #tpu.memory_space<hbm>>) target(%dma_start3A_2173 : memref<128x32xf32, #tpu.memory_space<vmem>>) offsets(%dma_start3A_2174 : memref<128xi32, #tpu.memory_space<vmem>>) semaphore(%dma_start3A_2179 : memref<!tpu.dma_semaphore, #tpu.memory_space<semaphore_mem>>)
      %mul3A_2180 = arith.constant 5 : i32
      %mul3A_2181 = arith.muli %add3A_2116, %mul3A_2180 : i32
      %add3A_2182 = arith.constant 3 : i32
      %add3A_2183 = arith.addi %mul3A_2181, %add3A_2182 : i32
      %mul3A_2184 = arith.constant 128 : i32
      %mul3A_2185 = arith.muli %add3A_2183, %mul3A_2184 : i32
      %dma_start3A_2186 = arith.constant 3 : i32
      %dma_start3A_2187 = arith.constant 3 : i32
      %dma_start3A_2188 = arith.constant 0 : i32
      %dma_start3A_2189 = arith.constant 0 : i32
      %dma_start3A_2190 = tpu.memref_slice %arg6[%dma_start3A_2186, %dma_start3A_2188, %dma_start3A_2189] : memref<4x640x32xf32, #tpu.memory_space<vmem>> -> memref<1x640x32xf32, #tpu.memory_space<vmem>>
      %dma_start3A_2191 = tpu.memref_squeeze %dma_start3A_2190 : memref<1x640x32xf32, #tpu.memory_space<vmem>> -> memref<640x32xf32, #tpu.memory_space<vmem>>
      %dma_start3A_2192 = arith.constant 384 : i32
      %dma_start3A_2193 = arith.constant 0 : i32
      %dma_start3A_2194 = tpu.memref_slice %dma_start3A_2191[%dma_start3A_2192, %dma_start3A_2193] : memref<640x32xf32, #tpu.memory_space<vmem>> -> memref<128x32xf32, #tpu.memory_space<vmem>>
      %dma_start3A_2195 = tpu.memref_slice %arg5[%mul3A_2185] : memref<25600xi32, #tpu.memory_space<vmem>> -> memref<128xi32, #tpu.memory_space<vmem>>
      %dma_start3A_2196 = arith.constant 0 : i32
      %dma_start3A_2197 = arith.constant 0 : i32
      %dma_start3A_2198 = tpu.memref_slice %arg3[%dma_start3A_2196, %dma_start3A_2197] : memref<1000000x32xf32, #tpu.memory_space<hbm>> -> memref<1000000x32xf32, #tpu.memory_space<hbm>>
      %dma_start3A_2199 = tpu.memref_slice %arg7[%dma_start3A_2187] : memref<4x!tpu.dma_semaphore, #tpu.memory_space<semaphore_mem>> -> memref<1x!tpu.dma_semaphore, #tpu.memory_space<semaphore_mem>>
      %dma_start3A_2200 = tpu.memref_squeeze %dma_start3A_2199 : memref<1x!tpu.dma_semaphore, #tpu.memory_space<semaphore_mem>> -> memref<!tpu.dma_semaphore, #tpu.memory_space<semaphore_mem>>
      tpu.enqueue_indirect_dma source(%dma_start3A_2198 : memref<1000000x32xf32, #tpu.memory_space<hbm>>) target(%dma_start3A_2194 : memref<128x32xf32, #tpu.memory_space<vmem>>) offsets(%dma_start3A_2195 : memref<128xi32, #tpu.memory_space<vmem>>) semaphore(%dma_start3A_2200 : memref<!tpu.dma_semaphore, #tpu.memory_space<semaphore_mem>>)
      %mul3A_2201 = arith.constant 5 : i32
      %mul3A_2202 = arith.muli %add3A_2116, %mul3A_2201 : i32
      %add3A_2203 = arith.constant 4 : i32
      %add3A_2204 = arith.addi %mul3A_2202, %add3A_2203 : i32
      %mul3A_2205 = arith.constant 128 : i32
      %mul3A_2206 = arith.muli %add3A_2204, %mul3A_2205 : i32
      %dma_start3A_2207 = arith.constant 3 : i32
      %dma_start3A_2208 = arith.constant 3 : i32
      %dma_start3A_2209 = arith.constant 0 : i32
      %dma_start3A_2210 = arith.constant 0 : i32
      %dma_start3A_2211 = tpu.memref_slice %arg6[%dma_start3A_2207, %dma_start3A_2209, %dma_start3A_2210] : memref<4x640x32xf32, #tpu.memory_space<vmem>> -> memref<1x640x32xf32, #tpu.memory_space<vmem>>
      %dma_start3A_2212 = tpu.memref_squeeze %dma_start3A_2211 : memref<1x640x32xf32, #tpu.memory_space<vmem>> -> memref<640x32xf32, #tpu.memory_space<vmem>>
      %dma_start3A_2213 = arith.constant 512 : i32
      %dma_start3A_2214 = arith.constant 0 : i32
      %dma_start3A_2215 = tpu.memref_slice %dma_start3A_2212[%dma_start3A_2213, %dma_start3A_2214] : memref<640x32xf32, #tpu.memory_space<vmem>> -> memref<128x32xf32, #tpu.memory_space<vmem>>
      %dma_start3A_2216 = tpu.memref_slice %arg5[%mul3A_2206] : memref<25600xi32, #tpu.memory_space<vmem>> -> memref<128xi32, #tpu.memory_space<vmem>>
      %dma_start3A_2217 = arith.constant 0 : i32
      %dma_start3A_2218 = arith.constant 0 : i32
      %dma_start3A_2219 = tpu.memref_slice %arg3[%dma_start3A_2217, %dma_start3A_2218] : memref<1000000x32xf32, #tpu.memory_space<hbm>> -> memref<1000000x32xf32, #tpu.memory_space<hbm>>
      %dma_start3A_2220 = tpu.memref_slice %arg7[%dma_start3A_2208] : memref<4x!tpu.dma_semaphore, #tpu.memory_space<semaphore_mem>> -> memref<1x!tpu.dma_semaphore, #tpu.memory_space<semaphore_mem>>
      %dma_start3A_2221 = tpu.memref_squeeze %dma_start3A_2220 : memref<1x!tpu.dma_semaphore, #tpu.memory_space<semaphore_mem>> -> memref<!tpu.dma_semaphore, #tpu.memory_space<semaphore_mem>>
      tpu.enqueue_indirect_dma source(%dma_start3A_2219 : memref<1000000x32xf32, #tpu.memory_space<hbm>>) target(%dma_start3A_2215 : memref<128x32xf32, #tpu.memory_space<vmem>>) offsets(%dma_start3A_2216 : memref<128xi32, #tpu.memory_space<vmem>>) semaphore(%dma_start3A_2221 : memref<!tpu.dma_semaphore, #tpu.memory_space<semaphore_mem>>)
      %mul3A_2222 = arith.constant 5 : i32
      %mul3A_2223 = arith.muli %add3A_2091, %mul3A_2222 : i32
      %add3A_2224 = arith.constant 0 : i32
      %add3A_2225 = arith.addi %mul3A_2223, %add3A_2224 : i32
      %mul3A_2226 = arith.constant 128 : i32
      %mul3A_2227 = arith.muli %add3A_2225, %mul3A_2226 : i32
      %dma_wait3A_2228 = arith.constant 2 : i32
      %dma_wait3A_2229 = arith.constant 2 : i32
      %dma_wait3A_2230 = arith.constant 0 : i32
      %dma_wait3A_2231 = arith.constant 0 : i32
      %dma_wait3A_2232 = tpu.memref_slice %arg6[%dma_wait3A_2228, %dma_wait3A_2230, %dma_wait3A_2231] : memref<4x640x32xf32, #tpu.memory_space<vmem>> -> memref<1x640x32xf32, #tpu.memory_space<vmem>>
      %dma_wait3A_2233 = tpu.memref_squeeze %dma_wait3A_2232 : memref<1x640x32xf32, #tpu.memory_space<vmem>> -> memref<640x32xf32, #tpu.memory_space<vmem>>
      %dma_wait3A_2234 = arith.constant 0 : i32
      %dma_wait3A_2235 = arith.constant 0 : i32
      %dma_wait3A_2236 = tpu.memref_slice %dma_wait3A_2233[%dma_wait3A_2234, %dma_wait3A_2235] : memref<640x32xf32, #tpu.memory_space<vmem>> -> memref<128x32xf32, #tpu.memory_space<vmem>>
      %dma_wait3A_2237 = tpu.memref_slice %arg5[%mul3A_2227] : memref<25600xi32, #tpu.memory_space<vmem>> -> memref<128xi32, #tpu.memory_space<vmem>>
      %dma_wait3A_2238 = arith.constant 0 : i32
      %dma_wait3A_2239 = arith.constant 0 : i32
      %dma_wait3A_2240 = tpu.memref_slice %arg3[%dma_wait3A_2238, %dma_wait3A_2239] : memref<1000000x32xf32, #tpu.memory_space<hbm>> -> memref<1000000x32xf32, #tpu.memory_space<hbm>>
      %dma_wait3A_2241 = tpu.memref_slice %arg7[%dma_wait3A_2229] : memref<4x!tpu.dma_semaphore, #tpu.memory_space<semaphore_mem>> -> memref<1x!tpu.dma_semaphore, #tpu.memory_space<semaphore_mem>>
      %dma_wait3A_2242 = tpu.memref_squeeze %dma_wait3A_2241 : memref<1x!tpu.dma_semaphore, #tpu.memory_space<semaphore_mem>> -> memref<!tpu.dma_semaphore, #tpu.memory_space<semaphore_mem>>
      tpu.wait_indirect_dma semaphore(%dma_wait3A_2242 : memref<!tpu.dma_semaphore, #tpu.memory_space<semaphore_mem>>) src(%dma_wait3A_2240 : memref<1000000x32xf32, #tpu.memory_space<hbm>>) dst(%dma_wait3A_2236 : memref<128x32xf32, #tpu.memory_space<vmem>>)
      %mul3A_2243 = arith.constant 5 : i32
      %mul3A_2244 = arith.muli %add3A_2091, %mul3A_2243 : i32
      %add3A_2245 = arith.constant 1 : i32
      %add3A_2246 = arith.addi %mul3A_2244, %add3A_2245 : i32
      %mul3A_2247 = arith.constant 128 : i32
      %mul3A_2248 = arith.muli %add3A_2246, %mul3A_2247 : i32
      %dma_wait3A_2249 = arith.constant 2 : i32
      %dma_wait3A_2250 = arith.constant 2 : i32
      %dma_wait3A_2251 = arith.constant 0 : i32
      %dma_wait3A_2252 = arith.constant 0 : i32
      %dma_wait3A_2253 = tpu.memref_slice %arg6[%dma_wait3A_2249, %dma_wait3A_2251, %dma_wait3A_2252] : memref<4x640x32xf32, #tpu.memory_space<vmem>> -> memref<1x640x32xf32, #tpu.memory_space<vmem>>
      %dma_wait3A_2254 = tpu.memref_squeeze %dma_wait3A_2253 : memref<1x640x32xf32, #tpu.memory_space<vmem>> -> memref<640x32xf32, #tpu.memory_space<vmem>>
      %dma_wait3A_2255 = arith.constant 128 : i32
      %dma_wait3A_2256 = arith.constant 0 : i32
      %dma_wait3A_2257 = tpu.memref_slice %dma_wait3A_2254[%dma_wait3A_2255, %dma_wait3A_2256] : memref<640x32xf32, #tpu.memory_space<vmem>> -> memref<128x32xf32, #tpu.memory_space<vmem>>
      %dma_wait3A_2258 = tpu.memref_slice %arg5[%mul3A_2248] : memref<25600xi32, #tpu.memory_space<vmem>> -> memref<128xi32, #tpu.memory_space<vmem>>
      %dma_wait3A_2259 = arith.constant 0 : i32
      %dma_wait3A_2260 = arith.constant 0 : i32
      %dma_wait3A_2261 = tpu.memref_slice %arg3[%dma_wait3A_2259, %dma_wait3A_2260] : memref<1000000x32xf32, #tpu.memory_space<hbm>> -> memref<1000000x32xf32, #tpu.memory_space<hbm>>
      %dma_wait3A_2262 = tpu.memref_slice %arg7[%dma_wait3A_2250] : memref<4x!tpu.dma_semaphore, #tpu.memory_space<semaphore_mem>> -> memref<1x!tpu.dma_semaphore, #tpu.memory_space<semaphore_mem>>
      %dma_wait3A_2263 = tpu.memref_squeeze %dma_wait3A_2262 : memref<1x!tpu.dma_semaphore, #tpu.memory_space<semaphore_mem>> -> memref<!tpu.dma_semaphore, #tpu.memory_space<semaphore_mem>>
      tpu.wait_indirect_dma semaphore(%dma_wait3A_2263 : memref<!tpu.dma_semaphore, #tpu.memory_space<semaphore_mem>>) src(%dma_wait3A_2261 : memref<1000000x32xf32, #tpu.memory_space<hbm>>) dst(%dma_wait3A_2257 : memref<128x32xf32, #tpu.memory_space<vmem>>)
      %mul3A_2264 = arith.constant 5 : i32
      %mul3A_2265 = arith.muli %add3A_2091, %mul3A_2264 : i32
      %add3A_2266 = arith.constant 2 : i32
      %add3A_2267 = arith.addi %mul3A_2265, %add3A_2266 : i32
      %mul3A_2268 = arith.constant 128 : i32
      %mul3A_2269 = arith.muli %add3A_2267, %mul3A_2268 : i32
      %dma_wait3A_2270 = arith.constant 2 : i32
      %dma_wait3A_2271 = arith.constant 2 : i32
      %dma_wait3A_2272 = arith.constant 0 : i32
      %dma_wait3A_2273 = arith.constant 0 : i32
      %dma_wait3A_2274 = tpu.memref_slice %arg6[%dma_wait3A_2270, %dma_wait3A_2272, %dma_wait3A_2273] : memref<4x640x32xf32, #tpu.memory_space<vmem>> -> memref<1x640x32xf32, #tpu.memory_space<vmem>>
      %dma_wait3A_2275 = tpu.memref_squeeze %dma_wait3A_2274 : memref<1x640x32xf32, #tpu.memory_space<vmem>> -> memref<640x32xf32, #tpu.memory_space<vmem>>
      %dma_wait3A_2276 = arith.constant 256 : i32
      %dma_wait3A_2277 = arith.constant 0 : i32
      %dma_wait3A_2278 = tpu.memref_slice %dma_wait3A_2275[%dma_wait3A_2276, %dma_wait3A_2277] : memref<640x32xf32, #tpu.memory_space<vmem>> -> memref<128x32xf32, #tpu.memory_space<vmem>>
      %dma_wait3A_2279 = tpu.memref_slice %arg5[%mul3A_2269] : memref<25600xi32, #tpu.memory_space<vmem>> -> memref<128xi32, #tpu.memory_space<vmem>>
      %dma_wait3A_2280 = arith.constant 0 : i32
      %dma_wait3A_2281 = arith.constant 0 : i32
      %dma_wait3A_2282 = tpu.memref_slice %arg3[%dma_wait3A_2280, %dma_wait3A_2281] : memref<1000000x32xf32, #tpu.memory_space<hbm>> -> memref<1000000x32xf32, #tpu.memory_space<hbm>>
      %dma_wait3A_2283 = tpu.memref_slice %arg7[%dma_wait3A_2271] : memref<4x!tpu.dma_semaphore, #tpu.memory_space<semaphore_mem>> -> memref<1x!tpu.dma_semaphore, #tpu.memory_space<semaphore_mem>>
      %dma_wait3A_2284 = tpu.memref_squeeze %dma_wait3A_2283 : memref<1x!tpu.dma_semaphore, #tpu.memory_space<semaphore_mem>> -> memref<!tpu.dma_semaphore, #tpu.memory_space<semaphore_mem>>
      tpu.wait_indirect_dma semaphore(%dma_wait3A_2284 : memref<!tpu.dma_semaphore, #tpu.memory_space<semaphore_mem>>) src(%dma_wait3A_2282 : memref<1000000x32xf32, #tpu.memory_space<hbm>>) dst(%dma_wait3A_2278 : memref<128x32xf32, #tpu.memory_space<vmem>>)
      %mul3A_2285 = arith.constant 5 : i32
      %mul3A_2286 = arith.muli %add3A_2091, %mul3A_2285 : i32
      %add3A_2287 = arith.constant 3 : i32
      %add3A_2288 = arith.addi %mul3A_2286, %add3A_2287 : i32
      %mul3A_2289 = arith.constant 128 : i32
      %mul3A_2290 = arith.muli %add3A_2288, %mul3A_2289 : i32
      %dma_wait3A_2291 = arith.constant 2 : i32
      %dma_wait3A_2292 = arith.constant 2 : i32
      %dma_wait3A_2293 = arith.constant 0 : i32
      %dma_wait3A_2294 = arith.constant 0 : i32
      %dma_wait3A_2295 = tpu.memref_slice %arg6[%dma_wait3A_2291, %dma_wait3A_2293, %dma_wait3A_2294] : memref<4x640x32xf32, #tpu.memory_space<vmem>> -> memref<1x640x32xf32, #tpu.memory_space<vmem>>
      %dma_wait3A_2296 = tpu.memref_squeeze %dma_wait3A_2295 : memref<1x640x32xf32, #tpu.memory_space<vmem>> -> memref<640x32xf32, #tpu.memory_space<vmem>>
      %dma_wait3A_2297 = arith.constant 384 : i32
      %dma_wait3A_2298 = arith.constant 0 : i32
      %dma_wait3A_2299 = tpu.memref_slice %dma_wait3A_2296[%dma_wait3A_2297, %dma_wait3A_2298] : memref<640x32xf32, #tpu.memory_space<vmem>> -> memref<128x32xf32, #tpu.memory_space<vmem>>
      %dma_wait3A_2300 = tpu.memref_slice %arg5[%mul3A_2290] : memref<25600xi32, #tpu.memory_space<vmem>> -> memref<128xi32, #tpu.memory_space<vmem>>
      %dma_wait3A_2301 = arith.constant 0 : i32
      %dma_wait3A_2302 = arith.constant 0 : i32
      %dma_wait3A_2303 = tpu.memref_slice %arg3[%dma_wait3A_2301, %dma_wait3A_2302] : memref<1000000x32xf32, #tpu.memory_space<hbm>> -> memref<1000000x32xf32, #tpu.memory_space<hbm>>
      %dma_wait3A_2304 = tpu.memref_slice %arg7[%dma_wait3A_2292] : memref<4x!tpu.dma_semaphore, #tpu.memory_space<semaphore_mem>> -> memref<1x!tpu.dma_semaphore, #tpu.memory_space<semaphore_mem>>
      %dma_wait3A_2305 = tpu.memref_squeeze %dma_wait3A_2304 : memref<1x!tpu.dma_semaphore, #tpu.memory_space<semaphore_mem>> -> memref<!tpu.dma_semaphore, #tpu.memory_space<semaphore_mem>>
      tpu.wait_indirect_dma semaphore(%dma_wait3A_2305 : memref<!tpu.dma_semaphore, #tpu.memory_space<semaphore_mem>>) src(%dma_wait3A_2303 : memref<1000000x32xf32, #tpu.memory_space<hbm>>) dst(%dma_wait3A_2299 : memref<128x32xf32, #tpu.memory_space<vmem>>)
      %mul3A_2306 = arith.constant 5 : i32
      %mul3A_2307 = arith.muli %add3A_2091, %mul3A_2306 : i32
      %add3A_2308 = arith.constant 4 : i32
      %add3A_2309 = arith.addi %mul3A_2307, %add3A_2308 : i32
      %mul3A_2310 = arith.constant 128 : i32
      %mul3A_2311 = arith.muli %add3A_2309, %mul3A_2310 : i32
      %dma_wait3A_2312 = arith.constant 2 : i32
      %dma_wait3A_2313 = arith.constant 2 : i32
      %dma_wait3A_2314 = arith.constant 0 : i32
      %dma_wait3A_2315 = arith.constant 0 : i32
      %dma_wait3A_2316 = tpu.memref_slice %arg6[%dma_wait3A_2312, %dma_wait3A_2314, %dma_wait3A_2315] : memref<4x640x32xf32, #tpu.memory_space<vmem>> -> memref<1x640x32xf32, #tpu.memory_space<vmem>>
      %dma_wait3A_2317 = tpu.memref_squeeze %dma_wait3A_2316 : memref<1x640x32xf32, #tpu.memory_space<vmem>> -> memref<640x32xf32, #tpu.memory_space<vmem>>
      %dma_wait3A_2318 = arith.constant 512 : i32
      %dma_wait3A_2319 = arith.constant 0 : i32
      %dma_wait3A_2320 = tpu.memref_slice %dma_wait3A_2317[%dma_wait3A_2318, %dma_wait3A_2319] : memref<640x32xf32, #tpu.memory_space<vmem>> -> memref<128x32xf32, #tpu.memory_space<vmem>>
      %dma_wait3A_2321 = tpu.memref_slice %arg5[%mul3A_2311] : memref<25600xi32, #tpu.memory_space<vmem>> -> memref<128xi32, #tpu.memory_space<vmem>>
      %dma_wait3A_2322 = arith.constant 0 : i32
      %dma_wait3A_2323 = arith.constant 0 : i32
      %dma_wait3A_2324 = tpu.memref_slice %arg3[%dma_wait3A_2322, %dma_wait3A_2323] : memref<1000000x32xf32, #tpu.memory_space<hbm>> -> memref<1000000x32xf32, #tpu.memory_space<hbm>>
      %dma_wait3A_2325 = tpu.memref_slice %arg7[%dma_wait3A_2313] : memref<4x!tpu.dma_semaphore, #tpu.memory_space<semaphore_mem>> -> memref<1x!tpu.dma_semaphore, #tpu.memory_space<semaphore_mem>>
      %dma_wait3A_2326 = tpu.memref_squeeze %dma_wait3A_2325 : memref<1x!tpu.dma_semaphore, #tpu.memory_space<semaphore_mem>> -> memref<!tpu.dma_semaphore, #tpu.memory_space<semaphore_mem>>
      tpu.wait_indirect_dma semaphore(%dma_wait3A_2326 : memref<!tpu.dma_semaphore, #tpu.memory_space<semaphore_mem>>) src(%dma_wait3A_2324 : memref<1000000x32xf32, #tpu.memory_space<hbm>>) dst(%dma_wait3A_2320 : memref<128x32xf32, #tpu.memory_space<vmem>>)
      %mul3A_2327 = arith.constant 640 : i32
      %mul3A_2328 = arith.muli %add3A_2091, %mul3A_2327 : i32
      %add3A_2329 = arith.addi %mul3A_2, %mul3A_2328 : i32
      %dma_start3A_2330 = arith.constant 2 : i32
      %dma_start3A_2331 = arith.constant 2 : i32
      %dma_start3A_2332 = arith.constant 0 : i32
      %dma_start3A_2333 = arith.constant 0 : i32
      %dma_start3A_2334 = tpu.memref_slice %arg6[%dma_start3A_2330, %dma_start3A_2332, %dma_start3A_2333] : memref<4x640x32xf32, #tpu.memory_space<vmem>> -> memref<1x640x32xf32, #tpu.memory_space<vmem>>
      %dma_start3A_2335 = tpu.memref_squeeze %dma_start3A_2334 : memref<1x640x32xf32, #tpu.memory_space<vmem>> -> memref<640x32xf32, #tpu.memory_space<vmem>>
      %dma_start3A_2336 = arith.constant 0 : i32
      %dma_start3A_2337 = tpu.memref_slice %arg4[%add3A_2329, %dma_start3A_2336] : memref<819200x32xf32, #tpu.memory_space<hbm>> -> memref<640x32xf32, #tpu.memory_space<hbm>>
      %dma_start3A_2338 = tpu.memref_slice %arg8[%dma_start3A_2331] : memref<4x!tpu.dma_semaphore, #tpu.memory_space<semaphore_mem>> -> memref<1x!tpu.dma_semaphore, #tpu.memory_space<semaphore_mem>>
      %dma_start3A_2339 = tpu.memref_squeeze %dma_start3A_2338 : memref<1x!tpu.dma_semaphore, #tpu.memory_space<semaphore_mem>> -> memref<!tpu.dma_semaphore, #tpu.memory_space<semaphore_mem>>
      %dma_start3A_2340 = arith.constant 0 : i32
      %dma_start3A_2341 = tpu.memref_slice %arg4[%add3A_2329, %dma_start3A_2340] : memref<819200x32xf32, #tpu.memory_space<hbm>> -> memref<640x32xf32, #tpu.memory_space<hbm>>
      %dma_start3A_2342 = arith.constant 0 : i32
      %dma_start3A_2343 = arith.constant 0 : i32
      %dma_start3A_2344 = tpu.memref_slice %arg6[%dma_start3A_2330, %dma_start3A_2342, %dma_start3A_2343] : memref<4x640x32xf32, #tpu.memory_space<vmem>> -> memref<1x640x32xf32, #tpu.memory_space<vmem>>
      %dma_start3A_2345 = tpu.memref_squeeze %dma_start3A_2344 : memref<1x640x32xf32, #tpu.memory_space<vmem>> -> memref<640x32xf32, #tpu.memory_space<vmem>>
      tpu.enqueue_dma source(%dma_start3A_2345 : memref<640x32xf32, #tpu.memory_space<vmem>>) target(%dma_start3A_2341 : memref<640x32xf32, #tpu.memory_space<hbm>>) target_semaphore(%dma_start3A_2339 : memref<!tpu.dma_semaphore, #tpu.memory_space<semaphore_mem>>)
      %add3A_2346 = arith.constant 3 : i32
      %add3A_2347 = arith.addi %add3A_1578, %add3A_2346 : i32
      %add3A_2348 = arith.constant 1 : i32
      %add3A_2349 = arith.addi %add3A_2347, %add3A_2348 : i32
      %sub3A_2350 = arith.constant 4 : i32
      %sub3A_2351 = arith.subi %add3A_2349, %sub3A_2350 : i32
      %mul3A_2352 = arith.constant 640 : i32
      %mul3A_2353 = arith.muli %sub3A_2351, %mul3A_2352 : i32
      %add3A_2354 = arith.addi %mul3A_2, %mul3A_2353 : i32
      %dma_wait3A_2355 = arith.constant 0 : i32
      %dma_wait3A_2356 = arith.constant 0 : i32
      %dma_wait3A_2357 = arith.constant 0 : i32
      %dma_wait3A_2358 = arith.constant 0 : i32
      %dma_wait3A_2359 = tpu.memref_slice %arg6[%dma_wait3A_2355, %dma_wait3A_2357, %dma_wait3A_2358] : memref<4x640x32xf32, #tpu.memory_space<vmem>> -> memref<1x640x32xf32, #tpu.memory_space<vmem>>
      %dma_wait3A_2360 = tpu.memref_squeeze %dma_wait3A_2359 : memref<1x640x32xf32, #tpu.memory_space<vmem>> -> memref<640x32xf32, #tpu.memory_space<vmem>>
      %dma_wait3A_2361 = arith.constant 0 : i32
      %dma_wait3A_2362 = tpu.memref_slice %arg4[%add3A_2354, %dma_wait3A_2361] : memref<819200x32xf32, #tpu.memory_space<hbm>> -> memref<640x32xf32, #tpu.memory_space<hbm>>
      %dma_wait3A_2363 = tpu.memref_slice %arg8[%dma_wait3A_2356] : memref<4x!tpu.dma_semaphore, #tpu.memory_space<semaphore_mem>> -> memref<1x!tpu.dma_semaphore, #tpu.memory_space<semaphore_mem>>
      %dma_wait3A_2364 = tpu.memref_squeeze %dma_wait3A_2363 : memref<1x!tpu.dma_semaphore, #tpu.memory_space<semaphore_mem>> -> memref<!tpu.dma_semaphore, #tpu.memory_space<semaphore_mem>>
      %dma_wait3A_2365 = arith.constant 0 : i32
      %dma_wait3A_2366 = tpu.memref_slice %arg4[%add3A_2354, %dma_wait3A_2365] : memref<819200x32xf32, #tpu.memory_space<hbm>> -> memref<640x32xf32, #tpu.memory_space<hbm>>
      %dma_wait3A_2367 = arith.constant 0 : i32
      %dma_wait3A_2368 = arith.constant 0 : i32
      %dma_wait3A_2369 = tpu.memref_slice %arg6[%dma_wait3A_2355, %dma_wait3A_2367, %dma_wait3A_2368] : memref<4x640x32xf32, #tpu.memory_space<vmem>> -> memref<1x640x32xf32, #tpu.memory_space<vmem>>
      %dma_wait3A_2370 = tpu.memref_squeeze %dma_wait3A_2369 : memref<1x640x32xf32, #tpu.memory_space<vmem>> -> memref<640x32xf32, #tpu.memory_space<vmem>>
      tpu.wait_dma2 semaphore(%dma_wait3A_2364 : memref<!tpu.dma_semaphore, #tpu.memory_space<semaphore_mem>>) src(%dma_wait3A_2370 : memref<640x32xf32, #tpu.memory_space<vmem>>) dst(%dma_wait3A_2366 : memref<640x32xf32, #tpu.memory_space<hbm>>)
      %add3A_2371 = arith.constant 1 : i32
      %add3A_2372 = arith.addi %add3A_2347, %add3A_2371 : i32
      %mul3A_2373 = arith.constant 5 : i32
      %mul3A_2374 = arith.muli %add3A_2372, %mul3A_2373 : i32
      %add3A_2375 = arith.constant 0 : i32
      %add3A_2376 = arith.addi %mul3A_2374, %add3A_2375 : i32
      %mul3A_2377 = arith.constant 128 : i32
      %mul3A_2378 = arith.muli %add3A_2376, %mul3A_2377 : i32
      %dma_start3A_2379 = arith.constant 0 : i32
      %dma_start3A_2380 = arith.constant 0 : i32
      %dma_start3A_2381 = arith.constant 0 : i32
      %dma_start3A_2382 = arith.constant 0 : i32
      %dma_start3A_2383 = tpu.memref_slice %arg6[%dma_start3A_2379, %dma_start3A_2381, %dma_start3A_2382] : memref<4x640x32xf32, #tpu.memory_space<vmem>> -> memref<1x640x32xf32, #tpu.memory_space<vmem>>
      %dma_start3A_2384 = tpu.memref_squeeze %dma_start3A_2383 : memref<1x640x32xf32, #tpu.memory_space<vmem>> -> memref<640x32xf32, #tpu.memory_space<vmem>>
      %dma_start3A_2385 = arith.constant 0 : i32
      %dma_start3A_2386 = arith.constant 0 : i32
      %dma_start3A_2387 = tpu.memref_slice %dma_start3A_2384[%dma_start3A_2385, %dma_start3A_2386] : memref<640x32xf32, #tpu.memory_space<vmem>> -> memref<128x32xf32, #tpu.memory_space<vmem>>
      %dma_start3A_2388 = tpu.memref_slice %arg5[%mul3A_2378] : memref<25600xi32, #tpu.memory_space<vmem>> -> memref<128xi32, #tpu.memory_space<vmem>>
      %dma_start3A_2389 = arith.constant 0 : i32
      %dma_start3A_2390 = arith.constant 0 : i32
      %dma_start3A_2391 = tpu.memref_slice %arg3[%dma_start3A_2389, %dma_start3A_2390] : memref<1000000x32xf32, #tpu.memory_space<hbm>> -> memref<1000000x32xf32, #tpu.memory_space<hbm>>
      %dma_start3A_2392 = tpu.memref_slice %arg7[%dma_start3A_2380] : memref<4x!tpu.dma_semaphore, #tpu.memory_space<semaphore_mem>> -> memref<1x!tpu.dma_semaphore, #tpu.memory_space<semaphore_mem>>
      %dma_start3A_2393 = tpu.memref_squeeze %dma_start3A_2392 : memref<1x!tpu.dma_semaphore, #tpu.memory_space<semaphore_mem>> -> memref<!tpu.dma_semaphore, #tpu.memory_space<semaphore_mem>>
      tpu.enqueue_indirect_dma source(%dma_start3A_2391 : memref<1000000x32xf32, #tpu.memory_space<hbm>>) target(%dma_start3A_2387 : memref<128x32xf32, #tpu.memory_space<vmem>>) offsets(%dma_start3A_2388 : memref<128xi32, #tpu.memory_space<vmem>>) semaphore(%dma_start3A_2393 : memref<!tpu.dma_semaphore, #tpu.memory_space<semaphore_mem>>)
      %mul3A_2394 = arith.constant 5 : i32
      %mul3A_2395 = arith.muli %add3A_2372, %mul3A_2394 : i32
      %add3A_2396 = arith.constant 1 : i32
      %add3A_2397 = arith.addi %mul3A_2395, %add3A_2396 : i32
      %mul3A_2398 = arith.constant 128 : i32
      %mul3A_2399 = arith.muli %add3A_2397, %mul3A_2398 : i32
      %dma_start3A_2400 = arith.constant 0 : i32
      %dma_start3A_2401 = arith.constant 0 : i32
      %dma_start3A_2402 = arith.constant 0 : i32
      %dma_start3A_2403 = arith.constant 0 : i32
      %dma_start3A_2404 = tpu.memref_slice %arg6[%dma_start3A_2400, %dma_start3A_2402, %dma_start3A_2403] : memref<4x640x32xf32, #tpu.memory_space<vmem>> -> memref<1x640x32xf32, #tpu.memory_space<vmem>>
      %dma_start3A_2405 = tpu.memref_squeeze %dma_start3A_2404 : memref<1x640x32xf32, #tpu.memory_space<vmem>> -> memref<640x32xf32, #tpu.memory_space<vmem>>
      %dma_start3A_2406 = arith.constant 128 : i32
      %dma_start3A_2407 = arith.constant 0 : i32
      %dma_start3A_2408 = tpu.memref_slice %dma_start3A_2405[%dma_start3A_2406, %dma_start3A_2407] : memref<640x32xf32, #tpu.memory_space<vmem>> -> memref<128x32xf32, #tpu.memory_space<vmem>>
      %dma_start3A_2409 = tpu.memref_slice %arg5[%mul3A_2399] : memref<25600xi32, #tpu.memory_space<vmem>> -> memref<128xi32, #tpu.memory_space<vmem>>
      %dma_start3A_2410 = arith.constant 0 : i32
      %dma_start3A_2411 = arith.constant 0 : i32
      %dma_start3A_2412 = tpu.memref_slice %arg3[%dma_start3A_2410, %dma_start3A_2411] : memref<1000000x32xf32, #tpu.memory_space<hbm>> -> memref<1000000x32xf32, #tpu.memory_space<hbm>>
      %dma_start3A_2413 = tpu.memref_slice %arg7[%dma_start3A_2401] : memref<4x!tpu.dma_semaphore, #tpu.memory_space<semaphore_mem>> -> memref<1x!tpu.dma_semaphore, #tpu.memory_space<semaphore_mem>>
      %dma_start3A_2414 = tpu.memref_squeeze %dma_start3A_2413 : memref<1x!tpu.dma_semaphore, #tpu.memory_space<semaphore_mem>> -> memref<!tpu.dma_semaphore, #tpu.memory_space<semaphore_mem>>
      tpu.enqueue_indirect_dma source(%dma_start3A_2412 : memref<1000000x32xf32, #tpu.memory_space<hbm>>) target(%dma_start3A_2408 : memref<128x32xf32, #tpu.memory_space<vmem>>) offsets(%dma_start3A_2409 : memref<128xi32, #tpu.memory_space<vmem>>) semaphore(%dma_start3A_2414 : memref<!tpu.dma_semaphore, #tpu.memory_space<semaphore_mem>>)
      %mul3A_2415 = arith.constant 5 : i32
      %mul3A_2416 = arith.muli %add3A_2372, %mul3A_2415 : i32
      %add3A_2417 = arith.constant 2 : i32
      %add3A_2418 = arith.addi %mul3A_2416, %add3A_2417 : i32
      %mul3A_2419 = arith.constant 128 : i32
      %mul3A_2420 = arith.muli %add3A_2418, %mul3A_2419 : i32
      %dma_start3A_2421 = arith.constant 0 : i32
      %dma_start3A_2422 = arith.constant 0 : i32
      %dma_start3A_2423 = arith.constant 0 : i32
      %dma_start3A_2424 = arith.constant 0 : i32
      %dma_start3A_2425 = tpu.memref_slice %arg6[%dma_start3A_2421, %dma_start3A_2423, %dma_start3A_2424] : memref<4x640x32xf32, #tpu.memory_space<vmem>> -> memref<1x640x32xf32, #tpu.memory_space<vmem>>
      %dma_start3A_2426 = tpu.memref_squeeze %dma_start3A_2425 : memref<1x640x32xf32, #tpu.memory_space<vmem>> -> memref<640x32xf32, #tpu.memory_space<vmem>>
      %dma_start3A_2427 = arith.constant 256 : i32
      %dma_start3A_2428 = arith.constant 0 : i32
      %dma_start3A_2429 = tpu.memref_slice %dma_start3A_2426[%dma_start3A_2427, %dma_start3A_2428] : memref<640x32xf32, #tpu.memory_space<vmem>> -> memref<128x32xf32, #tpu.memory_space<vmem>>
      %dma_start3A_2430 = tpu.memref_slice %arg5[%mul3A_2420] : memref<25600xi32, #tpu.memory_space<vmem>> -> memref<128xi32, #tpu.memory_space<vmem>>
      %dma_start3A_2431 = arith.constant 0 : i32
      %dma_start3A_2432 = arith.constant 0 : i32
      %dma_start3A_2433 = tpu.memref_slice %arg3[%dma_start3A_2431, %dma_start3A_2432] : memref<1000000x32xf32, #tpu.memory_space<hbm>> -> memref<1000000x32xf32, #tpu.memory_space<hbm>>
      %dma_start3A_2434 = tpu.memref_slice %arg7[%dma_start3A_2422] : memref<4x!tpu.dma_semaphore, #tpu.memory_space<semaphore_mem>> -> memref<1x!tpu.dma_semaphore, #tpu.memory_space<semaphore_mem>>
      %dma_start3A_2435 = tpu.memref_squeeze %dma_start3A_2434 : memref<1x!tpu.dma_semaphore, #tpu.memory_space<semaphore_mem>> -> memref<!tpu.dma_semaphore, #tpu.memory_space<semaphore_mem>>
      tpu.enqueue_indirect_dma source(%dma_start3A_2433 : memref<1000000x32xf32, #tpu.memory_space<hbm>>) target(%dma_start3A_2429 : memref<128x32xf32, #tpu.memory_space<vmem>>) offsets(%dma_start3A_2430 : memref<128xi32, #tpu.memory_space<vmem>>) semaphore(%dma_start3A_2435 : memref<!tpu.dma_semaphore, #tpu.memory_space<semaphore_mem>>)
      %mul3A_2436 = arith.constant 5 : i32
      %mul3A_2437 = arith.muli %add3A_2372, %mul3A_2436 : i32
      %add3A_2438 = arith.constant 3 : i32
      %add3A_2439 = arith.addi %mul3A_2437, %add3A_2438 : i32
      %mul3A_2440 = arith.constant 128 : i32
      %mul3A_2441 = arith.muli %add3A_2439, %mul3A_2440 : i32
      %dma_start3A_2442 = arith.constant 0 : i32
      %dma_start3A_2443 = arith.constant 0 : i32
      %dma_start3A_2444 = arith.constant 0 : i32
      %dma_start3A_2445 = arith.constant 0 : i32
      %dma_start3A_2446 = tpu.memref_slice %arg6[%dma_start3A_2442, %dma_start3A_2444, %dma_start3A_2445] : memref<4x640x32xf32, #tpu.memory_space<vmem>> -> memref<1x640x32xf32, #tpu.memory_space<vmem>>
      %dma_start3A_2447 = tpu.memref_squeeze %dma_start3A_2446 : memref<1x640x32xf32, #tpu.memory_space<vmem>> -> memref<640x32xf32, #tpu.memory_space<vmem>>
      %dma_start3A_2448 = arith.constant 384 : i32
      %dma_start3A_2449 = arith.constant 0 : i32
      %dma_start3A_2450 = tpu.memref_slice %dma_start3A_2447[%dma_start3A_2448, %dma_start3A_2449] : memref<640x32xf32, #tpu.memory_space<vmem>> -> memref<128x32xf32, #tpu.memory_space<vmem>>
      %dma_start3A_2451 = tpu.memref_slice %arg5[%mul3A_2441] : memref<25600xi32, #tpu.memory_space<vmem>> -> memref<128xi32, #tpu.memory_space<vmem>>
      %dma_start3A_2452 = arith.constant 0 : i32
      %dma_start3A_2453 = arith.constant 0 : i32
      %dma_start3A_2454 = tpu.memref_slice %arg3[%dma_start3A_2452, %dma_start3A_2453] : memref<1000000x32xf32, #tpu.memory_space<hbm>> -> memref<1000000x32xf32, #tpu.memory_space<hbm>>
      %dma_start3A_2455 = tpu.memref_slice %arg7[%dma_start3A_2443] : memref<4x!tpu.dma_semaphore, #tpu.memory_space<semaphore_mem>> -> memref<1x!tpu.dma_semaphore, #tpu.memory_space<semaphore_mem>>
      %dma_start3A_2456 = tpu.memref_squeeze %dma_start3A_2455 : memref<1x!tpu.dma_semaphore, #tpu.memory_space<semaphore_mem>> -> memref<!tpu.dma_semaphore, #tpu.memory_space<semaphore_mem>>
      tpu.enqueue_indirect_dma source(%dma_start3A_2454 : memref<1000000x32xf32, #tpu.memory_space<hbm>>) target(%dma_start3A_2450 : memref<128x32xf32, #tpu.memory_space<vmem>>) offsets(%dma_start3A_2451 : memref<128xi32, #tpu.memory_space<vmem>>) semaphore(%dma_start3A_2456 : memref<!tpu.dma_semaphore, #tpu.memory_space<semaphore_mem>>)
      %mul3A_2457 = arith.constant 5 : i32
      %mul3A_2458 = arith.muli %add3A_2372, %mul3A_2457 : i32
      %add3A_2459 = arith.constant 4 : i32
      %add3A_2460 = arith.addi %mul3A_2458, %add3A_2459 : i32
      %mul3A_2461 = arith.constant 128 : i32
      %mul3A_2462 = arith.muli %add3A_2460, %mul3A_2461 : i32
      %dma_start3A_2463 = arith.constant 0 : i32
      %dma_start3A_2464 = arith.constant 0 : i32
      %dma_start3A_2465 = arith.constant 0 : i32
      %dma_start3A_2466 = arith.constant 0 : i32
      %dma_start3A_2467 = tpu.memref_slice %arg6[%dma_start3A_2463, %dma_start3A_2465, %dma_start3A_2466] : memref<4x640x32xf32, #tpu.memory_space<vmem>> -> memref<1x640x32xf32, #tpu.memory_space<vmem>>
      %dma_start3A_2468 = tpu.memref_squeeze %dma_start3A_2467 : memref<1x640x32xf32, #tpu.memory_space<vmem>> -> memref<640x32xf32, #tpu.memory_space<vmem>>
      %dma_start3A_2469 = arith.constant 512 : i32
      %dma_start3A_2470 = arith.constant 0 : i32
      %dma_start3A_2471 = tpu.memref_slice %dma_start3A_2468[%dma_start3A_2469, %dma_start3A_2470] : memref<640x32xf32, #tpu.memory_space<vmem>> -> memref<128x32xf32, #tpu.memory_space<vmem>>
      %dma_start3A_2472 = tpu.memref_slice %arg5[%mul3A_2462] : memref<25600xi32, #tpu.memory_space<vmem>> -> memref<128xi32, #tpu.memory_space<vmem>>
      %dma_start3A_2473 = arith.constant 0 : i32
      %dma_start3A_2474 = arith.constant 0 : i32
      %dma_start3A_2475 = tpu.memref_slice %arg3[%dma_start3A_2473, %dma_start3A_2474] : memref<1000000x32xf32, #tpu.memory_space<hbm>> -> memref<1000000x32xf32, #tpu.memory_space<hbm>>
      %dma_start3A_2476 = tpu.memref_slice %arg7[%dma_start3A_2464] : memref<4x!tpu.dma_semaphore, #tpu.memory_space<semaphore_mem>> -> memref<1x!tpu.dma_semaphore, #tpu.memory_space<semaphore_mem>>
      %dma_start3A_2477 = tpu.memref_squeeze %dma_start3A_2476 : memref<1x!tpu.dma_semaphore, #tpu.memory_space<semaphore_mem>> -> memref<!tpu.dma_semaphore, #tpu.memory_space<semaphore_mem>>
      tpu.enqueue_indirect_dma source(%dma_start3A_2475 : memref<1000000x32xf32, #tpu.memory_space<hbm>>) target(%dma_start3A_2471 : memref<128x32xf32, #tpu.memory_space<vmem>>) offsets(%dma_start3A_2472 : memref<128xi32, #tpu.memory_space<vmem>>) semaphore(%dma_start3A_2477 : memref<!tpu.dma_semaphore, #tpu.memory_space<semaphore_mem>>)
      %mul3A_2478 = arith.constant 5 : i32
      %mul3A_2479 = arith.muli %add3A_2347, %mul3A_2478 : i32
      %add3A_2480 = arith.constant 0 : i32
      %add3A_2481 = arith.addi %mul3A_2479, %add3A_2480 : i32
      %mul3A_2482 = arith.constant 128 : i32
      %mul3A_2483 = arith.muli %add3A_2481, %mul3A_2482 : i32
      %dma_wait3A_2484 = arith.constant 3 : i32
      %dma_wait3A_2485 = arith.constant 3 : i32
      %dma_wait3A_2486 = arith.constant 0 : i32
      %dma_wait3A_2487 = arith.constant 0 : i32
      %dma_wait3A_2488 = tpu.memref_slice %arg6[%dma_wait3A_2484, %dma_wait3A_2486, %dma_wait3A_2487] : memref<4x640x32xf32, #tpu.memory_space<vmem>> -> memref<1x640x32xf32, #tpu.memory_space<vmem>>
      %dma_wait3A_2489 = tpu.memref_squeeze %dma_wait3A_2488 : memref<1x640x32xf32, #tpu.memory_space<vmem>> -> memref<640x32xf32, #tpu.memory_space<vmem>>
      %dma_wait3A_2490 = arith.constant 0 : i32
      %dma_wait3A_2491 = arith.constant 0 : i32
      %dma_wait3A_2492 = tpu.memref_slice %dma_wait3A_2489[%dma_wait3A_2490, %dma_wait3A_2491] : memref<640x32xf32, #tpu.memory_space<vmem>> -> memref<128x32xf32, #tpu.memory_space<vmem>>
      %dma_wait3A_2493 = tpu.memref_slice %arg5[%mul3A_2483] : memref<25600xi32, #tpu.memory_space<vmem>> -> memref<128xi32, #tpu.memory_space<vmem>>
      %dma_wait3A_2494 = arith.constant 0 : i32
      %dma_wait3A_2495 = arith.constant 0 : i32
      %dma_wait3A_2496 = tpu.memref_slice %arg3[%dma_wait3A_2494, %dma_wait3A_2495] : memref<1000000x32xf32, #tpu.memory_space<hbm>> -> memref<1000000x32xf32, #tpu.memory_space<hbm>>
      %dma_wait3A_2497 = tpu.memref_slice %arg7[%dma_wait3A_2485] : memref<4x!tpu.dma_semaphore, #tpu.memory_space<semaphore_mem>> -> memref<1x!tpu.dma_semaphore, #tpu.memory_space<semaphore_mem>>
      %dma_wait3A_2498 = tpu.memref_squeeze %dma_wait3A_2497 : memref<1x!tpu.dma_semaphore, #tpu.memory_space<semaphore_mem>> -> memref<!tpu.dma_semaphore, #tpu.memory_space<semaphore_mem>>
      tpu.wait_indirect_dma semaphore(%dma_wait3A_2498 : memref<!tpu.dma_semaphore, #tpu.memory_space<semaphore_mem>>) src(%dma_wait3A_2496 : memref<1000000x32xf32, #tpu.memory_space<hbm>>) dst(%dma_wait3A_2492 : memref<128x32xf32, #tpu.memory_space<vmem>>)
      %mul3A_2499 = arith.constant 5 : i32
      %mul3A_2500 = arith.muli %add3A_2347, %mul3A_2499 : i32
      %add3A_2501 = arith.constant 1 : i32
      %add3A_2502 = arith.addi %mul3A_2500, %add3A_2501 : i32
      %mul3A_2503 = arith.constant 128 : i32
      %mul3A_2504 = arith.muli %add3A_2502, %mul3A_2503 : i32
      %dma_wait3A_2505 = arith.constant 3 : i32
      %dma_wait3A_2506 = arith.constant 3 : i32
      %dma_wait3A_2507 = arith.constant 0 : i32
      %dma_wait3A_2508 = arith.constant 0 : i32
      %dma_wait3A_2509 = tpu.memref_slice %arg6[%dma_wait3A_2505, %dma_wait3A_2507, %dma_wait3A_2508] : memref<4x640x32xf32, #tpu.memory_space<vmem>> -> memref<1x640x32xf32, #tpu.memory_space<vmem>>
      %dma_wait3A_2510 = tpu.memref_squeeze %dma_wait3A_2509 : memref<1x640x32xf32, #tpu.memory_space<vmem>> -> memref<640x32xf32, #tpu.memory_space<vmem>>
      %dma_wait3A_2511 = arith.constant 128 : i32
      %dma_wait3A_2512 = arith.constant 0 : i32
      %dma_wait3A_2513 = tpu.memref_slice %dma_wait3A_2510[%dma_wait3A_2511, %dma_wait3A_2512] : memref<640x32xf32, #tpu.memory_space<vmem>> -> memref<128x32xf32, #tpu.memory_space<vmem>>
      %dma_wait3A_2514 = tpu.memref_slice %arg5[%mul3A_2504] : memref<25600xi32, #tpu.memory_space<vmem>> -> memref<128xi32, #tpu.memory_space<vmem>>
      %dma_wait3A_2515 = arith.constant 0 : i32
      %dma_wait3A_2516 = arith.constant 0 : i32
      %dma_wait3A_2517 = tpu.memref_slice %arg3[%dma_wait3A_2515, %dma_wait3A_2516] : memref<1000000x32xf32, #tpu.memory_space<hbm>> -> memref<1000000x32xf32, #tpu.memory_space<hbm>>
      %dma_wait3A_2518 = tpu.memref_slice %arg7[%dma_wait3A_2506] : memref<4x!tpu.dma_semaphore, #tpu.memory_space<semaphore_mem>> -> memref<1x!tpu.dma_semaphore, #tpu.memory_space<semaphore_mem>>
      %dma_wait3A_2519 = tpu.memref_squeeze %dma_wait3A_2518 : memref<1x!tpu.dma_semaphore, #tpu.memory_space<semaphore_mem>> -> memref<!tpu.dma_semaphore, #tpu.memory_space<semaphore_mem>>
      tpu.wait_indirect_dma semaphore(%dma_wait3A_2519 : memref<!tpu.dma_semaphore, #tpu.memory_space<semaphore_mem>>) src(%dma_wait3A_2517 : memref<1000000x32xf32, #tpu.memory_space<hbm>>) dst(%dma_wait3A_2513 : memref<128x32xf32, #tpu.memory_space<vmem>>)
      %mul3A_2520 = arith.constant 5 : i32
      %mul3A_2521 = arith.muli %add3A_2347, %mul3A_2520 : i32
      %add3A_2522 = arith.constant 2 : i32
      %add3A_2523 = arith.addi %mul3A_2521, %add3A_2522 : i32
      %mul3A_2524 = arith.constant 128 : i32
      %mul3A_2525 = arith.muli %add3A_2523, %mul3A_2524 : i32
      %dma_wait3A_2526 = arith.constant 3 : i32
      %dma_wait3A_2527 = arith.constant 3 : i32
      %dma_wait3A_2528 = arith.constant 0 : i32
      %dma_wait3A_2529 = arith.constant 0 : i32
      %dma_wait3A_2530 = tpu.memref_slice %arg6[%dma_wait3A_2526, %dma_wait3A_2528, %dma_wait3A_2529] : memref<4x640x32xf32, #tpu.memory_space<vmem>> -> memref<1x640x32xf32, #tpu.memory_space<vmem>>
      %dma_wait3A_2531 = tpu.memref_squeeze %dma_wait3A_2530 : memref<1x640x32xf32, #tpu.memory_space<vmem>> -> memref<640x32xf32, #tpu.memory_space<vmem>>
      %dma_wait3A_2532 = arith.constant 256 : i32
      %dma_wait3A_2533 = arith.constant 0 : i32
      %dma_wait3A_2534 = tpu.memref_slice %dma_wait3A_2531[%dma_wait3A_2532, %dma_wait3A_2533] : memref<640x32xf32, #tpu.memory_space<vmem>> -> memref<128x32xf32, #tpu.memory_space<vmem>>
      %dma_wait3A_2535 = tpu.memref_slice %arg5[%mul3A_2525] : memref<25600xi32, #tpu.memory_space<vmem>> -> memref<128xi32, #tpu.memory_space<vmem>>
      %dma_wait3A_2536 = arith.constant 0 : i32
      %dma_wait3A_2537 = arith.constant 0 : i32
      %dma_wait3A_2538 = tpu.memref_slice %arg3[%dma_wait3A_2536, %dma_wait3A_2537] : memref<1000000x32xf32, #tpu.memory_space<hbm>> -> memref<1000000x32xf32, #tpu.memory_space<hbm>>
      %dma_wait3A_2539 = tpu.memref_slice %arg7[%dma_wait3A_2527] : memref<4x!tpu.dma_semaphore, #tpu.memory_space<semaphore_mem>> -> memref<1x!tpu.dma_semaphore, #tpu.memory_space<semaphore_mem>>
      %dma_wait3A_2540 = tpu.memref_squeeze %dma_wait3A_2539 : memref<1x!tpu.dma_semaphore, #tpu.memory_space<semaphore_mem>> -> memref<!tpu.dma_semaphore, #tpu.memory_space<semaphore_mem>>
      tpu.wait_indirect_dma semaphore(%dma_wait3A_2540 : memref<!tpu.dma_semaphore, #tpu.memory_space<semaphore_mem>>) src(%dma_wait3A_2538 : memref<1000000x32xf32, #tpu.memory_space<hbm>>) dst(%dma_wait3A_2534 : memref<128x32xf32, #tpu.memory_space<vmem>>)
      %mul3A_2541 = arith.constant 5 : i32
      %mul3A_2542 = arith.muli %add3A_2347, %mul3A_2541 : i32
      %add3A_2543 = arith.constant 3 : i32
      %add3A_2544 = arith.addi %mul3A_2542, %add3A_2543 : i32
      %mul3A_2545 = arith.constant 128 : i32
      %mul3A_2546 = arith.muli %add3A_2544, %mul3A_2545 : i32
      %dma_wait3A_2547 = arith.constant 3 : i32
      %dma_wait3A_2548 = arith.constant 3 : i32
      %dma_wait3A_2549 = arith.constant 0 : i32
      %dma_wait3A_2550 = arith.constant 0 : i32
      %dma_wait3A_2551 = tpu.memref_slice %arg6[%dma_wait3A_2547, %dma_wait3A_2549, %dma_wait3A_2550] : memref<4x640x32xf32, #tpu.memory_space<vmem>> -> memref<1x640x32xf32, #tpu.memory_space<vmem>>
      %dma_wait3A_2552 = tpu.memref_squeeze %dma_wait3A_2551 : memref<1x640x32xf32, #tpu.memory_space<vmem>> -> memref<640x32xf32, #tpu.memory_space<vmem>>
      %dma_wait3A_2553 = arith.constant 384 : i32
      %dma_wait3A_2554 = arith.constant 0 : i32
      %dma_wait3A_2555 = tpu.memref_slice %dma_wait3A_2552[%dma_wait3A_2553, %dma_wait3A_2554] : memref<640x32xf32, #tpu.memory_space<vmem>> -> memref<128x32xf32, #tpu.memory_space<vmem>>
      %dma_wait3A_2556 = tpu.memref_slice %arg5[%mul3A_2546] : memref<25600xi32, #tpu.memory_space<vmem>> -> memref<128xi32, #tpu.memory_space<vmem>>
      %dma_wait3A_2557 = arith.constant 0 : i32
      %dma_wait3A_2558 = arith.constant 0 : i32
      %dma_wait3A_2559 = tpu.memref_slice %arg3[%dma_wait3A_2557, %dma_wait3A_2558] : memref<1000000x32xf32, #tpu.memory_space<hbm>> -> memref<1000000x32xf32, #tpu.memory_space<hbm>>
      %dma_wait3A_2560 = tpu.memref_slice %arg7[%dma_wait3A_2548] : memref<4x!tpu.dma_semaphore, #tpu.memory_space<semaphore_mem>> -> memref<1x!tpu.dma_semaphore, #tpu.memory_space<semaphore_mem>>
      %dma_wait3A_2561 = tpu.memref_squeeze %dma_wait3A_2560 : memref<1x!tpu.dma_semaphore, #tpu.memory_space<semaphore_mem>> -> memref<!tpu.dma_semaphore, #tpu.memory_space<semaphore_mem>>
      tpu.wait_indirect_dma semaphore(%dma_wait3A_2561 : memref<!tpu.dma_semaphore, #tpu.memory_space<semaphore_mem>>) src(%dma_wait3A_2559 : memref<1000000x32xf32, #tpu.memory_space<hbm>>) dst(%dma_wait3A_2555 : memref<128x32xf32, #tpu.memory_space<vmem>>)
      %mul3A_2562 = arith.constant 5 : i32
      %mul3A_2563 = arith.muli %add3A_2347, %mul3A_2562 : i32
      %add3A_2564 = arith.constant 4 : i32
      %add3A_2565 = arith.addi %mul3A_2563, %add3A_2564 : i32
      %mul3A_2566 = arith.constant 128 : i32
      %mul3A_2567 = arith.muli %add3A_2565, %mul3A_2566 : i32
      %dma_wait3A_2568 = arith.constant 3 : i32
      %dma_wait3A_2569 = arith.constant 3 : i32
      %dma_wait3A_2570 = arith.constant 0 : i32
      %dma_wait3A_2571 = arith.constant 0 : i32
      %dma_wait3A_2572 = tpu.memref_slice %arg6[%dma_wait3A_2568, %dma_wait3A_2570, %dma_wait3A_2571] : memref<4x640x32xf32, #tpu.memory_space<vmem>> -> memref<1x640x32xf32, #tpu.memory_space<vmem>>
      %dma_wait3A_2573 = tpu.memref_squeeze %dma_wait3A_2572 : memref<1x640x32xf32, #tpu.memory_space<vmem>> -> memref<640x32xf32, #tpu.memory_space<vmem>>
      %dma_wait3A_2574 = arith.constant 512 : i32
      %dma_wait3A_2575 = arith.constant 0 : i32
      %dma_wait3A_2576 = tpu.memref_slice %dma_wait3A_2573[%dma_wait3A_2574, %dma_wait3A_2575] : memref<640x32xf32, #tpu.memory_space<vmem>> -> memref<128x32xf32, #tpu.memory_space<vmem>>
      %dma_wait3A_2577 = tpu.memref_slice %arg5[%mul3A_2567] : memref<25600xi32, #tpu.memory_space<vmem>> -> memref<128xi32, #tpu.memory_space<vmem>>
      %dma_wait3A_2578 = arith.constant 0 : i32
      %dma_wait3A_2579 = arith.constant 0 : i32
      %dma_wait3A_2580 = tpu.memref_slice %arg3[%dma_wait3A_2578, %dma_wait3A_2579] : memref<1000000x32xf32, #tpu.memory_space<hbm>> -> memref<1000000x32xf32, #tpu.memory_space<hbm>>
      %dma_wait3A_2581 = tpu.memref_slice %arg7[%dma_wait3A_2569] : memref<4x!tpu.dma_semaphore, #tpu.memory_space<semaphore_mem>> -> memref<1x!tpu.dma_semaphore, #tpu.memory_space<semaphore_mem>>
      %dma_wait3A_2582 = tpu.memref_squeeze %dma_wait3A_2581 : memref<1x!tpu.dma_semaphore, #tpu.memory_space<semaphore_mem>> -> memref<!tpu.dma_semaphore, #tpu.memory_space<semaphore_mem>>
      tpu.wait_indirect_dma semaphore(%dma_wait3A_2582 : memref<!tpu.dma_semaphore, #tpu.memory_space<semaphore_mem>>) src(%dma_wait3A_2580 : memref<1000000x32xf32, #tpu.memory_space<hbm>>) dst(%dma_wait3A_2576 : memref<128x32xf32, #tpu.memory_space<vmem>>)
      %mul3A_2583 = arith.constant 640 : i32
      %mul3A_2584 = arith.muli %add3A_2347, %mul3A_2583 : i32
      %add3A_2585 = arith.addi %mul3A_2, %mul3A_2584 : i32
      %dma_start3A_2586 = arith.constant 3 : i32
      %dma_start3A_2587 = arith.constant 3 : i32
      %dma_start3A_2588 = arith.constant 0 : i32
      %dma_start3A_2589 = arith.constant 0 : i32
      %dma_start3A_2590 = tpu.memref_slice %arg6[%dma_start3A_2586, %dma_start3A_2588, %dma_start3A_2589] : memref<4x640x32xf32, #tpu.memory_space<vmem>> -> memref<1x640x32xf32, #tpu.memory_space<vmem>>
      %dma_start3A_2591 = tpu.memref_squeeze %dma_start3A_2590 : memref<1x640x32xf32, #tpu.memory_space<vmem>> -> memref<640x32xf32, #tpu.memory_space<vmem>>
      %dma_start3A_2592 = arith.constant 0 : i32
      %dma_start3A_2593 = tpu.memref_slice %arg4[%add3A_2585, %dma_start3A_2592] : memref<819200x32xf32, #tpu.memory_space<hbm>> -> memref<640x32xf32, #tpu.memory_space<hbm>>
      %dma_start3A_2594 = tpu.memref_slice %arg8[%dma_start3A_2587] : memref<4x!tpu.dma_semaphore, #tpu.memory_space<semaphore_mem>> -> memref<1x!tpu.dma_semaphore, #tpu.memory_space<semaphore_mem>>
      %dma_start3A_2595 = tpu.memref_squeeze %dma_start3A_2594 : memref<1x!tpu.dma_semaphore, #tpu.memory_space<semaphore_mem>> -> memref<!tpu.dma_semaphore, #tpu.memory_space<semaphore_mem>>
      %dma_start3A_2596 = arith.constant 0 : i32
      %dma_start3A_2597 = tpu.memref_slice %arg4[%add3A_2585, %dma_start3A_2596] : memref<819200x32xf32, #tpu.memory_space<hbm>> -> memref<640x32xf32, #tpu.memory_space<hbm>>
      %dma_start3A_2598 = arith.constant 0 : i32
      %dma_start3A_2599 = arith.constant 0 : i32
      %dma_start3A_2600 = tpu.memref_slice %arg6[%dma_start3A_2586, %dma_start3A_2598, %dma_start3A_2599] : memref<4x640x32xf32, #tpu.memory_space<vmem>> -> memref<1x640x32xf32, #tpu.memory_space<vmem>>
      %dma_start3A_2601 = tpu.memref_squeeze %dma_start3A_2600 : memref<1x640x32xf32, #tpu.memory_space<vmem>> -> memref<640x32xf32, #tpu.memory_space<vmem>>
      tpu.enqueue_dma source(%dma_start3A_2601 : memref<640x32xf32, #tpu.memory_space<vmem>>) target(%dma_start3A_2597 : memref<640x32xf32, #tpu.memory_space<hbm>>) target_semaphore(%dma_start3A_2595 : memref<!tpu.dma_semaphore, #tpu.memory_space<semaphore_mem>>)
    }
    %scan3A_815 = arith.constant 8 : i32
    %add3A_816 = arith.constant 21120 : i32
    %add3A_817 = arith.addi %mul3A_2, %add3A_816 : i32
    %dma_wait3A_818 = arith.constant 1 : i32
    %dma_wait3A_819 = arith.constant 1 : i32
    %dma_wait3A_820 = arith.constant 0 : i32
    %dma_wait3A_821 = arith.constant 0 : i32
    %dma_wait3A_822 = tpu.memref_slice %arg6[%dma_wait3A_818, %dma_wait3A_820, %dma_wait3A_821] : memref<4x640x32xf32, #tpu.memory_space<vmem>> -> memref<1x640x32xf32, #tpu.memory_space<vmem>>
    %dma_wait3A_823 = tpu.memref_squeeze %dma_wait3A_822 : memref<1x640x32xf32, #tpu.memory_space<vmem>> -> memref<640x32xf32, #tpu.memory_space<vmem>>
    %dma_wait3A_824 = arith.constant 0 : i32
    %dma_wait3A_825 = tpu.memref_slice %arg4[%add3A_817, %dma_wait3A_824] : memref<819200x32xf32, #tpu.memory_space<hbm>> -> memref<640x32xf32, #tpu.memory_space<hbm>>
    %dma_wait3A_826 = tpu.memref_slice %arg8[%dma_wait3A_819] : memref<4x!tpu.dma_semaphore, #tpu.memory_space<semaphore_mem>> -> memref<1x!tpu.dma_semaphore, #tpu.memory_space<semaphore_mem>>
    %dma_wait3A_827 = tpu.memref_squeeze %dma_wait3A_826 : memref<1x!tpu.dma_semaphore, #tpu.memory_space<semaphore_mem>> -> memref<!tpu.dma_semaphore, #tpu.memory_space<semaphore_mem>>
    %dma_wait3A_828 = arith.constant 0 : i32
    %dma_wait3A_829 = tpu.memref_slice %arg4[%add3A_817, %dma_wait3A_828] : memref<819200x32xf32, #tpu.memory_space<hbm>> -> memref<640x32xf32, #tpu.memory_space<hbm>>
    %dma_wait3A_830 = arith.constant 0 : i32
    %dma_wait3A_831 = arith.constant 0 : i32
    %dma_wait3A_832 = tpu.memref_slice %arg6[%dma_wait3A_818, %dma_wait3A_830, %dma_wait3A_831] : memref<4x640x32xf32, #tpu.memory_space<vmem>> -> memref<1x640x32xf32, #tpu.memory_space<vmem>>
    %dma_wait3A_833 = tpu.memref_squeeze %dma_wait3A_832 : memref<1x640x32xf32, #tpu.memory_space<vmem>> -> memref<640x32xf32, #tpu.memory_space<vmem>>
    tpu.wait_dma2 semaphore(%dma_wait3A_827 : memref<!tpu.dma_semaphore, #tpu.memory_space<semaphore_mem>>) src(%dma_wait3A_833 : memref<640x32xf32, #tpu.memory_space<vmem>>) dst(%dma_wait3A_829 : memref<640x32xf32, #tpu.memory_space<hbm>>)
    %dma_start3A_834 = arith.constant 1 : i32
    %dma_start3A_835 = arith.constant 1 : i32
    %dma_start3A_836 = arith.constant 0 : i32
    %dma_start3A_837 = arith.constant 0 : i32
    %dma_start3A_838 = tpu.memref_slice %arg6[%dma_start3A_834, %dma_start3A_836, %dma_start3A_837] : memref<4x640x32xf32, #tpu.memory_space<vmem>> -> memref<1x640x32xf32, #tpu.memory_space<vmem>>
    %dma_start3A_839 = tpu.memref_squeeze %dma_start3A_838 : memref<1x640x32xf32, #tpu.memory_space<vmem>> -> memref<640x32xf32, #tpu.memory_space<vmem>>
    %dma_start3A_840 = arith.constant 0 : i32
    %dma_start3A_841 = arith.constant 0 : i32
    %dma_start3A_842 = tpu.memref_slice %dma_start3A_839[%dma_start3A_840, %dma_start3A_841] : memref<640x32xf32, #tpu.memory_space<vmem>> -> memref<128x32xf32, #tpu.memory_space<vmem>>
    %dma_start3A_843 = arith.constant 23680 : i32
    %dma_start3A_844 = tpu.memref_slice %arg5[%dma_start3A_843] : memref<25600xi32, #tpu.memory_space<vmem>> -> memref<128xi32, #tpu.memory_space<vmem>>
    %dma_start3A_845 = arith.constant 0 : i32
    %dma_start3A_846 = arith.constant 0 : i32
    %dma_start3A_847 = tpu.memref_slice %arg3[%dma_start3A_845, %dma_start3A_846] : memref<1000000x32xf32, #tpu.memory_space<hbm>> -> memref<1000000x32xf32, #tpu.memory_space<hbm>>
    %dma_start3A_848 = tpu.memref_slice %arg7[%dma_start3A_835] : memref<4x!tpu.dma_semaphore, #tpu.memory_space<semaphore_mem>> -> memref<1x!tpu.dma_semaphore, #tpu.memory_space<semaphore_mem>>
    %dma_start3A_849 = tpu.memref_squeeze %dma_start3A_848 : memref<1x!tpu.dma_semaphore, #tpu.memory_space<semaphore_mem>> -> memref<!tpu.dma_semaphore, #tpu.memory_space<semaphore_mem>>
    tpu.enqueue_indirect_dma source(%dma_start3A_847 : memref<1000000x32xf32, #tpu.memory_space<hbm>>) target(%dma_start3A_842 : memref<128x32xf32, #tpu.memory_space<vmem>>) offsets(%dma_start3A_844 : memref<128xi32, #tpu.memory_space<vmem>>) semaphore(%dma_start3A_849 : memref<!tpu.dma_semaphore, #tpu.memory_space<semaphore_mem>>)
    %dma_start3A_850 = arith.constant 1 : i32
    %dma_start3A_851 = arith.constant 1 : i32
    %dma_start3A_852 = arith.constant 0 : i32
    %dma_start3A_853 = arith.constant 0 : i32
    %dma_start3A_854 = tpu.memref_slice %arg6[%dma_start3A_850, %dma_start3A_852, %dma_start3A_853] : memref<4x640x32xf32, #tpu.memory_space<vmem>> -> memref<1x640x32xf32, #tpu.memory_space<vmem>>
    %dma_start3A_855 = tpu.memref_squeeze %dma_start3A_854 : memref<1x640x32xf32, #tpu.memory_space<vmem>> -> memref<640x32xf32, #tpu.memory_space<vmem>>
    %dma_start3A_856 = arith.constant 128 : i32
    %dma_start3A_857 = arith.constant 0 : i32
    %dma_start3A_858 = tpu.memref_slice %dma_start3A_855[%dma_start3A_856, %dma_start3A_857] : memref<640x32xf32, #tpu.memory_space<vmem>> -> memref<128x32xf32, #tpu.memory_space<vmem>>
    %dma_start3A_859 = arith.constant 23808 : i32
    %dma_start3A_860 = tpu.memref_slice %arg5[%dma_start3A_859] : memref<25600xi32, #tpu.memory_space<vmem>> -> memref<128xi32, #tpu.memory_space<vmem>>
    %dma_start3A_861 = arith.constant 0 : i32
    %dma_start3A_862 = arith.constant 0 : i32
    %dma_start3A_863 = tpu.memref_slice %arg3[%dma_start3A_861, %dma_start3A_862] : memref<1000000x32xf32, #tpu.memory_space<hbm>> -> memref<1000000x32xf32, #tpu.memory_space<hbm>>
    %dma_start3A_864 = tpu.memref_slice %arg7[%dma_start3A_851] : memref<4x!tpu.dma_semaphore, #tpu.memory_space<semaphore_mem>> -> memref<1x!tpu.dma_semaphore, #tpu.memory_space<semaphore_mem>>
    %dma_start3A_865 = tpu.memref_squeeze %dma_start3A_864 : memref<1x!tpu.dma_semaphore, #tpu.memory_space<semaphore_mem>> -> memref<!tpu.dma_semaphore, #tpu.memory_space<semaphore_mem>>
    tpu.enqueue_indirect_dma source(%dma_start3A_863 : memref<1000000x32xf32, #tpu.memory_space<hbm>>) target(%dma_start3A_858 : memref<128x32xf32, #tpu.memory_space<vmem>>) offsets(%dma_start3A_860 : memref<128xi32, #tpu.memory_space<vmem>>) semaphore(%dma_start3A_865 : memref<!tpu.dma_semaphore, #tpu.memory_space<semaphore_mem>>)
    %dma_start3A_866 = arith.constant 1 : i32
    %dma_start3A_867 = arith.constant 1 : i32
    %dma_start3A_868 = arith.constant 0 : i32
    %dma_start3A_869 = arith.constant 0 : i32
    %dma_start3A_870 = tpu.memref_slice %arg6[%dma_start3A_866, %dma_start3A_868, %dma_start3A_869] : memref<4x640x32xf32, #tpu.memory_space<vmem>> -> memref<1x640x32xf32, #tpu.memory_space<vmem>>
    %dma_start3A_871 = tpu.memref_squeeze %dma_start3A_870 : memref<1x640x32xf32, #tpu.memory_space<vmem>> -> memref<640x32xf32, #tpu.memory_space<vmem>>
    %dma_start3A_872 = arith.constant 256 : i32
    %dma_start3A_873 = arith.constant 0 : i32
    %dma_start3A_874 = tpu.memref_slice %dma_start3A_871[%dma_start3A_872, %dma_start3A_873] : memref<640x32xf32, #tpu.memory_space<vmem>> -> memref<128x32xf32, #tpu.memory_space<vmem>>
    %dma_start3A_875 = arith.constant 23936 : i32
    %dma_start3A_876 = tpu.memref_slice %arg5[%dma_start3A_875] : memref<25600xi32, #tpu.memory_space<vmem>> -> memref<128xi32, #tpu.memory_space<vmem>>
    %dma_start3A_877 = arith.constant 0 : i32
    %dma_start3A_878 = arith.constant 0 : i32
    %dma_start3A_879 = tpu.memref_slice %arg3[%dma_start3A_877, %dma_start3A_878] : memref<1000000x32xf32, #tpu.memory_space<hbm>> -> memref<1000000x32xf32, #tpu.memory_space<hbm>>
    %dma_start3A_880 = tpu.memref_slice %arg7[%dma_start3A_867] : memref<4x!tpu.dma_semaphore, #tpu.memory_space<semaphore_mem>> -> memref<1x!tpu.dma_semaphore, #tpu.memory_space<semaphore_mem>>
    %dma_start3A_881 = tpu.memref_squeeze %dma_start3A_880 : memref<1x!tpu.dma_semaphore, #tpu.memory_space<semaphore_mem>> -> memref<!tpu.dma_semaphore, #tpu.memory_space<semaphore_mem>>
    tpu.enqueue_indirect_dma source(%dma_start3A_879 : memref<1000000x32xf32, #tpu.memory_space<hbm>>) target(%dma_start3A_874 : memref<128x32xf32, #tpu.memory_space<vmem>>) offsets(%dma_start3A_876 : memref<128xi32, #tpu.memory_space<vmem>>) semaphore(%dma_start3A_881 : memref<!tpu.dma_semaphore, #tpu.memory_space<semaphore_mem>>)
    %dma_start3A_882 = arith.constant 1 : i32
    %dma_start3A_883 = arith.constant 1 : i32
    %dma_start3A_884 = arith.constant 0 : i32
    %dma_start3A_885 = arith.constant 0 : i32
    %dma_start3A_886 = tpu.memref_slice %arg6[%dma_start3A_882, %dma_start3A_884, %dma_start3A_885] : memref<4x640x32xf32, #tpu.memory_space<vmem>> -> memref<1x640x32xf32, #tpu.memory_space<vmem>>
    %dma_start3A_887 = tpu.memref_squeeze %dma_start3A_886 : memref<1x640x32xf32, #tpu.memory_space<vmem>> -> memref<640x32xf32, #tpu.memory_space<vmem>>
    %dma_start3A_888 = arith.constant 384 : i32
    %dma_start3A_889 = arith.constant 0 : i32
    %dma_start3A_890 = tpu.memref_slice %dma_start3A_887[%dma_start3A_888, %dma_start3A_889] : memref<640x32xf32, #tpu.memory_space<vmem>> -> memref<128x32xf32, #tpu.memory_space<vmem>>
    %dma_start3A_891 = arith.constant 24064 : i32
    %dma_start3A_892 = tpu.memref_slice %arg5[%dma_start3A_891] : memref<25600xi32, #tpu.memory_space<vmem>> -> memref<128xi32, #tpu.memory_space<vmem>>
    %dma_start3A_893 = arith.constant 0 : i32
    %dma_start3A_894 = arith.constant 0 : i32
    %dma_start3A_895 = tpu.memref_slice %arg3[%dma_start3A_893, %dma_start3A_894] : memref<1000000x32xf32, #tpu.memory_space<hbm>> -> memref<1000000x32xf32, #tpu.memory_space<hbm>>
    %dma_start3A_896 = tpu.memref_slice %arg7[%dma_start3A_883] : memref<4x!tpu.dma_semaphore, #tpu.memory_space<semaphore_mem>> -> memref<1x!tpu.dma_semaphore, #tpu.memory_space<semaphore_mem>>
    %dma_start3A_897 = tpu.memref_squeeze %dma_start3A_896 : memref<1x!tpu.dma_semaphore, #tpu.memory_space<semaphore_mem>> -> memref<!tpu.dma_semaphore, #tpu.memory_space<semaphore_mem>>
    tpu.enqueue_indirect_dma source(%dma_start3A_895 : memref<1000000x32xf32, #tpu.memory_space<hbm>>) target(%dma_start3A_890 : memref<128x32xf32, #tpu.memory_space<vmem>>) offsets(%dma_start3A_892 : memref<128xi32, #tpu.memory_space<vmem>>) semaphore(%dma_start3A_897 : memref<!tpu.dma_semaphore, #tpu.memory_space<semaphore_mem>>)
    %dma_start3A_898 = arith.constant 1 : i32
    %dma_start3A_899 = arith.constant 1 : i32
    %dma_start3A_900 = arith.constant 0 : i32
    %dma_start3A_901 = arith.constant 0 : i32
    %dma_start3A_902 = tpu.memref_slice %arg6[%dma_start3A_898, %dma_start3A_900, %dma_start3A_901] : memref<4x640x32xf32, #tpu.memory_space<vmem>> -> memref<1x640x32xf32, #tpu.memory_space<vmem>>
    %dma_start3A_903 = tpu.memref_squeeze %dma_start3A_902 : memref<1x640x32xf32, #tpu.memory_space<vmem>> -> memref<640x32xf32, #tpu.memory_space<vmem>>
    %dma_start3A_904 = arith.constant 512 : i32
    %dma_start3A_905 = arith.constant 0 : i32
    %dma_start3A_906 = tpu.memref_slice %dma_start3A_903[%dma_start3A_904, %dma_start3A_905] : memref<640x32xf32, #tpu.memory_space<vmem>> -> memref<128x32xf32, #tpu.memory_space<vmem>>
    %dma_start3A_907 = arith.constant 24192 : i32
    %dma_start3A_908 = tpu.memref_slice %arg5[%dma_start3A_907] : memref<25600xi32, #tpu.memory_space<vmem>> -> memref<128xi32, #tpu.memory_space<vmem>>
    %dma_start3A_909 = arith.constant 0 : i32
    %dma_start3A_910 = arith.constant 0 : i32
    %dma_start3A_911 = tpu.memref_slice %arg3[%dma_start3A_909, %dma_start3A_910] : memref<1000000x32xf32, #tpu.memory_space<hbm>> -> memref<1000000x32xf32, #tpu.memory_space<hbm>>
    %dma_start3A_912 = tpu.memref_slice %arg7[%dma_start3A_899] : memref<4x!tpu.dma_semaphore, #tpu.memory_space<semaphore_mem>> -> memref<1x!tpu.dma_semaphore, #tpu.memory_space<semaphore_mem>>
    %dma_start3A_913 = tpu.memref_squeeze %dma_start3A_912 : memref<1x!tpu.dma_semaphore, #tpu.memory_space<semaphore_mem>> -> memref<!tpu.dma_semaphore, #tpu.memory_space<semaphore_mem>>
    tpu.enqueue_indirect_dma source(%dma_start3A_911 : memref<1000000x32xf32, #tpu.memory_space<hbm>>) target(%dma_start3A_906 : memref<128x32xf32, #tpu.memory_space<vmem>>) offsets(%dma_start3A_908 : memref<128xi32, #tpu.memory_space<vmem>>) semaphore(%dma_start3A_913 : memref<!tpu.dma_semaphore, #tpu.memory_space<semaphore_mem>>)
    %dma_wait3A_914 = arith.constant 0 : i32
    %dma_wait3A_915 = arith.constant 0 : i32
    %dma_wait3A_916 = arith.constant 0 : i32
    %dma_wait3A_917 = arith.constant 0 : i32
    %dma_wait3A_918 = tpu.memref_slice %arg6[%dma_wait3A_914, %dma_wait3A_916, %dma_wait3A_917] : memref<4x640x32xf32, #tpu.memory_space<vmem>> -> memref<1x640x32xf32, #tpu.memory_space<vmem>>
    %dma_wait3A_919 = tpu.memref_squeeze %dma_wait3A_918 : memref<1x640x32xf32, #tpu.memory_space<vmem>> -> memref<640x32xf32, #tpu.memory_space<vmem>>
    %dma_wait3A_920 = arith.constant 0 : i32
    %dma_wait3A_921 = arith.constant 0 : i32
    %dma_wait3A_922 = tpu.memref_slice %dma_wait3A_919[%dma_wait3A_920, %dma_wait3A_921] : memref<640x32xf32, #tpu.memory_space<vmem>> -> memref<128x32xf32, #tpu.memory_space<vmem>>
    %dma_wait3A_923 = arith.constant 23040 : i32
    %dma_wait3A_924 = tpu.memref_slice %arg5[%dma_wait3A_923] : memref<25600xi32, #tpu.memory_space<vmem>> -> memref<128xi32, #tpu.memory_space<vmem>>
    %dma_wait3A_925 = arith.constant 0 : i32
    %dma_wait3A_926 = arith.constant 0 : i32
    %dma_wait3A_927 = tpu.memref_slice %arg3[%dma_wait3A_925, %dma_wait3A_926] : memref<1000000x32xf32, #tpu.memory_space<hbm>> -> memref<1000000x32xf32, #tpu.memory_space<hbm>>
    %dma_wait3A_928 = tpu.memref_slice %arg7[%dma_wait3A_915] : memref<4x!tpu.dma_semaphore, #tpu.memory_space<semaphore_mem>> -> memref<1x!tpu.dma_semaphore, #tpu.memory_space<semaphore_mem>>
    %dma_wait3A_929 = tpu.memref_squeeze %dma_wait3A_928 : memref<1x!tpu.dma_semaphore, #tpu.memory_space<semaphore_mem>> -> memref<!tpu.dma_semaphore, #tpu.memory_space<semaphore_mem>>
    tpu.wait_indirect_dma semaphore(%dma_wait3A_929 : memref<!tpu.dma_semaphore, #tpu.memory_space<semaphore_mem>>) src(%dma_wait3A_927 : memref<1000000x32xf32, #tpu.memory_space<hbm>>) dst(%dma_wait3A_922 : memref<128x32xf32, #tpu.memory_space<vmem>>)
    %dma_wait3A_930 = arith.constant 0 : i32
    %dma_wait3A_931 = arith.constant 0 : i32
    %dma_wait3A_932 = arith.constant 0 : i32
    %dma_wait3A_933 = arith.constant 0 : i32
    %dma_wait3A_934 = tpu.memref_slice %arg6[%dma_wait3A_930, %dma_wait3A_932, %dma_wait3A_933] : memref<4x640x32xf32, #tpu.memory_space<vmem>> -> memref<1x640x32xf32, #tpu.memory_space<vmem>>
    %dma_wait3A_935 = tpu.memref_squeeze %dma_wait3A_934 : memref<1x640x32xf32, #tpu.memory_space<vmem>> -> memref<640x32xf32, #tpu.memory_space<vmem>>
    %dma_wait3A_936 = arith.constant 128 : i32
    %dma_wait3A_937 = arith.constant 0 : i32
    %dma_wait3A_938 = tpu.memref_slice %dma_wait3A_935[%dma_wait3A_936, %dma_wait3A_937] : memref<640x32xf32, #tpu.memory_space<vmem>> -> memref<128x32xf32, #tpu.memory_space<vmem>>
    %dma_wait3A_939 = arith.constant 23168 : i32
    %dma_wait3A_940 = tpu.memref_slice %arg5[%dma_wait3A_939] : memref<25600xi32, #tpu.memory_space<vmem>> -> memref<128xi32, #tpu.memory_space<vmem>>
    %dma_wait3A_941 = arith.constant 0 : i32
    %dma_wait3A_942 = arith.constant 0 : i32
    %dma_wait3A_943 = tpu.memref_slice %arg3[%dma_wait3A_941, %dma_wait3A_942] : memref<1000000x32xf32, #tpu.memory_space<hbm>> -> memref<1000000x32xf32, #tpu.memory_space<hbm>>
    %dma_wait3A_944 = tpu.memref_slice %arg7[%dma_wait3A_931] : memref<4x!tpu.dma_semaphore, #tpu.memory_space<semaphore_mem>> -> memref<1x!tpu.dma_semaphore, #tpu.memory_space<semaphore_mem>>
    %dma_wait3A_945 = tpu.memref_squeeze %dma_wait3A_944 : memref<1x!tpu.dma_semaphore, #tpu.memory_space<semaphore_mem>> -> memref<!tpu.dma_semaphore, #tpu.memory_space<semaphore_mem>>
    tpu.wait_indirect_dma semaphore(%dma_wait3A_945 : memref<!tpu.dma_semaphore, #tpu.memory_space<semaphore_mem>>) src(%dma_wait3A_943 : memref<1000000x32xf32, #tpu.memory_space<hbm>>) dst(%dma_wait3A_938 : memref<128x32xf32, #tpu.memory_space<vmem>>)
    %dma_wait3A_946 = arith.constant 0 : i32
    %dma_wait3A_947 = arith.constant 0 : i32
    %dma_wait3A_948 = arith.constant 0 : i32
    %dma_wait3A_949 = arith.constant 0 : i32
    %dma_wait3A_950 = tpu.memref_slice %arg6[%dma_wait3A_946, %dma_wait3A_948, %dma_wait3A_949] : memref<4x640x32xf32, #tpu.memory_space<vmem>> -> memref<1x640x32xf32, #tpu.memory_space<vmem>>
    %dma_wait3A_951 = tpu.memref_squeeze %dma_wait3A_950 : memref<1x640x32xf32, #tpu.memory_space<vmem>> -> memref<640x32xf32, #tpu.memory_space<vmem>>
    %dma_wait3A_952 = arith.constant 256 : i32
    %dma_wait3A_953 = arith.constant 0 : i32
    %dma_wait3A_954 = tpu.memref_slice %dma_wait3A_951[%dma_wait3A_952, %dma_wait3A_953] : memref<640x32xf32, #tpu.memory_space<vmem>> -> memref<128x32xf32, #tpu.memory_space<vmem>>
    %dma_wait3A_955 = arith.constant 23296 : i32
    %dma_wait3A_956 = tpu.memref_slice %arg5[%dma_wait3A_955] : memref<25600xi32, #tpu.memory_space<vmem>> -> memref<128xi32, #tpu.memory_space<vmem>>
    %dma_wait3A_957 = arith.constant 0 : i32
    %dma_wait3A_958 = arith.constant 0 : i32
    %dma_wait3A_959 = tpu.memref_slice %arg3[%dma_wait3A_957, %dma_wait3A_958] : memref<1000000x32xf32, #tpu.memory_space<hbm>> -> memref<1000000x32xf32, #tpu.memory_space<hbm>>
    %dma_wait3A_960 = tpu.memref_slice %arg7[%dma_wait3A_947] : memref<4x!tpu.dma_semaphore, #tpu.memory_space<semaphore_mem>> -> memref<1x!tpu.dma_semaphore, #tpu.memory_space<semaphore_mem>>
    %dma_wait3A_961 = tpu.memref_squeeze %dma_wait3A_960 : memref<1x!tpu.dma_semaphore, #tpu.memory_space<semaphore_mem>> -> memref<!tpu.dma_semaphore, #tpu.memory_space<semaphore_mem>>
    tpu.wait_indirect_dma semaphore(%dma_wait3A_961 : memref<!tpu.dma_semaphore, #tpu.memory_space<semaphore_mem>>) src(%dma_wait3A_959 : memref<1000000x32xf32, #tpu.memory_space<hbm>>) dst(%dma_wait3A_954 : memref<128x32xf32, #tpu.memory_space<vmem>>)
    %dma_wait3A_962 = arith.constant 0 : i32
    %dma_wait3A_963 = arith.constant 0 : i32
    %dma_wait3A_964 = arith.constant 0 : i32
    %dma_wait3A_965 = arith.constant 0 : i32
    %dma_wait3A_966 = tpu.memref_slice %arg6[%dma_wait3A_962, %dma_wait3A_964, %dma_wait3A_965] : memref<4x640x32xf32, #tpu.memory_space<vmem>> -> memref<1x640x32xf32, #tpu.memory_space<vmem>>
    %dma_wait3A_967 = tpu.memref_squeeze %dma_wait3A_966 : memref<1x640x32xf32, #tpu.memory_space<vmem>> -> memref<640x32xf32, #tpu.memory_space<vmem>>
    %dma_wait3A_968 = arith.constant 384 : i32
    %dma_wait3A_969 = arith.constant 0 : i32
    %dma_wait3A_970 = tpu.memref_slice %dma_wait3A_967[%dma_wait3A_968, %dma_wait3A_969] : memref<640x32xf32, #tpu.memory_space<vmem>> -> memref<128x32xf32, #tpu.memory_space<vmem>>
    %dma_wait3A_971 = arith.constant 23424 : i32
    %dma_wait3A_972 = tpu.memref_slice %arg5[%dma_wait3A_971] : memref<25600xi32, #tpu.memory_space<vmem>> -> memref<128xi32, #tpu.memory_space<vmem>>
    %dma_wait3A_973 = arith.constant 0 : i32
    %dma_wait3A_974 = arith.constant 0 : i32
    %dma_wait3A_975 = tpu.memref_slice %arg3[%dma_wait3A_973, %dma_wait3A_974] : memref<1000000x32xf32, #tpu.memory_space<hbm>> -> memref<1000000x32xf32, #tpu.memory_space<hbm>>
    %dma_wait3A_976 = tpu.memref_slice %arg7[%dma_wait3A_963] : memref<4x!tpu.dma_semaphore, #tpu.memory_space<semaphore_mem>> -> memref<1x!tpu.dma_semaphore, #tpu.memory_space<semaphore_mem>>
    %dma_wait3A_977 = tpu.memref_squeeze %dma_wait3A_976 : memref<1x!tpu.dma_semaphore, #tpu.memory_space<semaphore_mem>> -> memref<!tpu.dma_semaphore, #tpu.memory_space<semaphore_mem>>
    tpu.wait_indirect_dma semaphore(%dma_wait3A_977 : memref<!tpu.dma_semaphore, #tpu.memory_space<semaphore_mem>>) src(%dma_wait3A_975 : memref<1000000x32xf32, #tpu.memory_space<hbm>>) dst(%dma_wait3A_970 : memref<128x32xf32, #tpu.memory_space<vmem>>)
    %dma_wait3A_978 = arith.constant 0 : i32
    %dma_wait3A_979 = arith.constant 0 : i32
    %dma_wait3A_980 = arith.constant 0 : i32
    %dma_wait3A_981 = arith.constant 0 : i32
    %dma_wait3A_982 = tpu.memref_slice %arg6[%dma_wait3A_978, %dma_wait3A_980, %dma_wait3A_981] : memref<4x640x32xf32, #tpu.memory_space<vmem>> -> memref<1x640x32xf32, #tpu.memory_space<vmem>>
    %dma_wait3A_983 = tpu.memref_squeeze %dma_wait3A_982 : memref<1x640x32xf32, #tpu.memory_space<vmem>> -> memref<640x32xf32, #tpu.memory_space<vmem>>
    %dma_wait3A_984 = arith.constant 512 : i32
    %dma_wait3A_985 = arith.constant 0 : i32
    %dma_wait3A_986 = tpu.memref_slice %dma_wait3A_983[%dma_wait3A_984, %dma_wait3A_985] : memref<640x32xf32, #tpu.memory_space<vmem>> -> memref<128x32xf32, #tpu.memory_space<vmem>>
    %dma_wait3A_987 = arith.constant 23552 : i32
    %dma_wait3A_988 = tpu.memref_slice %arg5[%dma_wait3A_987] : memref<25600xi32, #tpu.memory_space<vmem>> -> memref<128xi32, #tpu.memory_space<vmem>>
    %dma_wait3A_989 = arith.constant 0 : i32
    %dma_wait3A_990 = arith.constant 0 : i32
    %dma_wait3A_991 = tpu.memref_slice %arg3[%dma_wait3A_989, %dma_wait3A_990] : memref<1000000x32xf32, #tpu.memory_space<hbm>> -> memref<1000000x32xf32, #tpu.memory_space<hbm>>
    %dma_wait3A_992 = tpu.memref_slice %arg7[%dma_wait3A_979] : memref<4x!tpu.dma_semaphore, #tpu.memory_space<semaphore_mem>> -> memref<1x!tpu.dma_semaphore, #tpu.memory_space<semaphore_mem>>
    %dma_wait3A_993 = tpu.memref_squeeze %dma_wait3A_992 : memref<1x!tpu.dma_semaphore, #tpu.memory_space<semaphore_mem>> -> memref<!tpu.dma_semaphore, #tpu.memory_space<semaphore_mem>>
    tpu.wait_indirect_dma semaphore(%dma_wait3A_993 : memref<!tpu.dma_semaphore, #tpu.memory_space<semaphore_mem>>) src(%dma_wait3A_991 : memref<1000000x32xf32, #tpu.memory_space<hbm>>) dst(%dma_wait3A_986 : memref<128x32xf32, #tpu.memory_space<vmem>>)
    %add3A_994 = arith.constant 23040 : i32
    %add3A_995 = arith.addi %mul3A_2, %add3A_994 : i32
    %dma_start3A_996 = arith.constant 0 : i32
    %dma_start3A_997 = arith.constant 0 : i32
    %dma_start3A_998 = arith.constant 0 : i32
    %dma_start3A_999 = arith.constant 0 : i32
    %dma_start3A_1000 = tpu.memref_slice %arg6[%dma_start3A_996, %dma_start3A_998, %dma_start3A_999] : memref<4x640x32xf32, #tpu.memory_space<vmem>> -> memref<1x640x32xf32, #tpu.memory_space<vmem>>
    %dma_start3A_1001 = tpu.memref_squeeze %dma_start3A_1000 : memref<1x640x32xf32, #tpu.memory_space<vmem>> -> memref<640x32xf32, #tpu.memory_space<vmem>>
    %dma_start3A_1002 = arith.constant 0 : i32
    %dma_start3A_1003 = tpu.memref_slice %arg4[%add3A_995, %dma_start3A_1002] : memref<819200x32xf32, #tpu.memory_space<hbm>> -> memref<640x32xf32, #tpu.memory_space<hbm>>
    %dma_start3A_1004 = tpu.memref_slice %arg8[%dma_start3A_997] : memref<4x!tpu.dma_semaphore, #tpu.memory_space<semaphore_mem>> -> memref<1x!tpu.dma_semaphore, #tpu.memory_space<semaphore_mem>>
    %dma_start3A_1005 = tpu.memref_squeeze %dma_start3A_1004 : memref<1x!tpu.dma_semaphore, #tpu.memory_space<semaphore_mem>> -> memref<!tpu.dma_semaphore, #tpu.memory_space<semaphore_mem>>
    %dma_start3A_1006 = arith.constant 0 : i32
    %dma_start3A_1007 = tpu.memref_slice %arg4[%add3A_995, %dma_start3A_1006] : memref<819200x32xf32, #tpu.memory_space<hbm>> -> memref<640x32xf32, #tpu.memory_space<hbm>>
    %dma_start3A_1008 = arith.constant 0 : i32
    %dma_start3A_1009 = arith.constant 0 : i32
    %dma_start3A_1010 = tpu.memref_slice %arg6[%dma_start3A_996, %dma_start3A_1008, %dma_start3A_1009] : memref<4x640x32xf32, #tpu.memory_space<vmem>> -> memref<1x640x32xf32, #tpu.memory_space<vmem>>
    %dma_start3A_1011 = tpu.memref_squeeze %dma_start3A_1010 : memref<1x640x32xf32, #tpu.memory_space<vmem>> -> memref<640x32xf32, #tpu.memory_space<vmem>>
    tpu.enqueue_dma source(%dma_start3A_1011 : memref<640x32xf32, #tpu.memory_space<vmem>>) target(%dma_start3A_1007 : memref<640x32xf32, #tpu.memory_space<hbm>>) target_semaphore(%dma_start3A_1005 : memref<!tpu.dma_semaphore, #tpu.memory_space<semaphore_mem>>)
    %add3A_1012 = arith.constant 21760 : i32
    %add3A_1013 = arith.addi %mul3A_2, %add3A_1012 : i32
    %dma_wait3A_1014 = arith.constant 2 : i32
    %dma_wait3A_1015 = arith.constant 2 : i32
    %dma_wait3A_1016 = arith.constant 0 : i32
    %dma_wait3A_1017 = arith.constant 0 : i32
    %dma_wait3A_1018 = tpu.memref_slice %arg6[%dma_wait3A_1014, %dma_wait3A_1016, %dma_wait3A_1017] : memref<4x640x32xf32, #tpu.memory_space<vmem>> -> memref<1x640x32xf32, #tpu.memory_space<vmem>>
    %dma_wait3A_1019 = tpu.memref_squeeze %dma_wait3A_1018 : memref<1x640x32xf32, #tpu.memory_space<vmem>> -> memref<640x32xf32, #tpu.memory_space<vmem>>
    %dma_wait3A_1020 = arith.constant 0 : i32
    %dma_wait3A_1021 = tpu.memref_slice %arg4[%add3A_1013, %dma_wait3A_1020] : memref<819200x32xf32, #tpu.memory_space<hbm>> -> memref<640x32xf32, #tpu.memory_space<hbm>>
    %dma_wait3A_1022 = tpu.memref_slice %arg8[%dma_wait3A_1015] : memref<4x!tpu.dma_semaphore, #tpu.memory_space<semaphore_mem>> -> memref<1x!tpu.dma_semaphore, #tpu.memory_space<semaphore_mem>>
    %dma_wait3A_1023 = tpu.memref_squeeze %dma_wait3A_1022 : memref<1x!tpu.dma_semaphore, #tpu.memory_space<semaphore_mem>> -> memref<!tpu.dma_semaphore, #tpu.memory_space<semaphore_mem>>
    %dma_wait3A_1024 = arith.constant 0 : i32
    %dma_wait3A_1025 = tpu.memref_slice %arg4[%add3A_1013, %dma_wait3A_1024] : memref<819200x32xf32, #tpu.memory_space<hbm>> -> memref<640x32xf32, #tpu.memory_space<hbm>>
    %dma_wait3A_1026 = arith.constant 0 : i32
    %dma_wait3A_1027 = arith.constant 0 : i32
    %dma_wait3A_1028 = tpu.memref_slice %arg6[%dma_wait3A_1014, %dma_wait3A_1026, %dma_wait3A_1027] : memref<4x640x32xf32, #tpu.memory_space<vmem>> -> memref<1x640x32xf32, #tpu.memory_space<vmem>>
    %dma_wait3A_1029 = tpu.memref_squeeze %dma_wait3A_1028 : memref<1x640x32xf32, #tpu.memory_space<vmem>> -> memref<640x32xf32, #tpu.memory_space<vmem>>
    tpu.wait_dma2 semaphore(%dma_wait3A_1023 : memref<!tpu.dma_semaphore, #tpu.memory_space<semaphore_mem>>) src(%dma_wait3A_1029 : memref<640x32xf32, #tpu.memory_space<vmem>>) dst(%dma_wait3A_1025 : memref<640x32xf32, #tpu.memory_space<hbm>>)
    %dma_start3A_1030 = arith.constant 2 : i32
    %dma_start3A_1031 = arith.constant 2 : i32
    %dma_start3A_1032 = arith.constant 0 : i32
    %dma_start3A_1033 = arith.constant 0 : i32
    %dma_start3A_1034 = tpu.memref_slice %arg6[%dma_start3A_1030, %dma_start3A_1032, %dma_start3A_1033] : memref<4x640x32xf32, #tpu.memory_space<vmem>> -> memref<1x640x32xf32, #tpu.memory_space<vmem>>
    %dma_start3A_1035 = tpu.memref_squeeze %dma_start3A_1034 : memref<1x640x32xf32, #tpu.memory_space<vmem>> -> memref<640x32xf32, #tpu.memory_space<vmem>>
    %dma_start3A_1036 = arith.constant 0 : i32
    %dma_start3A_1037 = arith.constant 0 : i32
    %dma_start3A_1038 = tpu.memref_slice %dma_start3A_1035[%dma_start3A_1036, %dma_start3A_1037] : memref<640x32xf32, #tpu.memory_space<vmem>> -> memref<128x32xf32, #tpu.memory_space<vmem>>
    %dma_start3A_1039 = arith.constant 24320 : i32
    %dma_start3A_1040 = tpu.memref_slice %arg5[%dma_start3A_1039] : memref<25600xi32, #tpu.memory_space<vmem>> -> memref<128xi32, #tpu.memory_space<vmem>>
    %dma_start3A_1041 = arith.constant 0 : i32
    %dma_start3A_1042 = arith.constant 0 : i32
    %dma_start3A_1043 = tpu.memref_slice %arg3[%dma_start3A_1041, %dma_start3A_1042] : memref<1000000x32xf32, #tpu.memory_space<hbm>> -> memref<1000000x32xf32, #tpu.memory_space<hbm>>
    %dma_start3A_1044 = tpu.memref_slice %arg7[%dma_start3A_1031] : memref<4x!tpu.dma_semaphore, #tpu.memory_space<semaphore_mem>> -> memref<1x!tpu.dma_semaphore, #tpu.memory_space<semaphore_mem>>
    %dma_start3A_1045 = tpu.memref_squeeze %dma_start3A_1044 : memref<1x!tpu.dma_semaphore, #tpu.memory_space<semaphore_mem>> -> memref<!tpu.dma_semaphore, #tpu.memory_space<semaphore_mem>>
    tpu.enqueue_indirect_dma source(%dma_start3A_1043 : memref<1000000x32xf32, #tpu.memory_space<hbm>>) target(%dma_start3A_1038 : memref<128x32xf32, #tpu.memory_space<vmem>>) offsets(%dma_start3A_1040 : memref<128xi32, #tpu.memory_space<vmem>>) semaphore(%dma_start3A_1045 : memref<!tpu.dma_semaphore, #tpu.memory_space<semaphore_mem>>)
    %dma_start3A_1046 = arith.constant 2 : i32
    %dma_start3A_1047 = arith.constant 2 : i32
    %dma_start3A_1048 = arith.constant 0 : i32
    %dma_start3A_1049 = arith.constant 0 : i32
    %dma_start3A_1050 = tpu.memref_slice %arg6[%dma_start3A_1046, %dma_start3A_1048, %dma_start3A_1049] : memref<4x640x32xf32, #tpu.memory_space<vmem>> -> memref<1x640x32xf32, #tpu.memory_space<vmem>>
    %dma_start3A_1051 = tpu.memref_squeeze %dma_start3A_1050 : memref<1x640x32xf32, #tpu.memory_space<vmem>> -> memref<640x32xf32, #tpu.memory_space<vmem>>
    %dma_start3A_1052 = arith.constant 128 : i32
    %dma_start3A_1053 = arith.constant 0 : i32
    %dma_start3A_1054 = tpu.memref_slice %dma_start3A_1051[%dma_start3A_1052, %dma_start3A_1053] : memref<640x32xf32, #tpu.memory_space<vmem>> -> memref<128x32xf32, #tpu.memory_space<vmem>>
    %dma_start3A_1055 = arith.constant 24448 : i32
    %dma_start3A_1056 = tpu.memref_slice %arg5[%dma_start3A_1055] : memref<25600xi32, #tpu.memory_space<vmem>> -> memref<128xi32, #tpu.memory_space<vmem>>
    %dma_start3A_1057 = arith.constant 0 : i32
    %dma_start3A_1058 = arith.constant 0 : i32
    %dma_start3A_1059 = tpu.memref_slice %arg3[%dma_start3A_1057, %dma_start3A_1058] : memref<1000000x32xf32, #tpu.memory_space<hbm>> -> memref<1000000x32xf32, #tpu.memory_space<hbm>>
    %dma_start3A_1060 = tpu.memref_slice %arg7[%dma_start3A_1047] : memref<4x!tpu.dma_semaphore, #tpu.memory_space<semaphore_mem>> -> memref<1x!tpu.dma_semaphore, #tpu.memory_space<semaphore_mem>>
    %dma_start3A_1061 = tpu.memref_squeeze %dma_start3A_1060 : memref<1x!tpu.dma_semaphore, #tpu.memory_space<semaphore_mem>> -> memref<!tpu.dma_semaphore, #tpu.memory_space<semaphore_mem>>
    tpu.enqueue_indirect_dma source(%dma_start3A_1059 : memref<1000000x32xf32, #tpu.memory_space<hbm>>) target(%dma_start3A_1054 : memref<128x32xf32, #tpu.memory_space<vmem>>) offsets(%dma_start3A_1056 : memref<128xi32, #tpu.memory_space<vmem>>) semaphore(%dma_start3A_1061 : memref<!tpu.dma_semaphore, #tpu.memory_space<semaphore_mem>>)
    %dma_start3A_1062 = arith.constant 2 : i32
    %dma_start3A_1063 = arith.constant 2 : i32
    %dma_start3A_1064 = arith.constant 0 : i32
    %dma_start3A_1065 = arith.constant 0 : i32
    %dma_start3A_1066 = tpu.memref_slice %arg6[%dma_start3A_1062, %dma_start3A_1064, %dma_start3A_1065] : memref<4x640x32xf32, #tpu.memory_space<vmem>> -> memref<1x640x32xf32, #tpu.memory_space<vmem>>
    %dma_start3A_1067 = tpu.memref_squeeze %dma_start3A_1066 : memref<1x640x32xf32, #tpu.memory_space<vmem>> -> memref<640x32xf32, #tpu.memory_space<vmem>>
    %dma_start3A_1068 = arith.constant 256 : i32
    %dma_start3A_1069 = arith.constant 0 : i32
    %dma_start3A_1070 = tpu.memref_slice %dma_start3A_1067[%dma_start3A_1068, %dma_start3A_1069] : memref<640x32xf32, #tpu.memory_space<vmem>> -> memref<128x32xf32, #tpu.memory_space<vmem>>
    %dma_start3A_1071 = arith.constant 24576 : i32
    %dma_start3A_1072 = tpu.memref_slice %arg5[%dma_start3A_1071] : memref<25600xi32, #tpu.memory_space<vmem>> -> memref<128xi32, #tpu.memory_space<vmem>>
    %dma_start3A_1073 = arith.constant 0 : i32
    %dma_start3A_1074 = arith.constant 0 : i32
    %dma_start3A_1075 = tpu.memref_slice %arg3[%dma_start3A_1073, %dma_start3A_1074] : memref<1000000x32xf32, #tpu.memory_space<hbm>> -> memref<1000000x32xf32, #tpu.memory_space<hbm>>
    %dma_start3A_1076 = tpu.memref_slice %arg7[%dma_start3A_1063] : memref<4x!tpu.dma_semaphore, #tpu.memory_space<semaphore_mem>> -> memref<1x!tpu.dma_semaphore, #tpu.memory_space<semaphore_mem>>
    %dma_start3A_1077 = tpu.memref_squeeze %dma_start3A_1076 : memref<1x!tpu.dma_semaphore, #tpu.memory_space<semaphore_mem>> -> memref<!tpu.dma_semaphore, #tpu.memory_space<semaphore_mem>>
    tpu.enqueue_indirect_dma source(%dma_start3A_1075 : memref<1000000x32xf32, #tpu.memory_space<hbm>>) target(%dma_start3A_1070 : memref<128x32xf32, #tpu.memory_space<vmem>>) offsets(%dma_start3A_1072 : memref<128xi32, #tpu.memory_space<vmem>>) semaphore(%dma_start3A_1077 : memref<!tpu.dma_semaphore, #tpu.memory_space<semaphore_mem>>)
    %dma_start3A_1078 = arith.constant 2 : i32
    %dma_start3A_1079 = arith.constant 2 : i32
    %dma_start3A_1080 = arith.constant 0 : i32
    %dma_start3A_1081 = arith.constant 0 : i32
    %dma_start3A_1082 = tpu.memref_slice %arg6[%dma_start3A_1078, %dma_start3A_1080, %dma_start3A_1081] : memref<4x640x32xf32, #tpu.memory_space<vmem>> -> memref<1x640x32xf32, #tpu.memory_space<vmem>>
    %dma_start3A_1083 = tpu.memref_squeeze %dma_start3A_1082 : memref<1x640x32xf32, #tpu.memory_space<vmem>> -> memref<640x32xf32, #tpu.memory_space<vmem>>
    %dma_start3A_1084 = arith.constant 384 : i32
    %dma_start3A_1085 = arith.constant 0 : i32
    %dma_start3A_1086 = tpu.memref_slice %dma_start3A_1083[%dma_start3A_1084, %dma_start3A_1085] : memref<640x32xf32, #tpu.memory_space<vmem>> -> memref<128x32xf32, #tpu.memory_space<vmem>>
    %dma_start3A_1087 = arith.constant 24704 : i32
    %dma_start3A_1088 = tpu.memref_slice %arg5[%dma_start3A_1087] : memref<25600xi32, #tpu.memory_space<vmem>> -> memref<128xi32, #tpu.memory_space<vmem>>
    %dma_start3A_1089 = arith.constant 0 : i32
    %dma_start3A_1090 = arith.constant 0 : i32
    %dma_start3A_1091 = tpu.memref_slice %arg3[%dma_start3A_1089, %dma_start3A_1090] : memref<1000000x32xf32, #tpu.memory_space<hbm>> -> memref<1000000x32xf32, #tpu.memory_space<hbm>>
    %dma_start3A_1092 = tpu.memref_slice %arg7[%dma_start3A_1079] : memref<4x!tpu.dma_semaphore, #tpu.memory_space<semaphore_mem>> -> memref<1x!tpu.dma_semaphore, #tpu.memory_space<semaphore_mem>>
    %dma_start3A_1093 = tpu.memref_squeeze %dma_start3A_1092 : memref<1x!tpu.dma_semaphore, #tpu.memory_space<semaphore_mem>> -> memref<!tpu.dma_semaphore, #tpu.memory_space<semaphore_mem>>
    tpu.enqueue_indirect_dma source(%dma_start3A_1091 : memref<1000000x32xf32, #tpu.memory_space<hbm>>) target(%dma_start3A_1086 : memref<128x32xf32, #tpu.memory_space<vmem>>) offsets(%dma_start3A_1088 : memref<128xi32, #tpu.memory_space<vmem>>) semaphore(%dma_start3A_1093 : memref<!tpu.dma_semaphore, #tpu.memory_space<semaphore_mem>>)
    %dma_start3A_1094 = arith.constant 2 : i32
    %dma_start3A_1095 = arith.constant 2 : i32
    %dma_start3A_1096 = arith.constant 0 : i32
    %dma_start3A_1097 = arith.constant 0 : i32
    %dma_start3A_1098 = tpu.memref_slice %arg6[%dma_start3A_1094, %dma_start3A_1096, %dma_start3A_1097] : memref<4x640x32xf32, #tpu.memory_space<vmem>> -> memref<1x640x32xf32, #tpu.memory_space<vmem>>
    %dma_start3A_1099 = tpu.memref_squeeze %dma_start3A_1098 : memref<1x640x32xf32, #tpu.memory_space<vmem>> -> memref<640x32xf32, #tpu.memory_space<vmem>>
    %dma_start3A_1100 = arith.constant 512 : i32
    %dma_start3A_1101 = arith.constant 0 : i32
    %dma_start3A_1102 = tpu.memref_slice %dma_start3A_1099[%dma_start3A_1100, %dma_start3A_1101] : memref<640x32xf32, #tpu.memory_space<vmem>> -> memref<128x32xf32, #tpu.memory_space<vmem>>
    %dma_start3A_1103 = arith.constant 24832 : i32
    %dma_start3A_1104 = tpu.memref_slice %arg5[%dma_start3A_1103] : memref<25600xi32, #tpu.memory_space<vmem>> -> memref<128xi32, #tpu.memory_space<vmem>>
    %dma_start3A_1105 = arith.constant 0 : i32
    %dma_start3A_1106 = arith.constant 0 : i32
    %dma_start3A_1107 = tpu.memref_slice %arg3[%dma_start3A_1105, %dma_start3A_1106] : memref<1000000x32xf32, #tpu.memory_space<hbm>> -> memref<1000000x32xf32, #tpu.memory_space<hbm>>
    %dma_start3A_1108 = tpu.memref_slice %arg7[%dma_start3A_1095] : memref<4x!tpu.dma_semaphore, #tpu.memory_space<semaphore_mem>> -> memref<1x!tpu.dma_semaphore, #tpu.memory_space<semaphore_mem>>
    %dma_start3A_1109 = tpu.memref_squeeze %dma_start3A_1108 : memref<1x!tpu.dma_semaphore, #tpu.memory_space<semaphore_mem>> -> memref<!tpu.dma_semaphore, #tpu.memory_space<semaphore_mem>>
    tpu.enqueue_indirect_dma source(%dma_start3A_1107 : memref<1000000x32xf32, #tpu.memory_space<hbm>>) target(%dma_start3A_1102 : memref<128x32xf32, #tpu.memory_space<vmem>>) offsets(%dma_start3A_1104 : memref<128xi32, #tpu.memory_space<vmem>>) semaphore(%dma_start3A_1109 : memref<!tpu.dma_semaphore, #tpu.memory_space<semaphore_mem>>)
    %dma_wait3A_1110 = arith.constant 1 : i32
    %dma_wait3A_1111 = arith.constant 1 : i32
    %dma_wait3A_1112 = arith.constant 0 : i32
    %dma_wait3A_1113 = arith.constant 0 : i32
    %dma_wait3A_1114 = tpu.memref_slice %arg6[%dma_wait3A_1110, %dma_wait3A_1112, %dma_wait3A_1113] : memref<4x640x32xf32, #tpu.memory_space<vmem>> -> memref<1x640x32xf32, #tpu.memory_space<vmem>>
    %dma_wait3A_1115 = tpu.memref_squeeze %dma_wait3A_1114 : memref<1x640x32xf32, #tpu.memory_space<vmem>> -> memref<640x32xf32, #tpu.memory_space<vmem>>
    %dma_wait3A_1116 = arith.constant 0 : i32
    %dma_wait3A_1117 = arith.constant 0 : i32
    %dma_wait3A_1118 = tpu.memref_slice %dma_wait3A_1115[%dma_wait3A_1116, %dma_wait3A_1117] : memref<640x32xf32, #tpu.memory_space<vmem>> -> memref<128x32xf32, #tpu.memory_space<vmem>>
    %dma_wait3A_1119 = arith.constant 23680 : i32
    %dma_wait3A_1120 = tpu.memref_slice %arg5[%dma_wait3A_1119] : memref<25600xi32, #tpu.memory_space<vmem>> -> memref<128xi32, #tpu.memory_space<vmem>>
    %dma_wait3A_1121 = arith.constant 0 : i32
    %dma_wait3A_1122 = arith.constant 0 : i32
    %dma_wait3A_1123 = tpu.memref_slice %arg3[%dma_wait3A_1121, %dma_wait3A_1122] : memref<1000000x32xf32, #tpu.memory_space<hbm>> -> memref<1000000x32xf32, #tpu.memory_space<hbm>>
    %dma_wait3A_1124 = tpu.memref_slice %arg7[%dma_wait3A_1111] : memref<4x!tpu.dma_semaphore, #tpu.memory_space<semaphore_mem>> -> memref<1x!tpu.dma_semaphore, #tpu.memory_space<semaphore_mem>>
    %dma_wait3A_1125 = tpu.memref_squeeze %dma_wait3A_1124 : memref<1x!tpu.dma_semaphore, #tpu.memory_space<semaphore_mem>> -> memref<!tpu.dma_semaphore, #tpu.memory_space<semaphore_mem>>
    tpu.wait_indirect_dma semaphore(%dma_wait3A_1125 : memref<!tpu.dma_semaphore, #tpu.memory_space<semaphore_mem>>) src(%dma_wait3A_1123 : memref<1000000x32xf32, #tpu.memory_space<hbm>>) dst(%dma_wait3A_1118 : memref<128x32xf32, #tpu.memory_space<vmem>>)
    %dma_wait3A_1126 = arith.constant 1 : i32
    %dma_wait3A_1127 = arith.constant 1 : i32
    %dma_wait3A_1128 = arith.constant 0 : i32
    %dma_wait3A_1129 = arith.constant 0 : i32
    %dma_wait3A_1130 = tpu.memref_slice %arg6[%dma_wait3A_1126, %dma_wait3A_1128, %dma_wait3A_1129] : memref<4x640x32xf32, #tpu.memory_space<vmem>> -> memref<1x640x32xf32, #tpu.memory_space<vmem>>
    %dma_wait3A_1131 = tpu.memref_squeeze %dma_wait3A_1130 : memref<1x640x32xf32, #tpu.memory_space<vmem>> -> memref<640x32xf32, #tpu.memory_space<vmem>>
    %dma_wait3A_1132 = arith.constant 128 : i32
    %dma_wait3A_1133 = arith.constant 0 : i32
    %dma_wait3A_1134 = tpu.memref_slice %dma_wait3A_1131[%dma_wait3A_1132, %dma_wait3A_1133] : memref<640x32xf32, #tpu.memory_space<vmem>> -> memref<128x32xf32, #tpu.memory_space<vmem>>
    %dma_wait3A_1135 = arith.constant 23808 : i32
    %dma_wait3A_1136 = tpu.memref_slice %arg5[%dma_wait3A_1135] : memref<25600xi32, #tpu.memory_space<vmem>> -> memref<128xi32, #tpu.memory_space<vmem>>
    %dma_wait3A_1137 = arith.constant 0 : i32
    %dma_wait3A_1138 = arith.constant 0 : i32
    %dma_wait3A_1139 = tpu.memref_slice %arg3[%dma_wait3A_1137, %dma_wait3A_1138] : memref<1000000x32xf32, #tpu.memory_space<hbm>> -> memref<1000000x32xf32, #tpu.memory_space<hbm>>
    %dma_wait3A_1140 = tpu.memref_slice %arg7[%dma_wait3A_1127] : memref<4x!tpu.dma_semaphore, #tpu.memory_space<semaphore_mem>> -> memref<1x!tpu.dma_semaphore, #tpu.memory_space<semaphore_mem>>
    %dma_wait3A_1141 = tpu.memref_squeeze %dma_wait3A_1140 : memref<1x!tpu.dma_semaphore, #tpu.memory_space<semaphore_mem>> -> memref<!tpu.dma_semaphore, #tpu.memory_space<semaphore_mem>>
    tpu.wait_indirect_dma semaphore(%dma_wait3A_1141 : memref<!tpu.dma_semaphore, #tpu.memory_space<semaphore_mem>>) src(%dma_wait3A_1139 : memref<1000000x32xf32, #tpu.memory_space<hbm>>) dst(%dma_wait3A_1134 : memref<128x32xf32, #tpu.memory_space<vmem>>)
    %dma_wait3A_1142 = arith.constant 1 : i32
    %dma_wait3A_1143 = arith.constant 1 : i32
    %dma_wait3A_1144 = arith.constant 0 : i32
    %dma_wait3A_1145 = arith.constant 0 : i32
    %dma_wait3A_1146 = tpu.memref_slice %arg6[%dma_wait3A_1142, %dma_wait3A_1144, %dma_wait3A_1145] : memref<4x640x32xf32, #tpu.memory_space<vmem>> -> memref<1x640x32xf32, #tpu.memory_space<vmem>>
    %dma_wait3A_1147 = tpu.memref_squeeze %dma_wait3A_1146 : memref<1x640x32xf32, #tpu.memory_space<vmem>> -> memref<640x32xf32, #tpu.memory_space<vmem>>
    %dma_wait3A_1148 = arith.constant 256 : i32
    %dma_wait3A_1149 = arith.constant 0 : i32
    %dma_wait3A_1150 = tpu.memref_slice %dma_wait3A_1147[%dma_wait3A_1148, %dma_wait3A_1149] : memref<640x32xf32, #tpu.memory_space<vmem>> -> memref<128x32xf32, #tpu.memory_space<vmem>>
    %dma_wait3A_1151 = arith.constant 23936 : i32
    %dma_wait3A_1152 = tpu.memref_slice %arg5[%dma_wait3A_1151] : memref<25600xi32, #tpu.memory_space<vmem>> -> memref<128xi32, #tpu.memory_space<vmem>>
    %dma_wait3A_1153 = arith.constant 0 : i32
    %dma_wait3A_1154 = arith.constant 0 : i32
    %dma_wait3A_1155 = tpu.memref_slice %arg3[%dma_wait3A_1153, %dma_wait3A_1154] : memref<1000000x32xf32, #tpu.memory_space<hbm>> -> memref<1000000x32xf32, #tpu.memory_space<hbm>>
    %dma_wait3A_1156 = tpu.memref_slice %arg7[%dma_wait3A_1143] : memref<4x!tpu.dma_semaphore, #tpu.memory_space<semaphore_mem>> -> memref<1x!tpu.dma_semaphore, #tpu.memory_space<semaphore_mem>>
    %dma_wait3A_1157 = tpu.memref_squeeze %dma_wait3A_1156 : memref<1x!tpu.dma_semaphore, #tpu.memory_space<semaphore_mem>> -> memref<!tpu.dma_semaphore, #tpu.memory_space<semaphore_mem>>
    tpu.wait_indirect_dma semaphore(%dma_wait3A_1157 : memref<!tpu.dma_semaphore, #tpu.memory_space<semaphore_mem>>) src(%dma_wait3A_1155 : memref<1000000x32xf32, #tpu.memory_space<hbm>>) dst(%dma_wait3A_1150 : memref<128x32xf32, #tpu.memory_space<vmem>>)
    %dma_wait3A_1158 = arith.constant 1 : i32
    %dma_wait3A_1159 = arith.constant 1 : i32
    %dma_wait3A_1160 = arith.constant 0 : i32
    %dma_wait3A_1161 = arith.constant 0 : i32
    %dma_wait3A_1162 = tpu.memref_slice %arg6[%dma_wait3A_1158, %dma_wait3A_1160, %dma_wait3A_1161] : memref<4x640x32xf32, #tpu.memory_space<vmem>> -> memref<1x640x32xf32, #tpu.memory_space<vmem>>
    %dma_wait3A_1163 = tpu.memref_squeeze %dma_wait3A_1162 : memref<1x640x32xf32, #tpu.memory_space<vmem>> -> memref<640x32xf32, #tpu.memory_space<vmem>>
    %dma_wait3A_1164 = arith.constant 384 : i32
    %dma_wait3A_1165 = arith.constant 0 : i32
    %dma_wait3A_1166 = tpu.memref_slice %dma_wait3A_1163[%dma_wait3A_1164, %dma_wait3A_1165] : memref<640x32xf32, #tpu.memory_space<vmem>> -> memref<128x32xf32, #tpu.memory_space<vmem>>
    %dma_wait3A_1167 = arith.constant 24064 : i32
    %dma_wait3A_1168 = tpu.memref_slice %arg5[%dma_wait3A_1167] : memref<25600xi32, #tpu.memory_space<vmem>> -> memref<128xi32, #tpu.memory_space<vmem>>
    %dma_wait3A_1169 = arith.constant 0 : i32
    %dma_wait3A_1170 = arith.constant 0 : i32
    %dma_wait3A_1171 = tpu.memref_slice %arg3[%dma_wait3A_1169, %dma_wait3A_1170] : memref<1000000x32xf32, #tpu.memory_space<hbm>> -> memref<1000000x32xf32, #tpu.memory_space<hbm>>
    %dma_wait3A_1172 = tpu.memref_slice %arg7[%dma_wait3A_1159] : memref<4x!tpu.dma_semaphore, #tpu.memory_space<semaphore_mem>> -> memref<1x!tpu.dma_semaphore, #tpu.memory_space<semaphore_mem>>
    %dma_wait3A_1173 = tpu.memref_squeeze %dma_wait3A_1172 : memref<1x!tpu.dma_semaphore, #tpu.memory_space<semaphore_mem>> -> memref<!tpu.dma_semaphore, #tpu.memory_space<semaphore_mem>>
    tpu.wait_indirect_dma semaphore(%dma_wait3A_1173 : memref<!tpu.dma_semaphore, #tpu.memory_space<semaphore_mem>>) src(%dma_wait3A_1171 : memref<1000000x32xf32, #tpu.memory_space<hbm>>) dst(%dma_wait3A_1166 : memref<128x32xf32, #tpu.memory_space<vmem>>)
    %dma_wait3A_1174 = arith.constant 1 : i32
    %dma_wait3A_1175 = arith.constant 1 : i32
    %dma_wait3A_1176 = arith.constant 0 : i32
    %dma_wait3A_1177 = arith.constant 0 : i32
    %dma_wait3A_1178 = tpu.memref_slice %arg6[%dma_wait3A_1174, %dma_wait3A_1176, %dma_wait3A_1177] : memref<4x640x32xf32, #tpu.memory_space<vmem>> -> memref<1x640x32xf32, #tpu.memory_space<vmem>>
    %dma_wait3A_1179 = tpu.memref_squeeze %dma_wait3A_1178 : memref<1x640x32xf32, #tpu.memory_space<vmem>> -> memref<640x32xf32, #tpu.memory_space<vmem>>
    %dma_wait3A_1180 = arith.constant 512 : i32
    %dma_wait3A_1181 = arith.constant 0 : i32
    %dma_wait3A_1182 = tpu.memref_slice %dma_wait3A_1179[%dma_wait3A_1180, %dma_wait3A_1181] : memref<640x32xf32, #tpu.memory_space<vmem>> -> memref<128x32xf32, #tpu.memory_space<vmem>>
    %dma_wait3A_1183 = arith.constant 24192 : i32
    %dma_wait3A_1184 = tpu.memref_slice %arg5[%dma_wait3A_1183] : memref<25600xi32, #tpu.memory_space<vmem>> -> memref<128xi32, #tpu.memory_space<vmem>>
    %dma_wait3A_1185 = arith.constant 0 : i32
    %dma_wait3A_1186 = arith.constant 0 : i32
    %dma_wait3A_1187 = tpu.memref_slice %arg3[%dma_wait3A_1185, %dma_wait3A_1186] : memref<1000000x32xf32, #tpu.memory_space<hbm>> -> memref<1000000x32xf32, #tpu.memory_space<hbm>>
    %dma_wait3A_1188 = tpu.memref_slice %arg7[%dma_wait3A_1175] : memref<4x!tpu.dma_semaphore, #tpu.memory_space<semaphore_mem>> -> memref<1x!tpu.dma_semaphore, #tpu.memory_space<semaphore_mem>>
    %dma_wait3A_1189 = tpu.memref_squeeze %dma_wait3A_1188 : memref<1x!tpu.dma_semaphore, #tpu.memory_space<semaphore_mem>> -> memref<!tpu.dma_semaphore, #tpu.memory_space<semaphore_mem>>
    tpu.wait_indirect_dma semaphore(%dma_wait3A_1189 : memref<!tpu.dma_semaphore, #tpu.memory_space<semaphore_mem>>) src(%dma_wait3A_1187 : memref<1000000x32xf32, #tpu.memory_space<hbm>>) dst(%dma_wait3A_1182 : memref<128x32xf32, #tpu.memory_space<vmem>>)
    %add3A_1190 = arith.constant 23680 : i32
    %add3A_1191 = arith.addi %mul3A_2, %add3A_1190 : i32
    %dma_start3A_1192 = arith.constant 1 : i32
    %dma_start3A_1193 = arith.constant 1 : i32
    %dma_start3A_1194 = arith.constant 0 : i32
    %dma_start3A_1195 = arith.constant 0 : i32
    %dma_start3A_1196 = tpu.memref_slice %arg6[%dma_start3A_1192, %dma_start3A_1194, %dma_start3A_1195] : memref<4x640x32xf32, #tpu.memory_space<vmem>> -> memref<1x640x32xf32, #tpu.memory_space<vmem>>
    %dma_start3A_1197 = tpu.memref_squeeze %dma_start3A_1196 : memref<1x640x32xf32, #tpu.memory_space<vmem>> -> memref<640x32xf32, #tpu.memory_space<vmem>>
    %dma_start3A_1198 = arith.constant 0 : i32
    %dma_start3A_1199 = tpu.memref_slice %arg4[%add3A_1191, %dma_start3A_1198] : memref<819200x32xf32, #tpu.memory_space<hbm>> -> memref<640x32xf32, #tpu.memory_space<hbm>>
    %dma_start3A_1200 = tpu.memref_slice %arg8[%dma_start3A_1193] : memref<4x!tpu.dma_semaphore, #tpu.memory_space<semaphore_mem>> -> memref<1x!tpu.dma_semaphore, #tpu.memory_space<semaphore_mem>>
    %dma_start3A_1201 = tpu.memref_squeeze %dma_start3A_1200 : memref<1x!tpu.dma_semaphore, #tpu.memory_space<semaphore_mem>> -> memref<!tpu.dma_semaphore, #tpu.memory_space<semaphore_mem>>
    %dma_start3A_1202 = arith.constant 0 : i32
    %dma_start3A_1203 = tpu.memref_slice %arg4[%add3A_1191, %dma_start3A_1202] : memref<819200x32xf32, #tpu.memory_space<hbm>> -> memref<640x32xf32, #tpu.memory_space<hbm>>
    %dma_start3A_1204 = arith.constant 0 : i32
    %dma_start3A_1205 = arith.constant 0 : i32
    %dma_start3A_1206 = tpu.memref_slice %arg6[%dma_start3A_1192, %dma_start3A_1204, %dma_start3A_1205] : memref<4x640x32xf32, #tpu.memory_space<vmem>> -> memref<1x640x32xf32, #tpu.memory_space<vmem>>
    %dma_start3A_1207 = tpu.memref_squeeze %dma_start3A_1206 : memref<1x640x32xf32, #tpu.memory_space<vmem>> -> memref<640x32xf32, #tpu.memory_space<vmem>>
    tpu.enqueue_dma source(%dma_start3A_1207 : memref<640x32xf32, #tpu.memory_space<vmem>>) target(%dma_start3A_1203 : memref<640x32xf32, #tpu.memory_space<hbm>>) target_semaphore(%dma_start3A_1201 : memref<!tpu.dma_semaphore, #tpu.memory_space<semaphore_mem>>)
    %add3A_1208 = arith.constant 22400 : i32
    %add3A_1209 = arith.addi %mul3A_2, %add3A_1208 : i32
    %dma_wait3A_1210 = arith.constant 3 : i32
    %dma_wait3A_1211 = arith.constant 3 : i32
    %dma_wait3A_1212 = arith.constant 0 : i32
    %dma_wait3A_1213 = arith.constant 0 : i32
    %dma_wait3A_1214 = tpu.memref_slice %arg6[%dma_wait3A_1210, %dma_wait3A_1212, %dma_wait3A_1213] : memref<4x640x32xf32, #tpu.memory_space<vmem>> -> memref<1x640x32xf32, #tpu.memory_space<vmem>>
    %dma_wait3A_1215 = tpu.memref_squeeze %dma_wait3A_1214 : memref<1x640x32xf32, #tpu.memory_space<vmem>> -> memref<640x32xf32, #tpu.memory_space<vmem>>
    %dma_wait3A_1216 = arith.constant 0 : i32
    %dma_wait3A_1217 = tpu.memref_slice %arg4[%add3A_1209, %dma_wait3A_1216] : memref<819200x32xf32, #tpu.memory_space<hbm>> -> memref<640x32xf32, #tpu.memory_space<hbm>>
    %dma_wait3A_1218 = tpu.memref_slice %arg8[%dma_wait3A_1211] : memref<4x!tpu.dma_semaphore, #tpu.memory_space<semaphore_mem>> -> memref<1x!tpu.dma_semaphore, #tpu.memory_space<semaphore_mem>>
    %dma_wait3A_1219 = tpu.memref_squeeze %dma_wait3A_1218 : memref<1x!tpu.dma_semaphore, #tpu.memory_space<semaphore_mem>> -> memref<!tpu.dma_semaphore, #tpu.memory_space<semaphore_mem>>
    %dma_wait3A_1220 = arith.constant 0 : i32
    %dma_wait3A_1221 = tpu.memref_slice %arg4[%add3A_1209, %dma_wait3A_1220] : memref<819200x32xf32, #tpu.memory_space<hbm>> -> memref<640x32xf32, #tpu.memory_space<hbm>>
    %dma_wait3A_1222 = arith.constant 0 : i32
    %dma_wait3A_1223 = arith.constant 0 : i32
    %dma_wait3A_1224 = tpu.memref_slice %arg6[%dma_wait3A_1210, %dma_wait3A_1222, %dma_wait3A_1223] : memref<4x640x32xf32, #tpu.memory_space<vmem>> -> memref<1x640x32xf32, #tpu.memory_space<vmem>>
    %dma_wait3A_1225 = tpu.memref_squeeze %dma_wait3A_1224 : memref<1x640x32xf32, #tpu.memory_space<vmem>> -> memref<640x32xf32, #tpu.memory_space<vmem>>
    tpu.wait_dma2 semaphore(%dma_wait3A_1219 : memref<!tpu.dma_semaphore, #tpu.memory_space<semaphore_mem>>) src(%dma_wait3A_1225 : memref<640x32xf32, #tpu.memory_space<vmem>>) dst(%dma_wait3A_1221 : memref<640x32xf32, #tpu.memory_space<hbm>>)
    %dma_start3A_1226 = arith.constant 3 : i32
    %dma_start3A_1227 = arith.constant 3 : i32
    %dma_start3A_1228 = arith.constant 0 : i32
    %dma_start3A_1229 = arith.constant 0 : i32
    %dma_start3A_1230 = tpu.memref_slice %arg6[%dma_start3A_1226, %dma_start3A_1228, %dma_start3A_1229] : memref<4x640x32xf32, #tpu.memory_space<vmem>> -> memref<1x640x32xf32, #tpu.memory_space<vmem>>
    %dma_start3A_1231 = tpu.memref_squeeze %dma_start3A_1230 : memref<1x640x32xf32, #tpu.memory_space<vmem>> -> memref<640x32xf32, #tpu.memory_space<vmem>>
    %dma_start3A_1232 = arith.constant 0 : i32
    %dma_start3A_1233 = arith.constant 0 : i32
    %dma_start3A_1234 = tpu.memref_slice %dma_start3A_1231[%dma_start3A_1232, %dma_start3A_1233] : memref<640x32xf32, #tpu.memory_space<vmem>> -> memref<128x32xf32, #tpu.memory_space<vmem>>
    %dma_start3A_1235 = arith.constant 24960 : i32
    %dma_start3A_1236 = tpu.memref_slice %arg5[%dma_start3A_1235] : memref<25600xi32, #tpu.memory_space<vmem>> -> memref<128xi32, #tpu.memory_space<vmem>>
    %dma_start3A_1237 = arith.constant 0 : i32
    %dma_start3A_1238 = arith.constant 0 : i32
    %dma_start3A_1239 = tpu.memref_slice %arg3[%dma_start3A_1237, %dma_start3A_1238] : memref<1000000x32xf32, #tpu.memory_space<hbm>> -> memref<1000000x32xf32, #tpu.memory_space<hbm>>
    %dma_start3A_1240 = tpu.memref_slice %arg7[%dma_start3A_1227] : memref<4x!tpu.dma_semaphore, #tpu.memory_space<semaphore_mem>> -> memref<1x!tpu.dma_semaphore, #tpu.memory_space<semaphore_mem>>
    %dma_start3A_1241 = tpu.memref_squeeze %dma_start3A_1240 : memref<1x!tpu.dma_semaphore, #tpu.memory_space<semaphore_mem>> -> memref<!tpu.dma_semaphore, #tpu.memory_space<semaphore_mem>>
    tpu.enqueue_indirect_dma source(%dma_start3A_1239 : memref<1000000x32xf32, #tpu.memory_space<hbm>>) target(%dma_start3A_1234 : memref<128x32xf32, #tpu.memory_space<vmem>>) offsets(%dma_start3A_1236 : memref<128xi32, #tpu.memory_space<vmem>>) semaphore(%dma_start3A_1241 : memref<!tpu.dma_semaphore, #tpu.memory_space<semaphore_mem>>)
    %dma_start3A_1242 = arith.constant 3 : i32
    %dma_start3A_1243 = arith.constant 3 : i32
    %dma_start3A_1244 = arith.constant 0 : i32
    %dma_start3A_1245 = arith.constant 0 : i32
    %dma_start3A_1246 = tpu.memref_slice %arg6[%dma_start3A_1242, %dma_start3A_1244, %dma_start3A_1245] : memref<4x640x32xf32, #tpu.memory_space<vmem>> -> memref<1x640x32xf32, #tpu.memory_space<vmem>>
    %dma_start3A_1247 = tpu.memref_squeeze %dma_start3A_1246 : memref<1x640x32xf32, #tpu.memory_space<vmem>> -> memref<640x32xf32, #tpu.memory_space<vmem>>
    %dma_start3A_1248 = arith.constant 128 : i32
    %dma_start3A_1249 = arith.constant 0 : i32
    %dma_start3A_1250 = tpu.memref_slice %dma_start3A_1247[%dma_start3A_1248, %dma_start3A_1249] : memref<640x32xf32, #tpu.memory_space<vmem>> -> memref<128x32xf32, #tpu.memory_space<vmem>>
    %dma_start3A_1251 = arith.constant 25088 : i32
    %dma_start3A_1252 = tpu.memref_slice %arg5[%dma_start3A_1251] : memref<25600xi32, #tpu.memory_space<vmem>> -> memref<128xi32, #tpu.memory_space<vmem>>
    %dma_start3A_1253 = arith.constant 0 : i32
    %dma_start3A_1254 = arith.constant 0 : i32
    %dma_start3A_1255 = tpu.memref_slice %arg3[%dma_start3A_1253, %dma_start3A_1254] : memref<1000000x32xf32, #tpu.memory_space<hbm>> -> memref<1000000x32xf32, #tpu.memory_space<hbm>>
    %dma_start3A_1256 = tpu.memref_slice %arg7[%dma_start3A_1243] : memref<4x!tpu.dma_semaphore, #tpu.memory_space<semaphore_mem>> -> memref<1x!tpu.dma_semaphore, #tpu.memory_space<semaphore_mem>>
    %dma_start3A_1257 = tpu.memref_squeeze %dma_start3A_1256 : memref<1x!tpu.dma_semaphore, #tpu.memory_space<semaphore_mem>> -> memref<!tpu.dma_semaphore, #tpu.memory_space<semaphore_mem>>
    tpu.enqueue_indirect_dma source(%dma_start3A_1255 : memref<1000000x32xf32, #tpu.memory_space<hbm>>) target(%dma_start3A_1250 : memref<128x32xf32, #tpu.memory_space<vmem>>) offsets(%dma_start3A_1252 : memref<128xi32, #tpu.memory_space<vmem>>) semaphore(%dma_start3A_1257 : memref<!tpu.dma_semaphore, #tpu.memory_space<semaphore_mem>>)
    %dma_start3A_1258 = arith.constant 3 : i32
    %dma_start3A_1259 = arith.constant 3 : i32
    %dma_start3A_1260 = arith.constant 0 : i32
    %dma_start3A_1261 = arith.constant 0 : i32
    %dma_start3A_1262 = tpu.memref_slice %arg6[%dma_start3A_1258, %dma_start3A_1260, %dma_start3A_1261] : memref<4x640x32xf32, #tpu.memory_space<vmem>> -> memref<1x640x32xf32, #tpu.memory_space<vmem>>
    %dma_start3A_1263 = tpu.memref_squeeze %dma_start3A_1262 : memref<1x640x32xf32, #tpu.memory_space<vmem>> -> memref<640x32xf32, #tpu.memory_space<vmem>>
    %dma_start3A_1264 = arith.constant 256 : i32
    %dma_start3A_1265 = arith.constant 0 : i32
    %dma_start3A_1266 = tpu.memref_slice %dma_start3A_1263[%dma_start3A_1264, %dma_start3A_1265] : memref<640x32xf32, #tpu.memory_space<vmem>> -> memref<128x32xf32, #tpu.memory_space<vmem>>
    %dma_start3A_1267 = arith.constant 25216 : i32
    %dma_start3A_1268 = tpu.memref_slice %arg5[%dma_start3A_1267] : memref<25600xi32, #tpu.memory_space<vmem>> -> memref<128xi32, #tpu.memory_space<vmem>>
    %dma_start3A_1269 = arith.constant 0 : i32
    %dma_start3A_1270 = arith.constant 0 : i32
    %dma_start3A_1271 = tpu.memref_slice %arg3[%dma_start3A_1269, %dma_start3A_1270] : memref<1000000x32xf32, #tpu.memory_space<hbm>> -> memref<1000000x32xf32, #tpu.memory_space<hbm>>
    %dma_start3A_1272 = tpu.memref_slice %arg7[%dma_start3A_1259] : memref<4x!tpu.dma_semaphore, #tpu.memory_space<semaphore_mem>> -> memref<1x!tpu.dma_semaphore, #tpu.memory_space<semaphore_mem>>
    %dma_start3A_1273 = tpu.memref_squeeze %dma_start3A_1272 : memref<1x!tpu.dma_semaphore, #tpu.memory_space<semaphore_mem>> -> memref<!tpu.dma_semaphore, #tpu.memory_space<semaphore_mem>>
    tpu.enqueue_indirect_dma source(%dma_start3A_1271 : memref<1000000x32xf32, #tpu.memory_space<hbm>>) target(%dma_start3A_1266 : memref<128x32xf32, #tpu.memory_space<vmem>>) offsets(%dma_start3A_1268 : memref<128xi32, #tpu.memory_space<vmem>>) semaphore(%dma_start3A_1273 : memref<!tpu.dma_semaphore, #tpu.memory_space<semaphore_mem>>)
    %dma_start3A_1274 = arith.constant 3 : i32
    %dma_start3A_1275 = arith.constant 3 : i32
    %dma_start3A_1276 = arith.constant 0 : i32
    %dma_start3A_1277 = arith.constant 0 : i32
    %dma_start3A_1278 = tpu.memref_slice %arg6[%dma_start3A_1274, %dma_start3A_1276, %dma_start3A_1277] : memref<4x640x32xf32, #tpu.memory_space<vmem>> -> memref<1x640x32xf32, #tpu.memory_space<vmem>>
    %dma_start3A_1279 = tpu.memref_squeeze %dma_start3A_1278 : memref<1x640x32xf32, #tpu.memory_space<vmem>> -> memref<640x32xf32, #tpu.memory_space<vmem>>
    %dma_start3A_1280 = arith.constant 384 : i32
    %dma_start3A_1281 = arith.constant 0 : i32
    %dma_start3A_1282 = tpu.memref_slice %dma_start3A_1279[%dma_start3A_1280, %dma_start3A_1281] : memref<640x32xf32, #tpu.memory_space<vmem>> -> memref<128x32xf32, #tpu.memory_space<vmem>>
    %dma_start3A_1283 = arith.constant 25344 : i32
    %dma_start3A_1284 = tpu.memref_slice %arg5[%dma_start3A_1283] : memref<25600xi32, #tpu.memory_space<vmem>> -> memref<128xi32, #tpu.memory_space<vmem>>
    %dma_start3A_1285 = arith.constant 0 : i32
    %dma_start3A_1286 = arith.constant 0 : i32
    %dma_start3A_1287 = tpu.memref_slice %arg3[%dma_start3A_1285, %dma_start3A_1286] : memref<1000000x32xf32, #tpu.memory_space<hbm>> -> memref<1000000x32xf32, #tpu.memory_space<hbm>>
    %dma_start3A_1288 = tpu.memref_slice %arg7[%dma_start3A_1275] : memref<4x!tpu.dma_semaphore, #tpu.memory_space<semaphore_mem>> -> memref<1x!tpu.dma_semaphore, #tpu.memory_space<semaphore_mem>>
    %dma_start3A_1289 = tpu.memref_squeeze %dma_start3A_1288 : memref<1x!tpu.dma_semaphore, #tpu.memory_space<semaphore_mem>> -> memref<!tpu.dma_semaphore, #tpu.memory_space<semaphore_mem>>
    tpu.enqueue_indirect_dma source(%dma_start3A_1287 : memref<1000000x32xf32, #tpu.memory_space<hbm>>) target(%dma_start3A_1282 : memref<128x32xf32, #tpu.memory_space<vmem>>) offsets(%dma_start3A_1284 : memref<128xi32, #tpu.memory_space<vmem>>) semaphore(%dma_start3A_1289 : memref<!tpu.dma_semaphore, #tpu.memory_space<semaphore_mem>>)
    %dma_start3A_1290 = arith.constant 3 : i32
    %dma_start3A_1291 = arith.constant 3 : i32
    %dma_start3A_1292 = arith.constant 0 : i32
    %dma_start3A_1293 = arith.constant 0 : i32
    %dma_start3A_1294 = tpu.memref_slice %arg6[%dma_start3A_1290, %dma_start3A_1292, %dma_start3A_1293] : memref<4x640x32xf32, #tpu.memory_space<vmem>> -> memref<1x640x32xf32, #tpu.memory_space<vmem>>
    %dma_start3A_1295 = tpu.memref_squeeze %dma_start3A_1294 : memref<1x640x32xf32, #tpu.memory_space<vmem>> -> memref<640x32xf32, #tpu.memory_space<vmem>>
    %dma_start3A_1296 = arith.constant 512 : i32
    %dma_start3A_1297 = arith.constant 0 : i32
    %dma_start3A_1298 = tpu.memref_slice %dma_start3A_1295[%dma_start3A_1296, %dma_start3A_1297] : memref<640x32xf32, #tpu.memory_space<vmem>> -> memref<128x32xf32, #tpu.memory_space<vmem>>
    %dma_start3A_1299 = arith.constant 25472 : i32
    %dma_start3A_1300 = tpu.memref_slice %arg5[%dma_start3A_1299] : memref<25600xi32, #tpu.memory_space<vmem>> -> memref<128xi32, #tpu.memory_space<vmem>>
    %dma_start3A_1301 = arith.constant 0 : i32
    %dma_start3A_1302 = arith.constant 0 : i32
    %dma_start3A_1303 = tpu.memref_slice %arg3[%dma_start3A_1301, %dma_start3A_1302] : memref<1000000x32xf32, #tpu.memory_space<hbm>> -> memref<1000000x32xf32, #tpu.memory_space<hbm>>
    %dma_start3A_1304 = tpu.memref_slice %arg7[%dma_start3A_1291] : memref<4x!tpu.dma_semaphore, #tpu.memory_space<semaphore_mem>> -> memref<1x!tpu.dma_semaphore, #tpu.memory_space<semaphore_mem>>
    %dma_start3A_1305 = tpu.memref_squeeze %dma_start3A_1304 : memref<1x!tpu.dma_semaphore, #tpu.memory_space<semaphore_mem>> -> memref<!tpu.dma_semaphore, #tpu.memory_space<semaphore_mem>>
    tpu.enqueue_indirect_dma source(%dma_start3A_1303 : memref<1000000x32xf32, #tpu.memory_space<hbm>>) target(%dma_start3A_1298 : memref<128x32xf32, #tpu.memory_space<vmem>>) offsets(%dma_start3A_1300 : memref<128xi32, #tpu.memory_space<vmem>>) semaphore(%dma_start3A_1305 : memref<!tpu.dma_semaphore, #tpu.memory_space<semaphore_mem>>)
    %dma_wait3A_1306 = arith.constant 2 : i32
    %dma_wait3A_1307 = arith.constant 2 : i32
    %dma_wait3A_1308 = arith.constant 0 : i32
    %dma_wait3A_1309 = arith.constant 0 : i32
    %dma_wait3A_1310 = tpu.memref_slice %arg6[%dma_wait3A_1306, %dma_wait3A_1308, %dma_wait3A_1309] : memref<4x640x32xf32, #tpu.memory_space<vmem>> -> memref<1x640x32xf32, #tpu.memory_space<vmem>>
    %dma_wait3A_1311 = tpu.memref_squeeze %dma_wait3A_1310 : memref<1x640x32xf32, #tpu.memory_space<vmem>> -> memref<640x32xf32, #tpu.memory_space<vmem>>
    %dma_wait3A_1312 = arith.constant 0 : i32
    %dma_wait3A_1313 = arith.constant 0 : i32
    %dma_wait3A_1314 = tpu.memref_slice %dma_wait3A_1311[%dma_wait3A_1312, %dma_wait3A_1313] : memref<640x32xf32, #tpu.memory_space<vmem>> -> memref<128x32xf32, #tpu.memory_space<vmem>>
    %dma_wait3A_1315 = arith.constant 24320 : i32
    %dma_wait3A_1316 = tpu.memref_slice %arg5[%dma_wait3A_1315] : memref<25600xi32, #tpu.memory_space<vmem>> -> memref<128xi32, #tpu.memory_space<vmem>>
    %dma_wait3A_1317 = arith.constant 0 : i32
    %dma_wait3A_1318 = arith.constant 0 : i32
    %dma_wait3A_1319 = tpu.memref_slice %arg3[%dma_wait3A_1317, %dma_wait3A_1318] : memref<1000000x32xf32, #tpu.memory_space<hbm>> -> memref<1000000x32xf32, #tpu.memory_space<hbm>>
    %dma_wait3A_1320 = tpu.memref_slice %arg7[%dma_wait3A_1307] : memref<4x!tpu.dma_semaphore, #tpu.memory_space<semaphore_mem>> -> memref<1x!tpu.dma_semaphore, #tpu.memory_space<semaphore_mem>>
    %dma_wait3A_1321 = tpu.memref_squeeze %dma_wait3A_1320 : memref<1x!tpu.dma_semaphore, #tpu.memory_space<semaphore_mem>> -> memref<!tpu.dma_semaphore, #tpu.memory_space<semaphore_mem>>
    tpu.wait_indirect_dma semaphore(%dma_wait3A_1321 : memref<!tpu.dma_semaphore, #tpu.memory_space<semaphore_mem>>) src(%dma_wait3A_1319 : memref<1000000x32xf32, #tpu.memory_space<hbm>>) dst(%dma_wait3A_1314 : memref<128x32xf32, #tpu.memory_space<vmem>>)
    %dma_wait3A_1322 = arith.constant 2 : i32
    %dma_wait3A_1323 = arith.constant 2 : i32
    %dma_wait3A_1324 = arith.constant 0 : i32
    %dma_wait3A_1325 = arith.constant 0 : i32
    %dma_wait3A_1326 = tpu.memref_slice %arg6[%dma_wait3A_1322, %dma_wait3A_1324, %dma_wait3A_1325] : memref<4x640x32xf32, #tpu.memory_space<vmem>> -> memref<1x640x32xf32, #tpu.memory_space<vmem>>
    %dma_wait3A_1327 = tpu.memref_squeeze %dma_wait3A_1326 : memref<1x640x32xf32, #tpu.memory_space<vmem>> -> memref<640x32xf32, #tpu.memory_space<vmem>>
    %dma_wait3A_1328 = arith.constant 128 : i32
    %dma_wait3A_1329 = arith.constant 0 : i32
    %dma_wait3A_1330 = tpu.memref_slice %dma_wait3A_1327[%dma_wait3A_1328, %dma_wait3A_1329] : memref<640x32xf32, #tpu.memory_space<vmem>> -> memref<128x32xf32, #tpu.memory_space<vmem>>
    %dma_wait3A_1331 = arith.constant 24448 : i32
    %dma_wait3A_1332 = tpu.memref_slice %arg5[%dma_wait3A_1331] : memref<25600xi32, #tpu.memory_space<vmem>> -> memref<128xi32, #tpu.memory_space<vmem>>
    %dma_wait3A_1333 = arith.constant 0 : i32
    %dma_wait3A_1334 = arith.constant 0 : i32
    %dma_wait3A_1335 = tpu.memref_slice %arg3[%dma_wait3A_1333, %dma_wait3A_1334] : memref<1000000x32xf32, #tpu.memory_space<hbm>> -> memref<1000000x32xf32, #tpu.memory_space<hbm>>
    %dma_wait3A_1336 = tpu.memref_slice %arg7[%dma_wait3A_1323] : memref<4x!tpu.dma_semaphore, #tpu.memory_space<semaphore_mem>> -> memref<1x!tpu.dma_semaphore, #tpu.memory_space<semaphore_mem>>
    %dma_wait3A_1337 = tpu.memref_squeeze %dma_wait3A_1336 : memref<1x!tpu.dma_semaphore, #tpu.memory_space<semaphore_mem>> -> memref<!tpu.dma_semaphore, #tpu.memory_space<semaphore_mem>>
    tpu.wait_indirect_dma semaphore(%dma_wait3A_1337 : memref<!tpu.dma_semaphore, #tpu.memory_space<semaphore_mem>>) src(%dma_wait3A_1335 : memref<1000000x32xf32, #tpu.memory_space<hbm>>) dst(%dma_wait3A_1330 : memref<128x32xf32, #tpu.memory_space<vmem>>)
    %dma_wait3A_1338 = arith.constant 2 : i32
    %dma_wait3A_1339 = arith.constant 2 : i32
    %dma_wait3A_1340 = arith.constant 0 : i32
    %dma_wait3A_1341 = arith.constant 0 : i32
    %dma_wait3A_1342 = tpu.memref_slice %arg6[%dma_wait3A_1338, %dma_wait3A_1340, %dma_wait3A_1341] : memref<4x640x32xf32, #tpu.memory_space<vmem>> -> memref<1x640x32xf32, #tpu.memory_space<vmem>>
    %dma_wait3A_1343 = tpu.memref_squeeze %dma_wait3A_1342 : memref<1x640x32xf32, #tpu.memory_space<vmem>> -> memref<640x32xf32, #tpu.memory_space<vmem>>
    %dma_wait3A_1344 = arith.constant 256 : i32
    %dma_wait3A_1345 = arith.constant 0 : i32
    %dma_wait3A_1346 = tpu.memref_slice %dma_wait3A_1343[%dma_wait3A_1344, %dma_wait3A_1345] : memref<640x32xf32, #tpu.memory_space<vmem>> -> memref<128x32xf32, #tpu.memory_space<vmem>>
    %dma_wait3A_1347 = arith.constant 24576 : i32
    %dma_wait3A_1348 = tpu.memref_slice %arg5[%dma_wait3A_1347] : memref<25600xi32, #tpu.memory_space<vmem>> -> memref<128xi32, #tpu.memory_space<vmem>>
    %dma_wait3A_1349 = arith.constant 0 : i32
    %dma_wait3A_1350 = arith.constant 0 : i32
    %dma_wait3A_1351 = tpu.memref_slice %arg3[%dma_wait3A_1349, %dma_wait3A_1350] : memref<1000000x32xf32, #tpu.memory_space<hbm>> -> memref<1000000x32xf32, #tpu.memory_space<hbm>>
    %dma_wait3A_1352 = tpu.memref_slice %arg7[%dma_wait3A_1339] : memref<4x!tpu.dma_semaphore, #tpu.memory_space<semaphore_mem>> -> memref<1x!tpu.dma_semaphore, #tpu.memory_space<semaphore_mem>>
    %dma_wait3A_1353 = tpu.memref_squeeze %dma_wait3A_1352 : memref<1x!tpu.dma_semaphore, #tpu.memory_space<semaphore_mem>> -> memref<!tpu.dma_semaphore, #tpu.memory_space<semaphore_mem>>
    tpu.wait_indirect_dma semaphore(%dma_wait3A_1353 : memref<!tpu.dma_semaphore, #tpu.memory_space<semaphore_mem>>) src(%dma_wait3A_1351 : memref<1000000x32xf32, #tpu.memory_space<hbm>>) dst(%dma_wait3A_1346 : memref<128x32xf32, #tpu.memory_space<vmem>>)
    %dma_wait3A_1354 = arith.constant 2 : i32
    %dma_wait3A_1355 = arith.constant 2 : i32
    %dma_wait3A_1356 = arith.constant 0 : i32
    %dma_wait3A_1357 = arith.constant 0 : i32
    %dma_wait3A_1358 = tpu.memref_slice %arg6[%dma_wait3A_1354, %dma_wait3A_1356, %dma_wait3A_1357] : memref<4x640x32xf32, #tpu.memory_space<vmem>> -> memref<1x640x32xf32, #tpu.memory_space<vmem>>
    %dma_wait3A_1359 = tpu.memref_squeeze %dma_wait3A_1358 : memref<1x640x32xf32, #tpu.memory_space<vmem>> -> memref<640x32xf32, #tpu.memory_space<vmem>>
    %dma_wait3A_1360 = arith.constant 384 : i32
    %dma_wait3A_1361 = arith.constant 0 : i32
    %dma_wait3A_1362 = tpu.memref_slice %dma_wait3A_1359[%dma_wait3A_1360, %dma_wait3A_1361] : memref<640x32xf32, #tpu.memory_space<vmem>> -> memref<128x32xf32, #tpu.memory_space<vmem>>
    %dma_wait3A_1363 = arith.constant 24704 : i32
    %dma_wait3A_1364 = tpu.memref_slice %arg5[%dma_wait3A_1363] : memref<25600xi32, #tpu.memory_space<vmem>> -> memref<128xi32, #tpu.memory_space<vmem>>
    %dma_wait3A_1365 = arith.constant 0 : i32
    %dma_wait3A_1366 = arith.constant 0 : i32
    %dma_wait3A_1367 = tpu.memref_slice %arg3[%dma_wait3A_1365, %dma_wait3A_1366] : memref<1000000x32xf32, #tpu.memory_space<hbm>> -> memref<1000000x32xf32, #tpu.memory_space<hbm>>
    %dma_wait3A_1368 = tpu.memref_slice %arg7[%dma_wait3A_1355] : memref<4x!tpu.dma_semaphore, #tpu.memory_space<semaphore_mem>> -> memref<1x!tpu.dma_semaphore, #tpu.memory_space<semaphore_mem>>
    %dma_wait3A_1369 = tpu.memref_squeeze %dma_wait3A_1368 : memref<1x!tpu.dma_semaphore, #tpu.memory_space<semaphore_mem>> -> memref<!tpu.dma_semaphore, #tpu.memory_space<semaphore_mem>>
    tpu.wait_indirect_dma semaphore(%dma_wait3A_1369 : memref<!tpu.dma_semaphore, #tpu.memory_space<semaphore_mem>>) src(%dma_wait3A_1367 : memref<1000000x32xf32, #tpu.memory_space<hbm>>) dst(%dma_wait3A_1362 : memref<128x32xf32, #tpu.memory_space<vmem>>)
    %dma_wait3A_1370 = arith.constant 2 : i32
    %dma_wait3A_1371 = arith.constant 2 : i32
    %dma_wait3A_1372 = arith.constant 0 : i32
    %dma_wait3A_1373 = arith.constant 0 : i32
    %dma_wait3A_1374 = tpu.memref_slice %arg6[%dma_wait3A_1370, %dma_wait3A_1372, %dma_wait3A_1373] : memref<4x640x32xf32, #tpu.memory_space<vmem>> -> memref<1x640x32xf32, #tpu.memory_space<vmem>>
    %dma_wait3A_1375 = tpu.memref_squeeze %dma_wait3A_1374 : memref<1x640x32xf32, #tpu.memory_space<vmem>> -> memref<640x32xf32, #tpu.memory_space<vmem>>
    %dma_wait3A_1376 = arith.constant 512 : i32
    %dma_wait3A_1377 = arith.constant 0 : i32
    %dma_wait3A_1378 = tpu.memref_slice %dma_wait3A_1375[%dma_wait3A_1376, %dma_wait3A_1377] : memref<640x32xf32, #tpu.memory_space<vmem>> -> memref<128x32xf32, #tpu.memory_space<vmem>>
    %dma_wait3A_1379 = arith.constant 24832 : i32
    %dma_wait3A_1380 = tpu.memref_slice %arg5[%dma_wait3A_1379] : memref<25600xi32, #tpu.memory_space<vmem>> -> memref<128xi32, #tpu.memory_space<vmem>>
    %dma_wait3A_1381 = arith.constant 0 : i32
    %dma_wait3A_1382 = arith.constant 0 : i32
    %dma_wait3A_1383 = tpu.memref_slice %arg3[%dma_wait3A_1381, %dma_wait3A_1382] : memref<1000000x32xf32, #tpu.memory_space<hbm>> -> memref<1000000x32xf32, #tpu.memory_space<hbm>>
    %dma_wait3A_1384 = tpu.memref_slice %arg7[%dma_wait3A_1371] : memref<4x!tpu.dma_semaphore, #tpu.memory_space<semaphore_mem>> -> memref<1x!tpu.dma_semaphore, #tpu.memory_space<semaphore_mem>>
    %dma_wait3A_1385 = tpu.memref_squeeze %dma_wait3A_1384 : memref<1x!tpu.dma_semaphore, #tpu.memory_space<semaphore_mem>> -> memref<!tpu.dma_semaphore, #tpu.memory_space<semaphore_mem>>
    tpu.wait_indirect_dma semaphore(%dma_wait3A_1385 : memref<!tpu.dma_semaphore, #tpu.memory_space<semaphore_mem>>) src(%dma_wait3A_1383 : memref<1000000x32xf32, #tpu.memory_space<hbm>>) dst(%dma_wait3A_1378 : memref<128x32xf32, #tpu.memory_space<vmem>>)
    %add3A_1386 = arith.constant 24320 : i32
    %add3A_1387 = arith.addi %mul3A_2, %add3A_1386 : i32
    %dma_start3A_1388 = arith.constant 2 : i32
    %dma_start3A_1389 = arith.constant 2 : i32
    %dma_start3A_1390 = arith.constant 0 : i32
    %dma_start3A_1391 = arith.constant 0 : i32
    %dma_start3A_1392 = tpu.memref_slice %arg6[%dma_start3A_1388, %dma_start3A_1390, %dma_start3A_1391] : memref<4x640x32xf32, #tpu.memory_space<vmem>> -> memref<1x640x32xf32, #tpu.memory_space<vmem>>
    %dma_start3A_1393 = tpu.memref_squeeze %dma_start3A_1392 : memref<1x640x32xf32, #tpu.memory_space<vmem>> -> memref<640x32xf32, #tpu.memory_space<vmem>>
    %dma_start3A_1394 = arith.constant 0 : i32
    %dma_start3A_1395 = tpu.memref_slice %arg4[%add3A_1387, %dma_start3A_1394] : memref<819200x32xf32, #tpu.memory_space<hbm>> -> memref<640x32xf32, #tpu.memory_space<hbm>>
    %dma_start3A_1396 = tpu.memref_slice %arg8[%dma_start3A_1389] : memref<4x!tpu.dma_semaphore, #tpu.memory_space<semaphore_mem>> -> memref<1x!tpu.dma_semaphore, #tpu.memory_space<semaphore_mem>>
    %dma_start3A_1397 = tpu.memref_squeeze %dma_start3A_1396 : memref<1x!tpu.dma_semaphore, #tpu.memory_space<semaphore_mem>> -> memref<!tpu.dma_semaphore, #tpu.memory_space<semaphore_mem>>
    %dma_start3A_1398 = arith.constant 0 : i32
    %dma_start3A_1399 = tpu.memref_slice %arg4[%add3A_1387, %dma_start3A_1398] : memref<819200x32xf32, #tpu.memory_space<hbm>> -> memref<640x32xf32, #tpu.memory_space<hbm>>
    %dma_start3A_1400 = arith.constant 0 : i32
    %dma_start3A_1401 = arith.constant 0 : i32
    %dma_start3A_1402 = tpu.memref_slice %arg6[%dma_start3A_1388, %dma_start3A_1400, %dma_start3A_1401] : memref<4x640x32xf32, #tpu.memory_space<vmem>> -> memref<1x640x32xf32, #tpu.memory_space<vmem>>
    %dma_start3A_1403 = tpu.memref_squeeze %dma_start3A_1402 : memref<1x640x32xf32, #tpu.memory_space<vmem>> -> memref<640x32xf32, #tpu.memory_space<vmem>>
    tpu.enqueue_dma source(%dma_start3A_1403 : memref<640x32xf32, #tpu.memory_space<vmem>>) target(%dma_start3A_1399 : memref<640x32xf32, #tpu.memory_space<hbm>>) target_semaphore(%dma_start3A_1397 : memref<!tpu.dma_semaphore, #tpu.memory_space<semaphore_mem>>)
    %dma_wait3A_1404 = arith.constant 3 : i32
    %dma_wait3A_1405 = arith.constant 3 : i32
    %dma_wait3A_1406 = arith.constant 0 : i32
    %dma_wait3A_1407 = arith.constant 0 : i32
    %dma_wait3A_1408 = tpu.memref_slice %arg6[%dma_wait3A_1404, %dma_wait3A_1406, %dma_wait3A_1407] : memref<4x640x32xf32, #tpu.memory_space<vmem>> -> memref<1x640x32xf32, #tpu.memory_space<vmem>>
    %dma_wait3A_1409 = tpu.memref_squeeze %dma_wait3A_1408 : memref<1x640x32xf32, #tpu.memory_space<vmem>> -> memref<640x32xf32, #tpu.memory_space<vmem>>
    %dma_wait3A_1410 = arith.constant 0 : i32
    %dma_wait3A_1411 = arith.constant 0 : i32
    %dma_wait3A_1412 = tpu.memref_slice %dma_wait3A_1409[%dma_wait3A_1410, %dma_wait3A_1411] : memref<640x32xf32, #tpu.memory_space<vmem>> -> memref<128x32xf32, #tpu.memory_space<vmem>>
    %dma_wait3A_1413 = arith.constant 24960 : i32
    %dma_wait3A_1414 = tpu.memref_slice %arg5[%dma_wait3A_1413] : memref<25600xi32, #tpu.memory_space<vmem>> -> memref<128xi32, #tpu.memory_space<vmem>>
    %dma_wait3A_1415 = arith.constant 0 : i32
    %dma_wait3A_1416 = arith.constant 0 : i32
    %dma_wait3A_1417 = tpu.memref_slice %arg3[%dma_wait3A_1415, %dma_wait3A_1416] : memref<1000000x32xf32, #tpu.memory_space<hbm>> -> memref<1000000x32xf32, #tpu.memory_space<hbm>>
    %dma_wait3A_1418 = tpu.memref_slice %arg7[%dma_wait3A_1405] : memref<4x!tpu.dma_semaphore, #tpu.memory_space<semaphore_mem>> -> memref<1x!tpu.dma_semaphore, #tpu.memory_space<semaphore_mem>>
    %dma_wait3A_1419 = tpu.memref_squeeze %dma_wait3A_1418 : memref<1x!tpu.dma_semaphore, #tpu.memory_space<semaphore_mem>> -> memref<!tpu.dma_semaphore, #tpu.memory_space<semaphore_mem>>
    tpu.wait_indirect_dma semaphore(%dma_wait3A_1419 : memref<!tpu.dma_semaphore, #tpu.memory_space<semaphore_mem>>) src(%dma_wait3A_1417 : memref<1000000x32xf32, #tpu.memory_space<hbm>>) dst(%dma_wait3A_1412 : memref<128x32xf32, #tpu.memory_space<vmem>>)
    %dma_wait3A_1420 = arith.constant 3 : i32
    %dma_wait3A_1421 = arith.constant 3 : i32
    %dma_wait3A_1422 = arith.constant 0 : i32
    %dma_wait3A_1423 = arith.constant 0 : i32
    %dma_wait3A_1424 = tpu.memref_slice %arg6[%dma_wait3A_1420, %dma_wait3A_1422, %dma_wait3A_1423] : memref<4x640x32xf32, #tpu.memory_space<vmem>> -> memref<1x640x32xf32, #tpu.memory_space<vmem>>
    %dma_wait3A_1425 = tpu.memref_squeeze %dma_wait3A_1424 : memref<1x640x32xf32, #tpu.memory_space<vmem>> -> memref<640x32xf32, #tpu.memory_space<vmem>>
    %dma_wait3A_1426 = arith.constant 128 : i32
    %dma_wait3A_1427 = arith.constant 0 : i32
    %dma_wait3A_1428 = tpu.memref_slice %dma_wait3A_1425[%dma_wait3A_1426, %dma_wait3A_1427] : memref<640x32xf32, #tpu.memory_space<vmem>> -> memref<128x32xf32, #tpu.memory_space<vmem>>
    %dma_wait3A_1429 = arith.constant 25088 : i32
    %dma_wait3A_1430 = tpu.memref_slice %arg5[%dma_wait3A_1429] : memref<25600xi32, #tpu.memory_space<vmem>> -> memref<128xi32, #tpu.memory_space<vmem>>
    %dma_wait3A_1431 = arith.constant 0 : i32
    %dma_wait3A_1432 = arith.constant 0 : i32
    %dma_wait3A_1433 = tpu.memref_slice %arg3[%dma_wait3A_1431, %dma_wait3A_1432] : memref<1000000x32xf32, #tpu.memory_space<hbm>> -> memref<1000000x32xf32, #tpu.memory_space<hbm>>
    %dma_wait3A_1434 = tpu.memref_slice %arg7[%dma_wait3A_1421] : memref<4x!tpu.dma_semaphore, #tpu.memory_space<semaphore_mem>> -> memref<1x!tpu.dma_semaphore, #tpu.memory_space<semaphore_mem>>
    %dma_wait3A_1435 = tpu.memref_squeeze %dma_wait3A_1434 : memref<1x!tpu.dma_semaphore, #tpu.memory_space<semaphore_mem>> -> memref<!tpu.dma_semaphore, #tpu.memory_space<semaphore_mem>>
    tpu.wait_indirect_dma semaphore(%dma_wait3A_1435 : memref<!tpu.dma_semaphore, #tpu.memory_space<semaphore_mem>>) src(%dma_wait3A_1433 : memref<1000000x32xf32, #tpu.memory_space<hbm>>) dst(%dma_wait3A_1428 : memref<128x32xf32, #tpu.memory_space<vmem>>)
    %dma_wait3A_1436 = arith.constant 3 : i32
    %dma_wait3A_1437 = arith.constant 3 : i32
    %dma_wait3A_1438 = arith.constant 0 : i32
    %dma_wait3A_1439 = arith.constant 0 : i32
    %dma_wait3A_1440 = tpu.memref_slice %arg6[%dma_wait3A_1436, %dma_wait3A_1438, %dma_wait3A_1439] : memref<4x640x32xf32, #tpu.memory_space<vmem>> -> memref<1x640x32xf32, #tpu.memory_space<vmem>>
    %dma_wait3A_1441 = tpu.memref_squeeze %dma_wait3A_1440 : memref<1x640x32xf32, #tpu.memory_space<vmem>> -> memref<640x32xf32, #tpu.memory_space<vmem>>
    %dma_wait3A_1442 = arith.constant 256 : i32
    %dma_wait3A_1443 = arith.constant 0 : i32
    %dma_wait3A_1444 = tpu.memref_slice %dma_wait3A_1441[%dma_wait3A_1442, %dma_wait3A_1443] : memref<640x32xf32, #tpu.memory_space<vmem>> -> memref<128x32xf32, #tpu.memory_space<vmem>>
    %dma_wait3A_1445 = arith.constant 25216 : i32
    %dma_wait3A_1446 = tpu.memref_slice %arg5[%dma_wait3A_1445] : memref<25600xi32, #tpu.memory_space<vmem>> -> memref<128xi32, #tpu.memory_space<vmem>>
    %dma_wait3A_1447 = arith.constant 0 : i32
    %dma_wait3A_1448 = arith.constant 0 : i32
    %dma_wait3A_1449 = tpu.memref_slice %arg3[%dma_wait3A_1447, %dma_wait3A_1448] : memref<1000000x32xf32, #tpu.memory_space<hbm>> -> memref<1000000x32xf32, #tpu.memory_space<hbm>>
    %dma_wait3A_1450 = tpu.memref_slice %arg7[%dma_wait3A_1437] : memref<4x!tpu.dma_semaphore, #tpu.memory_space<semaphore_mem>> -> memref<1x!tpu.dma_semaphore, #tpu.memory_space<semaphore_mem>>
    %dma_wait3A_1451 = tpu.memref_squeeze %dma_wait3A_1450 : memref<1x!tpu.dma_semaphore, #tpu.memory_space<semaphore_mem>> -> memref<!tpu.dma_semaphore, #tpu.memory_space<semaphore_mem>>
    tpu.wait_indirect_dma semaphore(%dma_wait3A_1451 : memref<!tpu.dma_semaphore, #tpu.memory_space<semaphore_mem>>) src(%dma_wait3A_1449 : memref<1000000x32xf32, #tpu.memory_space<hbm>>) dst(%dma_wait3A_1444 : memref<128x32xf32, #tpu.memory_space<vmem>>)
    %dma_wait3A_1452 = arith.constant 3 : i32
    %dma_wait3A_1453 = arith.constant 3 : i32
    %dma_wait3A_1454 = arith.constant 0 : i32
    %dma_wait3A_1455 = arith.constant 0 : i32
    %dma_wait3A_1456 = tpu.memref_slice %arg6[%dma_wait3A_1452, %dma_wait3A_1454, %dma_wait3A_1455] : memref<4x640x32xf32, #tpu.memory_space<vmem>> -> memref<1x640x32xf32, #tpu.memory_space<vmem>>
    %dma_wait3A_1457 = tpu.memref_squeeze %dma_wait3A_1456 : memref<1x640x32xf32, #tpu.memory_space<vmem>> -> memref<640x32xf32, #tpu.memory_space<vmem>>
    %dma_wait3A_1458 = arith.constant 384 : i32
    %dma_wait3A_1459 = arith.constant 0 : i32
    %dma_wait3A_1460 = tpu.memref_slice %dma_wait3A_1457[%dma_wait3A_1458, %dma_wait3A_1459] : memref<640x32xf32, #tpu.memory_space<vmem>> -> memref<128x32xf32, #tpu.memory_space<vmem>>
    %dma_wait3A_1461 = arith.constant 25344 : i32
    %dma_wait3A_1462 = tpu.memref_slice %arg5[%dma_wait3A_1461] : memref<25600xi32, #tpu.memory_space<vmem>> -> memref<128xi32, #tpu.memory_space<vmem>>
    %dma_wait3A_1463 = arith.constant 0 : i32
    %dma_wait3A_1464 = arith.constant 0 : i32
    %dma_wait3A_1465 = tpu.memref_slice %arg3[%dma_wait3A_1463, %dma_wait3A_1464] : memref<1000000x32xf32, #tpu.memory_space<hbm>> -> memref<1000000x32xf32, #tpu.memory_space<hbm>>
    %dma_wait3A_1466 = tpu.memref_slice %arg7[%dma_wait3A_1453] : memref<4x!tpu.dma_semaphore, #tpu.memory_space<semaphore_mem>> -> memref<1x!tpu.dma_semaphore, #tpu.memory_space<semaphore_mem>>
    %dma_wait3A_1467 = tpu.memref_squeeze %dma_wait3A_1466 : memref<1x!tpu.dma_semaphore, #tpu.memory_space<semaphore_mem>> -> memref<!tpu.dma_semaphore, #tpu.memory_space<semaphore_mem>>
    tpu.wait_indirect_dma semaphore(%dma_wait3A_1467 : memref<!tpu.dma_semaphore, #tpu.memory_space<semaphore_mem>>) src(%dma_wait3A_1465 : memref<1000000x32xf32, #tpu.memory_space<hbm>>) dst(%dma_wait3A_1460 : memref<128x32xf32, #tpu.memory_space<vmem>>)
    %dma_wait3A_1468 = arith.constant 3 : i32
    %dma_wait3A_1469 = arith.constant 3 : i32
    %dma_wait3A_1470 = arith.constant 0 : i32
    %dma_wait3A_1471 = arith.constant 0 : i32
    %dma_wait3A_1472 = tpu.memref_slice %arg6[%dma_wait3A_1468, %dma_wait3A_1470, %dma_wait3A_1471] : memref<4x640x32xf32, #tpu.memory_space<vmem>> -> memref<1x640x32xf32, #tpu.memory_space<vmem>>
    %dma_wait3A_1473 = tpu.memref_squeeze %dma_wait3A_1472 : memref<1x640x32xf32, #tpu.memory_space<vmem>> -> memref<640x32xf32, #tpu.memory_space<vmem>>
    %dma_wait3A_1474 = arith.constant 512 : i32
    %dma_wait3A_1475 = arith.constant 0 : i32
    %dma_wait3A_1476 = tpu.memref_slice %dma_wait3A_1473[%dma_wait3A_1474, %dma_wait3A_1475] : memref<640x32xf32, #tpu.memory_space<vmem>> -> memref<128x32xf32, #tpu.memory_space<vmem>>
    %dma_wait3A_1477 = arith.constant 25472 : i32
    %dma_wait3A_1478 = tpu.memref_slice %arg5[%dma_wait3A_1477] : memref<25600xi32, #tpu.memory_space<vmem>> -> memref<128xi32, #tpu.memory_space<vmem>>
    %dma_wait3A_1479 = arith.constant 0 : i32
    %dma_wait3A_1480 = arith.constant 0 : i32
    %dma_wait3A_1481 = tpu.memref_slice %arg3[%dma_wait3A_1479, %dma_wait3A_1480] : memref<1000000x32xf32, #tpu.memory_space<hbm>> -> memref<1000000x32xf32, #tpu.memory_space<hbm>>
    %dma_wait3A_1482 = tpu.memref_slice %arg7[%dma_wait3A_1469] : memref<4x!tpu.dma_semaphore, #tpu.memory_space<semaphore_mem>> -> memref<1x!tpu.dma_semaphore, #tpu.memory_space<semaphore_mem>>
    %dma_wait3A_1483 = tpu.memref_squeeze %dma_wait3A_1482 : memref<1x!tpu.dma_semaphore, #tpu.memory_space<semaphore_mem>> -> memref<!tpu.dma_semaphore, #tpu.memory_space<semaphore_mem>>
    tpu.wait_indirect_dma semaphore(%dma_wait3A_1483 : memref<!tpu.dma_semaphore, #tpu.memory_space<semaphore_mem>>) src(%dma_wait3A_1481 : memref<1000000x32xf32, #tpu.memory_space<hbm>>) dst(%dma_wait3A_1476 : memref<128x32xf32, #tpu.memory_space<vmem>>)
    %add3A_1484 = arith.constant 24960 : i32
    %add3A_1485 = arith.addi %mul3A_2, %add3A_1484 : i32
    %dma_start3A_1486 = arith.constant 3 : i32
    %dma_start3A_1487 = arith.constant 3 : i32
    %dma_start3A_1488 = arith.constant 0 : i32
    %dma_start3A_1489 = arith.constant 0 : i32
    %dma_start3A_1490 = tpu.memref_slice %arg6[%dma_start3A_1486, %dma_start3A_1488, %dma_start3A_1489] : memref<4x640x32xf32, #tpu.memory_space<vmem>> -> memref<1x640x32xf32, #tpu.memory_space<vmem>>
    %dma_start3A_1491 = tpu.memref_squeeze %dma_start3A_1490 : memref<1x640x32xf32, #tpu.memory_space<vmem>> -> memref<640x32xf32, #tpu.memory_space<vmem>>
    %dma_start3A_1492 = arith.constant 0 : i32
    %dma_start3A_1493 = tpu.memref_slice %arg4[%add3A_1485, %dma_start3A_1492] : memref<819200x32xf32, #tpu.memory_space<hbm>> -> memref<640x32xf32, #tpu.memory_space<hbm>>
    %dma_start3A_1494 = tpu.memref_slice %arg8[%dma_start3A_1487] : memref<4x!tpu.dma_semaphore, #tpu.memory_space<semaphore_mem>> -> memref<1x!tpu.dma_semaphore, #tpu.memory_space<semaphore_mem>>
    %dma_start3A_1495 = tpu.memref_squeeze %dma_start3A_1494 : memref<1x!tpu.dma_semaphore, #tpu.memory_space<semaphore_mem>> -> memref<!tpu.dma_semaphore, #tpu.memory_space<semaphore_mem>>
    %dma_start3A_1496 = arith.constant 0 : i32
    %dma_start3A_1497 = tpu.memref_slice %arg4[%add3A_1485, %dma_start3A_1496] : memref<819200x32xf32, #tpu.memory_space<hbm>> -> memref<640x32xf32, #tpu.memory_space<hbm>>
    %dma_start3A_1498 = arith.constant 0 : i32
    %dma_start3A_1499 = arith.constant 0 : i32
    %dma_start3A_1500 = tpu.memref_slice %arg6[%dma_start3A_1486, %dma_start3A_1498, %dma_start3A_1499] : memref<4x640x32xf32, #tpu.memory_space<vmem>> -> memref<1x640x32xf32, #tpu.memory_space<vmem>>
    %dma_start3A_1501 = tpu.memref_squeeze %dma_start3A_1500 : memref<1x640x32xf32, #tpu.memory_space<vmem>> -> memref<640x32xf32, #tpu.memory_space<vmem>>
    tpu.enqueue_dma source(%dma_start3A_1501 : memref<640x32xf32, #tpu.memory_space<vmem>>) target(%dma_start3A_1497 : memref<640x32xf32, #tpu.memory_space<hbm>>) target_semaphore(%dma_start3A_1495 : memref<!tpu.dma_semaphore, #tpu.memory_space<semaphore_mem>>)
    %add3A_1502 = arith.constant 23040 : i32
    %add3A_1503 = arith.addi %mul3A_2, %add3A_1502 : i32
    %dma_wait3A_1504 = arith.constant 0 : i32
    %dma_wait3A_1505 = arith.constant 0 : i32
    %dma_wait3A_1506 = arith.constant 0 : i32
    %dma_wait3A_1507 = arith.constant 0 : i32
    %dma_wait3A_1508 = tpu.memref_slice %arg6[%dma_wait3A_1504, %dma_wait3A_1506, %dma_wait3A_1507] : memref<4x640x32xf32, #tpu.memory_space<vmem>> -> memref<1x640x32xf32, #tpu.memory_space<vmem>>
    %dma_wait3A_1509 = tpu.memref_squeeze %dma_wait3A_1508 : memref<1x640x32xf32, #tpu.memory_space<vmem>> -> memref<640x32xf32, #tpu.memory_space<vmem>>
    %dma_wait3A_1510 = arith.constant 0 : i32
    %dma_wait3A_1511 = tpu.memref_slice %arg4[%add3A_1503, %dma_wait3A_1510] : memref<819200x32xf32, #tpu.memory_space<hbm>> -> memref<640x32xf32, #tpu.memory_space<hbm>>
    %dma_wait3A_1512 = tpu.memref_slice %arg8[%dma_wait3A_1505] : memref<4x!tpu.dma_semaphore, #tpu.memory_space<semaphore_mem>> -> memref<1x!tpu.dma_semaphore, #tpu.memory_space<semaphore_mem>>
    %dma_wait3A_1513 = tpu.memref_squeeze %dma_wait3A_1512 : memref<1x!tpu.dma_semaphore, #tpu.memory_space<semaphore_mem>> -> memref<!tpu.dma_semaphore, #tpu.memory_space<semaphore_mem>>
    %dma_wait3A_1514 = arith.constant 0 : i32
    %dma_wait3A_1515 = tpu.memref_slice %arg4[%add3A_1503, %dma_wait3A_1514] : memref<819200x32xf32, #tpu.memory_space<hbm>> -> memref<640x32xf32, #tpu.memory_space<hbm>>
    %dma_wait3A_1516 = arith.constant 0 : i32
    %dma_wait3A_1517 = arith.constant 0 : i32
    %dma_wait3A_1518 = tpu.memref_slice %arg6[%dma_wait3A_1504, %dma_wait3A_1516, %dma_wait3A_1517] : memref<4x640x32xf32, #tpu.memory_space<vmem>> -> memref<1x640x32xf32, #tpu.memory_space<vmem>>
    %dma_wait3A_1519 = tpu.memref_squeeze %dma_wait3A_1518 : memref<1x640x32xf32, #tpu.memory_space<vmem>> -> memref<640x32xf32, #tpu.memory_space<vmem>>
    tpu.wait_dma2 semaphore(%dma_wait3A_1513 : memref<!tpu.dma_semaphore, #tpu.memory_space<semaphore_mem>>) src(%dma_wait3A_1519 : memref<640x32xf32, #tpu.memory_space<vmem>>) dst(%dma_wait3A_1515 : memref<640x32xf32, #tpu.memory_space<hbm>>)
    %add3A_1520 = arith.constant 23680 : i32
    %add3A_1521 = arith.addi %mul3A_2, %add3A_1520 : i32
    %dma_wait3A_1522 = arith.constant 1 : i32
    %dma_wait3A_1523 = arith.constant 1 : i32
    %dma_wait3A_1524 = arith.constant 0 : i32
    %dma_wait3A_1525 = arith.constant 0 : i32
    %dma_wait3A_1526 = tpu.memref_slice %arg6[%dma_wait3A_1522, %dma_wait3A_1524, %dma_wait3A_1525] : memref<4x640x32xf32, #tpu.memory_space<vmem>> -> memref<1x640x32xf32, #tpu.memory_space<vmem>>
    %dma_wait3A_1527 = tpu.memref_squeeze %dma_wait3A_1526 : memref<1x640x32xf32, #tpu.memory_space<vmem>> -> memref<640x32xf32, #tpu.memory_space<vmem>>
    %dma_wait3A_1528 = arith.constant 0 : i32
    %dma_wait3A_1529 = tpu.memref_slice %arg4[%add3A_1521, %dma_wait3A_1528] : memref<819200x32xf32, #tpu.memory_space<hbm>> -> memref<640x32xf32, #tpu.memory_space<hbm>>
    %dma_wait3A_1530 = tpu.memref_slice %arg8[%dma_wait3A_1523] : memref<4x!tpu.dma_semaphore, #tpu.memory_space<semaphore_mem>> -> memref<1x!tpu.dma_semaphore, #tpu.memory_space<semaphore_mem>>
    %dma_wait3A_1531 = tpu.memref_squeeze %dma_wait3A_1530 : memref<1x!tpu.dma_semaphore, #tpu.memory_space<semaphore_mem>> -> memref<!tpu.dma_semaphore, #tpu.memory_space<semaphore_mem>>
    %dma_wait3A_1532 = arith.constant 0 : i32
    %dma_wait3A_1533 = tpu.memref_slice %arg4[%add3A_1521, %dma_wait3A_1532] : memref<819200x32xf32, #tpu.memory_space<hbm>> -> memref<640x32xf32, #tpu.memory_space<hbm>>
    %dma_wait3A_1534 = arith.constant 0 : i32
    %dma_wait3A_1535 = arith.constant 0 : i32
    %dma_wait3A_1536 = tpu.memref_slice %arg6[%dma_wait3A_1522, %dma_wait3A_1534, %dma_wait3A_1535] : memref<4x640x32xf32, #tpu.memory_space<vmem>> -> memref<1x640x32xf32, #tpu.memory_space<vmem>>
    %dma_wait3A_1537 = tpu.memref_squeeze %dma_wait3A_1536 : memref<1x640x32xf32, #tpu.memory_space<vmem>> -> memref<640x32xf32, #tpu.memory_space<vmem>>
    tpu.wait_dma2 semaphore(%dma_wait3A_1531 : memref<!tpu.dma_semaphore, #tpu.memory_space<semaphore_mem>>) src(%dma_wait3A_1537 : memref<640x32xf32, #tpu.memory_space<vmem>>) dst(%dma_wait3A_1533 : memref<640x32xf32, #tpu.memory_space<hbm>>)
    %add3A_1538 = arith.constant 24320 : i32
    %add3A_1539 = arith.addi %mul3A_2, %add3A_1538 : i32
    %dma_wait3A_1540 = arith.constant 2 : i32
    %dma_wait3A_1541 = arith.constant 2 : i32
    %dma_wait3A_1542 = arith.constant 0 : i32
    %dma_wait3A_1543 = arith.constant 0 : i32
    %dma_wait3A_1544 = tpu.memref_slice %arg6[%dma_wait3A_1540, %dma_wait3A_1542, %dma_wait3A_1543] : memref<4x640x32xf32, #tpu.memory_space<vmem>> -> memref<1x640x32xf32, #tpu.memory_space<vmem>>
    %dma_wait3A_1545 = tpu.memref_squeeze %dma_wait3A_1544 : memref<1x640x32xf32, #tpu.memory_space<vmem>> -> memref<640x32xf32, #tpu.memory_space<vmem>>
    %dma_wait3A_1546 = arith.constant 0 : i32
    %dma_wait3A_1547 = tpu.memref_slice %arg4[%add3A_1539, %dma_wait3A_1546] : memref<819200x32xf32, #tpu.memory_space<hbm>> -> memref<640x32xf32, #tpu.memory_space<hbm>>
    %dma_wait3A_1548 = tpu.memref_slice %arg8[%dma_wait3A_1541] : memref<4x!tpu.dma_semaphore, #tpu.memory_space<semaphore_mem>> -> memref<1x!tpu.dma_semaphore, #tpu.memory_space<semaphore_mem>>
    %dma_wait3A_1549 = tpu.memref_squeeze %dma_wait3A_1548 : memref<1x!tpu.dma_semaphore, #tpu.memory_space<semaphore_mem>> -> memref<!tpu.dma_semaphore, #tpu.memory_space<semaphore_mem>>
    %dma_wait3A_1550 = arith.constant 0 : i32
    %dma_wait3A_1551 = tpu.memref_slice %arg4[%add3A_1539, %dma_wait3A_1550] : memref<819200x32xf32, #tpu.memory_space<hbm>> -> memref<640x32xf32, #tpu.memory_space<hbm>>
    %dma_wait3A_1552 = arith.constant 0 : i32
    %dma_wait3A_1553 = arith.constant 0 : i32
    %dma_wait3A_1554 = tpu.memref_slice %arg6[%dma_wait3A_1540, %dma_wait3A_1552, %dma_wait3A_1553] : memref<4x640x32xf32, #tpu.memory_space<vmem>> -> memref<1x640x32xf32, #tpu.memory_space<vmem>>
    %dma_wait3A_1555 = tpu.memref_squeeze %dma_wait3A_1554 : memref<1x640x32xf32, #tpu.memory_space<vmem>> -> memref<640x32xf32, #tpu.memory_space<vmem>>
    tpu.wait_dma2 semaphore(%dma_wait3A_1549 : memref<!tpu.dma_semaphore, #tpu.memory_space<semaphore_mem>>) src(%dma_wait3A_1555 : memref<640x32xf32, #tpu.memory_space<vmem>>) dst(%dma_wait3A_1551 : memref<640x32xf32, #tpu.memory_space<hbm>>)
    %add3A_1556 = arith.constant 24960 : i32
    %add3A_1557 = arith.addi %mul3A_2, %add3A_1556 : i32
    %dma_wait3A_1558 = arith.constant 3 : i32
    %dma_wait3A_1559 = arith.constant 3 : i32
    %dma_wait3A_1560 = arith.constant 0 : i32
    %dma_wait3A_1561 = arith.constant 0 : i32
    %dma_wait3A_1562 = tpu.memref_slice %arg6[%dma_wait3A_1558, %dma_wait3A_1560, %dma_wait3A_1561] : memref<4x640x32xf32, #tpu.memory_space<vmem>> -> memref<1x640x32xf32, #tpu.memory_space<vmem>>
    %dma_wait3A_1563 = tpu.memref_squeeze %dma_wait3A_1562 : memref<1x640x32xf32, #tpu.memory_space<vmem>> -> memref<640x32xf32, #tpu.memory_space<vmem>>
    %dma_wait3A_1564 = arith.constant 0 : i32
    %dma_wait3A_1565 = tpu.memref_slice %arg4[%add3A_1557, %dma_wait3A_1564] : memref<819200x32xf32, #tpu.memory_space<hbm>> -> memref<640x32xf32, #tpu.memory_space<hbm>>
    %dma_wait3A_1566 = tpu.memref_slice %arg8[%dma_wait3A_1559] : memref<4x!tpu.dma_semaphore, #tpu.memory_space<semaphore_mem>> -> memref<1x!tpu.dma_semaphore, #tpu.memory_space<semaphore_mem>>
    %dma_wait3A_1567 = tpu.memref_squeeze %dma_wait3A_1566 : memref<1x!tpu.dma_semaphore, #tpu.memory_space<semaphore_mem>> -> memref<!tpu.dma_semaphore, #tpu.memory_space<semaphore_mem>>
    %dma_wait3A_1568 = arith.constant 0 : i32
    %dma_wait3A_1569 = tpu.memref_slice %arg4[%add3A_1557, %dma_wait3A_1568] : memref<819200x32xf32, #tpu.memory_space<hbm>> -> memref<640x32xf32, #tpu.memory_space<hbm>>
    %dma_wait3A_1570 = arith.constant 0 : i32
    %dma_wait3A_1571 = arith.constant 0 : i32
    %dma_wait3A_1572 = tpu.memref_slice %arg6[%dma_wait3A_1558, %dma_wait3A_1570, %dma_wait3A_1571] : memref<4x640x32xf32, #tpu.memory_space<vmem>> -> memref<1x640x32xf32, #tpu.memory_space<vmem>>
    %dma_wait3A_1573 = tpu.memref_squeeze %dma_wait3A_1572 : memref<1x640x32xf32, #tpu.memory_space<vmem>> -> memref<640x32xf32, #tpu.memory_space<vmem>>
    tpu.wait_dma2 semaphore(%dma_wait3A_1567 : memref<!tpu.dma_semaphore, #tpu.memory_space<semaphore_mem>>) src(%dma_wait3A_1573 : memref<640x32xf32, #tpu.memory_space<vmem>>) dst(%dma_wait3A_1569 : memref<640x32xf32, #tpu.memory_space<hbm>>)
    return
  }
}

</mosaic_0001>

<sc_bundles>
// kernel: kernel.3.cloned.1.call-start
scs
__scs_entry_jumppad:
0x0: {  	(pc) =	sbr.rel $0x88, $3  }
0x1: {  	(tag) =	ssettag $0x0;
	lr =	simm.s32 $0x1  }
0x2: {  	[smem:$0x3F9F] =	sst lr;
	_ =	strace $0xD0000000  }
0x3: {  	_ = 	snop  }
0x4: {  	_ = 	snop  }
0x5: {  	_ = 	snop  }
0x6: {  	_ = 	snop  }
0x7: {  	_ = 	snop  }
__scs_overlays_trampoline_lowered:
0x8: {  	[smem:$0x3FAE] =	sst s0  }
0x9: {  	[smem:$0x3FAF] =	sst s1  }
0xa: {  	[smem:$0x3FB0] =	sst s2  }
0xb: {  	[smem:$0x3FB1] =	sst s3  }
0xc: {  	[smem:$0x3FB2] =	sst s4  }
0xd: {  	[smem:$0x3FB3] =	sst s5  }
0xe: {  	[smem:$0x3FB4] =	sst s6  }
0xf: {  	[smem:$0x3FB5] =	sst s7  }
0x10: {  	[smem:$0x3FB6] =	sst s8  }
0x11: {  	[smem:$0x3FB7] =	sst s9;
	s0 =	simm.s32 @!p0 $0x0  }
0x12: {  	s1 =	sld [smem:$0x3F9D];
	s0 =	simm.s32 @p0 $0x1  }
0x13: {  	[smem:$0x3FB8] =	sst s0;
	s0 =	simm.s32 @!p1 $0x0  }
0x14: {  	s2 =	sld [smem:$0x3F9C];
	s0 =	simm.s32 @p1 $0x1  }
0x15: {  	[smem:$0x3FB9] =	sst s0;
	s0 =	simm.s32 @!p2 $0x0  }
0x16: {  	s3 =	sld [smem:$0x3FDB];
	s0 =	simm.s32 @p2 $0x1  }
0x17: {  	s4 =	simm.s32 $0x1BF5;
	[smem:$0x3FBB] =	sst s0  }
0x18: {  	s0 =	sld [smem:$0x3F9E];
	_ =	swait.ge [sflag:s4], $0x0  }
0x19: {  	s7 =	sld [smem:$0x3F9F]  }
0x1a: {  	s8 =	sadd.s32 $0xFFFFE003, lr  }
0x1b: {  	s9 =	sadd.s32 $0xFFFFFEF7, lr;
	s5 =	simm.s32 $0xFFFFFFFF;
	p2 =	slt.u32 s8, $0xFFFFF086  }
0x1c: {  	p1 =	slt.u32 s9, $0xF7A;
	s5 =	simm.s32 @!p2 $0x0  }
0x1d: {  	s5 =	simm.s32 @p1 $0x1;
	p0 =	seq.s32 s7, s2  }
0x1e: {  	s7 =	smul.u32 @!p0 $0xF7A, s2;
	p2 =	seq.s32 @!p0 s5, $0x0  }
0x1f: {  	s9 =	smul.u32 $0xF7A, s1;
	s8 =	simm.s32 @!p0 $0x1BF5;
	p2 =	por !p2, p0  }
0x20: {  	[sflag:s8] =	ssyncset.s32 @!p0 $0xFFFFF086;
	s6 =	sadd.s32 @!p0 s3, s7;
	s7 =	simm.s32 @!p0 $0x108  }
0x21: {  	s3 =	sadd.s32 s3, s9;
	s6 =	sadd.s32 @!p0 $0x88, s6;
	s7 =	simm.s32 @p2 $0x1082  }
0x22: {  	[simem:s7], [sflag:s8] =	dma.local @!p0 [hbm:s6], $0xF7A  }
0x23: {  	s9 =	sor.u32 $0xD0000000, s2;
	s6 =	simm.s32 $0x108;
	_ =	swait.ge @!p0 [sflag:s8], $0x0  }
0x24: {  	s3 =	sadd.s32 $0x88, s3;
	s6 =	simm.s32 @!p1 $0x1082;
	[sflag:s4] =	ssyncset.s32 $0xFFFFF086  }
0x25: {  	[simem:s6], [sflag:s4] =	dma.local [hbm:s3], $0xF7A  }
0x26: {  	[smem:$0x3F9F] =	sst s1;
	(tag) =	ssettag s2;
	_ =	strace s9  }
0x27: {  	s1 =	sld [smem:$0x3FAF]  }
0x28: {  	s2 =	sld [smem:$0x3FB0]  }
0x29: {  	s4 =	sld [smem:$0x3FB2]  }
0x2a: {  	p0 =	seq.s32 s5, $0x0;
	s5 =	sld [smem:$0x3FB3]  }
0x2b: {  	s6 =	sld [smem:$0x3FB4]  }
0x2c: {  	s7 =	sld [smem:$0x3FB5]  }
0x2d: {  	s3 =	simm.s32 $0x108;
	s8 =	sld [smem:$0x3FB6]  }
0x2e: {  	s3 =	simm.s32 @!p0 $0x1082;
	s9 =	sld [smem:$0x3FB7]  }
0x2f: {  	lr =	sadd.s32 s0, s3;
	s0 =	sld [smem:$0x3FAE]  }
0x30: {  	s3 =	sld [smem:$0x3FB1]  }
0x31: {  	[smem:$0x3FBA] =	sst s10  }
0x32: {  	s10 =	sld [smem:$0x3FB8];
	_ =	sdelay $0x3  }
0x33: {  	p0 =	seq.s32 s10, $0x1;
	s10 =	sld [smem:$0x3FBA];
	_ =	sdelay $0x3  }
0x34: {  	[smem:$0x3FBA] =	sst s10  }
0x35: {  	s10 =	sld [smem:$0x3FB9];
	_ =	sdelay $0x3  }
0x36: {  	p1 =	seq.s32 s10, $0x1;
	s10 =	sld [smem:$0x3FBA];
	_ =	sdelay $0x3  }
0x37: {  	[smem:$0x3FBA] =	sst s10  }
0x38: {  	s10 =	sld [smem:$0x3FBB]  }
0x39: {  	_ = 	snop;
	(pc) =	sbr.ind lr, $3  }
0x3a: {  	_ = 	snop  }
0x3b: {  	_ = 	snop  }
0x3c: {  	p2 =	seq.s32 s10, $0x1;
	s10 =	sld [smem:$0x3FBA]  }
0x3d: {  	_ =	shalt  }
0x3e: {  	_ =	shalt  }
0x3f: {  	_ =	shalt  }
0x40: {  	_ =	shalt  }
0x41: {  	_ =	shalt  }
0x42: {  	_ =	shalt  }
0x43: {  	_ =	shalt  }
0x44: {  	_ =	shalt  }
0x45: {  	_ =	shalt  }
0x46: {  	_ =	shalt  }
0x47: {  	_ =	shalt  }
0x48: {  	_ =	shalt  }
0x49: {  	_ =	shalt  }
0x4a: {  	_ =	shalt  }
0x4b: {  	_ =	shalt  }
0x4c: {  	_ =	shalt  }
0x4d: {  	_ =	shalt  }
0x4e: {  	_ =	shalt  }
0x4f: {  	_ =	shalt  }
0x50: {  	_ =	shalt  }
0x51: {  	_ =	shalt  }
0x52: {  	_ =	shalt  }
0x53: {  	_ =	shalt  }
0x54: {  	_ =	shalt  }
0x55: {  	_ =	shalt  }
0x56: {  	_ =	shalt  }
0x57: {  	_ =	shalt  }
0x58: {  	_ =	shalt  }
0x59: {  	_ =	shalt  }
0x5a: {  	_ =	shalt  }
0x5b: {  	_ =	shalt  }
0x5c: {  	_ =	shalt  }
0x5d: {  	_ =	shalt  }
0x5e: {  	_ =	shalt  }
0x5f: {  	_ =	shalt  }
0x60: {  	_ =	shalt  }
0x61: {  	_ =	shalt  }
0x62: {  	_ =	shalt  }
0x63: {  	_ =	shalt  }
0x64: {  	_ =	shalt  }
0x65: {  	_ =	shalt  }
0x66: {  	_ =	shalt  }
0x67: {  	_ =	shalt  }
0x68: {  	_ =	shalt  }
0x69: {  	_ =	shalt  }
0x6a: {  	_ =	shalt  }
0x6b: {  	_ =	shalt  }
0x6c: {  	_ =	shalt  }
0x6d: {  	_ =	shalt  }
0x6e: {  	_ =	shalt  }
0x6f: {  	_ =	shalt  }
0x70: {  	_ =	shalt  }
0x71: {  	_ =	shalt  }
0x72: {  	_ =	shalt  }
0x73: {  	_ =	shalt  }
0x74: {  	_ =	shalt  }
0x75: {  	_ =	shalt  }
0x76: {  	_ =	shalt  }
0x77: {  	_ =	shalt  }
0x78: {  	_ =	shalt  }
0x79: {  	_ =	shalt  }
0x7a: {  	_ =	shalt  }
0x7b: {  	_ =	shalt  }
0x7c: {  	_ =	shalt  }
0x7d: {  	_ =	shalt  }
0x7e: {  	_ =	shalt  }
0x7f: {  	_ =	shalt  }
0x80: {  	_ =	shalt  }
0x81: {  	_ =	shalt  }
0x82: {  	_ =	shalt  }
0x83: {  	_ =	shalt  }
0x84: {  	_ =	shalt  }
0x85: {  	_ =	shalt  }
0x86: {  	_ =	shalt  }
0x87: {  	_ =	shalt  }
.Lfunc_end0:
.L_simem_size_0:
called_computation.2_lowered:
.L_overlay_start_0:
0x88: {  	s2 =	sld [smem:$0x3FD9]  }
0x89: {  	s3 =	sld [smem:$0x3FFE];
	_ =	sdelay $0x1  }
0x8a: {  	s1 =	srdreg.scid  }
0x8b: {  	s0 =	sand.u32 $0x1, s1  }
0x8c: {  	s17 =	sshll.u32 s0, $0xA;
	s2 =	sadd.s32 s3, s2  }
0x8d: {  	s2 =	sadd.s32 s2, s17  }
0x8e: {  	[smem:$0x3FC6] =	sst s2  }
0x8f: {  	_ = 	snop  }
0x90: {  	s2 =	sld [smem:$0x3FD0];
	(tm) =	ssettm $0x1  }
0x91: {  	s18 =	sld [smem:$0x3FFB];
	_ =	sdelay $0x3  }
0x92: {  	_ =	strace s18  }
0x93: {  	s3 =	sld [smem:$0x3FFC];
	_ =	sdelay $0x3  }
0x94: {  	_ =	strace s3  }
0x95: {  	s3 =	sld [smem:$0x3FFD];
	_ =	sdelay $0x3  }
0x96: {  	_ =	strace s3  }
0x97: {  	_ =	strace $0x8FFFFFFF  }
0x98: {  	s19 =	sld [smem:$0x3FDB];
	_ =	sdelay $0x1  }
0x99: {  	s4 =	simm.s32 $_scs_section_size  }
0x9a: {  	s5 =	simm.s32 $_size__tile_overlayer_lowered;
	s6 =	simm.s32 $_tile_overlayer_lowered  }
0x9b: {  	s22 =	simm.s32 $0x1BFF;
	s21 =	sshll.u32 s6, $0x1;
	s3 =	sadd.s32 s4, s19  }
0x9c: {  	s7 =	simm.s32 $0x0;
	s20 =	sshll.u32 s5, $0x1;
	s5 =	sadd.s32 s21, s3  }
0x9d: {  	[timem:s7], [sflag:s22] =	dma.local [hbm:s5], s20  }
0x9e: {  	_ =	swait.ge [sflag:s22], s20  }
0x9f: {  	s4 =	ssub.s32 $0x0, s20;
	[sflag:s22] =	ssyncset.done $0x0  }
0xa0: {  	[sflag:s22] =	ssyncadd.s32 s4;
	_ =	sdelay $0x1  }
0xa1: {  	s23 =	simm.s32 $0x1B8B  }
0xa2: {  	_ =	swait.ge [sflag:s23], $0x1  }
0xa3: {  	[sflag:s23] =	ssyncset.done $0x0  }
0xa4: {  	s25 =	simm.s32 $0x1B8E;
	s24 =	sld [smem:$0x3FFE];
	[sflag:s23] =	ssyncadd.s32 $0xFFFFFFFF  }
0xa5: {  	s26 =	simm.s32 $execute0_lowered;
	[smem:$0x3FD2] =	sst s25  }
0xa6: {  	s5 =	sshll.u32 s26, $0x1;
	_ =	strace $0x80000046;
	[dreg:$0x1] =	wrdreg $0xFFFFFFFF  }
0xa7: {  	s28 =	simm.s32 $_size_execute0_lowered;
	s3 =	sadd.s32 s3, s5;
	[dreg:$0x0] =	wrdreg $0x0  }
0xa8: {  	s5 =	sshll.u32 s28, $0x1;
	[dreg:$0x2] =	wrdreg s3  }
0xa9: {  	[dreg:$0x3] =	wrdreg s5  }
0xaa: {  	[dreg:$0x4] =	wrdreg $0xC0  }
0xab: {  	_ =	task [dreg:s7], $0x5FFFF  }
0xac: {  	[dreg:$0x1] =	wrdreg $0xFFFFFFFF  }
0xad: {  	[dreg:$0x0] =	wrdreg $0x60  }
0xae: {  	[dreg:$0x2] =	wrdreg s24  }
0xaf: {  	[dreg:$0x3] =	wrdreg s2  }
0xb0: {  	[dreg:$0x4] =	wrdreg $0x9  }
0xb1: {  	_ =	task.clear_ibuf [dreg:s7], $0x5FFFF;
	_ =	strace $0x90000046  }
0xb2: {  	s29 =	simm.s32 $0x9;
	_ =	strace $0x80000048  }
0xb3: {  	_ =	swait.ge [sflag:s29], $0x1  }
0xb4: {  	[sflag:s29] =	ssyncadd.s32 $0xFFFFFFFF  }
0xb5: {  	_ =	strace $0x90000048  }
0xb6: {  	_ =	sfence  }
0xb7: {  	s30 =	sld [smem:$0x0];
	_ =	sdelay $0x2  }
0xb8: {  	s31 =	sshll.u32 s1, $0xD;
	s1 =	sshrl.u32 s1, $0x2  }
0xb9: {  	s3 =	sand.u32 $0x4000, s31;
	s1 =	sadd.s32 s1, s30  }
0xba: {  	s0 =	sor.u32 s3, s0;
	s1 =	sshll.u32 s1, $0x11  }
0xbb: {  	s0 =	sor.u32 s1, s0  }
0xbc: {  	s0 =	sadd.s32 $0x8F2B, s0  }
0xbd: {  	[sflag:s0] =	ssyncadd.remote.s32 $0x1  }
0xbe: {  	_ =	sfence.sel $0xFFFF  }
0xbf: {  	[dreg:$0x0] =	wrdreg $0xFFFFFFFF;
	(pc) =	sbr.abs _section_cstart, $3  }
0xc0: {  	[dreg:$0x1] =	wrdreg $0xFFFFFFFF  }
0xc1: {  	_ =	task.clear_ibuf [dreg:s7], $0x2FFFF;
	_ =	strace $0x9FFFFFFF  }
0xc2: {  	(tm) =	ssettm $0x7FFFFFFF  }
0xc3: {  	_ =	shalt  }
tec
execute0_lowered:
.L_overlay_start_1:
0x0: {  	(tag) =	ssettag $0x1  }
0x1: {  	s0 =	srdreg.scid  }
0x2: {  	s7 =	stileid.u32;
	s1 =	rddreg [dreg:$0x0]  }
0x3: {  	s4 =	rddreg [dreg:$0x1];
	s0 =	sand.u32 $0x1, s0;
	s2 =	sshll.u32 s7, $0x1  }
0x4: {  	s15 =	simm.s32 $0x80;
	s7 =	smul.u32 $0xC800, s7;
	s5 =	sor.u32 s0, s2  }
0x5: {  	s16 =	simm.s32 $0x6400;
	s28 =	simm.s32 $0xA400;
	s3 =	smul.u32 $0x6400, s5  }
0x6: {  	s31 =	simm.s32 $0x2;
	s2 =	simm.s32 $0x0;
	s6 =	smul.u32 $0x19000, s5  }
0x7: {  	s10 =	simm.s32 $0x3;
	[smem:$0x7FF] =	sst s2;
	s5 =	smul.u32 $0xC8000, s5  }
0x8: {  	s9 =	ssub.s32 $0x2, s0;
	s0 =	smul.u32 $0x6400, s0;
	_ =	strace $0x80000047  }
0x9: {  	s3 =	sshrl.u32 s3, $0x3;
	s6 =	sadd.s32 s4, s6;
	s5 =	sshrl.u32 s5, $0x3  }
0xa: {  	s8 =	sadd.s32 s3, s1;
	[dreg:$0x8] =	wrdreg s6;
	s6 =	sadd.s32 $0xA00, s6  }
0xb: {  	s5 =	sadd.s32 s4, s5;
	s8 =	sadd.s32 $0xE00, s8;
	[dreg:$0x9] =	wrdreg s6  }
0xc: {  	s0 =	sadd.s32 s0, s7;
	s20 =	sadd.s32 $0x1400, s5;
	[dreg:$0x7] =	wrdreg s8  }
0xd: {  	s0 =	sshll.u32 s0, $0x2;
	s21 =	sadd.s32 $0x1E00, s5;
	[dreg:$0xa] =	wrdreg s20  }
0xe: {  	s0 =	sadd.s32 s4, s0;
	s23 =	sadd.s32 $0x16800, s5;
	[dreg:$0xb] =	wrdreg s21  }
0xf: {  	s11 =	simm.s32 $0x5;
	s22 =	sadd.s32 $0x2800, s0;
	[dreg:$0xc] =	wrdreg s23  }
0x10: {  	s12 =	simm.s32 $0x4;
	s25 =	sadd.s32 $0x17200, s5;
	[dreg:$0x3] =	wrdreg s22  }
0x11: {  	s13 =	simm.s32 $0x6;
	s24 =	sadd.s32 $0x3200, s0;
	[dreg:$0xd] =	wrdreg s25  }
0x12: {  	s19 =	sshrl.u32 s9, $0x1;
	s29 =	sadd.s32 $0x17C00, s5;
	[dreg:$0x4] =	wrdreg s24  }
0x13: {  	s3 =	sadd.s32 $0xF43200, s1;
	s26 =	sadd.s32 $0x3C00, s0;
	[dreg:$0xe] =	wrdreg s29  }
0x14: {  	s1 =	ssub.s32 s9, s19;
	s30 =	sadd.s32 $0x18600, s5;
	[dreg:$0x5] =	wrdreg s26  }
0x15: {  	s14 =	simm.s32 $0x8;
	s1 =	smax.u32 s1, $0x1;
	[dreg:$0xf] =	wrdreg s30  }
0x16: {  	s19 =	simm.s32 $0x7400;
	s0 =	sadd.s32 $0x4600, s0;
	[dreg:$0x10] =	wrdreg s1  }
0x17: {  	s4 =	simm.s32 $0x15400;
	s5 =	simm.s32 $0x7;
	[dreg:$0x6] =	wrdreg s0  }
0x18: {  	s21 =	simm.s32 $0x8400;
	s23 =	simm.s32 $0x9400;
	s25 =	simm.s32 $0xB400  }
0x19: {  	s20 =	simm.s32 $0x1;
	s24 =	simm.s32 $0x10400;
	s0 =	simm.s32 $0x0  }
.LBB2_1:
0x1a: {  	[dreg:$0x11] =	wrdreg s0  }
0x1b: {  	s17 =	rddreg [dreg:$0x7];
	s9 =	simm.s32 $0x9  }
0x1c: {  	[tilespmem:s2], [sflag:$0x9] =	stream.linear.gather [hbm4b:s17+s2], $0x6400, $0x38;
	[tilespmem:$0x1A400] =	vst v63  }
0x1d: {  	_ =	swait.ge [sflag:s9], $0x6400  }
0x1e: {  	[sflag:s9] =	ssyncset.done $0x0  }
0x1f: {  	[sflag:s9] =	ssyncadd.s32 $0xFFFF9C00  }
0x20: {  	[tilespmem:s16], [sflag:$0x1] =	stream.indirect.gather [hbm4b:s3+s15], $0x20, s2, s15, $0xb8;
	[tilespmem:$0x1A400] =	vst v63  }
0x21: {  	_ = 	snop  }
0x22: {  	[tilespmem:s19], [sflag:$0x1] =	stream.indirect.gather [hbm4b:s3+s15], $0x20, s15, s15, $0xb8;
	[tilespmem:$0x1A400] =	vst v63  }
0x23: {  	s18 =	simm.s32 $0x100  }
0x24: {  	[tilespmem:s21], [sflag:$0x1] =	stream.indirect.gather [hbm4b:s3+s15], $0x20, s18, s15, $0xb8;
	[tilespmem:$0x1A400] =	vst v63  }
0x25: {  	s22 =	simm.s32 $0x180  }
0x26: {  	[tilespmem:s23], [sflag:$0x1] =	stream.indirect.gather [hbm4b:s3+s15], $0x20, s22, s15, $0xb8;
	[tilespmem:$0x1A400] =	vst v63  }
0x27: {  	s1 =	simm.s32 $0x200  }
0x28: {  	[tilespmem:s28], [sflag:$0x1] =	stream.indirect.gather [hbm4b:s3+s15], $0x20, s1, s15, $0xb8;
	[tilespmem:$0x1A400] =	vst v63  }
0x29: {  	s26 =	simm.s32 $0x280  }
0x2a: {  	[tilespmem:s25], [sflag:$0x2] =	stream.indirect.gather [hbm4b:s3+s15], $0x20, s26, s15, $0xb8;
	[tilespmem:$0x1A400] =	vst v63  }
0x2b: {  	s0 =	simm.s32 $0x300;
	s18 =	simm.s32 $0xC400  }
0x2c: {  	[tilespmem:s18], [sflag:$0x2] =	stream.indirect.gather [hbm4b:s3+s15], $0x20, s0, s15, $0xb8;
	[tilespmem:$0x1A400] =	vst v63  }
0x2d: {  	s6 =	simm.s32 $0x380;
	s30 =	simm.s32 $0xD400  }
0x2e: {  	[tilespmem:s30], [sflag:$0x2] =	stream.indirect.gather [hbm4b:s3+s15], $0x20, s6, s15, $0xb8;
	[tilespmem:$0x1A400] =	vst v63  }
0x2f: {  	s7 =	simm.s32 $0x400;
	s1 =	simm.s32 $0xE400  }
0x30: {  	[tilespmem:s1], [sflag:$0x2] =	stream.indirect.gather [hbm4b:s3+s15], $0x20, s7, s15, $0xb8;
	[tilespmem:$0x1A400] =	vst v63  }
0x31: {  	s8 =	simm.s32 $0x480;
	s6 =	simm.s32 $0xF400  }
0x32: {  	[tilespmem:s6], [sflag:$0x2] =	stream.indirect.gather [hbm4b:s3+s15], $0x20, s8, s15, $0xb8;
	[tilespmem:$0x1A400] =	vst v63  }
0x33: {  	_ =	swait.ge [sflag:s20], $0x1000  }
0x34: {  	[sflag:s20] =	ssyncset.done $0x0  }
0x35: {  	[sflag:s20] =	ssyncadd.s32 $0xFFFFF000  }
0x36: {  	_ =	swait.ge [sflag:s20], $0x1000  }
0x37: {  	[sflag:s20] =	ssyncset.done $0x0  }
0x38: {  	[sflag:s20] =	ssyncadd.s32 $0xFFFFF000  }
0x39: {  	_ =	swait.ge [sflag:s20], $0x1000  }
0x3a: {  	[sflag:s20] =	ssyncset.done $0x0  }
0x3b: {  	[sflag:s20] =	ssyncadd.s32 $0xFFFFF000  }
0x3c: {  	_ =	swait.ge [sflag:s20], $0x1000  }
0x3d: {  	[sflag:s20] =	ssyncset.done $0x0  }
0x3e: {  	[sflag:s20] =	ssyncadd.s32 $0xFFFFF000  }
0x3f: {  	_ =	swait.ge [sflag:s20], $0x1000  }
0x40: {  	[sflag:s20] =	ssyncset.done $0x0  }
0x41: {  	s9 =	rddreg [dreg:$0x8];
	[sflag:s20] =	ssyncadd.s32 $0xFFFFF000  }
0x42: {  	[hbm4b:s9+s2] =	stream.linear.scatter [tilespmem:s16], [sflag:$0x5], $0x5000, $0x38;
	[tilespmem:$0x1A400] =	vst v63  }
0x43: {  	s17 =	simm.s32 $0x500  }
0x44: {  	[tilespmem:s24], [sflag:$0x3] =	stream.indirect.gather [hbm4b:s3+s15], $0x20, s17, s15, $0xb8;
	[tilespmem:$0x1A400] =	vst v63  }
0x45: {  	s22 =	simm.s32 $0x580;
	s7 =	simm.s32 $0x11400  }
0x46: {  	[tilespmem:s7], [sflag:$0x3] =	stream.indirect.gather [hbm4b:s3+s15], $0x20, s22, s15, $0xb8;
	[tilespmem:$0x1A400] =	vst v63  }
0x47: {  	s26 =	simm.s32 $0x600;
	s8 =	simm.s32 $0x12400  }
0x48: {  	[tilespmem:s8], [sflag:$0x3] =	stream.indirect.gather [hbm4b:s3+s15], $0x20, s26, s15, $0xb8;
	[tilespmem:$0x1A400] =	vst v63  }
0x49: {  	s6 =	simm.s32 $0x680;
	s9 =	simm.s32 $0x13400  }
0x4a: {  	[tilespmem:s9], [sflag:$0x3] =	stream.indirect.gather [hbm4b:s3+s15], $0x20, s6, s15, $0xb8;
	[tilespmem:$0x1A400] =	vst v63  }
0x4b: {  	s29 =	simm.s32 $0x14400;
	s17 =	simm.s32 $0x700  }
0x4c: {  	[tilespmem:s29], [sflag:$0x3] =	stream.indirect.gather [hbm4b:s3+s15], $0x20, s17, s15, $0xb8;
	[tilespmem:$0x1A400] =	vst v63  }
0x4d: {  	_ =	swait.ge [sflag:s31], $0x1000  }
0x4e: {  	[sflag:s31] =	ssyncset.done $0x0  }
0x4f: {  	[sflag:s31] =	ssyncadd.s32 $0xFFFFF000  }
0x50: {  	_ =	swait.ge [sflag:s31], $0x1000  }
0x51: {  	[sflag:s31] =	ssyncset.done $0x0  }
0x52: {  	[sflag:s31] =	ssyncadd.s32 $0xFFFFF000  }
0x53: {  	_ =	swait.ge [sflag:s31], $0x1000  }
0x54: {  	[sflag:s31] =	ssyncset.done $0x0  }
0x55: {  	[sflag:s31] =	ssyncadd.s32 $0xFFFFF000  }
0x56: {  	_ =	swait.ge [sflag:s31], $0x1000  }
0x57: {  	[sflag:s31] =	ssyncset.done $0x0  }
0x58: {  	[sflag:s31] =	ssyncadd.s32 $0xFFFFF000  }
0x59: {  	_ =	swait.ge [sflag:s31], $0x1000  }
0x5a: {  	[sflag:s31] =	ssyncset.done $0x0  }
0x5b: {  	s22 =	rddreg [dreg:$0x9];
	[sflag:s31] =	ssyncadd.s32 $0xFFFFF000  }
0x5c: {  	[hbm4b:s22+s2] =	stream.linear.scatter [tilespmem:s25], [sflag:$0x6], $0x5000, $0x38;
	[tilespmem:$0x1A400] =	vst v63  }
0x5d: {  	s26 =	simm.s32 $0x780  }
0x5e: {  	[tilespmem:s4], [sflag:$0x4] =	stream.indirect.gather [hbm4b:s3+s15], $0x20, s26, s15, $0xb8;
	[tilespmem:$0x1A400] =	vst v63  }
0x5f: {  	s6 =	simm.s32 $0x800;
	s26 =	simm.s32 $0x16400  }
0x60: {  	[tilespmem:s26], [sflag:$0x4] =	stream.indirect.gather [hbm4b:s3+s15], $0x20, s6, s15, $0xb8;
	[tilespmem:$0x1A400] =	vst v63  }
0x61: {  	s17 =	simm.s32 $0x880;
	s22 =	simm.s32 $0x17400  }
0x62: {  	[tilespmem:s22], [sflag:$0x4] =	stream.indirect.gather [hbm4b:s3+s15], $0x20, s17, s15, $0xb8;
	[tilespmem:$0x1A400] =	vst v63  }
0x63: {  	s6 =	simm.s32 $0x900;
	s17 =	simm.s32 $0x18400  }
0x64: {  	[tilespmem:s17], [sflag:$0x4] =	stream.indirect.gather [hbm4b:s3+s15], $0x20, s6, s15, $0xb8;
	[tilespmem:$0x1A400] =	vst v63  }
0x65: {  	s6 =	simm.s32 $0x980;
	s17 =	simm.s32 $0x19400  }
0x66: {  	[tilespmem:s17], [sflag:$0x4] =	stream.indirect.gather [hbm4b:s3+s15], $0x20, s6, s15, $0xb8;
	[tilespmem:$0x1A400] =	vst v63  }
0x67: {  	_ =	swait.ge [sflag:s10], $0x1000  }
0x68: {  	[sflag:s10] =	ssyncset.done $0x0  }
0x69: {  	[sflag:s10] =	ssyncadd.s32 $0xFFFFF000  }
0x6a: {  	_ =	swait.ge [sflag:s10], $0x1000  }
0x6b: {  	[sflag:s10] =	ssyncset.done $0x0  }
0x6c: {  	[sflag:s10] =	ssyncadd.s32 $0xFFFFF000  }
0x6d: {  	_ =	swait.ge [sflag:s10], $0x1000  }
0x6e: {  	[sflag:s10] =	ssyncset.done $0x0  }
0x6f: {  	[sflag:s10] =	ssyncadd.s32 $0xFFFFF000  }
0x70: {  	_ =	swait.ge [sflag:s10], $0x1000  }
0x71: {  	[sflag:s10] =	ssyncset.done $0x0  }
0x72: {  	[sflag:s10] =	ssyncadd.s32 $0xFFFFF000  }
0x73: {  	_ =	swait.ge [sflag:s10], $0x1000  }
0x74: {  	[sflag:s10] =	ssyncset.done $0x0  }
0x75: {  	s6 =	rddreg [dreg:$0xa];
	[sflag:s10] =	ssyncadd.s32 $0xFFFFF000  }
0x76: {  	[hbm4b:s6+s2] =	stream.linear.scatter [tilespmem:s24], [sflag:$0x7], $0x5000, $0x38;
	[tilespmem:$0x1A400] =	vst v63  }
0x77: {  	_ =	swait.ge [sflag:s11], $0x5000  }
0x78: {  	[sflag:s11] =	ssyncset.done $0x0  }
0x79: {  	s17 =	simm.s32 $0xA00;
	[sflag:s11] =	ssyncadd.s32 $0xFFFFB000  }
0x7a: {  	[tilespmem:s16], [sflag:$0x1] =	stream.indirect.gather [hbm4b:s3+s15], $0x20, s17, s15, $0xb8;
	[tilespmem:$0x1A400] =	vst v63  }
0x7b: {  	s6 =	simm.s32 $0xA80  }
0x7c: {  	[tilespmem:s19], [sflag:$0x1] =	stream.indirect.gather [hbm4b:s3+s15], $0x20, s6, s15, $0xb8;
	[tilespmem:$0x1A400] =	vst v63  }
0x7d: {  	s17 =	simm.s32 $0xB00  }
0x7e: {  	[tilespmem:s21], [sflag:$0x1] =	stream.indirect.gather [hbm4b:s3+s15], $0x20, s17, s15, $0xb8;
	[tilespmem:$0x1A400] =	vst v63  }
0x7f: {  	s6 =	simm.s32 $0xB80  }
0x80: {  	[tilespmem:s23], [sflag:$0x1] =	stream.indirect.gather [hbm4b:s3+s15], $0x20, s6, s15, $0xb8;
	[tilespmem:$0x1A400] =	vst v63  }
0x81: {  	s17 =	simm.s32 $0xC00  }
0x82: {  	[tilespmem:s28], [sflag:$0x1] =	stream.indirect.gather [hbm4b:s3+s15], $0x20, s17, s15, $0xb8;
	[tilespmem:$0x1A400] =	vst v63  }
0x83: {  	_ =	swait.ge [sflag:s12], $0x1000  }
0x84: {  	[sflag:s12] =	ssyncset.done $0x0  }
0x85: {  	[sflag:s12] =	ssyncadd.s32 $0xFFFFF000  }
0x86: {  	_ =	swait.ge [sflag:s12], $0x1000  }
0x87: {  	[sflag:s12] =	ssyncset.done $0x0  }
0x88: {  	[sflag:s12] =	ssyncadd.s32 $0xFFFFF000  }
0x89: {  	_ =	swait.ge [sflag:s12], $0x1000  }
0x8a: {  	[sflag:s12] =	ssyncset.done $0x0  }
0x8b: {  	[sflag:s12] =	ssyncadd.s32 $0xFFFFF000  }
0x8c: {  	_ =	swait.ge [sflag:s12], $0x1000  }
0x8d: {  	[sflag:s12] =	ssyncset.done $0x0  }
0x8e: {  	[sflag:s12] =	ssyncadd.s32 $0xFFFFF000  }
0x8f: {  	_ =	swait.ge [sflag:s12], $0x1000  }
0x90: {  	[sflag:s12] =	ssyncset.done $0x0  }
0x91: {  	s6 =	rddreg [dreg:$0xb];
	[sflag:s12] =	ssyncadd.s32 $0xFFFFF000  }
0x92: {  	[hbm4b:s6+s2] =	stream.linear.scatter [tilespmem:s4], [sflag:$0x8], $0x5000, $0x38;
	[tilespmem:$0x1A400] =	vst v63  }
0x93: {  	_ =	swait.ge [sflag:s13], $0x5000  }
0x94: {  	[sflag:s13] =	ssyncset.done $0x0  }
0x95: {  	s0 =	simm.s32 $0xC80;
	[sflag:s13] =	ssyncadd.s32 $0xFFFFB000  }
0x96: {  	[tilespmem:s25], [sflag:$0x2] =	stream.indirect.gather [hbm4b:s3+s15], $0x20, s0, s15, $0xb8;
	[tilespmem:$0x1A400] =	vst v63  }
0x97: {  	s6 =	simm.s32 $0xD00  }
0x98: {  	[tilespmem:s18], [sflag:$0x2] =	stream.indirect.gather [hbm4b:s3+s15], $0x20, s6, s15, $0xb8;
	[tilespmem:$0x1A400] =	vst v63  }
0x99: {  	s18 =	simm.s32 $0xD80  }
0x9a: {  	[tilespmem:s30], [sflag:$0x2] =	stream.indirect.gather [hbm4b:s3+s15], $0x20, s18, s15, $0xb8;
	[tilespmem:$0x1A400] =	vst v63  }
0x9b: {  	s0 =	simm.s32 $0xE00  }
0x9c: {  	[tilespmem:s1], [sflag:$0x2] =	stream.indirect.gather [hbm4b:s3+s15], $0x20, s0, s15, $0xb8;
	[tilespmem:$0x1A400] =	vst v63  }
0x9d: {  	s6 =	simm.s32 $0xE80;
	s18 =	simm.s32 $0xF400  }
0x9e: {  	[tilespmem:s18], [sflag:$0x2] =	stream.indirect.gather [hbm4b:s3+s15], $0x20, s6, s15, $0xb8;
	[tilespmem:$0x1A400] =	vst v63  }
0x9f: {  	_ =	swait.ge [sflag:s20], $0x1000  }
0xa0: {  	[sflag:s20] =	ssyncset.done $0x0  }
0xa1: {  	[sflag:s20] =	ssyncadd.s32 $0xFFFFF000  }
0xa2: {  	_ =	swait.ge [sflag:s20], $0x1000  }
0xa3: {  	[sflag:s20] =	ssyncset.done $0x0  }
0xa4: {  	[sflag:s20] =	ssyncadd.s32 $0xFFFFF000  }
0xa5: {  	_ =	swait.ge [sflag:s20], $0x1000  }
0xa6: {  	[sflag:s20] =	ssyncset.done $0x0  }
0xa7: {  	[sflag:s20] =	ssyncadd.s32 $0xFFFFF000  }
0xa8: {  	_ =	swait.ge [sflag:s20], $0x1000  }
0xa9: {  	[sflag:s20] =	ssyncset.done $0x0  }
0xaa: {  	[sflag:s20] =	ssyncadd.s32 $0xFFFFF000  }
0xab: {  	_ =	swait.ge [sflag:s20], $0x1000  }
0xac: {  	s0 =	rddreg [dreg:$0x3];
	[sflag:s20] =	ssyncset.done $0x0  }
0xad: {  	[sflag:s20] =	ssyncadd.s32 $0xFFFFF000;
	s17 =	sadd.s32 $0x0, s0  }
0xae: {  	[hbm4b:s17+s2] =	stream.linear.scatter [tilespmem:s16], [sflag:$0x5], $0x5000, $0x38;
	[tilespmem:$0x1A400] =	vst v63  }
0xaf: {  	_ =	swait.ge [sflag:s5], $0x5000  }
0xb0: {  	[sflag:s5] =	ssyncset.done $0x0  }
0xb1: {  	s1 =	simm.s32 $0xF00;
	[sflag:s5] =	ssyncadd.s32 $0xFFFFB000  }
0xb2: {  	[tilespmem:s24], [sflag:$0x3] =	stream.indirect.gather [hbm4b:s3+s15], $0x20, s1, s15, $0xb8;
	[tilespmem:$0x1A400] =	vst v63  }
0xb3: {  	s6 =	simm.s32 $0xF80  }
0xb4: {  	[tilespmem:s7], [sflag:$0x3] =	stream.indirect.gather [hbm4b:s3+s15], $0x20, s6, s15, $0xb8;
	[tilespmem:$0x1A400] =	vst v63  }
0xb5: {  	s18 =	simm.s32 $0x1000  }
0xb6: {  	[tilespmem:s8], [sflag:$0x3] =	stream.indirect.gather [hbm4b:s3+s15], $0x20, s18, s15, $0xb8;
	[tilespmem:$0x1A400] =	vst v63  }
0xb7: {  	s0 =	simm.s32 $0x1080  }
0xb8: {  	[tilespmem:s9], [sflag:$0x3] =	stream.indirect.gather [hbm4b:s3+s15], $0x20, s0, s15, $0xb8;
	[tilespmem:$0x1A400] =	vst v63  }
0xb9: {  	s1 =	simm.s32 $0x1100  }
0xba: {  	[tilespmem:s29], [sflag:$0x3] =	stream.indirect.gather [hbm4b:s3+s15], $0x20, s1, s15, $0xb8;
	[tilespmem:$0x1A400] =	vst v63  }
0xbb: {  	_ =	swait.ge [sflag:s31], $0x1000  }
0xbc: {  	[sflag:s31] =	ssyncset.done $0x0  }
0xbd: {  	[sflag:s31] =	ssyncadd.s32 $0xFFFFF000  }
0xbe: {  	_ =	swait.ge [sflag:s31], $0x1000  }
0xbf: {  	[sflag:s31] =	ssyncset.done $0x0  }
0xc0: {  	[sflag:s31] =	ssyncadd.s32 $0xFFFFF000  }
0xc1: {  	_ =	swait.ge [sflag:s31], $0x1000  }
0xc2: {  	[sflag:s31] =	ssyncset.done $0x0  }
0xc3: {  	[sflag:s31] =	ssyncadd.s32 $0xFFFFF000  }
0xc4: {  	_ =	swait.ge [sflag:s31], $0x1000  }
0xc5: {  	[sflag:s31] =	ssyncset.done $0x0  }
0xc6: {  	[sflag:s31] =	ssyncadd.s32 $0xFFFFF000  }
0xc7: {  	_ =	swait.ge [sflag:s31], $0x1000  }
0xc8: {  	s6 =	rddreg [dreg:$0x4];
	[sflag:s31] =	ssyncset.done $0x0  }
0xc9: {  	[sflag:s31] =	ssyncadd.s32 $0xFFFFF000;
	s17 =	sadd.s32 $0x0, s6  }
0xca: {  	[hbm4b:s17+s2] =	stream.linear.scatter [tilespmem:s25], [sflag:$0x6], $0x5000, $0x38;
	[tilespmem:$0x1A400] =	vst v63  }
0xcb: {  	_ =	swait.ge [sflag:s14], $0x5000  }
0xcc: {  	[sflag:s14] =	ssyncset.done $0x0  }
0xcd: {  	s18 =	simm.s32 $0x1180;
	[sflag:s14] =	ssyncadd.s32 $0xFFFFB000  }
0xce: {  	[tilespmem:s4], [sflag:$0x4] =	stream.indirect.gather [hbm4b:s3+s15], $0x20, s18, s15, $0xb8;
	[tilespmem:$0x1A400] =	vst v63  }
0xcf: {  	s0 =	simm.s32 $0x1200  }
0xd0: {  	[tilespmem:s26], [sflag:$0x4] =	stream.indirect.gather [hbm4b:s3+s15], $0x20, s0, s15, $0xb8;
	[tilespmem:$0x1A400] =	vst v63  }
0xd1: {  	s1 =	simm.s32 $0x1280  }
0xd2: {  	[tilespmem:s22], [sflag:$0x4] =	stream.indirect.gather [hbm4b:s3+s15], $0x20, s1, s15, $0xb8;
	[tilespmem:$0x1A400] =	vst v63  }
0xd3: {  	s6 =	simm.s32 $0x1300;
	s18 =	simm.s32 $0x18400  }
0xd4: {  	[tilespmem:s18], [sflag:$0x4] =	stream.indirect.gather [hbm4b:s3+s15], $0x20, s6, s15, $0xb8;
	[tilespmem:$0x1A400] =	vst v63  }
0xd5: {  	s0 =	simm.s32 $0x1380;
	s1 =	simm.s32 $0x19400  }
0xd6: {  	[tilespmem:s1], [sflag:$0x4] =	stream.indirect.gather [hbm4b:s3+s15], $0x20, s0, s15, $0xb8;
	[tilespmem:$0x1A400] =	vst v63  }
0xd7: {  	_ =	swait.ge [sflag:s10], $0x1000  }
0xd8: {  	[sflag:s10] =	ssyncset.done $0x0  }
0xd9: {  	[sflag:s10] =	ssyncadd.s32 $0xFFFFF000  }
0xda: {  	_ =	swait.ge [sflag:s10], $0x1000  }
0xdb: {  	[sflag:s10] =	ssyncset.done $0x0  }
0xdc: {  	[sflag:s10] =	ssyncadd.s32 $0xFFFFF000  }
0xdd: {  	_ =	swait.ge [sflag:s10], $0x1000  }
0xde: {  	[sflag:s10] =	ssyncset.done $0x0  }
0xdf: {  	[sflag:s10] =	ssyncadd.s32 $0xFFFFF000  }
0xe0: {  	_ =	swait.ge [sflag:s10], $0x1000  }
0xe1: {  	[sflag:s10] =	ssyncset.done $0x0  }
0xe2: {  	[sflag:s10] =	ssyncadd.s32 $0xFFFFF000  }
0xe3: {  	_ =	swait.ge [sflag:s10], $0x1000  }
0xe4: {  	s18 =	rddreg [dreg:$0x5];
	[sflag:s10] =	ssyncset.done $0x0  }
0xe5: {  	[sflag:s10] =	ssyncadd.s32 $0xFFFFF000;
	s17 =	sadd.s32 $0x0, s18  }
0xe6: {  	[hbm4b:s17+s2] =	stream.linear.scatter [tilespmem:s24], [sflag:$0x7], $0x5000, $0x38;
	[tilespmem:$0x1A400] =	vst v63  }
0xe7: {  	_ =	swait.ge [sflag:s11], $0x5000  }
0xe8: {  	[sflag:s11] =	ssyncset.done $0x0  }
0xe9: {  	s0 =	simm.s32 $0x1400;
	[sflag:s11] =	ssyncadd.s32 $0xFFFFB000  }
0xea: {  	[tilespmem:s16], [sflag:$0x1] =	stream.indirect.gather [hbm4b:s3+s15], $0x20, s0, s15, $0xb8;
	[tilespmem:$0x1A400] =	vst v63  }
0xeb: {  	s1 =	simm.s32 $0x1480  }
0xec: {  	[tilespmem:s19], [sflag:$0x1] =	stream.indirect.gather [hbm4b:s3+s15], $0x20, s1, s15, $0xb8;
	[tilespmem:$0x1A400] =	vst v63  }
0xed: {  	s18 =	simm.s32 $0x1500  }
0xee: {  	[tilespmem:s21], [sflag:$0x1] =	stream.indirect.gather [hbm4b:s3+s15], $0x20, s18, s15, $0xb8;
	[tilespmem:$0x1A400] =	vst v63  }
0xef: {  	s19 =	simm.s32 $0x1580  }
0xf0: {  	[tilespmem:s23], [sflag:$0x1] =	stream.indirect.gather [hbm4b:s3+s15], $0x20, s19, s15, $0xb8;
	[tilespmem:$0x1A400] =	vst v63  }
0xf1: {  	s21 =	simm.s32 $0x1600  }
0xf2: {  	[tilespmem:s28], [sflag:$0x1] =	stream.indirect.gather [hbm4b:s3+s15], $0x20, s21, s15, $0xb8;
	[tilespmem:$0x1A400] =	vst v63  }
0xf3: {  	_ =	swait.ge [sflag:s12], $0x1000  }
0xf4: {  	[sflag:s12] =	ssyncset.done $0x0  }
0xf5: {  	[sflag:s12] =	ssyncadd.s32 $0xFFFFF000  }
0xf6: {  	_ =	swait.ge [sflag:s12], $0x1000  }
0xf7: {  	[sflag:s12] =	ssyncset.done $0x0  }
0xf8: {  	[sflag:s12] =	ssyncadd.s32 $0xFFFFF000  }
0xf9: {  	_ =	swait.ge [sflag:s12], $0x1000  }
0xfa: {  	[sflag:s12] =	ssyncset.done $0x0  }
0xfb: {  	s30 =	simm.s32 $0x8400;
	[sflag:s12] =	ssyncadd.s32 $0xFFFFF000  }
0xfc: {  	s7 =	simm.s32 $0x12400;
	s8 =	simm.s32 $0x13400;
	_ =	swait.ge [sflag:s12], $0x1000  }
0xfd: {  	s9 =	simm.s32 $0x14400;
	s29 =	simm.s32 $0x16400;
	[sflag:s12] =	ssyncset.done $0x0  }
0xfe: {  	s26 =	simm.s32 $0x17400;
	s22 =	simm.s32 $0x18400;
	[sflag:s12] =	ssyncadd.s32 $0xFFFFF000  }
0xff: {  	s6 =	simm.s32 $0x19400;
	s17 =	simm.s32 $0x2800;
	_ =	swait.ge [sflag:s12], $0x1000  }
0x100: {  	s18 =	simm.s32 $0xA400;
	s23 =	rddreg [dreg:$0x6];
	[sflag:s12] =	ssyncset.done $0x0  }
0x101: {  	s28 =	simm.s32 $0x7400;
	[sflag:s12] =	ssyncadd.s32 $0xFFFFF000;
	s19 =	sadd.s32 $0x0, s23  }
.LBB2_2:
0x102: {  	[hbm4b:s19+s2] =	stream.linear.scatter [tilespmem:s4], [sflag:$0x8], $0x5000, $0x38;
	[tilespmem:$0x1A400] =	vst v63  }
0x103: {  	s19 =	smov.u32 s17;
	_ =	swait.ge [sflag:s13], $0x5000  }
0x104: {  	s21 =	sshra.s32 s19, $0x2;
	[sflag:s13] =	ssyncset.done $0x0  }
0x105: {  	s23 =	sadd.s32 $0xC80, s21;
	[sflag:s13] =	ssyncadd.s32 $0xFFFFB000  }
0x106: {  	[tilespmem:s25], [sflag:$0x2] =	stream.indirect.gather [hbm4b:s3+s15], $0x20, s23, s15, $0xb8;
	[tilespmem:$0x1A400] =	vst v63  }
0x107: {  	s0 =	simm.s32 $0xC400;
	s23 =	sadd.s32 $0xD00, s21  }
0x108: {  	[tilespmem:s0], [sflag:$0x2] =	stream.indirect.gather [hbm4b:s3+s15], $0x20, s23, s15, $0xb8;
	[tilespmem:$0x1A400] =	vst v63  }
0x109: {  	s23 =	sadd.s32 $0xD80, s21;
	s0 =	simm.s32 $0xD400  }
0x10a: {  	[tilespmem:s0], [sflag:$0x2] =	stream.indirect.gather [hbm4b:s3+s15], $0x20, s23, s15, $0xb8;
	[tilespmem:$0x1A400] =	vst v63  }
0x10b: {  	s23 =	sadd.s32 $0xE00, s21;
	s0 =	simm.s32 $0xE400  }
0x10c: {  	[tilespmem:s0], [sflag:$0x2] =	stream.indirect.gather [hbm4b:s3+s15], $0x20, s23, s15, $0xb8;
	[tilespmem:$0x1A400] =	vst v63  }
0x10d: {  	s23 =	sadd.s32 $0xE80, s21;
	s0 =	simm.s32 $0xF400  }
0x10e: {  	[tilespmem:s0], [sflag:$0x2] =	stream.indirect.gather [hbm4b:s3+s15], $0x20, s23, s15, $0xb8;
	[tilespmem:$0x1A400] =	vst v63  }
0x10f: {  	_ =	swait.ge [sflag:s20], $0x1000  }
0x110: {  	[sflag:s20] =	ssyncset.done $0x0  }
0x111: {  	[sflag:s20] =	ssyncadd.s32 $0xFFFFF000  }
0x112: {  	_ =	swait.ge [sflag:s20], $0x1000  }
0x113: {  	[sflag:s20] =	ssyncset.done $0x0  }
0x114: {  	[sflag:s20] =	ssyncadd.s32 $0xFFFFF000  }
0x115: {  	_ =	swait.ge [sflag:s20], $0x1000  }
0x116: {  	[sflag:s20] =	ssyncset.done $0x0  }
0x117: {  	[sflag:s20] =	ssyncadd.s32 $0xFFFFF000  }
0x118: {  	_ =	swait.ge [sflag:s20], $0x1000  }
0x119: {  	[sflag:s20] =	ssyncset.done $0x0  }
0x11a: {  	[sflag:s20] =	ssyncadd.s32 $0xFFFFF000  }
0x11b: {  	_ =	swait.ge [sflag:s20], $0x1000  }
0x11c: {  	s0 =	rddreg [dreg:$0x3];
	[sflag:s20] =	ssyncset.done $0x0  }
0x11d: {  	[sflag:s20] =	ssyncadd.s32 $0xFFFFF000;
	s23 =	sadd.s32 s19, s0  }
0x11e: {  	[hbm4b:s23+s2] =	stream.linear.scatter [tilespmem:s16], [sflag:$0x5], $0x5000, $0x38;
	[tilespmem:$0x1A400] =	vst v63  }
0x11f: {  	_ =	swait.ge [sflag:s5], $0x5000  }
0x120: {  	[sflag:s5] =	ssyncset.done $0x0  }
0x121: {  	s0 =	sadd.s32 $0xF00, s21;
	[sflag:s5] =	ssyncadd.s32 $0xFFFFB000  }
0x122: {  	[tilespmem:s24], [sflag:$0x3] =	stream.indirect.gather [hbm4b:s3+s15], $0x20, s0, s15, $0xb8;
	[tilespmem:$0x1A400] =	vst v63  }
0x123: {  	s23 =	sadd.s32 $0xF80, s21;
	s0 =	simm.s32 $0x11400  }
0x124: {  	[tilespmem:s0], [sflag:$0x3] =	stream.indirect.gather [hbm4b:s3+s15], $0x20, s23, s15, $0xb8;
	[tilespmem:$0x1A400] =	vst v63  }
0x125: {  	s0 =	sadd.s32 $0x1000, s21  }
0x126: {  	[tilespmem:s7], [sflag:$0x3] =	stream.indirect.gather [hbm4b:s3+s15], $0x20, s0, s15, $0xb8;
	[tilespmem:$0x1A400] =	vst v63  }
0x127: {  	s0 =	sadd.s32 $0x1080, s21  }
0x128: {  	[tilespmem:s8], [sflag:$0x3] =	stream.indirect.gather [hbm4b:s3+s15], $0x20, s0, s15, $0xb8;
	[tilespmem:$0x1A400] =	vst v63  }
0x129: {  	s0 =	sadd.s32 $0x1100, s21  }
0x12a: {  	[tilespmem:s9], [sflag:$0x3] =	stream.indirect.gather [hbm4b:s3+s15], $0x20, s0, s15, $0xb8;
	[tilespmem:$0x1A400] =	vst v63  }
0x12b: {  	_ =	swait.ge [sflag:s31], $0x1000  }
0x12c: {  	[sflag:s31] =	ssyncset.done $0x0  }
0x12d: {  	[sflag:s31] =	ssyncadd.s32 $0xFFFFF000  }
0x12e: {  	_ =	swait.ge [sflag:s31], $0x1000  }
0x12f: {  	[sflag:s31] =	ssyncset.done $0x0  }
0x130: {  	[sflag:s31] =	ssyncadd.s32 $0xFFFFF000  }
0x131: {  	_ =	swait.ge [sflag:s31], $0x1000  }
0x132: {  	[sflag:s31] =	ssyncset.done $0x0  }
0x133: {  	[sflag:s31] =	ssyncadd.s32 $0xFFFFF000  }
0x134: {  	_ =	swait.ge [sflag:s31], $0x1000  }
0x135: {  	[sflag:s31] =	ssyncset.done $0x0  }
0x136: {  	[sflag:s31] =	ssyncadd.s32 $0xFFFFF000  }
0x137: {  	_ =	swait.ge [sflag:s31], $0x1000  }
0x138: {  	s0 =	rddreg [dreg:$0x4];
	[sflag:s31] =	ssyncset.done $0x0  }
0x139: {  	[sflag:s31] =	ssyncadd.s32 $0xFFFFF000;
	s23 =	sadd.s32 s19, s0  }
0x13a: {  	[hbm4b:s23+s2] =	stream.linear.scatter [tilespmem:s25], [sflag:$0x6], $0x5000, $0x38;
	[tilespmem:$0x1A400] =	vst v63  }
0x13b: {  	_ =	swait.ge [sflag:s14], $0x5000  }
0x13c: {  	[sflag:s14] =	ssyncset.done $0x0  }
0x13d: {  	s0 =	sadd.s32 $0x1180, s21;
	[sflag:s14] =	ssyncadd.s32 $0xFFFFB000  }
0x13e: {  	[tilespmem:s4], [sflag:$0x4] =	stream.indirect.gather [hbm4b:s3+s15], $0x20, s0, s15, $0xb8;
	[tilespmem:$0x1A400] =	vst v63  }
0x13f: {  	s0 =	sadd.s32 $0x1200, s21  }
0x140: {  	[tilespmem:s29], [sflag:$0x4] =	stream.indirect.gather [hbm4b:s3+s15], $0x20, s0, s15, $0xb8;
	[tilespmem:$0x1A400] =	vst v63  }
0x141: {  	s0 =	sadd.s32 $0x1280, s21  }
0x142: {  	[tilespmem:s26], [sflag:$0x4] =	stream.indirect.gather [hbm4b:s3+s15], $0x20, s0, s15, $0xb8;
	[tilespmem:$0x1A400] =	vst v63  }
0x143: {  	s0 =	sadd.s32 $0x1300, s21  }
0x144: {  	[tilespmem:s22], [sflag:$0x4] =	stream.indirect.gather [hbm4b:s3+s15], $0x20, s0, s15, $0xb8;
	[tilespmem:$0x1A400] =	vst v63  }
0x145: {  	s0 =	sadd.s32 $0x1380, s21  }
0x146: {  	[tilespmem:s6], [sflag:$0x4] =	stream.indirect.gather [hbm4b:s3+s15], $0x20, s0, s15, $0xb8;
	[tilespmem:$0x1A400] =	vst v63  }
0x147: {  	_ =	swait.ge [sflag:s10], $0x1000  }
0x148: {  	[sflag:s10] =	ssyncset.done $0x0  }
0x149: {  	[sflag:s10] =	ssyncadd.s32 $0xFFFFF000  }
0x14a: {  	_ =	swait.ge [sflag:s10], $0x1000  }
0x14b: {  	[sflag:s10] =	ssyncset.done $0x0  }
0x14c: {  	[sflag:s10] =	ssyncadd.s32 $0xFFFFF000  }
0x14d: {  	_ =	swait.ge [sflag:s10], $0x1000  }
0x14e: {  	[sflag:s10] =	ssyncset.done $0x0  }
0x14f: {  	[sflag:s10] =	ssyncadd.s32 $0xFFFFF000  }
0x150: {  	_ =	swait.ge [sflag:s10], $0x1000  }
0x151: {  	[sflag:s10] =	ssyncset.done $0x0  }
0x152: {  	[sflag:s10] =	ssyncadd.s32 $0xFFFFF000  }
0x153: {  	_ =	swait.ge [sflag:s10], $0x1000  }
0x154: {  	s0 =	rddreg [dreg:$0x5];
	[sflag:s10] =	ssyncset.done $0x0  }
0x155: {  	[sflag:s10] =	ssyncadd.s32 $0xFFFFF000;
	s23 =	sadd.s32 s19, s0  }
0x156: {  	[hbm4b:s23+s2] =	stream.linear.scatter [tilespmem:s24], [sflag:$0x7], $0x5000, $0x38;
	[tilespmem:$0x1A400] =	vst v63  }
0x157: {  	_ =	swait.ge [sflag:s11], $0x5000  }
0x158: {  	[sflag:s11] =	ssyncset.done $0x0  }
0x159: {  	s0 =	sadd.s32 $0x1400, s21;
	[sflag:s11] =	ssyncadd.s32 $0xFFFFB000  }
0x15a: {  	[tilespmem:s16], [sflag:$0x1] =	stream.indirect.gather [hbm4b:s3+s15], $0x20, s0, s15, $0xb8;
	[tilespmem:$0x1A400] =	vst v63  }
0x15b: {  	s0 =	sadd.s32 $0x1480, s21  }
0x15c: {  	[tilespmem:s28], [sflag:$0x1] =	stream.indirect.gather [hbm4b:s3+s15], $0x20, s0, s15, $0xb8;
	[tilespmem:$0x1A400] =	vst v63  }
0x15d: {  	s0 =	sadd.s32 $0x1500, s21  }
0x15e: {  	[tilespmem:s30], [sflag:$0x1] =	stream.indirect.gather [hbm4b:s3+s15], $0x20, s0, s15, $0xb8;
	[tilespmem:$0x1A400] =	vst v63  }
0x15f: {  	s1 =	simm.s32 $0x9400;
	s0 =	sadd.s32 $0x1580, s21  }
0x160: {  	[tilespmem:s1], [sflag:$0x1] =	stream.indirect.gather [hbm4b:s3+s15], $0x20, s0, s15, $0xb8;
	[tilespmem:$0x1A400] =	vst v63  }
0x161: {  	s21 =	sadd.s32 $0x1600, s21  }
0x162: {  	[tilespmem:s18], [sflag:$0x1] =	stream.indirect.gather [hbm4b:s3+s15], $0x20, s21, s15, $0xb8;
	[tilespmem:$0x1A400] =	vst v63  }
0x163: {  	_ =	swait.ge [sflag:s12], $0x1000  }
0x164: {  	[sflag:s12] =	ssyncset.done $0x0  }
0x165: {  	[sflag:s12] =	ssyncadd.s32 $0xFFFFF000  }
0x166: {  	_ =	swait.ge [sflag:s12], $0x1000  }
0x167: {  	[sflag:s12] =	ssyncset.done $0x0  }
0x168: {  	[sflag:s12] =	ssyncadd.s32 $0xFFFFF000  }
0x169: {  	_ =	swait.ge [sflag:s12], $0x1000  }
0x16a: {  	[sflag:s12] =	ssyncset.done $0x0  }
0x16b: {  	[sflag:s12] =	ssyncadd.s32 $0xFFFFF000  }
0x16c: {  	p0 =	sne.s32 s17, $0x11800;
	_ =	swait.ge [sflag:s12], $0x1000  }
.Ltmp0:
0x16d: {  	[sflag:s12] =	ssyncset.done $0x0;
	(pc) =	sbr.rel @p0 .LBB2_2-.Ltmp0, $4  }
0x16e: {  	[sflag:s12] =	ssyncadd.s32 $0xFFFFF000  }
0x16f: {  	_ =	swait.ge [sflag:s12], $0x1000  }
0x170: {  	s17 =	sadd.s32 $0x2800, s17;
	[sflag:s12] =	ssyncset.done $0x0;
	s1 =	rddreg [dreg:$0x6]  }
0x171: {  	s23 =	simm.s32 $0x9400;
	[sflag:s12] =	ssyncadd.s32 $0xFFFFF000;
	s19 =	sadd.s32 s19, s1  }
0x172: {  	[hbm4b:s19+s2] =	stream.linear.scatter [tilespmem:s4], [sflag:$0x8], $0x5000, $0x38;
	[tilespmem:$0x1A400] =	vst v63  }
0x173: {  	_ =	swait.ge [sflag:s13], $0x5000  }
0x174: {  	[sflag:s13] =	ssyncset.done $0x0  }
0x175: {  	s0 =	simm.s32 $0x5C80;
	[sflag:s13] =	ssyncadd.s32 $0xFFFFB000  }
0x176: {  	[tilespmem:s25], [sflag:$0x2] =	stream.indirect.gather [hbm4b:s3+s15], $0x20, s0, s15, $0xb8;
	[tilespmem:$0x1A400] =	vst v63  }
0x177: {  	s1 =	simm.s32 $0xC400;
	s17 =	simm.s32 $0x5D00  }
0x178: {  	[tilespmem:s1], [sflag:$0x2] =	stream.indirect.gather [hbm4b:s3+s15], $0x20, s17, s15, $0xb8;
	[tilespmem:$0x1A400] =	vst v63  }
0x179: {  	s18 =	simm.s32 $0xD400;
	s19 =	simm.s32 $0x5D80  }
0x17a: {  	[tilespmem:s18], [sflag:$0x2] =	stream.indirect.gather [hbm4b:s3+s15], $0x20, s19, s15, $0xb8;
	[tilespmem:$0x1A400] =	vst v63  }
0x17b: {  	s21 =	simm.s32 $0xE400;
	s30 =	simm.s32 $0x5E00  }
0x17c: {  	[tilespmem:s21], [sflag:$0x2] =	stream.indirect.gather [hbm4b:s3+s15], $0x20, s30, s15, $0xb8;
	[tilespmem:$0x1A400] =	vst v63  }
0x17d: {  	s1 =	simm.s32 $0xF400;
	s17 =	simm.s32 $0x5E80  }
0x17e: {  	[tilespmem:s1], [sflag:$0x2] =	stream.indirect.gather [hbm4b:s3+s15], $0x20, s17, s15, $0xb8;
	[tilespmem:$0x1A400] =	vst v63  }
0x17f: {  	_ =	swait.ge [sflag:s20], $0x1000  }
0x180: {  	[sflag:s20] =	ssyncset.done $0x0  }
0x181: {  	[sflag:s20] =	ssyncadd.s32 $0xFFFFF000  }
0x182: {  	_ =	swait.ge [sflag:s20], $0x1000  }
0x183: {  	[sflag:s20] =	ssyncset.done $0x0  }
0x184: {  	[sflag:s20] =	ssyncadd.s32 $0xFFFFF000  }
0x185: {  	_ =	swait.ge [sflag:s20], $0x1000  }
0x186: {  	[sflag:s20] =	ssyncset.done $0x0  }
0x187: {  	[sflag:s20] =	ssyncadd.s32 $0xFFFFF000  }
0x188: {  	_ =	swait.ge [sflag:s20], $0x1000  }
0x189: {  	[sflag:s20] =	ssyncset.done $0x0  }
0x18a: {  	[sflag:s20] =	ssyncadd.s32 $0xFFFFF000  }
0x18b: {  	_ =	swait.ge [sflag:s20], $0x1000  }
0x18c: {  	[sflag:s20] =	ssyncset.done $0x0  }
0x18d: {  	s17 =	rddreg [dreg:$0xc];
	[sflag:s20] =	ssyncadd.s32 $0xFFFFF000  }
0x18e: {  	[hbm4b:s17+s2] =	stream.linear.scatter [tilespmem:s16], [sflag:$0x5], $0x5000, $0x38;
	[tilespmem:$0x1A400] =	vst v63  }
0x18f: {  	_ =	swait.ge [sflag:s5], $0x5000  }
0x190: {  	[sflag:s5] =	ssyncset.done $0x0  }
0x191: {  	s18 =	simm.s32 $0x5F00;
	[sflag:s5] =	ssyncadd.s32 $0xFFFFB000  }
0x192: {  	[tilespmem:s24], [sflag:$0x3] =	stream.indirect.gather [hbm4b:s3+s15], $0x20, s18, s15, $0xb8;
	[tilespmem:$0x1A400] =	vst v63  }
0x193: {  	s19 =	simm.s32 $0x11400;
	s21 =	simm.s32 $0x5F80  }
0x194: {  	[tilespmem:s19], [sflag:$0x3] =	stream.indirect.gather [hbm4b:s3+s15], $0x20, s21, s15, $0xb8;
	[tilespmem:$0x1A400] =	vst v63  }
0x195: {  	s30 =	simm.s32 $0x6000  }
0x196: {  	[tilespmem:s7], [sflag:$0x3] =	stream.indirect.gather [hbm4b:s3+s15], $0x20, s30, s15, $0xb8;
	[tilespmem:$0x1A400] =	vst v63  }
0x197: {  	s1 =	simm.s32 $0x6080  }
0x198: {  	[tilespmem:s8], [sflag:$0x3] =	stream.indirect.gather [hbm4b:s3+s15], $0x20, s1, s15, $0xb8;
	[tilespmem:$0x1A400] =	vst v63  }
0x199: {  	s7 =	simm.s32 $0x6100  }
0x19a: {  	[tilespmem:s9], [sflag:$0x3] =	stream.indirect.gather [hbm4b:s3+s15], $0x20, s7, s15, $0xb8;
	[tilespmem:$0x1A400] =	vst v63  }
0x19b: {  	_ =	swait.ge [sflag:s31], $0x1000  }
0x19c: {  	[sflag:s31] =	ssyncset.done $0x0  }
0x19d: {  	[sflag:s31] =	ssyncadd.s32 $0xFFFFF000  }
0x19e: {  	_ =	swait.ge [sflag:s31], $0x1000  }
0x19f: {  	[sflag:s31] =	ssyncset.done $0x0  }
0x1a0: {  	[sflag:s31] =	ssyncadd.s32 $0xFFFFF000  }
0x1a1: {  	_ =	swait.ge [sflag:s31], $0x1000  }
0x1a2: {  	[sflag:s31] =	ssyncset.done $0x0  }
0x1a3: {  	[sflag:s31] =	ssyncadd.s32 $0xFFFFF000  }
0x1a4: {  	_ =	swait.ge [sflag:s31], $0x1000  }
0x1a5: {  	[sflag:s31] =	ssyncset.done $0x0  }
0x1a6: {  	[sflag:s31] =	ssyncadd.s32 $0xFFFFF000  }
0x1a7: {  	_ =	swait.ge [sflag:s31], $0x1000  }
0x1a8: {  	[sflag:s31] =	ssyncset.done $0x0  }
0x1a9: {  	s8 =	rddreg [dreg:$0xd];
	[sflag:s31] =	ssyncadd.s32 $0xFFFFF000  }
0x1aa: {  	[hbm4b:s8+s2] =	stream.linear.scatter [tilespmem:s25], [sflag:$0x6], $0x5000, $0x38;
	[tilespmem:$0x1A400] =	vst v63  }
0x1ab: {  	_ =	swait.ge [sflag:s14], $0x5000  }
0x1ac: {  	[sflag:s14] =	ssyncset.done $0x0  }
0x1ad: {  	s9 =	simm.s32 $0x6180;
	[sflag:s14] =	ssyncadd.s32 $0xFFFFB000  }
0x1ae: {  	[tilespmem:s4], [sflag:$0x4] =	stream.indirect.gather [hbm4b:s3+s15], $0x20, s9, s15, $0xb8;
	[tilespmem:$0x1A400] =	vst v63  }
0x1af: {  	s17 =	simm.s32 $0x6200  }
0x1b0: {  	[tilespmem:s29], [sflag:$0x4] =	stream.indirect.gather [hbm4b:s3+s15], $0x20, s17, s15, $0xb8;
	[tilespmem:$0x1A400] =	vst v63  }
0x1b1: {  	s18 =	simm.s32 $0x6280  }
0x1b2: {  	[tilespmem:s26], [sflag:$0x4] =	stream.indirect.gather [hbm4b:s3+s15], $0x20, s18, s15, $0xb8;
	[tilespmem:$0x1A400] =	vst v63  }
0x1b3: {  	s19 =	simm.s32 $0x6300  }
0x1b4: {  	[tilespmem:s22], [sflag:$0x4] =	stream.indirect.gather [hbm4b:s3+s15], $0x20, s19, s15, $0xb8;
	[tilespmem:$0x1A400] =	vst v63  }
0x1b5: {  	s21 =	simm.s32 $0x6380  }
0x1b6: {  	[tilespmem:s6], [sflag:$0x4] =	stream.indirect.gather [hbm4b:s3+s15], $0x20, s21, s15, $0xb8;
	[tilespmem:$0x1A400] =	vst v63  }
0x1b7: {  	_ =	swait.ge [sflag:s10], $0x1000  }
0x1b8: {  	[sflag:s10] =	ssyncset.done $0x0  }
0x1b9: {  	[sflag:s10] =	ssyncadd.s32 $0xFFFFF000  }
0x1ba: {  	_ =	swait.ge [sflag:s10], $0x1000  }
0x1bb: {  	[sflag:s10] =	ssyncset.done $0x0  }
0x1bc: {  	[sflag:s10] =	ssyncadd.s32 $0xFFFFF000  }
0x1bd: {  	_ =	swait.ge [sflag:s10], $0x1000  }
0x1be: {  	[sflag:s10] =	ssyncset.done $0x0  }
0x1bf: {  	[sflag:s10] =	ssyncadd.s32 $0xFFFFF000  }
0x1c0: {  	_ =	swait.ge [sflag:s10], $0x1000  }
0x1c1: {  	[sflag:s10] =	ssyncset.done $0x0  }
0x1c2: {  	[sflag:s10] =	ssyncadd.s32 $0xFFFFF000  }
0x1c3: {  	_ =	swait.ge [sflag:s10], $0x1000  }
0x1c4: {  	[sflag:s10] =	ssyncset.done $0x0  }
0x1c5: {  	s22 =	rddreg [dreg:$0xe];
	[sflag:s10] =	ssyncadd.s32 $0xFFFFF000  }
0x1c6: {  	[hbm4b:s22+s2] =	stream.linear.scatter [tilespmem:s24], [sflag:$0x7], $0x5000, $0x38;
	[tilespmem:$0x1A400] =	vst v63  }
0x1c7: {  	_ =	swait.ge [sflag:s12], $0x1000  }
0x1c8: {  	[sflag:s12] =	ssyncset.done $0x0  }
0x1c9: {  	[sflag:s12] =	ssyncadd.s32 $0xFFFFF000  }
0x1ca: {  	_ =	swait.ge [sflag:s12], $0x1000  }
0x1cb: {  	[sflag:s12] =	ssyncset.done $0x0  }
0x1cc: {  	[sflag:s12] =	ssyncadd.s32 $0xFFFFF000  }
0x1cd: {  	_ =	swait.ge [sflag:s12], $0x1000  }
0x1ce: {  	[sflag:s12] =	ssyncset.done $0x0  }
0x1cf: {  	[sflag:s12] =	ssyncadd.s32 $0xFFFFF000  }
0x1d0: {  	_ =	swait.ge [sflag:s12], $0x1000  }
0x1d1: {  	[sflag:s12] =	ssyncset.done $0x0  }
0x1d2: {  	[sflag:s12] =	ssyncadd.s32 $0xFFFFF000  }
0x1d3: {  	_ =	swait.ge [sflag:s12], $0x1000  }
0x1d4: {  	[sflag:s12] =	ssyncset.done $0x0  }
0x1d5: {  	s26 =	rddreg [dreg:$0xf];
	[sflag:s12] =	ssyncadd.s32 $0xFFFFF000  }
0x1d6: {  	[hbm4b:s26+s2] =	stream.linear.scatter [tilespmem:s4], [sflag:$0x8], $0x5000, $0x38;
	[tilespmem:$0x1A400] =	vst v63  }
0x1d7: {  	_ =	swait.ge [sflag:s11], $0x5000  }
0x1d8: {  	[sflag:s11] =	ssyncset.done $0x0  }
0x1d9: {  	[sflag:s11] =	ssyncadd.s32 $0xFFFFB000  }
0x1da: {  	_ =	swait.ge [sflag:s13], $0x5000  }
0x1db: {  	[sflag:s13] =	ssyncset.done $0x0  }
0x1dc: {  	[sflag:s13] =	ssyncadd.s32 $0xFFFFB000  }
0x1dd: {  	_ =	swait.ge [sflag:s5], $0x5000  }
0x1de: {  	[sflag:s5] =	ssyncset.done $0x0  }
0x1df: {  	[sflag:s5] =	ssyncadd.s32 $0xFFFFB000  }
0x1e0: {  	_ =	swait.ge [sflag:s14], $0x5000  }
0x1e1: {  	s29 =	rddreg [dreg:$0x11]  }
0x1e2: {  	s30 =	rddreg [dreg:$0x10];
	s0 =	sadd.s32 $0x1, s29  }
0x1e3: {  	p0 =	sne.s32 s0, s30  }
.Ltmp1:
0x1e4: {  	_ = 	snop;
	(pc) =	sbr.rel @p0 .LBB2_1-.Ltmp1, $3  }
0x1e5: {  	_ =	sdelay $0x1  }
0x1e6: {  	s28 =	simm.s32 $0xA400;
	[sflag:s14] =	ssyncset.done $0x0  }
0x1e7: {  	s19 =	simm.s32 $0x7400;
	s21 =	simm.s32 $0x8400;
	[sflag:s14] =	ssyncadd.s32 $0xFFFFB000  }
0x1e8: {  	_ =	sfence.sel $0x180000  }
0x1e9: {  	[bflag:$0x0] =	sbarrier.arrive $0xFFFF  }
0x1ea: {  	_ =	strace $0x90000047  }
0x1eb: {  	s0 =	stileid.u32;
	[bflag:$0x2] =	sbarrier.arrive $0xFFFF  }
0x1ec: {  	p0 =	sne.s32 s0, $0x0;
	s0 =	rddreg [dreg:$0x2]  }
0x1ed: {  	s0 =	sadd.s32 @!p0 $0x100000, s0  }
0x1ee: {  	[sflag:s0] =	ssyncadd.tile.s32 @!p0 $0x1;
	_ =	shalt  }
.Lfunc_end2:
_tile_overlayer_lowered:
.L_overlay_start_2:
0x1ef: {  	(tag) =	ssettag $0x2  }
0x1f0: {  	s0 =	rddreg [dreg:$0x0];
	s2 =	stileid.u32  }
0x1f1: {  	s1 =	rddreg [dreg:$0x1];
	p0 =	sne.s32 s2, $0x0  }
0x1f2: {  	s3 =	rddreg [dreg:$0x2];
	[bflag:$0x3] =	sbarrier.arrive $0xFFFF;
	s2 =	simm.s32 @!p0 $0x1C09  }
0x1f3: {  	[timem:s3], [sflag:s2] =	dma.local @!p0 [hbm:s0], s1  }
0x1f4: {  	s0 =	simm.s32 @!p0 $0x9  }
0x1f5: {  	_ =	swait.ge @!p0 [sflag:s0], s1  }
0x1f6: {  	s1 =	ssub.s32 @!p0 $0x0, s1;
	[sflag:s0] =	ssyncset.done @!p0 $0x0  }
0x1f7: {  	[sflag:s0] =	ssyncadd.s32 @!p0 s1  }
0x1f8: {  	[bflag:$0x3] =	sbarrier.arrive $0xFFFF  }
0x1f9: {  	_ =	shalt  }

// kernel: sparse-core-data-format-call.1.cloned.1.call-start
scs
called_computation.1_lowered:
.L_overlay_start_0:
0x0: {  	s2 =	sld [smem:$0x3FD9]  }
0x1: {  	s3 =	sld [smem:$0x3FFE];
	_ =	sdelay $0x1  }
0x2: {  	s1 =	srdreg.scid  }
0x3: {  	s0 =	sand.u32 $0x1, s1  }
0x4: {  	s18 =	sshll.u32 s0, $0xA;
	s2 =	sadd.s32 s3, s2  }
0x5: {  	s2 =	sadd.s32 s2, s18  }
0x6: {  	[smem:$0x3FC6] =	sst s2  }
0x7: {  	_ = 	snop  }
0x8: {  	s2 =	sld [smem:$0x3FD0];
	(tm) =	ssettm $0x1  }
0x9: {  	s19 =	sld [smem:$0x3FFB];
	_ =	sdelay $0x3  }
0xa: {  	_ =	strace s19  }
0xb: {  	s3 =	sld [smem:$0x3FFC];
	_ =	sdelay $0x3  }
0xc: {  	_ =	strace s3  }
0xd: {  	s3 =	sld [smem:$0x3FFD];
	_ =	sdelay $0x3  }
0xe: {  	_ =	strace s3  }
0xf: {  	_ =	strace $0x8FFFFFFF  }
0x10: {  	s20 =	sld [smem:$0x3FDB];
	_ =	sdelay $0x1  }
0x11: {  	s4 =	simm.s32 $_scs_section_size  }
0x12: {  	s5 =	simm.s32 $_size__tile_overlayer_lowered;
	s6 =	simm.s32 $_tile_overlayer_lowered  }
0x13: {  	s23 =	simm.s32 $0x1BFF;
	s22 =	sshll.u32 s6, $0x1;
	s3 =	sadd.s32 s4, s20  }
0x14: {  	s7 =	simm.s32 $0x0;
	s21 =	sshll.u32 s5, $0x1;
	s5 =	sadd.s32 s22, s3  }
0x15: {  	[timem:s7], [sflag:s23] =	dma.local [hbm:s5], s21  }
0x16: {  	_ =	swait.ge [sflag:s23], s21  }
0x17: {  	s4 =	ssub.s32 $0x0, s21;
	[sflag:s23] =	ssyncset.done $0x0  }
0x18: {  	[sflag:s23] =	ssyncadd.s32 s4;
	_ =	sdelay $0x1  }
0x19: {  	s24 =	simm.s32 $0x1B8B  }
0x1a: {  	_ =	swait.ge [sflag:s24], $0x1  }
0x1b: {  	[sflag:s24] =	ssyncset.done $0x0  }
0x1c: {  	s26 =	simm.s32 $0x1B8E;
	s25 =	sld [smem:$0x3FFE];
	[sflag:s24] =	ssyncadd.s32 $0xFFFFFFFF  }
0x1d: {  	s27 =	simm.s32 $execute0_lowered;
	[smem:$0x3FD2] =	sst s26  }
0x1e: {  	s5 =	sshll.u32 s27, $0x1;
	_ =	strace $0x80000049;
	[dreg:$0x1] =	wrdreg $0xFFFFFFFF  }
0x1f: {  	s28 =	simm.s32 $_size_execute0_lowered;
	s3 =	sadd.s32 s3, s5;
	[dreg:$0x0] =	wrdreg $0x0  }
0x20: {  	s5 =	sshll.u32 s28, $0x1;
	[dreg:$0x2] =	wrdreg s3  }
0x21: {  	[dreg:$0x3] =	wrdreg s5  }
0x22: {  	[dreg:$0x4] =	wrdreg $0xC0  }
0x23: {  	_ =	task [dreg:s7], $0x5FFFF  }
0x24: {  	[dreg:$0x1] =	wrdreg $0xFFFFFFFF  }
0x25: {  	[dreg:$0x0] =	wrdreg $0x60  }
0x26: {  	[dreg:$0x2] =	wrdreg s25  }
0x27: {  	[dreg:$0x3] =	wrdreg s2  }
0x28: {  	[dreg:$0x4] =	wrdreg $0x9  }
0x29: {  	_ =	task.clear_ibuf [dreg:s7], $0x5FFFF;
	_ =	strace $0x90000049  }
0x2a: {  	s29 =	simm.s32 $0x9;
	_ =	strace $0x8000004B  }
0x2b: {  	_ =	swait.ge [sflag:s29], $0x1  }
0x2c: {  	[sflag:s29] =	ssyncadd.s32 $0xFFFFFFFF  }
0x2d: {  	_ =	strace $0x9000004B  }
0x2e: {  	_ =	sfence  }
0x2f: {  	s30 =	sld [smem:$0x0];
	_ =	sdelay $0x2  }
0x30: {  	s31 =	sshll.u32 s1, $0xD;
	s1 =	sshrl.u32 s1, $0x2  }
0x31: {  	s3 =	sand.u32 $0x4000, s31;
	s1 =	sadd.s32 s1, s30  }
0x32: {  	s0 =	sor.u32 s3, s0;
	s1 =	sshll.u32 s1, $0x11  }
0x33: {  	s0 =	sor.u32 s1, s0  }
0x34: {  	s0 =	sadd.s32 $0x8F2B, s0  }
0x35: {  	[sflag:s0] =	ssyncadd.remote.s32 $0x1  }
0x36: {  	_ =	sfence.sel $0xFFFF  }
0x37: {  	[dreg:$0x0] =	wrdreg $0xFFFFFFFF;
	(pc) =	sbr.abs _section_cstart, $3  }
0x38: {  	[dreg:$0x1] =	wrdreg $0xFFFFFFFF  }
0x39: {  	_ =	task.clear_ibuf [dreg:s7], $0x2FFFF;
	_ =	strace $0x9FFFFFFF  }
0x3a: {  	(tm) =	ssettm $0x7FFFFFFF  }
0x3b: {  	_ =	shalt  }
tec
execute0_lowered:
.L_overlay_start_1:
0x0: {  	(tag) =	ssettag $0x1  }
0x1: {  	s0 =	srdreg.scid  }
0x2: {  	s1 =	sshll.u32 s0, $0x4  }
0x3: {  	s4 =	rddreg [dreg:$0x0];
	s0 =	stileid.u32;
	s1 =	sand.u32 $0x10, s1  }
0x4: {  	s2 =	rddreg [dreg:$0x1];
	s7 =	simm.s32 $0x1;
	s1 =	sor.u32 s0, s1  }
0x5: {  	s8 =	simm.s32 $0x2;
	s11 =	simm.s32 $0x0;
	s3 =	sshll.u32 s1, $0x7  }
0x6: {  	s10 =	simm.s32 $0x0;
	s4 =	sadd.s32 $0xE00, s4;
	s6 =	ssub.s32 $0xC8000, s3  }
.Ltmp0:
0x7: {  	s1 =	rddreg [dreg:$0x2];
	s5 =	sand.u32 $0xF80, s6;
	(pc) =	sbr.rel .LBB1_1-.Ltmp0, $4  }
0x8: {  	_ =	strace $0x8000004A;
	s9 =	smov.u32 s3;
	p0 =	sne.s32 s5, $0x0  }
0x9: {  	s6 =	sshrl.u32 s6, $0xC;
	s5 =	simm.s32 $0x1;
	s7 =	simm.s32 @!p0 $0x0  }
0xa: {  	[sflag:s5] =	ssyncpa.u1 $0x0;
	p0 =	por $0x0, $0x0;
	s6 =	sadd.s32 s7, s6  }
0xb: {  	[sflag:s8] =	ssyncpa.u1 $0x0;
	s8 =	simm.s32 $0x640000;
	s7 =	sadd.s32 $0x1, s6  }
.LBB1_4:
0xc: {  	s14 =	sshll.u32 s11, $0x3  }
0xd: {  	s30 =	sand.u32 $0x7F, s11;
	s15 =	sand.u32 $0xFFFFFC00, s14  }
0xe: {  	s11 =	sor.u32 s30, s15  }
0xf: {  	s15 =	smulhi.u32 $0x51EB851F, s11  }
0x10: {  	s14 =	smulhi.u32 $0x51EB851F, s14  }
0x11: {  	s15 =	sshrl.u32 s15, $0x12  }
0x12: {  	s14 =	sshrl.u32 s14, $0x12;
	s15 =	smul.u32 $0xC8000, s15  }
0x13: {  	s14 =	sand.u32 $0x1F, s14  }
0x14: {  	s14 =	smul.u32 $0x19000, s14;
	s11 =	ssub.s32 s11, s15  }
0x15: {  	s15 =	sand.u32 $0x7, s11  }
0x16: {  	s14 =	sadd.s32 s2, s14;
	s11 =	sshrl.u32 s11, $0x3;
	s15 =	sshll.u32 s15, $0x12  }
0x17: {  	[tilespmem:s13+$0x0 ss:$0x81] =	vst.msk $0xffff, v0;
	s11 =	sadd.s32 s11, s14;
	s31 =	sor.u32 $0x400, s15  }
0x18: {  	[hbm4b:s11+s31] =	stream.strided.scatter [tilespmem:s12], [sflag:$0x2], $0x1000, s8, s31, $0x20;
	[tilespmem:$0x4040] =	vst v63  }
.LBB1_5:
0x19: {  	s13 =	sadd.s32 $0x1000, s9  }
0x1a: {  	p2 =	sgt.s32 s13, $0xC7FFF  }
0x1b: {  	s13 =	smov.u32 @p2 s3;
	p2 =	sne.s32 s10, s7  }
.Ltmp1:
0x1c: {  	p1 =	slt.u32 s10, $0x2;
	(pc) =	sbr.rel @!p2 .LBB1_6-.Ltmp1, $4  }
0x1d: {  	s12 =	simm.s32 @!p1 $0x2  }
0x1e: {  	s14 =	sadd.s32 $0x1, s10;
	_ =	swait.ge @!p1 [sflag:s12], $0x1000  }
0x1f: {  	s11 =	smov.u32 s9;
	p0 =	por !p0, !p0;
	[sflag:s12] =	ssyncset.done @!p1 $0x0  }
0x20: {  	s10 =	smov.u32 s14;
	s9 =	smov.u32 s13;
	[sflag:s12] =	ssyncadd.s32 @!p1 $0xFFFFF000  }
.LBB1_1:
0x21: {  	p1 =	sge.u32 s10, s6  }
0x22: {  	s12 =	sand.u32 @!p1 $0x1FFFFFF, s9  }
0x23: {  	s13 =	smulhi.u32 @!p1 $0x147AE15, s12;
	_ =	sdelay $0x1  }
0x24: {  	s13 =	sshrl.u32 @!p1 s13, $0xC  }
0x25: {  	s13 =	smul.u32 @!p1 $0xC8000, s13;
	_ =	sdelay $0x1  }
0x26: {  	s31 =	sadd.s32 $0xFFFFFFFF, s10;
	s14 =	sxor.u32 @!p1 $0xFFFFFFFF, s10;
	s12 =	ssub.s32 @!p1 s12, s13  }
0x27: {  	s15 =	simm.s32 @!p1 $0x80;
	s14 =	sshll.u32 @!p1 s14, $0xC;
	s12 =	sshll.u32 @!p1 s12, $0x4  }
0x28: {  	s13 =	sand.u32 @!p1 $0x1000, s14;
	s14 =	simm.s32 @!p1 $0x20;
	s12 =	sadd.s32 @!p1 s4, s12  }
0x29: {  	[tilespmem:s13], [sflag:$0x1] =	stream.strided.gather @!p1 [hbm4b:s12+s14], $0x1000, s15, s14, $0x38;
	[tilespmem:$0x4040] =	vst v63  }
0x2a: {  	p1 =	sge.u32 s31, s6  }
.Ltmp2:
0x2b: {  	_ = 	snop;
	(pc) =	sbr.rel @p1 .LBB1_5-.Ltmp2, $1  }
0x2c: {  	_ =	sdelay $0x3  }
0x2d: {  	s12 =	simm.s32 $0x1  }
0x2e: {  	_ =	swait.ge [sflag:s5], $0x1000;
	s12 =	simm.s32 @!p0 $0x0  }
0x2f: {  	[sflag:s5] =	ssyncset.done $0x0;
	s13 =	sshll.u32 s12, $0xC  }
0x30: {  	[sflag:s5] =	ssyncadd.s32 $0xFFFFF000;
	s16 =	sor.u32 $0x10, s13  }
0x31: {  	s12 =	smul.u32 $0x4080, s12;
	v1 =	vld [tilespmem:s16+$0x0]  }
0x32: {  	s30 =	sand.u32 $0x1, s10;
	v0 =	vld [tilespmem:s16+$0xFFFFFFF0]  }
0x33: {  	s13 =	smul.u32 $0x4080, s30;
	s12 =	sshrl.u32 s12, $0x2  }
0x34: {  	s14 =	sor.u32 $0x2000, s12  }
0x35: {  	s31 =	sshrl.u32 s13, $0x2;
	s13 =	sadd.s32 $0x0, s14  }
0x36: {  	s15 =	simm.s32 $0x4;
	s16 =	sadd.s32 $0x20, s16;
	s12 =	sor.u32 $0x2000, s31;
	[tilespmem:s13+$0x810 ss:$0x81] =	vst.msk $0xffff, v1  }
.LBB1_3:
0x37: {  	v1 =	vld [tilespmem:s16+$0x0];
	p1 =	sne.s32 s15, $0x1FC;
	[tilespmem:s13+$0x0 ss:$0x81] =	vst.msk $0xffff, v0;
	s13 =	smov.u32 s15;
	s15 =	sadd.s32 $0x4, s15  }
.Ltmp3:
0x38: {  	v0 =	vld [tilespmem:s16+$0xFFFFFFF0];
	(pc) =	sbr.rel @p1 .LBB1_3-.Ltmp3, $4  }
0x39: {  	_ = 	snop  }
0x3a: {  	s13 =	sshra.s32 s13, $0x2  }
0x3b: {  	s13 =	sadd.s32 s13, s14  }
0x3c: {  	s16 =	sadd.s32 $0x20, s16;
	[tilespmem:s13+$0x810 ss:$0x81] =	vst.msk $0xffff, v1  }
.Ltmp4:
0x3d: {  	_ = 	snop;
	(pc) =	sbr.rel .LBB1_4-.Ltmp4, $1  }
0x3e: {  	_ =	sdelay $0x3  }
.LBB1_6:
0x3f: {  	_ =	sfence.sel $0x180000  }
0x40: {  	s2 =	simm.s32 $0x1;
	[bflag:$0x0] =	sbarrier.arrive $0xFFFF  }
0x41: {  	s31 =	simm.s32 $0x2;
	[sflag:s2] =	ssyncpa.u1 $0x1  }
0x42: {  	[sflag:s31] =	ssyncpa.u1 $0x1  }
0x43: {  	p0 =	sne.s32 s0, $0x0;
	_ =	strace $0x9000004A  }
0x44: {  	s0 =	sadd.s32 @!p0 $0x100000, s1;
	[bflag:$0x2] =	sbarrier.arrive $0xFFFF  }
0x45: {  	[sflag:s0] =	ssyncadd.tile.s32 @!p0 $0x1;
	_ =	shalt  }
.Lfunc_end1:
_tile_overlayer_lowered:
.L_overlay_start_2:
0x46: {  	(tag) =	ssettag $0x2  }
0x47: {  	s0 =	rddreg [dreg:$0x0];
	s2 =	stileid.u32  }
0x48: {  	s1 =	rddreg [dreg:$0x1];
	p0 =	sne.s32 s2, $0x0  }
0x49: {  	s3 =	rddreg [dreg:$0x2];
	[bflag:$0x3] =	sbarrier.arrive $0xFFFF;
	s2 =	simm.s32 @!p0 $0x1C01  }
0x4a: {  	[timem:s3], [sflag:s2] =	dma.local @!p0 [hbm:s0], s1  }
0x4b: {  	s0 =	simm.s32 @!p0 $0x1  }
0x4c: {  	_ =	swait.ge @!p0 [sflag:s0], s1  }
0x4d: {  	s1 =	ssub.s32 @!p0 $0x0, s1;
	[sflag:s0] =	ssyncset.done @!p0 $0x0  }
0x4e: {  	[sflag:s0] =	ssyncadd.s32 @!p0 s1  }
0x4f: {  	[bflag:$0x3] =	sbarrier.arrive $0xFFFF  }
0x50: {  	_ =	shalt  }

// kernel: sparse-core-data-format-call.cloned.1.call-start
scs
called_computation_lowered:
.L_overlay_start_0:
0x0: {  	s2 =	sld [smem:$0x3FD9]  }
0x1: {  	s3 =	sld [smem:$0x3FFE];
	_ =	sdelay $0x1  }
0x2: {  	s1 =	srdreg.scid  }
0x3: {  	s0 =	sand.u32 $0x1, s1  }
0x4: {  	s18 =	sshll.u32 s0, $0xA;
	s2 =	sadd.s32 s3, s2  }
0x5: {  	s2 =	sadd.s32 s2, s18  }
0x6: {  	[smem:$0x3FC6] =	sst s2  }
0x7: {  	_ = 	snop  }
0x8: {  	s2 =	sld [smem:$0x3FD0];
	(tm) =	ssettm $0x1  }
0x9: {  	s19 =	sld [smem:$0x3FFB];
	_ =	sdelay $0x3  }
0xa: {  	_ =	strace s19  }
0xb: {  	s3 =	sld [smem:$0x3FFC];
	_ =	sdelay $0x3  }
0xc: {  	_ =	strace s3  }
0xd: {  	s3 =	sld [smem:$0x3FFD];
	_ =	sdelay $0x3  }
0xe: {  	_ =	strace s3  }
0xf: {  	_ =	strace $0x8FFFFFFF  }
0x10: {  	s20 =	sld [smem:$0x3FDB];
	_ =	sdelay $0x1  }
0x11: {  	s4 =	simm.s32 $_scs_section_size  }
0x12: {  	s5 =	simm.s32 $_size__tile_overlayer_lowered;
	s6 =	simm.s32 $_tile_overlayer_lowered  }
0x13: {  	s23 =	simm.s32 $0x1BFF;
	s22 =	sshll.u32 s6, $0x1;
	s3 =	sadd.s32 s4, s20  }
0x14: {  	s7 =	simm.s32 $0x0;
	s21 =	sshll.u32 s5, $0x1;
	s5 =	sadd.s32 s22, s3  }
0x15: {  	[timem:s7], [sflag:s23] =	dma.local [hbm:s5], s21  }
0x16: {  	_ =	swait.ge [sflag:s23], s21  }
0x17: {  	s4 =	ssub.s32 $0x0, s21;
	[sflag:s23] =	ssyncset.done $0x0  }
0x18: {  	[sflag:s23] =	ssyncadd.s32 s4;
	_ =	sdelay $0x1  }
0x19: {  	s24 =	simm.s32 $0x1B8B  }
0x1a: {  	_ =	swait.ge [sflag:s24], $0x1  }
0x1b: {  	[sflag:s24] =	ssyncset.done $0x0  }
0x1c: {  	s26 =	simm.s32 $0x1B8E;
	s25 =	sld [smem:$0x3FFE];
	[sflag:s24] =	ssyncadd.s32 $0xFFFFFFFF  }
0x1d: {  	s27 =	simm.s32 $execute0_lowered;
	[smem:$0x3FD2] =	sst s26  }
0x1e: {  	s5 =	sshll.u32 s27, $0x1;
	_ =	strace $0x8000004C;
	[dreg:$0x1] =	wrdreg $0xFFFFFFFF  }
0x1f: {  	s28 =	simm.s32 $_size_execute0_lowered;
	s3 =	sadd.s32 s3, s5;
	[dreg:$0x0] =	wrdreg $0x0  }
0x20: {  	s5 =	sshll.u32 s28, $0x1;
	[dreg:$0x2] =	wrdreg s3  }
0x21: {  	[dreg:$0x3] =	wrdreg s5  }
0x22: {  	[dreg:$0x4] =	wrdreg $0xC0  }
0x23: {  	_ =	task [dreg:s7], $0x5FFFF  }
0x24: {  	[dreg:$0x1] =	wrdreg $0xFFFFFFFF  }
0x25: {  	[dreg:$0x0] =	wrdreg $0x60  }
0x26: {  	[dreg:$0x2] =	wrdreg s25  }
0x27: {  	[dreg:$0x3] =	wrdreg s2  }
0x28: {  	[dreg:$0x4] =	wrdreg $0x9  }
0x29: {  	_ =	task.clear_ibuf [dreg:s7], $0x5FFFF;
	_ =	strace $0x9000004C  }
0x2a: {  	s29 =	simm.s32 $0x9;
	_ =	strace $0x8000004E  }
0x2b: {  	_ =	swait.ge [sflag:s29], $0x1  }
0x2c: {  	[sflag:s29] =	ssyncadd.s32 $0xFFFFFFFF  }
0x2d: {  	_ =	strace $0x9000004E  }
0x2e: {  	_ =	sfence  }
0x2f: {  	s30 =	sld [smem:$0x0];
	_ =	sdelay $0x2  }
0x30: {  	s31 =	sshll.u32 s1, $0xD;
	s1 =	sshrl.u32 s1, $0x2  }
0x31: {  	s3 =	sand.u32 $0x4000, s31;
	s1 =	sadd.s32 s1, s30  }
0x32: {  	s0 =	sor.u32 s3, s0;
	s1 =	sshll.u32 s1, $0x11  }
0x33: {  	s0 =	sor.u32 s1, s0  }
0x34: {  	s0 =	sadd.s32 $0x8F2B, s0  }
0x35: {  	[sflag:s0] =	ssyncadd.remote.s32 $0x1  }
0x36: {  	_ =	sfence.sel $0xFFFF  }
0x37: {  	[dreg:$0x0] =	wrdreg $0xFFFFFFFF;
	(pc) =	sbr.abs _section_cstart, $3  }
0x38: {  	[dreg:$0x1] =	wrdreg $0xFFFFFFFF  }
0x39: {  	_ =	task.clear_ibuf [dreg:s7], $0x2FFFF;
	_ =	strace $0x9FFFFFFF  }
0x3a: {  	(tm) =	ssettm $0x7FFFFFFF  }
0x3b: {  	_ =	shalt  }
tec
execute0_lowered:
.L_overlay_start_1:
0x0: {  	(tag) =	ssettag $0x1  }
0x1: {  	s8 =	rddreg [dreg:$0x0]  }
0x2: {  	s2 =	rddreg [dreg:$0x1];
	s1 =	stileid.u32  }
0x3: {  	s4 =	srdreg.scid;
	s0 =	rddreg [dreg:$0x2];
	_ =	strace $0x8000004D  }
0x4: {  	s9 =	simm.s32 $0x1;
	s31 =	simm.s32 $0x2;
	s16 =	simm.s32 $0x0  }
0x5: {  	s17 =	simm.s32 $0x0;
	s11 =	simm.s32 $0x0;
	s12 =	simm.s32 $0x0  }
0x6: {  	s15 =	simm.s32 $0x0;
	s3 =	sshll.u32 s1, $0x1;
	s4 =	sshll.u32 s4, $0x7  }
0x7: {  	s4 =	sand.u32 $0x80, s4;
	s5 =	ssub.s32 $0x20, s3;
	s14 =	smov.u32 s3  }
0x8: {  	s6 =	sshrl.u32 s5, $0x5;
	s5 =	sand.u32 $0x1E, s5;
	s7 =	ssub.s32 $0x4000, s4  }
0x9: {  	p0 =	sne.s32 s5, $0x0;
	s30 =	sshrl.u32 s7, $0x7;
	s7 =	sshrl.u32 s7, $0x8  }
.Ltmp0:
0xa: {  	s9 =	simm.s32 @!p0 $0x0;
	s10 =	sand.u32 $0x1, s30;
	(pc) =	sbr.rel .LBB1_1-.Ltmp0, $4  }
0xb: {  	s5 =	simm.s32 $0x1;
	s6 =	sadd.s32 s9, s6;
	s7 =	sadd.s32 s7, s10  }
0xc: {  	s13 =	smov.u32 s4;
	[sflag:s5] =	ssyncpa.u1 $0x0;
	s6 =	smul.u32 s6, s7  }
0xd: {  	p0 =	por $0x0, $0x0;
	[sflag:s31] =	ssyncpa.u1 $0x0;
	s10 =	simm.s32 $0x80000  }
0xe: {  	s7 =	sadd.s32 $0xE00, s8;
	s8 =	sadd.s32 $0x40E00, s8;
	s9 =	sadd.s32 $0x1, s6  }
.LBB1_7:
0xf: {  	p1 =	slt.u32 s15, $0x2  }
0x10: {  	s19 =	smov.u32 s17;
	p2 =	sgt.s32 @!p1 s17, $0x1E;
	s18 =	sshra.s32 @!p1 s17, $0x1F  }
0x11: {  	p3 =	sgt.s32 @!p1 s16, $0x3F80;
	s20 =	sshra.s32 @!p1 s16, $0x1F;
	p2 =	por !p2, p1  }
0x12: {  	s17 =	sand.u32 @!p1 s18, s17;
	p3 =	por !p3, p1;
	s18 =	smov.u32 s16  }
0x13: {  	s16 =	sand.u32 @!p1 s20, s16;
	s19 =	simm.s32 @p2 $0x1E;
	s18 =	simm.s32 @p3 $0x3F80  }
0x14: {  	s20 =	smov.u32 s14;
	s17 =	ssub.s32 @!p1 s19, s17;
	s16 =	ssub.s32 @!p1 s18, s16  }
0x15: {  	s18 =	sadd.s32 @!p1 $0xFFFFFFE2, s17;
	s17 =	ssub.s32 @!p1 $0x20, s17;
	s19 =	sadd.s32 @!p1 $0xFFFFC080, s16  }
0x16: {  	p2 =	sgt.s32 @!p1 s18, $0x1;
	s17 =	smul.u32 @!p1 $0x32, s17;
	p3 =	sgt.s32 @!p1 s19, $0x7F  }
0x17: {  	s16 =	ssub.s32 @!p1 $0x4000, s16;
	p2 =	por !p2, p1;
	p3 =	por !p3, p1  }
0x18: {  	s18 =	sadd.s32 $0x100, s13;
	s17 =	simm.s32 @!p2 $0x0;
	s16 =	simm.s32 @!p3 $0x0  }
0x19: {  	p2 =	sgt.s32 s18, $0x3FFF;
	s16 =	smul.u32 @!p1 s16, s17;
	s17 =	sadd.s32 $0x20, s14  }
0x1a: {  	s20 =	smov.u32 @p2 s17  }
0x1b: {  	s18 =	smov.u32 @p2 s4;
	p2 =	sgt.s32 s20, $0x1F  }
0x1c: {  	s20 =	smov.u32 @p2 s3;
	p2 =	sne.s32 s15, s9  }
.Ltmp1:
0x1d: {  	p0 =	por !p0, !p0;
	s19 =	simm.s32 @!p1 $0x2;
	(pc) =	sbr.rel @!p2 .LBB1_8-.Ltmp1, $4  }
0x1e: {  	s17 =	smov.u32 s12;
	s12 =	smov.u32 s14;
	s16 =	sand.u32 @!p1 $0x3FFFFFFE, s16  }
0x1f: {  	_ =	swait.ge @!p1 [sflag:s19], s16;
	s21 =	ssub.s32 @!p1 $0x0, s16;
	s16 =	smov.u32 s11  }
0x20: {  	s15 =	sadd.s32 $0x1, s15;
	s11 =	smov.u32 s13;
	[sflag:s19] =	ssyncset.done @!p1 $0x0  }
0x21: {  	s13 =	smov.u32 s18;
	s14 =	smov.u32 s20;
	[sflag:s19] =	ssyncadd.s32 @!p1 s21  }
.LBB1_1:
0x22: {  	p1 =	sge.u32 s15, s6  }
0x23: {  	s18 =	sxor.u32 @!p1 $0xFFFFFFFF, s15;
	s19 =	sshll.u32 @!p1 s14, $0x12  }
0x24: {  	s20 =	sshll.u32 @!p1 s13, $0x4;
	s22 =	simm.s32 @!p1 $0x40;
	s23 =	simm.s32 @!p1 $0x80  }
0x25: {  	s18 =	sshll.u32 @!p1 s18, $0xE;
	s20 =	sand.u32 @!p1 $0x3FFF0, s20;
	s21 =	sadd.s32 @!p1 s7, s19  }
0x26: {  	s19 =	sadd.s32 @!p1 s19, s8;
	s18 =	sand.u32 @!p1 $0x4000, s18;
	s21 =	sadd.s32 @!p1 s20, s21  }
0x27: {  	[tilespmem:s18], [sflag:$0x1] =	stream.strided.gather @!p1 [hbm4b:s21+s22], $0x2000, s23, s22, $0x38;
	[tilespmem:$0x10100] =	vst v63  }
0x28: {  	s31 =	sadd.s32 $0xFFFFFFFF, s15;
	s19 =	sadd.s32 @!p1 s20, s19;
	s18 =	sor.u32 @!p1 $0x2000, s18  }
0x29: {  	[tilespmem:s18], [sflag:$0x1] =	stream.strided.gather @!p1 [hbm4b:s19+s22], $0x2000, s23, s22, $0x38;
	[tilespmem:$0x10100] =	vst v63  }
0x2a: {  	p1 =	sge.u32 s31, s6  }
.Ltmp2:
0x2b: {  	_ = 	snop;
	(pc) =	sbr.rel @p1 .LBB1_7-.Ltmp2, $1  }
0x2c: {  	_ =	sdelay $0x3  }
0x2d: {  	s18 =	simm.s32 $0x1;
	s20 =	sand.u32 $0x1, s15  }
0x2e: {  	_ =	swait.ge [sflag:s5], $0x4000;
	s18 =	simm.s32 @!p0 $0x0;
	s20 =	smul.u32 $0x10200, s20  }
0x2f: {  	p2 =	por $0x1, $0x1;
	[sflag:s5] =	ssyncset.done $0x0;
	s19 =	smul.u32 $0x10200, s18  }
0x30: {  	s21 =	sshll.u32 s18, $0x10;
	[sflag:s5] =	ssyncadd.s32 $0xFFFFC000;
	s30 =	sshrl.u32 s20, $0x2  }
0x31: {  	s31 =	sshrl.u32 s21, $0x2;
	s21 =	simm.s32 $0x0;
	s19 =	sshrl.u32 s19, $0x2  }
0x32: {  	s18 =	sor.u32 $0x8000, s30;
	s20 =	sadd.s32 $0x20, s31;
	s19 =	sor.u32 $0x8000, s19  }
.LBB1_3:
0x33: {  	s22 =	sshll.u32 s21, $0xD  }
0x34: {  	s22 =	sand.u32 $0x3FFFE000, s22  }
0x35: {  	s24 =	sadd.s32 s22, s20  }
0x36: {  	s31 =	smul.u32 $0x204, s21;
	v3 =	vld [tilespmem:s24+$0x10]  }
0x37: {  	v1 =	vld [tilespmem:s24+$0xFFFFFFF0]  }
0x38: {  	s21 =	sshra.s32 s31, $0x2;
	v0 =	vld [tilespmem:s24+$0x0]  }
0x39: {  	s21 =	sadd.s32 s21, s19;
	v2 =	vld [tilespmem:s24+$0xFFFFFFE0]  }
0x3a: {  	s22 =	sadd.s32 $0x0, s21  }
0x3b: {  	p1 =	por p2, p2;
	s23 =	simm.s32 $0x4;
	s24 =	sadd.s32 $0x40, s24;
	[tilespmem:s22+$0x3060 ss:$0x102] =	vst.msk $0xffff, v3  }
.LBB1_4:
0x3c: {  	v3 =	vld [tilespmem:s24+$0x10];
	p2 =	sne.s32 s23, $0x1FC;
	[tilespmem:s22+$0x1020 ss:$0x102] =	vst.msk $0xffff, v1;
	s25 =	smov.u32 s23;
	s23 =	sadd.s32 $0x4, s23  }
.Ltmp3:
0x3d: {  	v1 =	vld [tilespmem:s24+$0xFFFFFFF0];
	[tilespmem:s22+$0x2040 ss:$0x102] =	vst.msk $0xffff, v0;
	(pc) =	sbr.rel @p2 .LBB1_4-.Ltmp3, $4  }
0x3e: {  	v0 =	vld [tilespmem:s24+$0x0];
	[tilespmem:s22+$0x0 ss:$0x102] =	vst.msk $0xffff, v2  }
0x3f: {  	s22 =	sshra.s32 s25, $0x2;
	v2 =	vld [tilespmem:s24+$0xFFFFFFE0]  }
0x40: {  	s22 =	sadd.s32 s22, s21  }
0x41: {  	s24 =	sadd.s32 $0x40, s24;
	[tilespmem:s22+$0x3060 ss:$0x102] =	vst.msk $0xffff, v3  }
.Ltmp4:
0x42: {  	(pc) =	sbr.rel @p1 .LBB1_3-.Ltmp4, $4  }
0x43: {  	_ = 	snop  }
0x44: {  	[tilespmem:s22+$0x1020 ss:$0x102] =	vst.msk $0xffff, v1  }
0x45: {  	[tilespmem:s22+$0x2040 ss:$0x102] =	vst.msk $0xffff, v0  }
0x46: {  	s21 =	simm.s32 $0x1;
	p2 =	por $0x0, $0x0;
	[tilespmem:s22+$0x0 ss:$0x102] =	vst.msk $0xffff, v2  }
0x47: {  	s19 =	sand.u32 $0x78, s11;
	p1 =	sgt.s32 s12, $0x1E;
	s20 =	smov.u32 s12  }
0x48: {  	s21 =	sshra.s32 s12, $0x1F;
	s22 =	sshll.u32 s12, $0xE;
	s23 =	sshll.u32 s11, $0x3  }
0x49: {  	s30 =	sshra.s32 s11, $0x1F;
	s25 =	sshll.u32 s12, $0x7;
	s20 =	simm.s32 @!p1 $0x1E  }
0x4a: {  	s21 =	sand.u32 s21, s12;
	s22 =	sand.u32 $0x60000, s22;
	p1 =	sgt.s32 s11, $0x3F80  }
0x4b: {  	s25 =	sand.u32 $0x380, s25;
	s20 =	ssub.s32 s20, s21;
	s21 =	smov.u32 s11  }
0x4c: {  	s22 =	sadd.s32 s22, s23;
	s24 =	sadd.s32 $0xFFFFFFE2, s20;
	s21 =	simm.s32 @!p1 $0x3F80  }
0x4d: {  	s20 =	ssub.s32 $0x20, s20;
	p1 =	sgt.s32 s24, $0x1;
	s24 =	sand.u32 s30, s11  }
0x4e: {  	s23 =	sand.u32 $0x3C00, s23;
	s20 =	smul.u32 $0x32, s20;
	s21 =	ssub.s32 s21, s24  }
0x4f: {  	s19 =	sor.u32 s25, s19;
	s22 =	sand.u32 $0x7C000, s22;
	s24 =	sadd.s32 $0xFFFFC080, s21  }
0x50: {  	s20 =	simm.s32 @p1 $0x0;
	s21 =	ssub.s32 $0x4000, s21;
	p1 =	sgt.s32 s24, $0x7F  }
.Ltmp5:
0x51: {  	s19 =	sor.u32 s23, s19;
	s21 =	simm.s32 @p1 $0x0;
	(pc) =	sbr.rel .LBB1_7-.Ltmp5, $4  }
0x52: {  	s31 =	sand.u32 $0x7, s11;
	s19 =	sor.u32 s22, s19;
	s20 =	smul.u32 s21, s20  }
0x53: {  	s19 =	sshrl.u32 s19, $0x3;
	s21 =	sshll.u32 s31, $0x12  }
0x54: {  	s19 =	sadd.s32 s2, s19;
	s21 =	sor.u32 $0x100, s21;
	s20 =	sand.u32 $0x3FFFFFFE, s20  }
0x55: {  	[hbm4b:s19+s21] =	stream.strided.scatter [tilespmem:s18], [sflag:$0x2], s20, s10, s21, $0x20;
	[tilespmem:$0x10100] =	vst v63  }
.LBB1_8:
0x56: {  	_ =	sfence.sel $0x180000  }
0x57: {  	s2 =	simm.s32 $0x1;
	[bflag:$0x0] =	sbarrier.arrive $0xFFFF  }
0x58: {  	s31 =	simm.s32 $0x2;
	[sflag:s2] =	ssyncpa.u1 $0x1  }
0x59: {  	[sflag:s31] =	ssyncpa.u1 $0x1  }
0x5a: {  	p0 =	sne.s32 s1, $0x0;
	_ =	strace $0x9000004D  }
0x5b: {  	s0 =	sadd.s32 @!p0 $0x100000, s0;
	[bflag:$0x2] =	sbarrier.arrive $0xFFFF  }
0x5c: {  	[sflag:s0] =	ssyncadd.tile.s32 @!p0 $0x1;
	_ =	shalt  }
.Lfunc_end1:
_tile_overlayer_lowered:
.L_overlay_start_2:
0x5d: {  	(tag) =	ssettag $0x2  }
0x5e: {  	s0 =	rddreg [dreg:$0x0];
	s2 =	stileid.u32  }
0x5f: {  	s1 =	rddreg [dreg:$0x1];
	p0 =	sne.s32 s2, $0x0  }
0x60: {  	s3 =	rddreg [dreg:$0x2];
	[bflag:$0x3] =	sbarrier.arrive $0xFFFF;
	s2 =	simm.s32 @!p0 $0x1C01  }
0x61: {  	[timem:s3], [sflag:s2] =	dma.local @!p0 [hbm:s0], s1  }
0x62: {  	s0 =	simm.s32 @!p0 $0x1  }
0x63: {  	_ =	swait.ge @!p0 [sflag:s0], s1  }
0x64: {  	s1 =	ssub.s32 @!p0 $0x0, s1;
	[sflag:s0] =	ssyncset.done @!p0 $0x0  }
0x65: {  	[sflag:s0] =	ssyncadd.s32 @!p0 s1  }
0x66: {  	[bflag:$0x3] =	sbarrier.arrive $0xFFFF  }
0x67: {  	_ =	shalt  }

</sc_bundles>
